<compile_context>
chip_gen: v7x
topology: tpu7x:2x2x1
jax: 0.10.2.dev20260603
libtpu: 0.0.44.dev20260713+nightly
codegen_flags: <defaults>
</compile_context>

<pallas_src>
import functools

import jax
import jax.numpy as jnp
from jax import lax
from jax.experimental import pallas as pl
from jax.experimental.pallas import tpu as pltpu
from jax.experimental.pallas import tpu_sc as plsc

NC = 2
NS = 16
NW = NC * NS

IDX_W = 100
CHUNK_SEQ = 2
NB = 4


def _sc_embed(tokens2d, table, pe, B, L, E):
    seq_per_w = B // NW
    chunk_rows = CHUNK_SEQ * L
    n_chunks = seq_per_w // CHUNK_SEQ
    idx_rows = chunk_rows // IDX_W
    idx_per_seq = L // IDX_W
    tok_rows_per_w = (seq_per_w * L) // IDX_W
    n_rounds = n_chunks // NB

    mesh = plsc.VectorSubcoreMesh(core_axis_name="c", subcore_axis_name="s")

    @functools.partial(
        pl.kernel,
        mesh=mesh,
        out_type=jax.ShapeDtypeStruct((B, L, E), jnp.float32),
        scratch_types=(
            [pltpu.VMEM((idx_rows, IDX_W), jnp.int32) for _ in range(NB)]
            + [pltpu.VMEM((CHUNK_SEQ, L, E), jnp.float32) for _ in range(NB)]
            + [pltpu.VMEM((L, E), jnp.float32)]
            + [pltpu.SemaphoreType.DMA for _ in range(3 * NB)]
        ),
        compiler_params=pltpu.CompilerParams(use_tc_tiling_on_sc=False),
    )
    def k(tok_hbm, table_hbm, pe_hbm, out_hbm,
          i0, i1, i2, i3, r0, r1, r2, r3, pe_v,
          si0, si1, si2, si3, sg0, sg1, sg2, sg3, so0, so1, so2, so3):
        slots = [
            (i0, r0, si0, sg0, so0),
            (i1, r1, si1, sg1, so1),
            (i2, r2, si2, sg2, so2),
            (i3, r3, si3, sg3, so3),
        ]
        wid = lax.axis_index("s") * NC + lax.axis_index("c")
        pltpu.sync_copy(pe_hbm, pe_v)
        seq_base = wid * seq_per_w
        tok_base = wid * tok_rows_per_w

        def tok_src(c):
            return tok_hbm.at[pl.ds(tok_base + c * idx_rows, idx_rows)]

        def out_dst(c):
            return out_hbm.at[pl.ds(seq_base + c * CHUNK_SEQ, CHUNK_SEQ)]

        def fire_idx(c, ib, sem):
            pltpu.async_copy(tok_src(c), ib, sem)

        def wait_idx(c, ib, sem):
            pltpu.make_async_copy(tok_src(c), ib, sem).wait()

        def fire_gather(ib, rb, sem):
            for j in range(idx_rows):
                pltpu.async_copy(
                    table_hbm.at[ib.at[j]],
                    rb.at[j // idx_per_seq,
                          pl.ds((j % idx_per_seq) * IDX_W, IDX_W)],
                    sem,
                )

        def wait_gather(ib, rb, sem):
            for j in range(idx_rows):
                pltpu.make_async_copy(
                    table_hbm.at[ib.at[j]],
                    rb.at[j // idx_per_seq,
                          pl.ds((j % idx_per_seq) * IDX_W, IDX_W)],
                    sem,
                ).wait()

        def add_pe(rb):
            @plsc.parallel_loop(0, L, unroll=4)
            def _(r):
                for e in range(E // 16):
                    sl = pl.ds(e * 16, 16)
                    p = pe_v[r, sl]
                    for s in range(CHUNK_SEQ):
                        plsc.addupdate(rb.at[s, r, sl], p)

        def fire_store(c, rb, sem):
            pltpu.async_copy(rb, out_dst(c), sem)

        def wait_store(c, rb, sem):
            pltpu.make_async_copy(rb, out_dst(c), sem).wait()

        def body(c, b, do_fire_idx=True, do_wait_store=True,
                 do_fire_gather=True):
            ib, rb, sem_i, sem_g, sem_o = slots[b]
            ib2, rb2, sem_i2, sem_g2, sem_o2 = slots[(b + 2) % NB]
            wait_gather(ib, rb, sem_g)
            if do_fire_idx:
                fire_idx(c + NB, ib, sem_i)
            add_pe(rb)
            fire_store(c, rb, sem_o)
            if do_fire_gather:
                if do_wait_store:
                    wait_store(c - 2, rb2, sem_o2)
                wait_idx(c + 2, ib2, sem_i2)
                fire_gather(ib2, rb2, sem_g2)

        for c in range(NB):
            fire_idx(c, slots[c][0], slots[c][2])
        for c in range(2):
            ib, rb, sem_i, sem_g, _ = slots[c]
            wait_idx(c, ib, sem_i)
            fire_gather(ib, rb, sem_g)

        body(0, 0, do_wait_store=False)
        body(1, 1, do_wait_store=False)
        body(2, 2)
        body(3, 3)

        def round_body(t, carry):
            c0 = NB * t
            for b in range(NB):
                body(c0 + b, b)
            return carry

        lax.fori_loop(1, n_rounds - 1, round_body, 0)

        cl = n_chunks - NB
        body(cl + 0, 0, do_fire_idx=False)
        body(cl + 1, 1, do_fire_idx=False)
        body(cl + 2, 2, do_fire_idx=False, do_fire_gather=False)
        body(cl + 3, 3, do_fire_idx=False, do_fire_gather=False)

        for b in range(NB):
            _, rb, _, _, sem_o = slots[b]
            wait_store(cl + b, rb, sem_o)

    return k(tokens2d, table, pe)


def kernel(tokens, table, pe):
    B, L = tokens.shape
    E = table.shape[1]
    tok2d = tokens.reshape(B * L // IDX_W, IDX_W)
    return _sc_embed(tok2d, table, pe[:L], B, L, E)

# --- scband reference (transcript-rebuilt; emitter-appended) ---
"""Pipeline reference for scband-sequence-embedding-24335284699518 (READ-ONLY COPY).

The authoritative reference and input builder live on the scoring server;
editing this copy changes nothing except your own understanding.
"""

import jax, jax.numpy as jnp
import numpy as np
import math

VOCAB = 1000000
EMBED = 64
MAX_LEN = 200
B = 4096
L = 200


def _make_pe():
    pe = np.zeros((MAX_LEN, EMBED), dtype=np.float32)
    position = np.arange(MAX_LEN, dtype=np.float32)[:, None]
    div_term = np.exp(np.arange(0, EMBED, 2, dtype=np.float32) * (-math.log(10000.0) / EMBED))
    pe[:, 0::2] = np.sin(position * div_term)
    pe[:, 1::2] = np.cos(position * div_term)
    return jnp.asarray(pe)


def setup_inputs(seed: int = 0) -> dict:
    key = jax.random.key(seed)
    k1, k2 = jax.random.split(key)
    tokens = jax.random.randint(k1, (B, L), 0, VOCAB, dtype=jnp.int32)
    # nn.Embedding weights ~ N(0,1); padding_idx=0 row is zeroed
    table = jax.random.normal(k2, (VOCAB, EMBED), dtype=jnp.float32)
    table = table.at[0].set(0.0)
    pe = _make_pe()
    return {"tokens": tokens, "table": table, "pe": pe}


def reference(tokens, table, pe):
    # token_emb(tokens) + pe[:, :L]; dropout is identity in eval mode
    Lcur = tokens.shape[1]
    emb = jnp.take(table, tokens, axis=0)  # [B, L, E] gather
    x = emb + pe[None, :Lcur, :]
    return x

if __name__ == "__main__":
    import jax
    _d = setup_inputs()
    print(jax.jit(kernel)(*tuple(_d.values())))

</pallas_src>

<mosaic_0001>
#map = affine_map<(d0, d1) -> (0, 0)>
#map1 = affine_map<(d0, d1) -> (0, 0, 0)>
module attributes {stable_mosaic.version = 14 : i64} {
  func.func @k(%arg0: i32, %arg1: i32, %arg2: memref<8192x100xi32, #tpu.memory_space<hbm>>, %arg3: memref<1000000x64xf32, #tpu.memory_space<hbm>>, %arg4: memref<200x64xf32, #tpu.memory_space<hbm>>, %arg5: memref<4096x200x64xf32, #tpu.memory_space<hbm>>, %arg6: memref<4x100xi32, #tpu.memory_space<vmem>>, %arg7: memref<4x100xi32, #tpu.memory_space<vmem>>, %arg8: memref<4x100xi32, #tpu.memory_space<vmem>>, %arg9: memref<4x100xi32, #tpu.memory_space<vmem>>, %arg10: memref<2x200x64xf32, #tpu.memory_space<vmem>>, %arg11: memref<2x200x64xf32, #tpu.memory_space<vmem>>, %arg12: memref<2x200x64xf32, #tpu.memory_space<vmem>>, %arg13: memref<2x200x64xf32, #tpu.memory_space<vmem>>, %arg14: memref<200x64xf32, #tpu.memory_space<vmem>>, %arg15: memref<!tpu.dma_semaphore, #tpu.memory_space<semaphore_mem>>, %arg16: memref<!tpu.dma_semaphore, #tpu.memory_space<semaphore_mem>>, %arg17: memref<!tpu.dma_semaphore, #tpu.memory_space<semaphore_mem>>, %arg18: memref<!tpu.dma_semaphore, #tpu.memory_space<semaphore_mem>>, %arg19: memref<!tpu.dma_semaphore, #tpu.memory_space<semaphore_mem>>, %arg20: memref<!tpu.dma_semaphore, #tpu.memory_space<semaphore_mem>>, %arg21: memref<!tpu.dma_semaphore, #tpu.memory_space<semaphore_mem>>, %arg22: memref<!tpu.dma_semaphore, #tpu.memory_space<semaphore_mem>>, %arg23: memref<!tpu.dma_semaphore, #tpu.memory_space<semaphore_mem>>, %arg24: memref<!tpu.dma_semaphore, #tpu.memory_space<semaphore_mem>>, %arg25: memref<!tpu.dma_semaphore, #tpu.memory_space<semaphore_mem>>, %arg26: memref<!tpu.dma_semaphore, #tpu.memory_space<semaphore_mem>>) attributes {dimension_semantics = [#tpu.dimension_semantics<core_parallel>, #tpu.dimension_semantics<subcore_parallel>], iteration_bounds = array<i64: 2, 16>, scalar_prefetch = 0 : i64, scratch_operands = 21 : i64, tpu.core_type = #tpu.core_type<sc_vector_subcore>, window_params = [{transform_indices = #map}, {transform_indices = #map}, {transform_indices = #map}, {transform_indices = #map1}]} {
    %mul3A = arith.constant 2 : i32
    %mul3A_0 = arith.muli %arg1, %mul3A : i32
    %add3A = arith.addi %mul3A_0, %arg0 : i32
    "tpu.region"() ({
      %run_scoped3A = tpu.sem_alloc : memref<!tpu.dma_semaphore, #tpu.memory_space<semaphore_mem>>
      tpu.enqueue_dma source(%arg4 : memref<200x64xf32, #tpu.memory_space<hbm>>) target(%arg14 : memref<200x64xf32, #tpu.memory_space<vmem>>) target_semaphore(%run_scoped3A : memref<!tpu.dma_semaphore, #tpu.memory_space<semaphore_mem>>)
      tpu.wait_dma2 semaphore(%run_scoped3A : memref<!tpu.dma_semaphore, #tpu.memory_space<semaphore_mem>>) src(%arg4 : memref<200x64xf32, #tpu.memory_space<hbm>>) dst(%arg14 : memref<200x64xf32, #tpu.memory_space<vmem>>)
      tpu.yield
    }) : () -> ()
    %mul3A_1 = arith.constant 128 : i32
    %mul3A_2 = arith.muli %add3A, %mul3A_1 : i32
    %mul3A_3 = arith.constant 256 : i32
    %mul3A_4 = arith.muli %add3A, %mul3A_3 : i32
    %add3A_5 = arith.constant 0 : i32
    %add3A_6 = arith.addi %mul3A_4, %add3A_5 : i32
    %dma_start3A = arith.constant 0 : i32
    %dma_start3A_7 = tpu.memref_slice %arg2[%add3A_6, %dma_start3A] : memref<8192x100xi32, #tpu.memory_space<hbm>> -> memref<4x100xi32, #tpu.memory_space<hbm>>
    %dma_start3A_8 = arith.constant 0 : i32
    %dma_start3A_9 = tpu.memref_slice %arg2[%add3A_6, %dma_start3A_8] : memref<8192x100xi32, #tpu.memory_space<hbm>> -> memref<4x100xi32, #tpu.memory_space<hbm>>
    tpu.enqueue_dma source(%dma_start3A_9 : memref<4x100xi32, #tpu.memory_space<hbm>>) target(%arg6 : memref<4x100xi32, #tpu.memory_space<vmem>>) target_semaphore(%arg15 : memref<!tpu.dma_semaphore, #tpu.memory_space<semaphore_mem>>)
    %add3A_10 = arith.constant 4 : i32
    %add3A_11 = arith.addi %mul3A_4, %add3A_10 : i32
    %dma_start3A_12 = arith.constant 0 : i32
    %dma_start3A_13 = tpu.memref_slice %arg2[%add3A_11, %dma_start3A_12] : memref<8192x100xi32, #tpu.memory_space<hbm>> -> memref<4x100xi32, #tpu.memory_space<hbm>>
    %dma_start3A_14 = arith.constant 0 : i32
    %dma_start3A_15 = tpu.memref_slice %arg2[%add3A_11, %dma_start3A_14] : memref<8192x100xi32, #tpu.memory_space<hbm>> -> memref<4x100xi32, #tpu.memory_space<hbm>>
    tpu.enqueue_dma source(%dma_start3A_15 : memref<4x100xi32, #tpu.memory_space<hbm>>) target(%arg7 : memref<4x100xi32, #tpu.memory_space<vmem>>) target_semaphore(%arg16 : memref<!tpu.dma_semaphore, #tpu.memory_space<semaphore_mem>>)
    %add3A_16 = arith.constant 8 : i32
    %add3A_17 = arith.addi %mul3A_4, %add3A_16 : i32
    %dma_start3A_18 = arith.constant 0 : i32
    %dma_start3A_19 = tpu.memref_slice %arg2[%add3A_17, %dma_start3A_18] : memref<8192x100xi32, #tpu.memory_space<hbm>> -> memref<4x100xi32, #tpu.memory_space<hbm>>
    %dma_start3A_20 = arith.constant 0 : i32
    %dma_start3A_21 = tpu.memref_slice %arg2[%add3A_17, %dma_start3A_20] : memref<8192x100xi32, #tpu.memory_space<hbm>> -> memref<4x100xi32, #tpu.memory_space<hbm>>
    tpu.enqueue_dma source(%dma_start3A_21 : memref<4x100xi32, #tpu.memory_space<hbm>>) target(%arg8 : memref<4x100xi32, #tpu.memory_space<vmem>>) target_semaphore(%arg17 : memref<!tpu.dma_semaphore, #tpu.memory_space<semaphore_mem>>)
    %add3A_22 = arith.constant 12 : i32
    %add3A_23 = arith.addi %mul3A_4, %add3A_22 : i32
    %dma_start3A_24 = arith.constant 0 : i32
    %dma_start3A_25 = tpu.memref_slice %arg2[%add3A_23, %dma_start3A_24] : memref<8192x100xi32, #tpu.memory_space<hbm>> -> memref<4x100xi32, #tpu.memory_space<hbm>>
    %dma_start3A_26 = arith.constant 0 : i32
    %dma_start3A_27 = tpu.memref_slice %arg2[%add3A_23, %dma_start3A_26] : memref<8192x100xi32, #tpu.memory_space<hbm>> -> memref<4x100xi32, #tpu.memory_space<hbm>>
    tpu.enqueue_dma source(%dma_start3A_27 : memref<4x100xi32, #tpu.memory_space<hbm>>) target(%arg9 : memref<4x100xi32, #tpu.memory_space<vmem>>) target_semaphore(%arg18 : memref<!tpu.dma_semaphore, #tpu.memory_space<semaphore_mem>>)
    %add3A_28 = arith.constant 0 : i32
    %add3A_29 = arith.addi %mul3A_4, %add3A_28 : i32
    %dma_wait3A = arith.constant 0 : i32
    %dma_wait3A_30 = tpu.memref_slice %arg2[%add3A_29, %dma_wait3A] : memref<8192x100xi32, #tpu.memory_space<hbm>> -> memref<4x100xi32, #tpu.memory_space<hbm>>
    %dma_wait3A_31 = arith.constant 0 : i32
    %dma_wait3A_32 = tpu.memref_slice %arg2[%add3A_29, %dma_wait3A_31] : memref<8192x100xi32, #tpu.memory_space<hbm>> -> memref<4x100xi32, #tpu.memory_space<hbm>>
    tpu.wait_dma2 semaphore(%arg15 : memref<!tpu.dma_semaphore, #tpu.memory_space<semaphore_mem>>) src(%dma_wait3A_32 : memref<4x100xi32, #tpu.memory_space<hbm>>) dst(%arg6 : memref<4x100xi32, #tpu.memory_space<vmem>>)
    %dma_start3A_33 = arith.constant 0 : i32
    %dma_start3A_34 = arith.constant 0 : i32
    %dma_start3A_35 = arith.constant 0 : i32
    %dma_start3A_36 = arith.constant 0 : i32
    %dma_start3A_37 = tpu.memref_slice %arg10[%dma_start3A_34, %dma_start3A_35, %dma_start3A_36] : memref<2x200x64xf32, #tpu.memory_space<vmem>> -> memref<1x100x64xf32, #tpu.memory_space<vmem>>
    %dma_start3A_38 = tpu.memref_squeeze %dma_start3A_37 : memref<1x100x64xf32, #tpu.memory_space<vmem>> -> memref<100x64xf32, #tpu.memory_space<vmem>>
    %dma_start3A_39 = arith.constant 0 : i32
    %dma_start3A_40 = tpu.memref_slice %arg6[%dma_start3A_33, %dma_start3A_39] : memref<4x100xi32, #tpu.memory_space<vmem>> -> memref<1x100xi32, #tpu.memory_space<vmem>>
    %dma_start3A_41 = tpu.memref_squeeze %dma_start3A_40 : memref<1x100xi32, #tpu.memory_space<vmem>> -> memref<100xi32, #tpu.memory_space<vmem>>
    %dma_start3A_42 = arith.constant 0 : i32
    %dma_start3A_43 = arith.constant 0 : i32
    %dma_start3A_44 = tpu.memref_slice %arg3[%dma_start3A_42, %dma_start3A_43] : memref<1000000x64xf32, #tpu.memory_space<hbm>> -> memref<1000000x64xf32, #tpu.memory_space<hbm>>
    tpu.enqueue_indirect_dma source(%dma_start3A_44 : memref<1000000x64xf32, #tpu.memory_space<hbm>>) target(%dma_start3A_38 : memref<100x64xf32, #tpu.memory_space<vmem>>) offsets(%dma_start3A_41 : memref<100xi32, #tpu.memory_space<vmem>>) semaphore(%arg19 : memref<!tpu.dma_semaphore, #tpu.memory_space<semaphore_mem>>)
    %dma_start3A_45 = arith.constant 1 : i32
    %dma_start3A_46 = arith.constant 0 : i32
    %dma_start3A_47 = arith.constant 100 : i32
    %dma_start3A_48 = arith.constant 0 : i32
    %dma_start3A_49 = tpu.memref_slice %arg10[%dma_start3A_46, %dma_start3A_47, %dma_start3A_48] : memref<2x200x64xf32, #tpu.memory_space<vmem>> -> memref<1x100x64xf32, #tpu.memory_space<vmem>>
    %dma_start3A_50 = tpu.memref_squeeze %dma_start3A_49 : memref<1x100x64xf32, #tpu.memory_space<vmem>> -> memref<100x64xf32, #tpu.memory_space<vmem>>
    %dma_start3A_51 = arith.constant 0 : i32
    %dma_start3A_52 = tpu.memref_slice %arg6[%dma_start3A_45, %dma_start3A_51] : memref<4x100xi32, #tpu.memory_space<vmem>> -> memref<1x100xi32, #tpu.memory_space<vmem>>
    %dma_start3A_53 = tpu.memref_squeeze %dma_start3A_52 : memref<1x100xi32, #tpu.memory_space<vmem>> -> memref<100xi32, #tpu.memory_space<vmem>>
    %dma_start3A_54 = arith.constant 0 : i32
    %dma_start3A_55 = arith.constant 0 : i32
    %dma_start3A_56 = tpu.memref_slice %arg3[%dma_start3A_54, %dma_start3A_55] : memref<1000000x64xf32, #tpu.memory_space<hbm>> -> memref<1000000x64xf32, #tpu.memory_space<hbm>>
    tpu.enqueue_indirect_dma source(%dma_start3A_56 : memref<1000000x64xf32, #tpu.memory_space<hbm>>) target(%dma_start3A_50 : memref<100x64xf32, #tpu.memory_space<vmem>>) offsets(%dma_start3A_53 : memref<100xi32, #tpu.memory_space<vmem>>) semaphore(%arg19 : memref<!tpu.dma_semaphore, #tpu.memory_space<semaphore_mem>>)
    %dma_start3A_57 = arith.constant 2 : i32
    %dma_start3A_58 = arith.constant 1 : i32
    %dma_start3A_59 = arith.constant 0 : i32
    %dma_start3A_60 = arith.constant 0 : i32
    %dma_start3A_61 = tpu.memref_slice %arg10[%dma_start3A_58, %dma_start3A_59, %dma_start3A_60] : memref<2x200x64xf32, #tpu.memory_space<vmem>> -> memref<1x100x64xf32, #tpu.memory_space<vmem>>
    %dma_start3A_62 = tpu.memref_squeeze %dma_start3A_61 : memref<1x100x64xf32, #tpu.memory_space<vmem>> -> memref<100x64xf32, #tpu.memory_space<vmem>>
    %dma_start3A_63 = arith.constant 0 : i32
    %dma_start3A_64 = tpu.memref_slice %arg6[%dma_start3A_57, %dma_start3A_63] : memref<4x100xi32, #tpu.memory_space<vmem>> -> memref<1x100xi32, #tpu.memory_space<vmem>>
    %dma_start3A_65 = tpu.memref_squeeze %dma_start3A_64 : memref<1x100xi32, #tpu.memory_space<vmem>> -> memref<100xi32, #tpu.memory_space<vmem>>
    %dma_start3A_66 = arith.constant 0 : i32
    %dma_start3A_67 = arith.constant 0 : i32
    %dma_start3A_68 = tpu.memref_slice %arg3[%dma_start3A_66, %dma_start3A_67] : memref<1000000x64xf32, #tpu.memory_space<hbm>> -> memref<1000000x64xf32, #tpu.memory_space<hbm>>
    tpu.enqueue_indirect_dma source(%dma_start3A_68 : memref<1000000x64xf32, #tpu.memory_space<hbm>>) target(%dma_start3A_62 : memref<100x64xf32, #tpu.memory_space<vmem>>) offsets(%dma_start3A_65 : memref<100xi32, #tpu.memory_space<vmem>>) semaphore(%arg19 : memref<!tpu.dma_semaphore, #tpu.memory_space<semaphore_mem>>)
    %dma_start3A_69 = arith.constant 3 : i32
    %dma_start3A_70 = arith.constant 1 : i32
    %dma_start3A_71 = arith.constant 100 : i32
    %dma_start3A_72 = arith.constant 0 : i32
    %dma_start3A_73 = tpu.memref_slice %arg10[%dma_start3A_70, %dma_start3A_71, %dma_start3A_72] : memref<2x200x64xf32, #tpu.memory_space<vmem>> -> memref<1x100x64xf32, #tpu.memory_space<vmem>>
    %dma_start3A_74 = tpu.memref_squeeze %dma_start3A_73 : memref<1x100x64xf32, #tpu.memory_space<vmem>> -> memref<100x64xf32, #tpu.memory_space<vmem>>
    %dma_start3A_75 = arith.constant 0 : i32
    %dma_start3A_76 = tpu.memref_slice %arg6[%dma_start3A_69, %dma_start3A_75] : memref<4x100xi32, #tpu.memory_space<vmem>> -> memref<1x100xi32, #tpu.memory_space<vmem>>
    %dma_start3A_77 = tpu.memref_squeeze %dma_start3A_76 : memref<1x100xi32, #tpu.memory_space<vmem>> -> memref<100xi32, #tpu.memory_space<vmem>>
    %dma_start3A_78 = arith.constant 0 : i32
    %dma_start3A_79 = arith.constant 0 : i32
    %dma_start3A_80 = tpu.memref_slice %arg3[%dma_start3A_78, %dma_start3A_79] : memref<1000000x64xf32, #tpu.memory_space<hbm>> -> memref<1000000x64xf32, #tpu.memory_space<hbm>>
    tpu.enqueue_indirect_dma source(%dma_start3A_80 : memref<1000000x64xf32, #tpu.memory_space<hbm>>) target(%dma_start3A_74 : memref<100x64xf32, #tpu.memory_space<vmem>>) offsets(%dma_start3A_77 : memref<100xi32, #tpu.memory_space<vmem>>) semaphore(%arg19 : memref<!tpu.dma_semaphore, #tpu.memory_space<semaphore_mem>>)
    %add3A_81 = arith.constant 4 : i32
    %add3A_82 = arith.addi %mul3A_4, %add3A_81 : i32
    %dma_wait3A_83 = arith.constant 0 : i32
    %dma_wait3A_84 = tpu.memref_slice %arg2[%add3A_82, %dma_wait3A_83] : memref<8192x100xi32, #tpu.memory_space<hbm>> -> memref<4x100xi32, #tpu.memory_space<hbm>>
    %dma_wait3A_85 = arith.constant 0 : i32
    %dma_wait3A_86 = tpu.memref_slice %arg2[%add3A_82, %dma_wait3A_85] : memref<8192x100xi32, #tpu.memory_space<hbm>> -> memref<4x100xi32, #tpu.memory_space<hbm>>
    tpu.wait_dma2 semaphore(%arg16 : memref<!tpu.dma_semaphore, #tpu.memory_space<semaphore_mem>>) src(%dma_wait3A_86 : memref<4x100xi32, #tpu.memory_space<hbm>>) dst(%arg7 : memref<4x100xi32, #tpu.memory_space<vmem>>)
    %dma_start3A_87 = arith.constant 0 : i32
    %dma_start3A_88 = arith.constant 0 : i32
    %dma_start3A_89 = arith.constant 0 : i32
    %dma_start3A_90 = arith.constant 0 : i32
    %dma_start3A_91 = tpu.memref_slice %arg11[%dma_start3A_88, %dma_start3A_89, %dma_start3A_90] : memref<2x200x64xf32, #tpu.memory_space<vmem>> -> memref<1x100x64xf32, #tpu.memory_space<vmem>>
    %dma_start3A_92 = tpu.memref_squeeze %dma_start3A_91 : memref<1x100x64xf32, #tpu.memory_space<vmem>> -> memref<100x64xf32, #tpu.memory_space<vmem>>
    %dma_start3A_93 = arith.constant 0 : i32
    %dma_start3A_94 = tpu.memref_slice %arg7[%dma_start3A_87, %dma_start3A_93] : memref<4x100xi32, #tpu.memory_space<vmem>> -> memref<1x100xi32, #tpu.memory_space<vmem>>
    %dma_start3A_95 = tpu.memref_squeeze %dma_start3A_94 : memref<1x100xi32, #tpu.memory_space<vmem>> -> memref<100xi32, #tpu.memory_space<vmem>>
    %dma_start3A_96 = arith.constant 0 : i32
    %dma_start3A_97 = arith.constant 0 : i32
    %dma_start3A_98 = tpu.memref_slice %arg3[%dma_start3A_96, %dma_start3A_97] : memref<1000000x64xf32, #tpu.memory_space<hbm>> -> memref<1000000x64xf32, #tpu.memory_space<hbm>>
    tpu.enqueue_indirect_dma source(%dma_start3A_98 : memref<1000000x64xf32, #tpu.memory_space<hbm>>) target(%dma_start3A_92 : memref<100x64xf32, #tpu.memory_space<vmem>>) offsets(%dma_start3A_95 : memref<100xi32, #tpu.memory_space<vmem>>) semaphore(%arg20 : memref<!tpu.dma_semaphore, #tpu.memory_space<semaphore_mem>>)
    %dma_start3A_99 = arith.constant 1 : i32
    %dma_start3A_100 = arith.constant 0 : i32
    %dma_start3A_101 = arith.constant 100 : i32
    %dma_start3A_102 = arith.constant 0 : i32
    %dma_start3A_103 = tpu.memref_slice %arg11[%dma_start3A_100, %dma_start3A_101, %dma_start3A_102] : memref<2x200x64xf32, #tpu.memory_space<vmem>> -> memref<1x100x64xf32, #tpu.memory_space<vmem>>
    %dma_start3A_104 = tpu.memref_squeeze %dma_start3A_103 : memref<1x100x64xf32, #tpu.memory_space<vmem>> -> memref<100x64xf32, #tpu.memory_space<vmem>>
    %dma_start3A_105 = arith.constant 0 : i32
    %dma_start3A_106 = tpu.memref_slice %arg7[%dma_start3A_99, %dma_start3A_105] : memref<4x100xi32, #tpu.memory_space<vmem>> -> memref<1x100xi32, #tpu.memory_space<vmem>>
    %dma_start3A_107 = tpu.memref_squeeze %dma_start3A_106 : memref<1x100xi32, #tpu.memory_space<vmem>> -> memref<100xi32, #tpu.memory_space<vmem>>
    %dma_start3A_108 = arith.constant 0 : i32
    %dma_start3A_109 = arith.constant 0 : i32
    %dma_start3A_110 = tpu.memref_slice %arg3[%dma_start3A_108, %dma_start3A_109] : memref<1000000x64xf32, #tpu.memory_space<hbm>> -> memref<1000000x64xf32, #tpu.memory_space<hbm>>
    tpu.enqueue_indirect_dma source(%dma_start3A_110 : memref<1000000x64xf32, #tpu.memory_space<hbm>>) target(%dma_start3A_104 : memref<100x64xf32, #tpu.memory_space<vmem>>) offsets(%dma_start3A_107 : memref<100xi32, #tpu.memory_space<vmem>>) semaphore(%arg20 : memref<!tpu.dma_semaphore, #tpu.memory_space<semaphore_mem>>)
    %dma_start3A_111 = arith.constant 2 : i32
    %dma_start3A_112 = arith.constant 1 : i32
    %dma_start3A_113 = arith.constant 0 : i32
    %dma_start3A_114 = arith.constant 0 : i32
    %dma_start3A_115 = tpu.memref_slice %arg11[%dma_start3A_112, %dma_start3A_113, %dma_start3A_114] : memref<2x200x64xf32, #tpu.memory_space<vmem>> -> memref<1x100x64xf32, #tpu.memory_space<vmem>>
    %dma_start3A_116 = tpu.memref_squeeze %dma_start3A_115 : memref<1x100x64xf32, #tpu.memory_space<vmem>> -> memref<100x64xf32, #tpu.memory_space<vmem>>
    %dma_start3A_117 = arith.constant 0 : i32
    %dma_start3A_118 = tpu.memref_slice %arg7[%dma_start3A_111, %dma_start3A_117] : memref<4x100xi32, #tpu.memory_space<vmem>> -> memref<1x100xi32, #tpu.memory_space<vmem>>
    %dma_start3A_119 = tpu.memref_squeeze %dma_start3A_118 : memref<1x100xi32, #tpu.memory_space<vmem>> -> memref<100xi32, #tpu.memory_space<vmem>>
    %dma_start3A_120 = arith.constant 0 : i32
    %dma_start3A_121 = arith.constant 0 : i32
    %dma_start3A_122 = tpu.memref_slice %arg3[%dma_start3A_120, %dma_start3A_121] : memref<1000000x64xf32, #tpu.memory_space<hbm>> -> memref<1000000x64xf32, #tpu.memory_space<hbm>>
    tpu.enqueue_indirect_dma source(%dma_start3A_122 : memref<1000000x64xf32, #tpu.memory_space<hbm>>) target(%dma_start3A_116 : memref<100x64xf32, #tpu.memory_space<vmem>>) offsets(%dma_start3A_119 : memref<100xi32, #tpu.memory_space<vmem>>) semaphore(%arg20 : memref<!tpu.dma_semaphore, #tpu.memory_space<semaphore_mem>>)
    %dma_start3A_123 = arith.constant 3 : i32
    %dma_start3A_124 = arith.constant 1 : i32
    %dma_start3A_125 = arith.constant 100 : i32
    %dma_start3A_126 = arith.constant 0 : i32
    %dma_start3A_127 = tpu.memref_slice %arg11[%dma_start3A_124, %dma_start3A_125, %dma_start3A_126] : memref<2x200x64xf32, #tpu.memory_space<vmem>> -> memref<1x100x64xf32, #tpu.memory_space<vmem>>
    %dma_start3A_128 = tpu.memref_squeeze %dma_start3A_127 : memref<1x100x64xf32, #tpu.memory_space<vmem>> -> memref<100x64xf32, #tpu.memory_space<vmem>>
    %dma_start3A_129 = arith.constant 0 : i32
    %dma_start3A_130 = tpu.memref_slice %arg7[%dma_start3A_123, %dma_start3A_129] : memref<4x100xi32, #tpu.memory_space<vmem>> -> memref<1x100xi32, #tpu.memory_space<vmem>>
    %dma_start3A_131 = tpu.memref_squeeze %dma_start3A_130 : memref<1x100xi32, #tpu.memory_space<vmem>> -> memref<100xi32, #tpu.memory_space<vmem>>
    %dma_start3A_132 = arith.constant 0 : i32
    %dma_start3A_133 = arith.constant 0 : i32
    %dma_start3A_134 = tpu.memref_slice %arg3[%dma_start3A_132, %dma_start3A_133] : memref<1000000x64xf32, #tpu.memory_space<hbm>> -> memref<1000000x64xf32, #tpu.memory_space<hbm>>
    tpu.enqueue_indirect_dma source(%dma_start3A_134 : memref<1000000x64xf32, #tpu.memory_space<hbm>>) target(%dma_start3A_128 : memref<100x64xf32, #tpu.memory_space<vmem>>) offsets(%dma_start3A_131 : memref<100xi32, #tpu.memory_space<vmem>>) semaphore(%arg20 : memref<!tpu.dma_semaphore, #tpu.memory_space<semaphore_mem>>)
    %dma_wait3A_135 = arith.constant 0 : i32
    %dma_wait3A_136 = arith.constant 0 : i32
    %dma_wait3A_137 = arith.constant 0 : i32
    %dma_wait3A_138 = arith.constant 0 : i32
    %dma_wait3A_139 = tpu.memref_slice %arg10[%dma_wait3A_136, %dma_wait3A_137, %dma_wait3A_138] : memref<2x200x64xf32, #tpu.memory_space<vmem>> -> memref<1x100x64xf32, #tpu.memory_space<vmem>>
    %dma_wait3A_140 = tpu.memref_squeeze %dma_wait3A_139 : memref<1x100x64xf32, #tpu.memory_space<vmem>> -> memref<100x64xf32, #tpu.memory_space<vmem>>
    %dma_wait3A_141 = arith.constant 0 : i32
    %dma_wait3A_142 = tpu.memref_slice %arg6[%dma_wait3A_135, %dma_wait3A_141] : memref<4x100xi32, #tpu.memory_space<vmem>> -> memref<1x100xi32, #tpu.memory_space<vmem>>
    %dma_wait3A_143 = tpu.memref_squeeze %dma_wait3A_142 : memref<1x100xi32, #tpu.memory_space<vmem>> -> memref<100xi32, #tpu.memory_space<vmem>>
    %dma_wait3A_144 = arith.constant 0 : i32
    %dma_wait3A_145 = arith.constant 0 : i32
    %dma_wait3A_146 = tpu.memref_slice %arg3[%dma_wait3A_144, %dma_wait3A_145] : memref<1000000x64xf32, #tpu.memory_space<hbm>> -> memref<1000000x64xf32, #tpu.memory_space<hbm>>
    tpu.wait_indirect_dma semaphore(%arg19 : memref<!tpu.dma_semaphore, #tpu.memory_space<semaphore_mem>>) src(%dma_wait3A_146 : memref<1000000x64xf32, #tpu.memory_space<hbm>>) dst(%dma_wait3A_140 : memref<100x64xf32, #tpu.memory_space<vmem>>)
    %dma_wait3A_147 = arith.constant 1 : i32
    %dma_wait3A_148 = arith.constant 0 : i32
    %dma_wait3A_149 = arith.constant 100 : i32
    %dma_wait3A_150 = arith.constant 0 : i32
    %dma_wait3A_151 = tpu.memref_slice %arg10[%dma_wait3A_148, %dma_wait3A_149, %dma_wait3A_150] : memref<2x200x64xf32, #tpu.memory_space<vmem>> -> memref<1x100x64xf32, #tpu.memory_space<vmem>>
    %dma_wait3A_152 = tpu.memref_squeeze %dma_wait3A_151 : memref<1x100x64xf32, #tpu.memory_space<vmem>> -> memref<100x64xf32, #tpu.memory_space<vmem>>
    %dma_wait3A_153 = arith.constant 0 : i32
    %dma_wait3A_154 = tpu.memref_slice %arg6[%dma_wait3A_147, %dma_wait3A_153] : memref<4x100xi32, #tpu.memory_space<vmem>> -> memref<1x100xi32, #tpu.memory_space<vmem>>
    %dma_wait3A_155 = tpu.memref_squeeze %dma_wait3A_154 : memref<1x100xi32, #tpu.memory_space<vmem>> -> memref<100xi32, #tpu.memory_space<vmem>>
    %dma_wait3A_156 = arith.constant 0 : i32
    %dma_wait3A_157 = arith.constant 0 : i32
    %dma_wait3A_158 = tpu.memref_slice %arg3[%dma_wait3A_156, %dma_wait3A_157] : memref<1000000x64xf32, #tpu.memory_space<hbm>> -> memref<1000000x64xf32, #tpu.memory_space<hbm>>
    tpu.wait_indirect_dma semaphore(%arg19 : memref<!tpu.dma_semaphore, #tpu.memory_space<semaphore_mem>>) src(%dma_wait3A_158 : memref<1000000x64xf32, #tpu.memory_space<hbm>>) dst(%dma_wait3A_152 : memref<100x64xf32, #tpu.memory_space<vmem>>)
    %dma_wait3A_159 = arith.constant 2 : i32
    %dma_wait3A_160 = arith.constant 1 : i32
    %dma_wait3A_161 = arith.constant 0 : i32
    %dma_wait3A_162 = arith.constant 0 : i32
    %dma_wait3A_163 = tpu.memref_slice %arg10[%dma_wait3A_160, %dma_wait3A_161, %dma_wait3A_162] : memref<2x200x64xf32, #tpu.memory_space<vmem>> -> memref<1x100x64xf32, #tpu.memory_space<vmem>>
    %dma_wait3A_164 = tpu.memref_squeeze %dma_wait3A_163 : memref<1x100x64xf32, #tpu.memory_space<vmem>> -> memref<100x64xf32, #tpu.memory_space<vmem>>
    %dma_wait3A_165 = arith.constant 0 : i32
    %dma_wait3A_166 = tpu.memref_slice %arg6[%dma_wait3A_159, %dma_wait3A_165] : memref<4x100xi32, #tpu.memory_space<vmem>> -> memref<1x100xi32, #tpu.memory_space<vmem>>
    %dma_wait3A_167 = tpu.memref_squeeze %dma_wait3A_166 : memref<1x100xi32, #tpu.memory_space<vmem>> -> memref<100xi32, #tpu.memory_space<vmem>>
    %dma_wait3A_168 = arith.constant 0 : i32
    %dma_wait3A_169 = arith.constant 0 : i32
    %dma_wait3A_170 = tpu.memref_slice %arg3[%dma_wait3A_168, %dma_wait3A_169] : memref<1000000x64xf32, #tpu.memory_space<hbm>> -> memref<1000000x64xf32, #tpu.memory_space<hbm>>
    tpu.wait_indirect_dma semaphore(%arg19 : memref<!tpu.dma_semaphore, #tpu.memory_space<semaphore_mem>>) src(%dma_wait3A_170 : memref<1000000x64xf32, #tpu.memory_space<hbm>>) dst(%dma_wait3A_164 : memref<100x64xf32, #tpu.memory_space<vmem>>)
    %dma_wait3A_171 = arith.constant 3 : i32
    %dma_wait3A_172 = arith.constant 1 : i32
    %dma_wait3A_173 = arith.constant 100 : i32
    %dma_wait3A_174 = arith.constant 0 : i32
    %dma_wait3A_175 = tpu.memref_slice %arg10[%dma_wait3A_172, %dma_wait3A_173, %dma_wait3A_174] : memref<2x200x64xf32, #tpu.memory_space<vmem>> -> memref<1x100x64xf32, #tpu.memory_space<vmem>>
    %dma_wait3A_176 = tpu.memref_squeeze %dma_wait3A_175 : memref<1x100x64xf32, #tpu.memory_space<vmem>> -> memref<100x64xf32, #tpu.memory_space<vmem>>
    %dma_wait3A_177 = arith.constant 0 : i32
    %dma_wait3A_178 = tpu.memref_slice %arg6[%dma_wait3A_171, %dma_wait3A_177] : memref<4x100xi32, #tpu.memory_space<vmem>> -> memref<1x100xi32, #tpu.memory_space<vmem>>
    %dma_wait3A_179 = tpu.memref_squeeze %dma_wait3A_178 : memref<1x100xi32, #tpu.memory_space<vmem>> -> memref<100xi32, #tpu.memory_space<vmem>>
    %dma_wait3A_180 = arith.constant 0 : i32
    %dma_wait3A_181 = arith.constant 0 : i32
    %dma_wait3A_182 = tpu.memref_slice %arg3[%dma_wait3A_180, %dma_wait3A_181] : memref<1000000x64xf32, #tpu.memory_space<hbm>> -> memref<1000000x64xf32, #tpu.memory_space<hbm>>
    tpu.wait_indirect_dma semaphore(%arg19 : memref<!tpu.dma_semaphore, #tpu.memory_space<semaphore_mem>>) src(%dma_wait3A_182 : memref<1000000x64xf32, #tpu.memory_space<hbm>>) dst(%dma_wait3A_176 : memref<100x64xf32, #tpu.memory_space<vmem>>)
    %add3A_183 = arith.constant 16 : i32
    %add3A_184 = arith.addi %mul3A_4, %add3A_183 : i32
    %dma_start3A_185 = arith.constant 0 : i32
    %dma_start3A_186 = tpu.memref_slice %arg2[%add3A_184, %dma_start3A_185] : memref<8192x100xi32, #tpu.memory_space<hbm>> -> memref<4x100xi32, #tpu.memory_space<hbm>>
    %dma_start3A_187 = arith.constant 0 : i32
    %dma_start3A_188 = tpu.memref_slice %arg2[%add3A_184, %dma_start3A_187] : memref<8192x100xi32, #tpu.memory_space<hbm>> -> memref<4x100xi32, #tpu.memory_space<hbm>>
    tpu.enqueue_dma source(%dma_start3A_188 : memref<4x100xi32, #tpu.memory_space<hbm>>) target(%arg6 : memref<4x100xi32, #tpu.memory_space<vmem>>) target_semaphore(%arg15 : memref<!tpu.dma_semaphore, #tpu.memory_space<semaphore_mem>>)
    %parallel_loop3A = arith.constant 0 : i32
    %parallel_loop3A_189 = arith.constant 200 : i32
    %parallel_loop3A_190 = arith.constant 1 : i32
    scf.for %parallel_loop3A_1023 = %parallel_loop3A to %parallel_loop3A_189 step %parallel_loop3A_190  : i32 {
      %parallel_loop3A_1024 = arith.index_cast %parallel_loop3A_1023 : i32 to index
      %parallel_loop3A_1025 = arith.constant 0 : index
      %parallel_loop3A_1026 = tpu.vector_load %arg14[%parallel_loop3A_1024, %parallel_loop3A_1025] {strides = array<i32>} : memref<200x64xf32, #tpu.memory_space<vmem>>, vector<1x16xf32>,
      %parallel_loop3A_1027 = vector.shape_cast %parallel_loop3A_1026 : vector<1x16xf32> to vector<16xf32>
      %parallel_loop3A_1028 = arith.constant 0 : i32
      %parallel_loop3A_1029 = arith.index_cast %parallel_loop3A_1028 : i32 to index
      %parallel_loop3A_1030 = arith.index_cast %parallel_loop3A_1023 : i32 to index
      %parallel_loop3A_1031 = arith.constant 0 : index
      %parallel_loop3A_1032 = tpu.vector_load %arg10[%parallel_loop3A_1029, %parallel_loop3A_1030, %parallel_loop3A_1031] {strides = array<i32>} : memref<2x200x64xf32, #tpu.memory_space<vmem>>, vector<1x1x16xf32>,
      %parallel_loop3A_1033 = vector.shape_cast %parallel_loop3A_1032 : vector<1x1x16xf32> to vector<16xf32>
      %parallel_loop3A_1034 = vector.shape_cast %parallel_loop3A_1027 : vector<16xf32> to vector<1x1x16xf32>
      tpu.vector_store %arg10[%parallel_loop3A_1029, %parallel_loop3A_1030, %parallel_loop3A_1031], %parallel_loop3A_1034 {add = true, strides = array<i32>} : memref<2x200x64xf32, #tpu.memory_space<vmem>>, vector<1x1x16xf32>,
      %parallel_loop3A_1035 = arith.constant 1 : i32
      %parallel_loop3A_1036 = arith.index_cast %parallel_loop3A_1035 : i32 to index
      %parallel_loop3A_1037 = arith.index_cast %parallel_loop3A_1023 : i32 to index
      %parallel_loop3A_1038 = arith.constant 0 : index
      %parallel_loop3A_1039 = tpu.vector_load %arg10[%parallel_loop3A_1036, %parallel_loop3A_1037, %parallel_loop3A_1038] {strides = array<i32>} : memref<2x200x64xf32, #tpu.memory_space<vmem>>, vector<1x1x16xf32>,
      %parallel_loop3A_1040 = vector.shape_cast %parallel_loop3A_1039 : vector<1x1x16xf32> to vector<16xf32>
      %parallel_loop3A_1041 = vector.shape_cast %parallel_loop3A_1027 : vector<16xf32> to vector<1x1x16xf32>
      tpu.vector_store %arg10[%parallel_loop3A_1036, %parallel_loop3A_1037, %parallel_loop3A_1038], %parallel_loop3A_1041 {add = true, strides = array<i32>} : memref<2x200x64xf32, #tpu.memory_space<vmem>>, vector<1x1x16xf32>,
      %parallel_loop3A_1042 = arith.index_cast %parallel_loop3A_1023 : i32 to index
      %parallel_loop3A_1043 = arith.constant 16 : index
      %parallel_loop3A_1044 = tpu.vector_load %arg14[%parallel_loop3A_1042, %parallel_loop3A_1043] {strides = array<i32>} : memref<200x64xf32, #tpu.memory_space<vmem>>, vector<1x16xf32>,
      %parallel_loop3A_1045 = vector.shape_cast %parallel_loop3A_1044 : vector<1x16xf32> to vector<16xf32>
      %parallel_loop3A_1046 = arith.constant 0 : i32
      %parallel_loop3A_1047 = arith.index_cast %parallel_loop3A_1046 : i32 to index
      %parallel_loop3A_1048 = arith.index_cast %parallel_loop3A_1023 : i32 to index
      %parallel_loop3A_1049 = arith.constant 16 : index
      %parallel_loop3A_1050 = tpu.vector_load %arg10[%parallel_loop3A_1047, %parallel_loop3A_1048, %parallel_loop3A_1049] {strides = array<i32>} : memref<2x200x64xf32, #tpu.memory_space<vmem>>, vector<1x1x16xf32>,
      %parallel_loop3A_1051 = vector.shape_cast %parallel_loop3A_1050 : vector<1x1x16xf32> to vector<16xf32>
      %parallel_loop3A_1052 = vector.shape_cast %parallel_loop3A_1045 : vector<16xf32> to vector<1x1x16xf32>
      tpu.vector_store %arg10[%parallel_loop3A_1047, %parallel_loop3A_1048, %parallel_loop3A_1049], %parallel_loop3A_1052 {add = true, strides = array<i32>} : memref<2x200x64xf32, #tpu.memory_space<vmem>>, vector<1x1x16xf32>,
      %parallel_loop3A_1053 = arith.constant 1 : i32
      %parallel_loop3A_1054 = arith.index_cast %parallel_loop3A_1053 : i32 to index
      %parallel_loop3A_1055 = arith.index_cast %parallel_loop3A_1023 : i32 to index
      %parallel_loop3A_1056 = arith.constant 16 : index
      %parallel_loop3A_1057 = tpu.vector_load %arg10[%parallel_loop3A_1054, %parallel_loop3A_1055, %parallel_loop3A_1056] {strides = array<i32>} : memref<2x200x64xf32, #tpu.memory_space<vmem>>, vector<1x1x16xf32>,
      %parallel_loop3A_1058 = vector.shape_cast %parallel_loop3A_1057 : vector<1x1x16xf32> to vector<16xf32>
      %parallel_loop3A_1059 = vector.shape_cast %parallel_loop3A_1045 : vector<16xf32> to vector<1x1x16xf32>
      tpu.vector_store %arg10[%parallel_loop3A_1054, %parallel_loop3A_1055, %parallel_loop3A_1056], %parallel_loop3A_1059 {add = true, strides = array<i32>} : memref<2x200x64xf32, #tpu.memory_space<vmem>>, vector<1x1x16xf32>,
      %parallel_loop3A_1060 = arith.index_cast %parallel_loop3A_1023 : i32 to index
      %parallel_loop3A_1061 = arith.constant 32 : index
      %parallel_loop3A_1062 = tpu.vector_load %arg14[%parallel_loop3A_1060, %parallel_loop3A_1061] {strides = array<i32>} : memref<200x64xf32, #tpu.memory_space<vmem>>, vector<1x16xf32>,
      %parallel_loop3A_1063 = vector.shape_cast %parallel_loop3A_1062 : vector<1x16xf32> to vector<16xf32>
      %parallel_loop3A_1064 = arith.constant 0 : i32
      %parallel_loop3A_1065 = arith.index_cast %parallel_loop3A_1064 : i32 to index
      %parallel_loop3A_1066 = arith.index_cast %parallel_loop3A_1023 : i32 to index
      %parallel_loop3A_1067 = arith.constant 32 : index
      %parallel_loop3A_1068 = tpu.vector_load %arg10[%parallel_loop3A_1065, %parallel_loop3A_1066, %parallel_loop3A_1067] {strides = array<i32>} : memref<2x200x64xf32, #tpu.memory_space<vmem>>, vector<1x1x16xf32>,
      %parallel_loop3A_1069 = vector.shape_cast %parallel_loop3A_1068 : vector<1x1x16xf32> to vector<16xf32>
      %parallel_loop3A_1070 = vector.shape_cast %parallel_loop3A_1063 : vector<16xf32> to vector<1x1x16xf32>
      tpu.vector_store %arg10[%parallel_loop3A_1065, %parallel_loop3A_1066, %parallel_loop3A_1067], %parallel_loop3A_1070 {add = true, strides = array<i32>} : memref<2x200x64xf32, #tpu.memory_space<vmem>>, vector<1x1x16xf32>,
      %parallel_loop3A_1071 = arith.constant 1 : i32
      %parallel_loop3A_1072 = arith.index_cast %parallel_loop3A_1071 : i32 to index
      %parallel_loop3A_1073 = arith.index_cast %parallel_loop3A_1023 : i32 to index
      %parallel_loop3A_1074 = arith.constant 32 : index
      %parallel_loop3A_1075 = tpu.vector_load %arg10[%parallel_loop3A_1072, %parallel_loop3A_1073, %parallel_loop3A_1074] {strides = array<i32>} : memref<2x200x64xf32, #tpu.memory_space<vmem>>, vector<1x1x16xf32>,
      %parallel_loop3A_1076 = vector.shape_cast %parallel_loop3A_1075 : vector<1x1x16xf32> to vector<16xf32>
      %parallel_loop3A_1077 = vector.shape_cast %parallel_loop3A_1063 : vector<16xf32> to vector<1x1x16xf32>
      tpu.vector_store %arg10[%parallel_loop3A_1072, %parallel_loop3A_1073, %parallel_loop3A_1074], %parallel_loop3A_1077 {add = true, strides = array<i32>} : memref<2x200x64xf32, #tpu.memory_space<vmem>>, vector<1x1x16xf32>,
      %parallel_loop3A_1078 = arith.index_cast %parallel_loop3A_1023 : i32 to index
      %parallel_loop3A_1079 = arith.constant 48 : index
      %parallel_loop3A_1080 = tpu.vector_load %arg14[%parallel_loop3A_1078, %parallel_loop3A_1079] {strides = array<i32>} : memref<200x64xf32, #tpu.memory_space<vmem>>, vector<1x16xf32>,
      %parallel_loop3A_1081 = vector.shape_cast %parallel_loop3A_1080 : vector<1x16xf32> to vector<16xf32>
      %parallel_loop3A_1082 = arith.constant 0 : i32
      %parallel_loop3A_1083 = arith.index_cast %parallel_loop3A_1082 : i32 to index
      %parallel_loop3A_1084 = arith.index_cast %parallel_loop3A_1023 : i32 to index
      %parallel_loop3A_1085 = arith.constant 48 : index
      %parallel_loop3A_1086 = tpu.vector_load %arg10[%parallel_loop3A_1083, %parallel_loop3A_1084, %parallel_loop3A_1085] {strides = array<i32>} : memref<2x200x64xf32, #tpu.memory_space<vmem>>, vector<1x1x16xf32>,
      %parallel_loop3A_1087 = vector.shape_cast %parallel_loop3A_1086 : vector<1x1x16xf32> to vector<16xf32>
      %parallel_loop3A_1088 = vector.shape_cast %parallel_loop3A_1081 : vector<16xf32> to vector<1x1x16xf32>
      tpu.vector_store %arg10[%parallel_loop3A_1083, %parallel_loop3A_1084, %parallel_loop3A_1085], %parallel_loop3A_1088 {add = true, strides = array<i32>} : memref<2x200x64xf32, #tpu.memory_space<vmem>>, vector<1x1x16xf32>,
      %parallel_loop3A_1089 = arith.constant 1 : i32
      %parallel_loop3A_1090 = arith.index_cast %parallel_loop3A_1089 : i32 to index
      %parallel_loop3A_1091 = arith.index_cast %parallel_loop3A_1023 : i32 to index
      %parallel_loop3A_1092 = arith.constant 48 : index
      %parallel_loop3A_1093 = tpu.vector_load %arg10[%parallel_loop3A_1090, %parallel_loop3A_1091, %parallel_loop3A_1092] {strides = array<i32>} : memref<2x200x64xf32, #tpu.memory_space<vmem>>, vector<1x1x16xf32>,
      %parallel_loop3A_1094 = vector.shape_cast %parallel_loop3A_1093 : vector<1x1x16xf32> to vector<16xf32>
      %parallel_loop3A_1095 = vector.shape_cast %parallel_loop3A_1081 : vector<16xf32> to vector<1x1x16xf32>
      tpu.vector_store %arg10[%parallel_loop3A_1090, %parallel_loop3A_1091, %parallel_loop3A_1092], %parallel_loop3A_1095 {add = true, strides = array<i32>} : memref<2x200x64xf32, #tpu.memory_space<vmem>>, vector<1x1x16xf32>,
    } {sc.loop_unroll_factor = 4 : i64, sc.parallel_access}
    %add3A_191 = arith.constant 0 : i32
    %add3A_192 = arith.addi %mul3A_2, %add3A_191 : i32
    %dma_start3A_193 = arith.constant 0 : i32
    %dma_start3A_194 = arith.constant 0 : i32
    %dma_start3A_195 = tpu.memref_slice %arg5[%add3A_192, %dma_start3A_193, %dma_start3A_194] : memref<4096x200x64xf32, #tpu.memory_space<hbm>> -> memref<2x200x64xf32, #tpu.memory_space<hbm>>
    %dma_start3A_196 = arith.constant 0 : i32
    %dma_start3A_197 = arith.constant 0 : i32
    %dma_start3A_198 = tpu.memref_slice %arg5[%add3A_192, %dma_start3A_196, %dma_start3A_197] : memref<4096x200x64xf32, #tpu.memory_space<hbm>> -> memref<2x200x64xf32, #tpu.memory_space<hbm>>
    tpu.enqueue_dma source(%arg10 : memref<2x200x64xf32, #tpu.memory_space<vmem>>) target(%dma_start3A_198 : memref<2x200x64xf32, #tpu.memory_space<hbm>>) target_semaphore(%arg23 : memref<!tpu.dma_semaphore, #tpu.memory_space<semaphore_mem>>)
    %add3A_199 = arith.constant 8 : i32
    %add3A_200 = arith.addi %mul3A_4, %add3A_199 : i32
    %dma_wait3A_201 = arith.constant 0 : i32
    %dma_wait3A_202 = tpu.memref_slice %arg2[%add3A_200, %dma_wait3A_201] : memref<8192x100xi32, #tpu.memory_space<hbm>> -> memref<4x100xi32, #tpu.memory_space<hbm>>
    %dma_wait3A_203 = arith.constant 0 : i32
    %dma_wait3A_204 = tpu.memref_slice %arg2[%add3A_200, %dma_wait3A_203] : memref<8192x100xi32, #tpu.memory_space<hbm>> -> memref<4x100xi32, #tpu.memory_space<hbm>>
    tpu.wait_dma2 semaphore(%arg17 : memref<!tpu.dma_semaphore, #tpu.memory_space<semaphore_mem>>) src(%dma_wait3A_204 : memref<4x100xi32, #tpu.memory_space<hbm>>) dst(%arg8 : memref<4x100xi32, #tpu.memory_space<vmem>>)
    %dma_start3A_205 = arith.constant 0 : i32
    %dma_start3A_206 = arith.constant 0 : i32
    %dma_start3A_207 = arith.constant 0 : i32
    %dma_start3A_208 = arith.constant 0 : i32
    %dma_start3A_209 = tpu.memref_slice %arg12[%dma_start3A_206, %dma_start3A_207, %dma_start3A_208] : memref<2x200x64xf32, #tpu.memory_space<vmem>> -> memref<1x100x64xf32, #tpu.memory_space<vmem>>
    %dma_start3A_210 = tpu.memref_squeeze %dma_start3A_209 : memref<1x100x64xf32, #tpu.memory_space<vmem>> -> memref<100x64xf32, #tpu.memory_space<vmem>>
    %dma_start3A_211 = arith.constant 0 : i32
    %dma_start3A_212 = tpu.memref_slice %arg8[%dma_start3A_205, %dma_start3A_211] : memref<4x100xi32, #tpu.memory_space<vmem>> -> memref<1x100xi32, #tpu.memory_space<vmem>>
    %dma_start3A_213 = tpu.memref_squeeze %dma_start3A_212 : memref<1x100xi32, #tpu.memory_space<vmem>> -> memref<100xi32, #tpu.memory_space<vmem>>
    %dma_start3A_214 = arith.constant 0 : i32
    %dma_start3A_215 = arith.constant 0 : i32
    %dma_start3A_216 = tpu.memref_slice %arg3[%dma_start3A_214, %dma_start3A_215] : memref<1000000x64xf32, #tpu.memory_space<hbm>> -> memref<1000000x64xf32, #tpu.memory_space<hbm>>
    tpu.enqueue_indirect_dma source(%dma_start3A_216 : memref<1000000x64xf32, #tpu.memory_space<hbm>>) target(%dma_start3A_210 : memref<100x64xf32, #tpu.memory_space<vmem>>) offsets(%dma_start3A_213 : memref<100xi32, #tpu.memory_space<vmem>>) semaphore(%arg21 : memref<!tpu.dma_semaphore, #tpu.memory_space<semaphore_mem>>)
    %dma_start3A_217 = arith.constant 1 : i32
    %dma_start3A_218 = arith.constant 0 : i32
    %dma_start3A_219 = arith.constant 100 : i32
    %dma_start3A_220 = arith.constant 0 : i32
    %dma_start3A_221 = tpu.memref_slice %arg12[%dma_start3A_218, %dma_start3A_219, %dma_start3A_220] : memref<2x200x64xf32, #tpu.memory_space<vmem>> -> memref<1x100x64xf32, #tpu.memory_space<vmem>>
    %dma_start3A_222 = tpu.memref_squeeze %dma_start3A_221 : memref<1x100x64xf32, #tpu.memory_space<vmem>> -> memref<100x64xf32, #tpu.memory_space<vmem>>
    %dma_start3A_223 = arith.constant 0 : i32
    %dma_start3A_224 = tpu.memref_slice %arg8[%dma_start3A_217, %dma_start3A_223] : memref<4x100xi32, #tpu.memory_space<vmem>> -> memref<1x100xi32, #tpu.memory_space<vmem>>
    %dma_start3A_225 = tpu.memref_squeeze %dma_start3A_224 : memref<1x100xi32, #tpu.memory_space<vmem>> -> memref<100xi32, #tpu.memory_space<vmem>>
    %dma_start3A_226 = arith.constant 0 : i32
    %dma_start3A_227 = arith.constant 0 : i32
    %dma_start3A_228 = tpu.memref_slice %arg3[%dma_start3A_226, %dma_start3A_227] : memref<1000000x64xf32, #tpu.memory_space<hbm>> -> memref<1000000x64xf32, #tpu.memory_space<hbm>>
    tpu.enqueue_indirect_dma source(%dma_start3A_228 : memref<1000000x64xf32, #tpu.memory_space<hbm>>) target(%dma_start3A_222 : memref<100x64xf32, #tpu.memory_space<vmem>>) offsets(%dma_start3A_225 : memref<100xi32, #tpu.memory_space<vmem>>) semaphore(%arg21 : memref<!tpu.dma_semaphore, #tpu.memory_space<semaphore_mem>>)
    %dma_start3A_229 = arith.constant 2 : i32
    %dma_start3A_230 = arith.constant 1 : i32
    %dma_start3A_231 = arith.constant 0 : i32
    %dma_start3A_232 = arith.constant 0 : i32
    %dma_start3A_233 = tpu.memref_slice %arg12[%dma_start3A_230, %dma_start3A_231, %dma_start3A_232] : memref<2x200x64xf32, #tpu.memory_space<vmem>> -> memref<1x100x64xf32, #tpu.memory_space<vmem>>
    %dma_start3A_234 = tpu.memref_squeeze %dma_start3A_233 : memref<1x100x64xf32, #tpu.memory_space<vmem>> -> memref<100x64xf32, #tpu.memory_space<vmem>>
    %dma_start3A_235 = arith.constant 0 : i32
    %dma_start3A_236 = tpu.memref_slice %arg8[%dma_start3A_229, %dma_start3A_235] : memref<4x100xi32, #tpu.memory_space<vmem>> -> memref<1x100xi32, #tpu.memory_space<vmem>>
    %dma_start3A_237 = tpu.memref_squeeze %dma_start3A_236 : memref<1x100xi32, #tpu.memory_space<vmem>> -> memref<100xi32, #tpu.memory_space<vmem>>
    %dma_start3A_238 = arith.constant 0 : i32
    %dma_start3A_239 = arith.constant 0 : i32
    %dma_start3A_240 = tpu.memref_slice %arg3[%dma_start3A_238, %dma_start3A_239] : memref<1000000x64xf32, #tpu.memory_space<hbm>> -> memref<1000000x64xf32, #tpu.memory_space<hbm>>
    tpu.enqueue_indirect_dma source(%dma_start3A_240 : memref<1000000x64xf32, #tpu.memory_space<hbm>>) target(%dma_start3A_234 : memref<100x64xf32, #tpu.memory_space<vmem>>) offsets(%dma_start3A_237 : memref<100xi32, #tpu.memory_space<vmem>>) semaphore(%arg21 : memref<!tpu.dma_semaphore, #tpu.memory_space<semaphore_mem>>)
    %dma_start3A_241 = arith.constant 3 : i32
    %dma_start3A_242 = arith.constant 1 : i32
    %dma_start3A_243 = arith.constant 100 : i32
    %dma_start3A_244 = arith.constant 0 : i32
    %dma_start3A_245 = tpu.memref_slice %arg12[%dma_start3A_242, %dma_start3A_243, %dma_start3A_244] : memref<2x200x64xf32, #tpu.memory_space<vmem>> -> memref<1x100x64xf32, #tpu.memory_space<vmem>>
    %dma_start3A_246 = tpu.memref_squeeze %dma_start3A_245 : memref<1x100x64xf32, #tpu.memory_space<vmem>> -> memref<100x64xf32, #tpu.memory_space<vmem>>
    %dma_start3A_247 = arith.constant 0 : i32
    %dma_start3A_248 = tpu.memref_slice %arg8[%dma_start3A_241, %dma_start3A_247] : memref<4x100xi32, #tpu.memory_space<vmem>> -> memref<1x100xi32, #tpu.memory_space<vmem>>
    %dma_start3A_249 = tpu.memref_squeeze %dma_start3A_248 : memref<1x100xi32, #tpu.memory_space<vmem>> -> memref<100xi32, #tpu.memory_space<vmem>>
    %dma_start3A_250 = arith.constant 0 : i32
    %dma_start3A_251 = arith.constant 0 : i32
    %dma_start3A_252 = tpu.memref_slice %arg3[%dma_start3A_250, %dma_start3A_251] : memref<1000000x64xf32, #tpu.memory_space<hbm>> -> memref<1000000x64xf32, #tpu.memory_space<hbm>>
    tpu.enqueue_indirect_dma source(%dma_start3A_252 : memref<1000000x64xf32, #tpu.memory_space<hbm>>) target(%dma_start3A_246 : memref<100x64xf32, #tpu.memory_space<vmem>>) offsets(%dma_start3A_249 : memref<100xi32, #tpu.memory_space<vmem>>) semaphore(%arg21 : memref<!tpu.dma_semaphore, #tpu.memory_space<semaphore_mem>>)
    %dma_wait3A_253 = arith.constant 0 : i32
    %dma_wait3A_254 = arith.constant 0 : i32
    %dma_wait3A_255 = arith.constant 0 : i32
    %dma_wait3A_256 = arith.constant 0 : i32
    %dma_wait3A_257 = tpu.memref_slice %arg11[%dma_wait3A_254, %dma_wait3A_255, %dma_wait3A_256] : memref<2x200x64xf32, #tpu.memory_space<vmem>> -> memref<1x100x64xf32, #tpu.memory_space<vmem>>
    %dma_wait3A_258 = tpu.memref_squeeze %dma_wait3A_257 : memref<1x100x64xf32, #tpu.memory_space<vmem>> -> memref<100x64xf32, #tpu.memory_space<vmem>>
    %dma_wait3A_259 = arith.constant 0 : i32
    %dma_wait3A_260 = tpu.memref_slice %arg7[%dma_wait3A_253, %dma_wait3A_259] : memref<4x100xi32, #tpu.memory_space<vmem>> -> memref<1x100xi32, #tpu.memory_space<vmem>>
    %dma_wait3A_261 = tpu.memref_squeeze %dma_wait3A_260 : memref<1x100xi32, #tpu.memory_space<vmem>> -> memref<100xi32, #tpu.memory_space<vmem>>
    %dma_wait3A_262 = arith.constant 0 : i32
    %dma_wait3A_263 = arith.constant 0 : i32
    %dma_wait3A_264 = tpu.memref_slice %arg3[%dma_wait3A_262, %dma_wait3A_263] : memref<1000000x64xf32, #tpu.memory_space<hbm>> -> memref<1000000x64xf32, #tpu.memory_space<hbm>>
    tpu.wait_indirect_dma semaphore(%arg20 : memref<!tpu.dma_semaphore, #tpu.memory_space<semaphore_mem>>) src(%dma_wait3A_264 : memref<1000000x64xf32, #tpu.memory_space<hbm>>) dst(%dma_wait3A_258 : memref<100x64xf32, #tpu.memory_space<vmem>>)
    %dma_wait3A_265 = arith.constant 1 : i32
    %dma_wait3A_266 = arith.constant 0 : i32
    %dma_wait3A_267 = arith.constant 100 : i32
    %dma_wait3A_268 = arith.constant 0 : i32
    %dma_wait3A_269 = tpu.memref_slice %arg11[%dma_wait3A_266, %dma_wait3A_267, %dma_wait3A_268] : memref<2x200x64xf32, #tpu.memory_space<vmem>> -> memref<1x100x64xf32, #tpu.memory_space<vmem>>
    %dma_wait3A_270 = tpu.memref_squeeze %dma_wait3A_269 : memref<1x100x64xf32, #tpu.memory_space<vmem>> -> memref<100x64xf32, #tpu.memory_space<vmem>>
    %dma_wait3A_271 = arith.constant 0 : i32
    %dma_wait3A_272 = tpu.memref_slice %arg7[%dma_wait3A_265, %dma_wait3A_271] : memref<4x100xi32, #tpu.memory_space<vmem>> -> memref<1x100xi32, #tpu.memory_space<vmem>>
    %dma_wait3A_273 = tpu.memref_squeeze %dma_wait3A_272 : memref<1x100xi32, #tpu.memory_space<vmem>> -> memref<100xi32, #tpu.memory_space<vmem>>
    %dma_wait3A_274 = arith.constant 0 : i32
    %dma_wait3A_275 = arith.constant 0 : i32
    %dma_wait3A_276 = tpu.memref_slice %arg3[%dma_wait3A_274, %dma_wait3A_275] : memref<1000000x64xf32, #tpu.memory_space<hbm>> -> memref<1000000x64xf32, #tpu.memory_space<hbm>>
    tpu.wait_indirect_dma semaphore(%arg20 : memref<!tpu.dma_semaphore, #tpu.memory_space<semaphore_mem>>) src(%dma_wait3A_276 : memref<1000000x64xf32, #tpu.memory_space<hbm>>) dst(%dma_wait3A_270 : memref<100x64xf32, #tpu.memory_space<vmem>>)
    %dma_wait3A_277 = arith.constant 2 : i32
    %dma_wait3A_278 = arith.constant 1 : i32
    %dma_wait3A_279 = arith.constant 0 : i32
    %dma_wait3A_280 = arith.constant 0 : i32
    %dma_wait3A_281 = tpu.memref_slice %arg11[%dma_wait3A_278, %dma_wait3A_279, %dma_wait3A_280] : memref<2x200x64xf32, #tpu.memory_space<vmem>> -> memref<1x100x64xf32, #tpu.memory_space<vmem>>
    %dma_wait3A_282 = tpu.memref_squeeze %dma_wait3A_281 : memref<1x100x64xf32, #tpu.memory_space<vmem>> -> memref<100x64xf32, #tpu.memory_space<vmem>>
    %dma_wait3A_283 = arith.constant 0 : i32
    %dma_wait3A_284 = tpu.memref_slice %arg7[%dma_wait3A_277, %dma_wait3A_283] : memref<4x100xi32, #tpu.memory_space<vmem>> -> memref<1x100xi32, #tpu.memory_space<vmem>>
    %dma_wait3A_285 = tpu.memref_squeeze %dma_wait3A_284 : memref<1x100xi32, #tpu.memory_space<vmem>> -> memref<100xi32, #tpu.memory_space<vmem>>
    %dma_wait3A_286 = arith.constant 0 : i32
    %dma_wait3A_287 = arith.constant 0 : i32
    %dma_wait3A_288 = tpu.memref_slice %arg3[%dma_wait3A_286, %dma_wait3A_287] : memref<1000000x64xf32, #tpu.memory_space<hbm>> -> memref<1000000x64xf32, #tpu.memory_space<hbm>>
    tpu.wait_indirect_dma semaphore(%arg20 : memref<!tpu.dma_semaphore, #tpu.memory_space<semaphore_mem>>) src(%dma_wait3A_288 : memref<1000000x64xf32, #tpu.memory_space<hbm>>) dst(%dma_wait3A_282 : memref<100x64xf32, #tpu.memory_space<vmem>>)
    %dma_wait3A_289 = arith.constant 3 : i32
    %dma_wait3A_290 = arith.constant 1 : i32
    %dma_wait3A_291 = arith.constant 100 : i32
    %dma_wait3A_292 = arith.constant 0 : i32
    %dma_wait3A_293 = tpu.memref_slice %arg11[%dma_wait3A_290, %dma_wait3A_291, %dma_wait3A_292] : memref<2x200x64xf32, #tpu.memory_space<vmem>> -> memref<1x100x64xf32, #tpu.memory_space<vmem>>
    %dma_wait3A_294 = tpu.memref_squeeze %dma_wait3A_293 : memref<1x100x64xf32, #tpu.memory_space<vmem>> -> memref<100x64xf32, #tpu.memory_space<vmem>>
    %dma_wait3A_295 = arith.constant 0 : i32
    %dma_wait3A_296 = tpu.memref_slice %arg7[%dma_wait3A_289, %dma_wait3A_295] : memref<4x100xi32, #tpu.memory_space<vmem>> -> memref<1x100xi32, #tpu.memory_space<vmem>>
    %dma_wait3A_297 = tpu.memref_squeeze %dma_wait3A_296 : memref<1x100xi32, #tpu.memory_space<vmem>> -> memref<100xi32, #tpu.memory_space<vmem>>
    %dma_wait3A_298 = arith.constant 0 : i32
    %dma_wait3A_299 = arith.constant 0 : i32
    %dma_wait3A_300 = tpu.memref_slice %arg3[%dma_wait3A_298, %dma_wait3A_299] : memref<1000000x64xf32, #tpu.memory_space<hbm>> -> memref<1000000x64xf32, #tpu.memory_space<hbm>>
    tpu.wait_indirect_dma semaphore(%arg20 : memref<!tpu.dma_semaphore, #tpu.memory_space<semaphore_mem>>) src(%dma_wait3A_300 : memref<1000000x64xf32, #tpu.memory_space<hbm>>) dst(%dma_wait3A_294 : memref<100x64xf32, #tpu.memory_space<vmem>>)
    %add3A_301 = arith.constant 20 : i32
    %add3A_302 = arith.addi %mul3A_4, %add3A_301 : i32
    %dma_start3A_303 = arith.constant 0 : i32
    %dma_start3A_304 = tpu.memref_slice %arg2[%add3A_302, %dma_start3A_303] : memref<8192x100xi32, #tpu.memory_space<hbm>> -> memref<4x100xi32, #tpu.memory_space<hbm>>
    %dma_start3A_305 = arith.constant 0 : i32
    %dma_start3A_306 = tpu.memref_slice %arg2[%add3A_302, %dma_start3A_305] : memref<8192x100xi32, #tpu.memory_space<hbm>> -> memref<4x100xi32, #tpu.memory_space<hbm>>
    tpu.enqueue_dma source(%dma_start3A_306 : memref<4x100xi32, #tpu.memory_space<hbm>>) target(%arg7 : memref<4x100xi32, #tpu.memory_space<vmem>>) target_semaphore(%arg16 : memref<!tpu.dma_semaphore, #tpu.memory_space<semaphore_mem>>)
    %parallel_loop3A_307 = arith.constant 0 : i32
    %parallel_loop3A_308 = arith.constant 200 : i32
    %parallel_loop3A_309 = arith.constant 1 : i32
    scf.for %parallel_loop3A_1023 = %parallel_loop3A_307 to %parallel_loop3A_308 step %parallel_loop3A_309  : i32 {
      %parallel_loop3A_1024 = arith.index_cast %parallel_loop3A_1023 : i32 to index
      %parallel_loop3A_1025 = arith.constant 0 : index
      %parallel_loop3A_1026 = tpu.vector_load %arg14[%parallel_loop3A_1024, %parallel_loop3A_1025] {strides = array<i32>} : memref<200x64xf32, #tpu.memory_space<vmem>>, vector<1x16xf32>,
      %parallel_loop3A_1027 = vector.shape_cast %parallel_loop3A_1026 : vector<1x16xf32> to vector<16xf32>
      %parallel_loop3A_1028 = arith.constant 0 : i32
      %parallel_loop3A_1029 = arith.index_cast %parallel_loop3A_1028 : i32 to index
      %parallel_loop3A_1030 = arith.index_cast %parallel_loop3A_1023 : i32 to index
      %parallel_loop3A_1031 = arith.constant 0 : index
      %parallel_loop3A_1032 = tpu.vector_load %arg11[%parallel_loop3A_1029, %parallel_loop3A_1030, %parallel_loop3A_1031] {strides = array<i32>} : memref<2x200x64xf32, #tpu.memory_space<vmem>>, vector<1x1x16xf32>,
      %parallel_loop3A_1033 = vector.shape_cast %parallel_loop3A_1032 : vector<1x1x16xf32> to vector<16xf32>
      %parallel_loop3A_1034 = vector.shape_cast %parallel_loop3A_1027 : vector<16xf32> to vector<1x1x16xf32>
      tpu.vector_store %arg11[%parallel_loop3A_1029, %parallel_loop3A_1030, %parallel_loop3A_1031], %parallel_loop3A_1034 {add = true, strides = array<i32>} : memref<2x200x64xf32, #tpu.memory_space<vmem>>, vector<1x1x16xf32>,
      %parallel_loop3A_1035 = arith.constant 1 : i32
      %parallel_loop3A_1036 = arith.index_cast %parallel_loop3A_1035 : i32 to index
      %parallel_loop3A_1037 = arith.index_cast %parallel_loop3A_1023 : i32 to index
      %parallel_loop3A_1038 = arith.constant 0 : index
      %parallel_loop3A_1039 = tpu.vector_load %arg11[%parallel_loop3A_1036, %parallel_loop3A_1037, %parallel_loop3A_1038] {strides = array<i32>} : memref<2x200x64xf32, #tpu.memory_space<vmem>>, vector<1x1x16xf32>,
      %parallel_loop3A_1040 = vector.shape_cast %parallel_loop3A_1039 : vector<1x1x16xf32> to vector<16xf32>
      %parallel_loop3A_1041 = vector.shape_cast %parallel_loop3A_1027 : vector<16xf32> to vector<1x1x16xf32>
      tpu.vector_store %arg11[%parallel_loop3A_1036, %parallel_loop3A_1037, %parallel_loop3A_1038], %parallel_loop3A_1041 {add = true, strides = array<i32>} : memref<2x200x64xf32, #tpu.memory_space<vmem>>, vector<1x1x16xf32>,
      %parallel_loop3A_1042 = arith.index_cast %parallel_loop3A_1023 : i32 to index
      %parallel_loop3A_1043 = arith.constant 16 : index
      %parallel_loop3A_1044 = tpu.vector_load %arg14[%parallel_loop3A_1042, %parallel_loop3A_1043] {strides = array<i32>} : memref<200x64xf32, #tpu.memory_space<vmem>>, vector<1x16xf32>,
      %parallel_loop3A_1045 = vector.shape_cast %parallel_loop3A_1044 : vector<1x16xf32> to vector<16xf32>
      %parallel_loop3A_1046 = arith.constant 0 : i32
      %parallel_loop3A_1047 = arith.index_cast %parallel_loop3A_1046 : i32 to index
      %parallel_loop3A_1048 = arith.index_cast %parallel_loop3A_1023 : i32 to index
      %parallel_loop3A_1049 = arith.constant 16 : index
      %parallel_loop3A_1050 = tpu.vector_load %arg11[%parallel_loop3A_1047, %parallel_loop3A_1048, %parallel_loop3A_1049] {strides = array<i32>} : memref<2x200x64xf32, #tpu.memory_space<vmem>>, vector<1x1x16xf32>,
      %parallel_loop3A_1051 = vector.shape_cast %parallel_loop3A_1050 : vector<1x1x16xf32> to vector<16xf32>
      %parallel_loop3A_1052 = vector.shape_cast %parallel_loop3A_1045 : vector<16xf32> to vector<1x1x16xf32>
      tpu.vector_store %arg11[%parallel_loop3A_1047, %parallel_loop3A_1048, %parallel_loop3A_1049], %parallel_loop3A_1052 {add = true, strides = array<i32>} : memref<2x200x64xf32, #tpu.memory_space<vmem>>, vector<1x1x16xf32>,
      %parallel_loop3A_1053 = arith.constant 1 : i32
      %parallel_loop3A_1054 = arith.index_cast %parallel_loop3A_1053 : i32 to index
      %parallel_loop3A_1055 = arith.index_cast %parallel_loop3A_1023 : i32 to index
      %parallel_loop3A_1056 = arith.constant 16 : index
      %parallel_loop3A_1057 = tpu.vector_load %arg11[%parallel_loop3A_1054, %parallel_loop3A_1055, %parallel_loop3A_1056] {strides = array<i32>} : memref<2x200x64xf32, #tpu.memory_space<vmem>>, vector<1x1x16xf32>,
      %parallel_loop3A_1058 = vector.shape_cast %parallel_loop3A_1057 : vector<1x1x16xf32> to vector<16xf32>
      %parallel_loop3A_1059 = vector.shape_cast %parallel_loop3A_1045 : vector<16xf32> to vector<1x1x16xf32>
      tpu.vector_store %arg11[%parallel_loop3A_1054, %parallel_loop3A_1055, %parallel_loop3A_1056], %parallel_loop3A_1059 {add = true, strides = array<i32>} : memref<2x200x64xf32, #tpu.memory_space<vmem>>, vector<1x1x16xf32>,
      %parallel_loop3A_1060 = arith.index_cast %parallel_loop3A_1023 : i32 to index
      %parallel_loop3A_1061 = arith.constant 32 : index
      %parallel_loop3A_1062 = tpu.vector_load %arg14[%parallel_loop3A_1060, %parallel_loop3A_1061] {strides = array<i32>} : memref<200x64xf32, #tpu.memory_space<vmem>>, vector<1x16xf32>,
      %parallel_loop3A_1063 = vector.shape_cast %parallel_loop3A_1062 : vector<1x16xf32> to vector<16xf32>
      %parallel_loop3A_1064 = arith.constant 0 : i32
      %parallel_loop3A_1065 = arith.index_cast %parallel_loop3A_1064 : i32 to index
      %parallel_loop3A_1066 = arith.index_cast %parallel_loop3A_1023 : i32 to index
      %parallel_loop3A_1067 = arith.constant 32 : index
      %parallel_loop3A_1068 = tpu.vector_load %arg11[%parallel_loop3A_1065, %parallel_loop3A_1066, %parallel_loop3A_1067] {strides = array<i32>} : memref<2x200x64xf32, #tpu.memory_space<vmem>>, vector<1x1x16xf32>,
      %parallel_loop3A_1069 = vector.shape_cast %parallel_loop3A_1068 : vector<1x1x16xf32> to vector<16xf32>
      %parallel_loop3A_1070 = vector.shape_cast %parallel_loop3A_1063 : vector<16xf32> to vector<1x1x16xf32>
      tpu.vector_store %arg11[%parallel_loop3A_1065, %parallel_loop3A_1066, %parallel_loop3A_1067], %parallel_loop3A_1070 {add = true, strides = array<i32>} : memref<2x200x64xf32, #tpu.memory_space<vmem>>, vector<1x1x16xf32>,
      %parallel_loop3A_1071 = arith.constant 1 : i32
      %parallel_loop3A_1072 = arith.index_cast %parallel_loop3A_1071 : i32 to index
      %parallel_loop3A_1073 = arith.index_cast %parallel_loop3A_1023 : i32 to index
      %parallel_loop3A_1074 = arith.constant 32 : index
      %parallel_loop3A_1075 = tpu.vector_load %arg11[%parallel_loop3A_1072, %parallel_loop3A_1073, %parallel_loop3A_1074] {strides = array<i32>} : memref<2x200x64xf32, #tpu.memory_space<vmem>>, vector<1x1x16xf32>,
      %parallel_loop3A_1076 = vector.shape_cast %parallel_loop3A_1075 : vector<1x1x16xf32> to vector<16xf32>
      %parallel_loop3A_1077 = vector.shape_cast %parallel_loop3A_1063 : vector<16xf32> to vector<1x1x16xf32>
      tpu.vector_store %arg11[%parallel_loop3A_1072, %parallel_loop3A_1073, %parallel_loop3A_1074], %parallel_loop3A_1077 {add = true, strides = array<i32>} : memref<2x200x64xf32, #tpu.memory_space<vmem>>, vector<1x1x16xf32>,
      %parallel_loop3A_1078 = arith.index_cast %parallel_loop3A_1023 : i32 to index
      %parallel_loop3A_1079 = arith.constant 48 : index
      %parallel_loop3A_1080 = tpu.vector_load %arg14[%parallel_loop3A_1078, %parallel_loop3A_1079] {strides = array<i32>} : memref<200x64xf32, #tpu.memory_space<vmem>>, vector<1x16xf32>,
      %parallel_loop3A_1081 = vector.shape_cast %parallel_loop3A_1080 : vector<1x16xf32> to vector<16xf32>
      %parallel_loop3A_1082 = arith.constant 0 : i32
      %parallel_loop3A_1083 = arith.index_cast %parallel_loop3A_1082 : i32 to index
      %parallel_loop3A_1084 = arith.index_cast %parallel_loop3A_1023 : i32 to index
      %parallel_loop3A_1085 = arith.constant 48 : index
      %parallel_loop3A_1086 = tpu.vector_load %arg11[%parallel_loop3A_1083, %parallel_loop3A_1084, %parallel_loop3A_1085] {strides = array<i32>} : memref<2x200x64xf32, #tpu.memory_space<vmem>>, vector<1x1x16xf32>,
      %parallel_loop3A_1087 = vector.shape_cast %parallel_loop3A_1086 : vector<1x1x16xf32> to vector<16xf32>
      %parallel_loop3A_1088 = vector.shape_cast %parallel_loop3A_1081 : vector<16xf32> to vector<1x1x16xf32>
      tpu.vector_store %arg11[%parallel_loop3A_1083, %parallel_loop3A_1084, %parallel_loop3A_1085], %parallel_loop3A_1088 {add = true, strides = array<i32>} : memref<2x200x64xf32, #tpu.memory_space<vmem>>, vector<1x1x16xf32>,
      %parallel_loop3A_1089 = arith.constant 1 : i32
      %parallel_loop3A_1090 = arith.index_cast %parallel_loop3A_1089 : i32 to index
      %parallel_loop3A_1091 = arith.index_cast %parallel_loop3A_1023 : i32 to index
      %parallel_loop3A_1092 = arith.constant 48 : index
      %parallel_loop3A_1093 = tpu.vector_load %arg11[%parallel_loop3A_1090, %parallel_loop3A_1091, %parallel_loop3A_1092] {strides = array<i32>} : memref<2x200x64xf32, #tpu.memory_space<vmem>>, vector<1x1x16xf32>,
      %parallel_loop3A_1094 = vector.shape_cast %parallel_loop3A_1093 : vector<1x1x16xf32> to vector<16xf32>
      %parallel_loop3A_1095 = vector.shape_cast %parallel_loop3A_1081 : vector<16xf32> to vector<1x1x16xf32>
      tpu.vector_store %arg11[%parallel_loop3A_1090, %parallel_loop3A_1091, %parallel_loop3A_1092], %parallel_loop3A_1095 {add = true, strides = array<i32>} : memref<2x200x64xf32, #tpu.memory_space<vmem>>, vector<1x1x16xf32>,
    } {sc.loop_unroll_factor = 4 : i64, sc.parallel_access}
    %add3A_310 = arith.constant 2 : i32
    %add3A_311 = arith.addi %mul3A_2, %add3A_310 : i32
    %dma_start3A_312 = arith.constant 0 : i32
    %dma_start3A_313 = arith.constant 0 : i32
    %dma_start3A_314 = tpu.memref_slice %arg5[%add3A_311, %dma_start3A_312, %dma_start3A_313] : memref<4096x200x64xf32, #tpu.memory_space<hbm>> -> memref<2x200x64xf32, #tpu.memory_space<hbm>>
    %dma_start3A_315 = arith.constant 0 : i32
    %dma_start3A_316 = arith.constant 0 : i32
    %dma_start3A_317 = tpu.memref_slice %arg5[%add3A_311, %dma_start3A_315, %dma_start3A_316] : memref<4096x200x64xf32, #tpu.memory_space<hbm>> -> memref<2x200x64xf32, #tpu.memory_space<hbm>>
    tpu.enqueue_dma source(%arg11 : memref<2x200x64xf32, #tpu.memory_space<vmem>>) target(%dma_start3A_317 : memref<2x200x64xf32, #tpu.memory_space<hbm>>) target_semaphore(%arg24 : memref<!tpu.dma_semaphore, #tpu.memory_space<semaphore_mem>>)
    %add3A_318 = arith.constant 12 : i32
    %add3A_319 = arith.addi %mul3A_4, %add3A_318 : i32
    %dma_wait3A_320 = arith.constant 0 : i32
    %dma_wait3A_321 = tpu.memref_slice %arg2[%add3A_319, %dma_wait3A_320] : memref<8192x100xi32, #tpu.memory_space<hbm>> -> memref<4x100xi32, #tpu.memory_space<hbm>>
    %dma_wait3A_322 = arith.constant 0 : i32
    %dma_wait3A_323 = tpu.memref_slice %arg2[%add3A_319, %dma_wait3A_322] : memref<8192x100xi32, #tpu.memory_space<hbm>> -> memref<4x100xi32, #tpu.memory_space<hbm>>
    tpu.wait_dma2 semaphore(%arg18 : memref<!tpu.dma_semaphore, #tpu.memory_space<semaphore_mem>>) src(%dma_wait3A_323 : memref<4x100xi32, #tpu.memory_space<hbm>>) dst(%arg9 : memref<4x100xi32, #tpu.memory_space<vmem>>)
    %dma_start3A_324 = arith.constant 0 : i32
    %dma_start3A_325 = arith.constant 0 : i32
    %dma_start3A_326 = arith.constant 0 : i32
    %dma_start3A_327 = arith.constant 0 : i32
    %dma_start3A_328 = tpu.memref_slice %arg13[%dma_start3A_325, %dma_start3A_326, %dma_start3A_327] : memref<2x200x64xf32, #tpu.memory_space<vmem>> -> memref<1x100x64xf32, #tpu.memory_space<vmem>>
    %dma_start3A_329 = tpu.memref_squeeze %dma_start3A_328 : memref<1x100x64xf32, #tpu.memory_space<vmem>> -> memref<100x64xf32, #tpu.memory_space<vmem>>
    %dma_start3A_330 = arith.constant 0 : i32
    %dma_start3A_331 = tpu.memref_slice %arg9[%dma_start3A_324, %dma_start3A_330] : memref<4x100xi32, #tpu.memory_space<vmem>> -> memref<1x100xi32, #tpu.memory_space<vmem>>
    %dma_start3A_332 = tpu.memref_squeeze %dma_start3A_331 : memref<1x100xi32, #tpu.memory_space<vmem>> -> memref<100xi32, #tpu.memory_space<vmem>>
    %dma_start3A_333 = arith.constant 0 : i32
    %dma_start3A_334 = arith.constant 0 : i32
    %dma_start3A_335 = tpu.memref_slice %arg3[%dma_start3A_333, %dma_start3A_334] : memref<1000000x64xf32, #tpu.memory_space<hbm>> -> memref<1000000x64xf32, #tpu.memory_space<hbm>>
    tpu.enqueue_indirect_dma source(%dma_start3A_335 : memref<1000000x64xf32, #tpu.memory_space<hbm>>) target(%dma_start3A_329 : memref<100x64xf32, #tpu.memory_space<vmem>>) offsets(%dma_start3A_332 : memref<100xi32, #tpu.memory_space<vmem>>) semaphore(%arg22 : memref<!tpu.dma_semaphore, #tpu.memory_space<semaphore_mem>>)
    %dma_start3A_336 = arith.constant 1 : i32
    %dma_start3A_337 = arith.constant 0 : i32
    %dma_start3A_338 = arith.constant 100 : i32
    %dma_start3A_339 = arith.constant 0 : i32
    %dma_start3A_340 = tpu.memref_slice %arg13[%dma_start3A_337, %dma_start3A_338, %dma_start3A_339] : memref<2x200x64xf32, #tpu.memory_space<vmem>> -> memref<1x100x64xf32, #tpu.memory_space<vmem>>
    %dma_start3A_341 = tpu.memref_squeeze %dma_start3A_340 : memref<1x100x64xf32, #tpu.memory_space<vmem>> -> memref<100x64xf32, #tpu.memory_space<vmem>>
    %dma_start3A_342 = arith.constant 0 : i32
    %dma_start3A_343 = tpu.memref_slice %arg9[%dma_start3A_336, %dma_start3A_342] : memref<4x100xi32, #tpu.memory_space<vmem>> -> memref<1x100xi32, #tpu.memory_space<vmem>>
    %dma_start3A_344 = tpu.memref_squeeze %dma_start3A_343 : memref<1x100xi32, #tpu.memory_space<vmem>> -> memref<100xi32, #tpu.memory_space<vmem>>
    %dma_start3A_345 = arith.constant 0 : i32
    %dma_start3A_346 = arith.constant 0 : i32
    %dma_start3A_347 = tpu.memref_slice %arg3[%dma_start3A_345, %dma_start3A_346] : memref<1000000x64xf32, #tpu.memory_space<hbm>> -> memref<1000000x64xf32, #tpu.memory_space<hbm>>
    tpu.enqueue_indirect_dma source(%dma_start3A_347 : memref<1000000x64xf32, #tpu.memory_space<hbm>>) target(%dma_start3A_341 : memref<100x64xf32, #tpu.memory_space<vmem>>) offsets(%dma_start3A_344 : memref<100xi32, #tpu.memory_space<vmem>>) semaphore(%arg22 : memref<!tpu.dma_semaphore, #tpu.memory_space<semaphore_mem>>)
    %dma_start3A_348 = arith.constant 2 : i32
    %dma_start3A_349 = arith.constant 1 : i32
    %dma_start3A_350 = arith.constant 0 : i32
    %dma_start3A_351 = arith.constant 0 : i32
    %dma_start3A_352 = tpu.memref_slice %arg13[%dma_start3A_349, %dma_start3A_350, %dma_start3A_351] : memref<2x200x64xf32, #tpu.memory_space<vmem>> -> memref<1x100x64xf32, #tpu.memory_space<vmem>>
    %dma_start3A_353 = tpu.memref_squeeze %dma_start3A_352 : memref<1x100x64xf32, #tpu.memory_space<vmem>> -> memref<100x64xf32, #tpu.memory_space<vmem>>
    %dma_start3A_354 = arith.constant 0 : i32
    %dma_start3A_355 = tpu.memref_slice %arg9[%dma_start3A_348, %dma_start3A_354] : memref<4x100xi32, #tpu.memory_space<vmem>> -> memref<1x100xi32, #tpu.memory_space<vmem>>
    %dma_start3A_356 = tpu.memref_squeeze %dma_start3A_355 : memref<1x100xi32, #tpu.memory_space<vmem>> -> memref<100xi32, #tpu.memory_space<vmem>>
    %dma_start3A_357 = arith.constant 0 : i32
    %dma_start3A_358 = arith.constant 0 : i32
    %dma_start3A_359 = tpu.memref_slice %arg3[%dma_start3A_357, %dma_start3A_358] : memref<1000000x64xf32, #tpu.memory_space<hbm>> -> memref<1000000x64xf32, #tpu.memory_space<hbm>>
    tpu.enqueue_indirect_dma source(%dma_start3A_359 : memref<1000000x64xf32, #tpu.memory_space<hbm>>) target(%dma_start3A_353 : memref<100x64xf32, #tpu.memory_space<vmem>>) offsets(%dma_start3A_356 : memref<100xi32, #tpu.memory_space<vmem>>) semaphore(%arg22 : memref<!tpu.dma_semaphore, #tpu.memory_space<semaphore_mem>>)
    %dma_start3A_360 = arith.constant 3 : i32
    %dma_start3A_361 = arith.constant 1 : i32
    %dma_start3A_362 = arith.constant 100 : i32
    %dma_start3A_363 = arith.constant 0 : i32
    %dma_start3A_364 = tpu.memref_slice %arg13[%dma_start3A_361, %dma_start3A_362, %dma_start3A_363] : memref<2x200x64xf32, #tpu.memory_space<vmem>> -> memref<1x100x64xf32, #tpu.memory_space<vmem>>
    %dma_start3A_365 = tpu.memref_squeeze %dma_start3A_364 : memref<1x100x64xf32, #tpu.memory_space<vmem>> -> memref<100x64xf32, #tpu.memory_space<vmem>>
    %dma_start3A_366 = arith.constant 0 : i32
    %dma_start3A_367 = tpu.memref_slice %arg9[%dma_start3A_360, %dma_start3A_366] : memref<4x100xi32, #tpu.memory_space<vmem>> -> memref<1x100xi32, #tpu.memory_space<vmem>>
    %dma_start3A_368 = tpu.memref_squeeze %dma_start3A_367 : memref<1x100xi32, #tpu.memory_space<vmem>> -> memref<100xi32, #tpu.memory_space<vmem>>
    %dma_start3A_369 = arith.constant 0 : i32
    %dma_start3A_370 = arith.constant 0 : i32
    %dma_start3A_371 = tpu.memref_slice %arg3[%dma_start3A_369, %dma_start3A_370] : memref<1000000x64xf32, #tpu.memory_space<hbm>> -> memref<1000000x64xf32, #tpu.memory_space<hbm>>
    tpu.enqueue_indirect_dma source(%dma_start3A_371 : memref<1000000x64xf32, #tpu.memory_space<hbm>>) target(%dma_start3A_365 : memref<100x64xf32, #tpu.memory_space<vmem>>) offsets(%dma_start3A_368 : memref<100xi32, #tpu.memory_space<vmem>>) semaphore(%arg22 : memref<!tpu.dma_semaphore, #tpu.memory_space<semaphore_mem>>)
    %dma_wait3A_372 = arith.constant 0 : i32
    %dma_wait3A_373 = arith.constant 0 : i32
    %dma_wait3A_374 = arith.constant 0 : i32
    %dma_wait3A_375 = arith.constant 0 : i32
    %dma_wait3A_376 = tpu.memref_slice %arg12[%dma_wait3A_373, %dma_wait3A_374, %dma_wait3A_375] : memref<2x200x64xf32, #tpu.memory_space<vmem>> -> memref<1x100x64xf32, #tpu.memory_space<vmem>>
    %dma_wait3A_377 = tpu.memref_squeeze %dma_wait3A_376 : memref<1x100x64xf32, #tpu.memory_space<vmem>> -> memref<100x64xf32, #tpu.memory_space<vmem>>
    %dma_wait3A_378 = arith.constant 0 : i32
    %dma_wait3A_379 = tpu.memref_slice %arg8[%dma_wait3A_372, %dma_wait3A_378] : memref<4x100xi32, #tpu.memory_space<vmem>> -> memref<1x100xi32, #tpu.memory_space<vmem>>
    %dma_wait3A_380 = tpu.memref_squeeze %dma_wait3A_379 : memref<1x100xi32, #tpu.memory_space<vmem>> -> memref<100xi32, #tpu.memory_space<vmem>>
    %dma_wait3A_381 = arith.constant 0 : i32
    %dma_wait3A_382 = arith.constant 0 : i32
    %dma_wait3A_383 = tpu.memref_slice %arg3[%dma_wait3A_381, %dma_wait3A_382] : memref<1000000x64xf32, #tpu.memory_space<hbm>> -> memref<1000000x64xf32, #tpu.memory_space<hbm>>
    tpu.wait_indirect_dma semaphore(%arg21 : memref<!tpu.dma_semaphore, #tpu.memory_space<semaphore_mem>>) src(%dma_wait3A_383 : memref<1000000x64xf32, #tpu.memory_space<hbm>>) dst(%dma_wait3A_377 : memref<100x64xf32, #tpu.memory_space<vmem>>)
    %dma_wait3A_384 = arith.constant 1 : i32
    %dma_wait3A_385 = arith.constant 0 : i32
    %dma_wait3A_386 = arith.constant 100 : i32
    %dma_wait3A_387 = arith.constant 0 : i32
    %dma_wait3A_388 = tpu.memref_slice %arg12[%dma_wait3A_385, %dma_wait3A_386, %dma_wait3A_387] : memref<2x200x64xf32, #tpu.memory_space<vmem>> -> memref<1x100x64xf32, #tpu.memory_space<vmem>>
    %dma_wait3A_389 = tpu.memref_squeeze %dma_wait3A_388 : memref<1x100x64xf32, #tpu.memory_space<vmem>> -> memref<100x64xf32, #tpu.memory_space<vmem>>
    %dma_wait3A_390 = arith.constant 0 : i32
    %dma_wait3A_391 = tpu.memref_slice %arg8[%dma_wait3A_384, %dma_wait3A_390] : memref<4x100xi32, #tpu.memory_space<vmem>> -> memref<1x100xi32, #tpu.memory_space<vmem>>
    %dma_wait3A_392 = tpu.memref_squeeze %dma_wait3A_391 : memref<1x100xi32, #tpu.memory_space<vmem>> -> memref<100xi32, #tpu.memory_space<vmem>>
    %dma_wait3A_393 = arith.constant 0 : i32
    %dma_wait3A_394 = arith.constant 0 : i32
    %dma_wait3A_395 = tpu.memref_slice %arg3[%dma_wait3A_393, %dma_wait3A_394] : memref<1000000x64xf32, #tpu.memory_space<hbm>> -> memref<1000000x64xf32, #tpu.memory_space<hbm>>
    tpu.wait_indirect_dma semaphore(%arg21 : memref<!tpu.dma_semaphore, #tpu.memory_space<semaphore_mem>>) src(%dma_wait3A_395 : memref<1000000x64xf32, #tpu.memory_space<hbm>>) dst(%dma_wait3A_389 : memref<100x64xf32, #tpu.memory_space<vmem>>)
    %dma_wait3A_396 = arith.constant 2 : i32
    %dma_wait3A_397 = arith.constant 1 : i32
    %dma_wait3A_398 = arith.constant 0 : i32
    %dma_wait3A_399 = arith.constant 0 : i32
    %dma_wait3A_400 = tpu.memref_slice %arg12[%dma_wait3A_397, %dma_wait3A_398, %dma_wait3A_399] : memref<2x200x64xf32, #tpu.memory_space<vmem>> -> memref<1x100x64xf32, #tpu.memory_space<vmem>>
    %dma_wait3A_401 = tpu.memref_squeeze %dma_wait3A_400 : memref<1x100x64xf32, #tpu.memory_space<vmem>> -> memref<100x64xf32, #tpu.memory_space<vmem>>
    %dma_wait3A_402 = arith.constant 0 : i32
    %dma_wait3A_403 = tpu.memref_slice %arg8[%dma_wait3A_396, %dma_wait3A_402] : memref<4x100xi32, #tpu.memory_space<vmem>> -> memref<1x100xi32, #tpu.memory_space<vmem>>
    %dma_wait3A_404 = tpu.memref_squeeze %dma_wait3A_403 : memref<1x100xi32, #tpu.memory_space<vmem>> -> memref<100xi32, #tpu.memory_space<vmem>>
    %dma_wait3A_405 = arith.constant 0 : i32
    %dma_wait3A_406 = arith.constant 0 : i32
    %dma_wait3A_407 = tpu.memref_slice %arg3[%dma_wait3A_405, %dma_wait3A_406] : memref<1000000x64xf32, #tpu.memory_space<hbm>> -> memref<1000000x64xf32, #tpu.memory_space<hbm>>
    tpu.wait_indirect_dma semaphore(%arg21 : memref<!tpu.dma_semaphore, #tpu.memory_space<semaphore_mem>>) src(%dma_wait3A_407 : memref<1000000x64xf32, #tpu.memory_space<hbm>>) dst(%dma_wait3A_401 : memref<100x64xf32, #tpu.memory_space<vmem>>)
    %dma_wait3A_408 = arith.constant 3 : i32
    %dma_wait3A_409 = arith.constant 1 : i32
    %dma_wait3A_410 = arith.constant 100 : i32
    %dma_wait3A_411 = arith.constant 0 : i32
    %dma_wait3A_412 = tpu.memref_slice %arg12[%dma_wait3A_409, %dma_wait3A_410, %dma_wait3A_411] : memref<2x200x64xf32, #tpu.memory_space<vmem>> -> memref<1x100x64xf32, #tpu.memory_space<vmem>>
    %dma_wait3A_413 = tpu.memref_squeeze %dma_wait3A_412 : memref<1x100x64xf32, #tpu.memory_space<vmem>> -> memref<100x64xf32, #tpu.memory_space<vmem>>
    %dma_wait3A_414 = arith.constant 0 : i32
    %dma_wait3A_415 = tpu.memref_slice %arg8[%dma_wait3A_408, %dma_wait3A_414] : memref<4x100xi32, #tpu.memory_space<vmem>> -> memref<1x100xi32, #tpu.memory_space<vmem>>
    %dma_wait3A_416 = tpu.memref_squeeze %dma_wait3A_415 : memref<1x100xi32, #tpu.memory_space<vmem>> -> memref<100xi32, #tpu.memory_space<vmem>>
    %dma_wait3A_417 = arith.constant 0 : i32
    %dma_wait3A_418 = arith.constant 0 : i32
    %dma_wait3A_419 = tpu.memref_slice %arg3[%dma_wait3A_417, %dma_wait3A_418] : memref<1000000x64xf32, #tpu.memory_space<hbm>> -> memref<1000000x64xf32, #tpu.memory_space<hbm>>
    tpu.wait_indirect_dma semaphore(%arg21 : memref<!tpu.dma_semaphore, #tpu.memory_space<semaphore_mem>>) src(%dma_wait3A_419 : memref<1000000x64xf32, #tpu.memory_space<hbm>>) dst(%dma_wait3A_413 : memref<100x64xf32, #tpu.memory_space<vmem>>)
    %add3A_420 = arith.constant 24 : i32
    %add3A_421 = arith.addi %mul3A_4, %add3A_420 : i32
    %dma_start3A_422 = arith.constant 0 : i32
    %dma_start3A_423 = tpu.memref_slice %arg2[%add3A_421, %dma_start3A_422] : memref<8192x100xi32, #tpu.memory_space<hbm>> -> memref<4x100xi32, #tpu.memory_space<hbm>>
    %dma_start3A_424 = arith.constant 0 : i32
    %dma_start3A_425 = tpu.memref_slice %arg2[%add3A_421, %dma_start3A_424] : memref<8192x100xi32, #tpu.memory_space<hbm>> -> memref<4x100xi32, #tpu.memory_space<hbm>>
    tpu.enqueue_dma source(%dma_start3A_425 : memref<4x100xi32, #tpu.memory_space<hbm>>) target(%arg8 : memref<4x100xi32, #tpu.memory_space<vmem>>) target_semaphore(%arg17 : memref<!tpu.dma_semaphore, #tpu.memory_space<semaphore_mem>>)
    %parallel_loop3A_426 = arith.constant 0 : i32
    %parallel_loop3A_427 = arith.constant 200 : i32
    %parallel_loop3A_428 = arith.constant 1 : i32
    scf.for %parallel_loop3A_1023 = %parallel_loop3A_426 to %parallel_loop3A_427 step %parallel_loop3A_428  : i32 {
      %parallel_loop3A_1024 = arith.index_cast %parallel_loop3A_1023 : i32 to index
      %parallel_loop3A_1025 = arith.constant 0 : index
      %parallel_loop3A_1026 = tpu.vector_load %arg14[%parallel_loop3A_1024, %parallel_loop3A_1025] {strides = array<i32>} : memref<200x64xf32, #tpu.memory_space<vmem>>, vector<1x16xf32>,
      %parallel_loop3A_1027 = vector.shape_cast %parallel_loop3A_1026 : vector<1x16xf32> to vector<16xf32>
      %parallel_loop3A_1028 = arith.constant 0 : i32
      %parallel_loop3A_1029 = arith.index_cast %parallel_loop3A_1028 : i32 to index
      %parallel_loop3A_1030 = arith.index_cast %parallel_loop3A_1023 : i32 to index
      %parallel_loop3A_1031 = arith.constant 0 : index
      %parallel_loop3A_1032 = tpu.vector_load %arg12[%parallel_loop3A_1029, %parallel_loop3A_1030, %parallel_loop3A_1031] {strides = array<i32>} : memref<2x200x64xf32, #tpu.memory_space<vmem>>, vector<1x1x16xf32>,
      %parallel_loop3A_1033 = vector.shape_cast %parallel_loop3A_1032 : vector<1x1x16xf32> to vector<16xf32>
      %parallel_loop3A_1034 = vector.shape_cast %parallel_loop3A_1027 : vector<16xf32> to vector<1x1x16xf32>
      tpu.vector_store %arg12[%parallel_loop3A_1029, %parallel_loop3A_1030, %parallel_loop3A_1031], %parallel_loop3A_1034 {add = true, strides = array<i32>} : memref<2x200x64xf32, #tpu.memory_space<vmem>>, vector<1x1x16xf32>,
      %parallel_loop3A_1035 = arith.constant 1 : i32
      %parallel_loop3A_1036 = arith.index_cast %parallel_loop3A_1035 : i32 to index
      %parallel_loop3A_1037 = arith.index_cast %parallel_loop3A_1023 : i32 to index
      %parallel_loop3A_1038 = arith.constant 0 : index
      %parallel_loop3A_1039 = tpu.vector_load %arg12[%parallel_loop3A_1036, %parallel_loop3A_1037, %parallel_loop3A_1038] {strides = array<i32>} : memref<2x200x64xf32, #tpu.memory_space<vmem>>, vector<1x1x16xf32>,
      %parallel_loop3A_1040 = vector.shape_cast %parallel_loop3A_1039 : vector<1x1x16xf32> to vector<16xf32>
      %parallel_loop3A_1041 = vector.shape_cast %parallel_loop3A_1027 : vector<16xf32> to vector<1x1x16xf32>
      tpu.vector_store %arg12[%parallel_loop3A_1036, %parallel_loop3A_1037, %parallel_loop3A_1038], %parallel_loop3A_1041 {add = true, strides = array<i32>} : memref<2x200x64xf32, #tpu.memory_space<vmem>>, vector<1x1x16xf32>,
      %parallel_loop3A_1042 = arith.index_cast %parallel_loop3A_1023 : i32 to index
      %parallel_loop3A_1043 = arith.constant 16 : index
      %parallel_loop3A_1044 = tpu.vector_load %arg14[%parallel_loop3A_1042, %parallel_loop3A_1043] {strides = array<i32>} : memref<200x64xf32, #tpu.memory_space<vmem>>, vector<1x16xf32>,
      %parallel_loop3A_1045 = vector.shape_cast %parallel_loop3A_1044 : vector<1x16xf32> to vector<16xf32>
      %parallel_loop3A_1046 = arith.constant 0 : i32
      %parallel_loop3A_1047 = arith.index_cast %parallel_loop3A_1046 : i32 to index
      %parallel_loop3A_1048 = arith.index_cast %parallel_loop3A_1023 : i32 to index
      %parallel_loop3A_1049 = arith.constant 16 : index
      %parallel_loop3A_1050 = tpu.vector_load %arg12[%parallel_loop3A_1047, %parallel_loop3A_1048, %parallel_loop3A_1049] {strides = array<i32>} : memref<2x200x64xf32, #tpu.memory_space<vmem>>, vector<1x1x16xf32>,
      %parallel_loop3A_1051 = vector.shape_cast %parallel_loop3A_1050 : vector<1x1x16xf32> to vector<16xf32>
      %parallel_loop3A_1052 = vector.shape_cast %parallel_loop3A_1045 : vector<16xf32> to vector<1x1x16xf32>
      tpu.vector_store %arg12[%parallel_loop3A_1047, %parallel_loop3A_1048, %parallel_loop3A_1049], %parallel_loop3A_1052 {add = true, strides = array<i32>} : memref<2x200x64xf32, #tpu.memory_space<vmem>>, vector<1x1x16xf32>,
      %parallel_loop3A_1053 = arith.constant 1 : i32
      %parallel_loop3A_1054 = arith.index_cast %parallel_loop3A_1053 : i32 to index
      %parallel_loop3A_1055 = arith.index_cast %parallel_loop3A_1023 : i32 to index
      %parallel_loop3A_1056 = arith.constant 16 : index
      %parallel_loop3A_1057 = tpu.vector_load %arg12[%parallel_loop3A_1054, %parallel_loop3A_1055, %parallel_loop3A_1056] {strides = array<i32>} : memref<2x200x64xf32, #tpu.memory_space<vmem>>, vector<1x1x16xf32>,
      %parallel_loop3A_1058 = vector.shape_cast %parallel_loop3A_1057 : vector<1x1x16xf32> to vector<16xf32>
      %parallel_loop3A_1059 = vector.shape_cast %parallel_loop3A_1045 : vector<16xf32> to vector<1x1x16xf32>
      tpu.vector_store %arg12[%parallel_loop3A_1054, %parallel_loop3A_1055, %parallel_loop3A_1056], %parallel_loop3A_1059 {add = true, strides = array<i32>} : memref<2x200x64xf32, #tpu.memory_space<vmem>>, vector<1x1x16xf32>,
      %parallel_loop3A_1060 = arith.index_cast %parallel_loop3A_1023 : i32 to index
      %parallel_loop3A_1061 = arith.constant 32 : index
      %parallel_loop3A_1062 = tpu.vector_load %arg14[%parallel_loop3A_1060, %parallel_loop3A_1061] {strides = array<i32>} : memref<200x64xf32, #tpu.memory_space<vmem>>, vector<1x16xf32>,
      %parallel_loop3A_1063 = vector.shape_cast %parallel_loop3A_1062 : vector<1x16xf32> to vector<16xf32>
      %parallel_loop3A_1064 = arith.constant 0 : i32
      %parallel_loop3A_1065 = arith.index_cast %parallel_loop3A_1064 : i32 to index
      %parallel_loop3A_1066 = arith.index_cast %parallel_loop3A_1023 : i32 to index
      %parallel_loop3A_1067 = arith.constant 32 : index
      %parallel_loop3A_1068 = tpu.vector_load %arg12[%parallel_loop3A_1065, %parallel_loop3A_1066, %parallel_loop3A_1067] {strides = array<i32>} : memref<2x200x64xf32, #tpu.memory_space<vmem>>, vector<1x1x16xf32>,
      %parallel_loop3A_1069 = vector.shape_cast %parallel_loop3A_1068 : vector<1x1x16xf32> to vector<16xf32>
      %parallel_loop3A_1070 = vector.shape_cast %parallel_loop3A_1063 : vector<16xf32> to vector<1x1x16xf32>
      tpu.vector_store %arg12[%parallel_loop3A_1065, %parallel_loop3A_1066, %parallel_loop3A_1067], %parallel_loop3A_1070 {add = true, strides = array<i32>} : memref<2x200x64xf32, #tpu.memory_space<vmem>>, vector<1x1x16xf32>,
      %parallel_loop3A_1071 = arith.constant 1 : i32
      %parallel_loop3A_1072 = arith.index_cast %parallel_loop3A_1071 : i32 to index
      %parallel_loop3A_1073 = arith.index_cast %parallel_loop3A_1023 : i32 to index
      %parallel_loop3A_1074 = arith.constant 32 : index
      %parallel_loop3A_1075 = tpu.vector_load %arg12[%parallel_loop3A_1072, %parallel_loop3A_1073, %parallel_loop3A_1074] {strides = array<i32>} : memref<2x200x64xf32, #tpu.memory_space<vmem>>, vector<1x1x16xf32>,
      %parallel_loop3A_1076 = vector.shape_cast %parallel_loop3A_1075 : vector<1x1x16xf32> to vector<16xf32>
      %parallel_loop3A_1077 = vector.shape_cast %parallel_loop3A_1063 : vector<16xf32> to vector<1x1x16xf32>
      tpu.vector_store %arg12[%parallel_loop3A_1072, %parallel_loop3A_1073, %parallel_loop3A_1074], %parallel_loop3A_1077 {add = true, strides = array<i32>} : memref<2x200x64xf32, #tpu.memory_space<vmem>>, vector<1x1x16xf32>,
      %parallel_loop3A_1078 = arith.index_cast %parallel_loop3A_1023 : i32 to index
      %parallel_loop3A_1079 = arith.constant 48 : index
      %parallel_loop3A_1080 = tpu.vector_load %arg14[%parallel_loop3A_1078, %parallel_loop3A_1079] {strides = array<i32>} : memref<200x64xf32, #tpu.memory_space<vmem>>, vector<1x16xf32>,
      %parallel_loop3A_1081 = vector.shape_cast %parallel_loop3A_1080 : vector<1x16xf32> to vector<16xf32>
      %parallel_loop3A_1082 = arith.constant 0 : i32
      %parallel_loop3A_1083 = arith.index_cast %parallel_loop3A_1082 : i32 to index
      %parallel_loop3A_1084 = arith.index_cast %parallel_loop3A_1023 : i32 to index
      %parallel_loop3A_1085 = arith.constant 48 : index
      %parallel_loop3A_1086 = tpu.vector_load %arg12[%parallel_loop3A_1083, %parallel_loop3A_1084, %parallel_loop3A_1085] {strides = array<i32>} : memref<2x200x64xf32, #tpu.memory_space<vmem>>, vector<1x1x16xf32>,
      %parallel_loop3A_1087 = vector.shape_cast %parallel_loop3A_1086 : vector<1x1x16xf32> to vector<16xf32>
      %parallel_loop3A_1088 = vector.shape_cast %parallel_loop3A_1081 : vector<16xf32> to vector<1x1x16xf32>
      tpu.vector_store %arg12[%parallel_loop3A_1083, %parallel_loop3A_1084, %parallel_loop3A_1085], %parallel_loop3A_1088 {add = true, strides = array<i32>} : memref<2x200x64xf32, #tpu.memory_space<vmem>>, vector<1x1x16xf32>,
      %parallel_loop3A_1089 = arith.constant 1 : i32
      %parallel_loop3A_1090 = arith.index_cast %parallel_loop3A_1089 : i32 to index
      %parallel_loop3A_1091 = arith.index_cast %parallel_loop3A_1023 : i32 to index
      %parallel_loop3A_1092 = arith.constant 48 : index
      %parallel_loop3A_1093 = tpu.vector_load %arg12[%parallel_loop3A_1090, %parallel_loop3A_1091, %parallel_loop3A_1092] {strides = array<i32>} : memref<2x200x64xf32, #tpu.memory_space<vmem>>, vector<1x1x16xf32>,
      %parallel_loop3A_1094 = vector.shape_cast %parallel_loop3A_1093 : vector<1x1x16xf32> to vector<16xf32>
      %parallel_loop3A_1095 = vector.shape_cast %parallel_loop3A_1081 : vector<16xf32> to vector<1x1x16xf32>
      tpu.vector_store %arg12[%parallel_loop3A_1090, %parallel_loop3A_1091, %parallel_loop3A_1092], %parallel_loop3A_1095 {add = true, strides = array<i32>} : memref<2x200x64xf32, #tpu.memory_space<vmem>>, vector<1x1x16xf32>,
    } {sc.loop_unroll_factor = 4 : i64, sc.parallel_access}
    %add3A_429 = arith.constant 4 : i32
    %add3A_430 = arith.addi %mul3A_2, %add3A_429 : i32
    %dma_start3A_431 = arith.constant 0 : i32
    %dma_start3A_432 = arith.constant 0 : i32
    %dma_start3A_433 = tpu.memref_slice %arg5[%add3A_430, %dma_start3A_431, %dma_start3A_432] : memref<4096x200x64xf32, #tpu.memory_space<hbm>> -> memref<2x200x64xf32, #tpu.memory_space<hbm>>
    %dma_start3A_434 = arith.constant 0 : i32
    %dma_start3A_435 = arith.constant 0 : i32
    %dma_start3A_436 = tpu.memref_slice %arg5[%add3A_430, %dma_start3A_434, %dma_start3A_435] : memref<4096x200x64xf32, #tpu.memory_space<hbm>> -> memref<2x200x64xf32, #tpu.memory_space<hbm>>
    tpu.enqueue_dma source(%arg12 : memref<2x200x64xf32, #tpu.memory_space<vmem>>) target(%dma_start3A_436 : memref<2x200x64xf32, #tpu.memory_space<hbm>>) target_semaphore(%arg25 : memref<!tpu.dma_semaphore, #tpu.memory_space<semaphore_mem>>)
    %add3A_437 = arith.constant 0 : i32
    %add3A_438 = arith.addi %mul3A_2, %add3A_437 : i32
    %dma_wait3A_439 = arith.constant 0 : i32
    %dma_wait3A_440 = arith.constant 0 : i32
    %dma_wait3A_441 = tpu.memref_slice %arg5[%add3A_438, %dma_wait3A_439, %dma_wait3A_440] : memref<4096x200x64xf32, #tpu.memory_space<hbm>> -> memref<2x200x64xf32, #tpu.memory_space<hbm>>
    %dma_wait3A_442 = arith.constant 0 : i32
    %dma_wait3A_443 = arith.constant 0 : i32
    %dma_wait3A_444 = tpu.memref_slice %arg5[%add3A_438, %dma_wait3A_442, %dma_wait3A_443] : memref<4096x200x64xf32, #tpu.memory_space<hbm>> -> memref<2x200x64xf32, #tpu.memory_space<hbm>>
    tpu.wait_dma2 semaphore(%arg23 : memref<!tpu.dma_semaphore, #tpu.memory_space<semaphore_mem>>) src(%arg10 : memref<2x200x64xf32, #tpu.memory_space<vmem>>) dst(%dma_wait3A_444 : memref<2x200x64xf32, #tpu.memory_space<hbm>>)
    %add3A_445 = arith.constant 16 : i32
    %add3A_446 = arith.addi %mul3A_4, %add3A_445 : i32
    %dma_wait3A_447 = arith.constant 0 : i32
    %dma_wait3A_448 = tpu.memref_slice %arg2[%add3A_446, %dma_wait3A_447] : memref<8192x100xi32, #tpu.memory_space<hbm>> -> memref<4x100xi32, #tpu.memory_space<hbm>>
    %dma_wait3A_449 = arith.constant 0 : i32
    %dma_wait3A_450 = tpu.memref_slice %arg2[%add3A_446, %dma_wait3A_449] : memref<8192x100xi32, #tpu.memory_space<hbm>> -> memref<4x100xi32, #tpu.memory_space<hbm>>
    tpu.wait_dma2 semaphore(%arg15 : memref<!tpu.dma_semaphore, #tpu.memory_space<semaphore_mem>>) src(%dma_wait3A_450 : memref<4x100xi32, #tpu.memory_space<hbm>>) dst(%arg6 : memref<4x100xi32, #tpu.memory_space<vmem>>)
    %dma_start3A_451 = arith.constant 0 : i32
    %dma_start3A_452 = arith.constant 0 : i32
    %dma_start3A_453 = arith.constant 0 : i32
    %dma_start3A_454 = arith.constant 0 : i32
    %dma_start3A_455 = tpu.memref_slice %arg10[%dma_start3A_452, %dma_start3A_453, %dma_start3A_454] : memref<2x200x64xf32, #tpu.memory_space<vmem>> -> memref<1x100x64xf32, #tpu.memory_space<vmem>>
    %dma_start3A_456 = tpu.memref_squeeze %dma_start3A_455 : memref<1x100x64xf32, #tpu.memory_space<vmem>> -> memref<100x64xf32, #tpu.memory_space<vmem>>
    %dma_start3A_457 = arith.constant 0 : i32
    %dma_start3A_458 = tpu.memref_slice %arg6[%dma_start3A_451, %dma_start3A_457] : memref<4x100xi32, #tpu.memory_space<vmem>> -> memref<1x100xi32, #tpu.memory_space<vmem>>
    %dma_start3A_459 = tpu.memref_squeeze %dma_start3A_458 : memref<1x100xi32, #tpu.memory_space<vmem>> -> memref<100xi32, #tpu.memory_space<vmem>>
    %dma_start3A_460 = arith.constant 0 : i32
    %dma_start3A_461 = arith.constant 0 : i32
    %dma_start3A_462 = tpu.memref_slice %arg3[%dma_start3A_460, %dma_start3A_461] : memref<1000000x64xf32, #tpu.memory_space<hbm>> -> memref<1000000x64xf32, #tpu.memory_space<hbm>>
    tpu.enqueue_indirect_dma source(%dma_start3A_462 : memref<1000000x64xf32, #tpu.memory_space<hbm>>) target(%dma_start3A_456 : memref<100x64xf32, #tpu.memory_space<vmem>>) offsets(%dma_start3A_459 : memref<100xi32, #tpu.memory_space<vmem>>) semaphore(%arg19 : memref<!tpu.dma_semaphore, #tpu.memory_space<semaphore_mem>>)
    %dma_start3A_463 = arith.constant 1 : i32
    %dma_start3A_464 = arith.constant 0 : i32
    %dma_start3A_465 = arith.constant 100 : i32
    %dma_start3A_466 = arith.constant 0 : i32
    %dma_start3A_467 = tpu.memref_slice %arg10[%dma_start3A_464, %dma_start3A_465, %dma_start3A_466] : memref<2x200x64xf32, #tpu.memory_space<vmem>> -> memref<1x100x64xf32, #tpu.memory_space<vmem>>
    %dma_start3A_468 = tpu.memref_squeeze %dma_start3A_467 : memref<1x100x64xf32, #tpu.memory_space<vmem>> -> memref<100x64xf32, #tpu.memory_space<vmem>>
    %dma_start3A_469 = arith.constant 0 : i32
    %dma_start3A_470 = tpu.memref_slice %arg6[%dma_start3A_463, %dma_start3A_469] : memref<4x100xi32, #tpu.memory_space<vmem>> -> memref<1x100xi32, #tpu.memory_space<vmem>>
    %dma_start3A_471 = tpu.memref_squeeze %dma_start3A_470 : memref<1x100xi32, #tpu.memory_space<vmem>> -> memref<100xi32, #tpu.memory_space<vmem>>
    %dma_start3A_472 = arith.constant 0 : i32
    %dma_start3A_473 = arith.constant 0 : i32
    %dma_start3A_474 = tpu.memref_slice %arg3[%dma_start3A_472, %dma_start3A_473] : memref<1000000x64xf32, #tpu.memory_space<hbm>> -> memref<1000000x64xf32, #tpu.memory_space<hbm>>
    tpu.enqueue_indirect_dma source(%dma_start3A_474 : memref<1000000x64xf32, #tpu.memory_space<hbm>>) target(%dma_start3A_468 : memref<100x64xf32, #tpu.memory_space<vmem>>) offsets(%dma_start3A_471 : memref<100xi32, #tpu.memory_space<vmem>>) semaphore(%arg19 : memref<!tpu.dma_semaphore, #tpu.memory_space<semaphore_mem>>)
    %dma_start3A_475 = arith.constant 2 : i32
    %dma_start3A_476 = arith.constant 1 : i32
    %dma_start3A_477 = arith.constant 0 : i32
    %dma_start3A_478 = arith.constant 0 : i32
    %dma_start3A_479 = tpu.memref_slice %arg10[%dma_start3A_476, %dma_start3A_477, %dma_start3A_478] : memref<2x200x64xf32, #tpu.memory_space<vmem>> -> memref<1x100x64xf32, #tpu.memory_space<vmem>>
    %dma_start3A_480 = tpu.memref_squeeze %dma_start3A_479 : memref<1x100x64xf32, #tpu.memory_space<vmem>> -> memref<100x64xf32, #tpu.memory_space<vmem>>
    %dma_start3A_481 = arith.constant 0 : i32
    %dma_start3A_482 = tpu.memref_slice %arg6[%dma_start3A_475, %dma_start3A_481] : memref<4x100xi32, #tpu.memory_space<vmem>> -> memref<1x100xi32, #tpu.memory_space<vmem>>
    %dma_start3A_483 = tpu.memref_squeeze %dma_start3A_482 : memref<1x100xi32, #tpu.memory_space<vmem>> -> memref<100xi32, #tpu.memory_space<vmem>>
    %dma_start3A_484 = arith.constant 0 : i32
    %dma_start3A_485 = arith.constant 0 : i32
    %dma_start3A_486 = tpu.memref_slice %arg3[%dma_start3A_484, %dma_start3A_485] : memref<1000000x64xf32, #tpu.memory_space<hbm>> -> memref<1000000x64xf32, #tpu.memory_space<hbm>>
    tpu.enqueue_indirect_dma source(%dma_start3A_486 : memref<1000000x64xf32, #tpu.memory_space<hbm>>) target(%dma_start3A_480 : memref<100x64xf32, #tpu.memory_space<vmem>>) offsets(%dma_start3A_483 : memref<100xi32, #tpu.memory_space<vmem>>) semaphore(%arg19 : memref<!tpu.dma_semaphore, #tpu.memory_space<semaphore_mem>>)
    %dma_start3A_487 = arith.constant 3 : i32
    %dma_start3A_488 = arith.constant 1 : i32
    %dma_start3A_489 = arith.constant 100 : i32
    %dma_start3A_490 = arith.constant 0 : i32
    %dma_start3A_491 = tpu.memref_slice %arg10[%dma_start3A_488, %dma_start3A_489, %dma_start3A_490] : memref<2x200x64xf32, #tpu.memory_space<vmem>> -> memref<1x100x64xf32, #tpu.memory_space<vmem>>
    %dma_start3A_492 = tpu.memref_squeeze %dma_start3A_491 : memref<1x100x64xf32, #tpu.memory_space<vmem>> -> memref<100x64xf32, #tpu.memory_space<vmem>>
    %dma_start3A_493 = arith.constant 0 : i32
    %dma_start3A_494 = tpu.memref_slice %arg6[%dma_start3A_487, %dma_start3A_493] : memref<4x100xi32, #tpu.memory_space<vmem>> -> memref<1x100xi32, #tpu.memory_space<vmem>>
    %dma_start3A_495 = tpu.memref_squeeze %dma_start3A_494 : memref<1x100xi32, #tpu.memory_space<vmem>> -> memref<100xi32, #tpu.memory_space<vmem>>
    %dma_start3A_496 = arith.constant 0 : i32
    %dma_start3A_497 = arith.constant 0 : i32
    %dma_start3A_498 = tpu.memref_slice %arg3[%dma_start3A_496, %dma_start3A_497] : memref<1000000x64xf32, #tpu.memory_space<hbm>> -> memref<1000000x64xf32, #tpu.memory_space<hbm>>
    tpu.enqueue_indirect_dma source(%dma_start3A_498 : memref<1000000x64xf32, #tpu.memory_space<hbm>>) target(%dma_start3A_492 : memref<100x64xf32, #tpu.memory_space<vmem>>) offsets(%dma_start3A_495 : memref<100xi32, #tpu.memory_space<vmem>>) semaphore(%arg19 : memref<!tpu.dma_semaphore, #tpu.memory_space<semaphore_mem>>)
    %dma_wait3A_499 = arith.constant 0 : i32
    %dma_wait3A_500 = arith.constant 0 : i32
    %dma_wait3A_501 = arith.constant 0 : i32
    %dma_wait3A_502 = arith.constant 0 : i32
    %dma_wait3A_503 = tpu.memref_slice %arg13[%dma_wait3A_500, %dma_wait3A_501, %dma_wait3A_502] : memref<2x200x64xf32, #tpu.memory_space<vmem>> -> memref<1x100x64xf32, #tpu.memory_space<vmem>>
    %dma_wait3A_504 = tpu.memref_squeeze %dma_wait3A_503 : memref<1x100x64xf32, #tpu.memory_space<vmem>> -> memref<100x64xf32, #tpu.memory_space<vmem>>
    %dma_wait3A_505 = arith.constant 0 : i32
    %dma_wait3A_506 = tpu.memref_slice %arg9[%dma_wait3A_499, %dma_wait3A_505] : memref<4x100xi32, #tpu.memory_space<vmem>> -> memref<1x100xi32, #tpu.memory_space<vmem>>
    %dma_wait3A_507 = tpu.memref_squeeze %dma_wait3A_506 : memref<1x100xi32, #tpu.memory_space<vmem>> -> memref<100xi32, #tpu.memory_space<vmem>>
    %dma_wait3A_508 = arith.constant 0 : i32
    %dma_wait3A_509 = arith.constant 0 : i32
    %dma_wait3A_510 = tpu.memref_slice %arg3[%dma_wait3A_508, %dma_wait3A_509] : memref<1000000x64xf32, #tpu.memory_space<hbm>> -> memref<1000000x64xf32, #tpu.memory_space<hbm>>
    tpu.wait_indirect_dma semaphore(%arg22 : memref<!tpu.dma_semaphore, #tpu.memory_space<semaphore_mem>>) src(%dma_wait3A_510 : memref<1000000x64xf32, #tpu.memory_space<hbm>>) dst(%dma_wait3A_504 : memref<100x64xf32, #tpu.memory_space<vmem>>)
    %dma_wait3A_511 = arith.constant 1 : i32
    %dma_wait3A_512 = arith.constant 0 : i32
    %dma_wait3A_513 = arith.constant 100 : i32
    %dma_wait3A_514 = arith.constant 0 : i32
    %dma_wait3A_515 = tpu.memref_slice %arg13[%dma_wait3A_512, %dma_wait3A_513, %dma_wait3A_514] : memref<2x200x64xf32, #tpu.memory_space<vmem>> -> memref<1x100x64xf32, #tpu.memory_space<vmem>>
    %dma_wait3A_516 = tpu.memref_squeeze %dma_wait3A_515 : memref<1x100x64xf32, #tpu.memory_space<vmem>> -> memref<100x64xf32, #tpu.memory_space<vmem>>
    %dma_wait3A_517 = arith.constant 0 : i32
    %dma_wait3A_518 = tpu.memref_slice %arg9[%dma_wait3A_511, %dma_wait3A_517] : memref<4x100xi32, #tpu.memory_space<vmem>> -> memref<1x100xi32, #tpu.memory_space<vmem>>
    %dma_wait3A_519 = tpu.memref_squeeze %dma_wait3A_518 : memref<1x100xi32, #tpu.memory_space<vmem>> -> memref<100xi32, #tpu.memory_space<vmem>>
    %dma_wait3A_520 = arith.constant 0 : i32
    %dma_wait3A_521 = arith.constant 0 : i32
    %dma_wait3A_522 = tpu.memref_slice %arg3[%dma_wait3A_520, %dma_wait3A_521] : memref<1000000x64xf32, #tpu.memory_space<hbm>> -> memref<1000000x64xf32, #tpu.memory_space<hbm>>
    tpu.wait_indirect_dma semaphore(%arg22 : memref<!tpu.dma_semaphore, #tpu.memory_space<semaphore_mem>>) src(%dma_wait3A_522 : memref<1000000x64xf32, #tpu.memory_space<hbm>>) dst(%dma_wait3A_516 : memref<100x64xf32, #tpu.memory_space<vmem>>)
    %dma_wait3A_523 = arith.constant 2 : i32
    %dma_wait3A_524 = arith.constant 1 : i32
    %dma_wait3A_525 = arith.constant 0 : i32
    %dma_wait3A_526 = arith.constant 0 : i32
    %dma_wait3A_527 = tpu.memref_slice %arg13[%dma_wait3A_524, %dma_wait3A_525, %dma_wait3A_526] : memref<2x200x64xf32, #tpu.memory_space<vmem>> -> memref<1x100x64xf32, #tpu.memory_space<vmem>>
    %dma_wait3A_528 = tpu.memref_squeeze %dma_wait3A_527 : memref<1x100x64xf32, #tpu.memory_space<vmem>> -> memref<100x64xf32, #tpu.memory_space<vmem>>
    %dma_wait3A_529 = arith.constant 0 : i32
    %dma_wait3A_530 = tpu.memref_slice %arg9[%dma_wait3A_523, %dma_wait3A_529] : memref<4x100xi32, #tpu.memory_space<vmem>> -> memref<1x100xi32, #tpu.memory_space<vmem>>
    %dma_wait3A_531 = tpu.memref_squeeze %dma_wait3A_530 : memref<1x100xi32, #tpu.memory_space<vmem>> -> memref<100xi32, #tpu.memory_space<vmem>>
    %dma_wait3A_532 = arith.constant 0 : i32
    %dma_wait3A_533 = arith.constant 0 : i32
    %dma_wait3A_534 = tpu.memref_slice %arg3[%dma_wait3A_532, %dma_wait3A_533] : memref<1000000x64xf32, #tpu.memory_space<hbm>> -> memref<1000000x64xf32, #tpu.memory_space<hbm>>
    tpu.wait_indirect_dma semaphore(%arg22 : memref<!tpu.dma_semaphore, #tpu.memory_space<semaphore_mem>>) src(%dma_wait3A_534 : memref<1000000x64xf32, #tpu.memory_space<hbm>>) dst(%dma_wait3A_528 : memref<100x64xf32, #tpu.memory_space<vmem>>)
    %dma_wait3A_535 = arith.constant 3 : i32
    %dma_wait3A_536 = arith.constant 1 : i32
    %dma_wait3A_537 = arith.constant 100 : i32
    %dma_wait3A_538 = arith.constant 0 : i32
    %dma_wait3A_539 = tpu.memref_slice %arg13[%dma_wait3A_536, %dma_wait3A_537, %dma_wait3A_538] : memref<2x200x64xf32, #tpu.memory_space<vmem>> -> memref<1x100x64xf32, #tpu.memory_space<vmem>>
    %dma_wait3A_540 = tpu.memref_squeeze %dma_wait3A_539 : memref<1x100x64xf32, #tpu.memory_space<vmem>> -> memref<100x64xf32, #tpu.memory_space<vmem>>
    %dma_wait3A_541 = arith.constant 0 : i32
    %dma_wait3A_542 = tpu.memref_slice %arg9[%dma_wait3A_535, %dma_wait3A_541] : memref<4x100xi32, #tpu.memory_space<vmem>> -> memref<1x100xi32, #tpu.memory_space<vmem>>
    %dma_wait3A_543 = tpu.memref_squeeze %dma_wait3A_542 : memref<1x100xi32, #tpu.memory_space<vmem>> -> memref<100xi32, #tpu.memory_space<vmem>>
    %dma_wait3A_544 = arith.constant 0 : i32
    %dma_wait3A_545 = arith.constant 0 : i32
    %dma_wait3A_546 = tpu.memref_slice %arg3[%dma_wait3A_544, %dma_wait3A_545] : memref<1000000x64xf32, #tpu.memory_space<hbm>> -> memref<1000000x64xf32, #tpu.memory_space<hbm>>
    tpu.wait_indirect_dma semaphore(%arg22 : memref<!tpu.dma_semaphore, #tpu.memory_space<semaphore_mem>>) src(%dma_wait3A_546 : memref<1000000x64xf32, #tpu.memory_space<hbm>>) dst(%dma_wait3A_540 : memref<100x64xf32, #tpu.memory_space<vmem>>)
    %add3A_547 = arith.constant 28 : i32
    %add3A_548 = arith.addi %mul3A_4, %add3A_547 : i32
    %dma_start3A_549 = arith.constant 0 : i32
    %dma_start3A_550 = tpu.memref_slice %arg2[%add3A_548, %dma_start3A_549] : memref<8192x100xi32, #tpu.memory_space<hbm>> -> memref<4x100xi32, #tpu.memory_space<hbm>>
    %dma_start3A_551 = arith.constant 0 : i32
    %dma_start3A_552 = tpu.memref_slice %arg2[%add3A_548, %dma_start3A_551] : memref<8192x100xi32, #tpu.memory_space<hbm>> -> memref<4x100xi32, #tpu.memory_space<hbm>>
    tpu.enqueue_dma source(%dma_start3A_552 : memref<4x100xi32, #tpu.memory_space<hbm>>) target(%arg9 : memref<4x100xi32, #tpu.memory_space<vmem>>) target_semaphore(%arg18 : memref<!tpu.dma_semaphore, #tpu.memory_space<semaphore_mem>>)
    %parallel_loop3A_553 = arith.constant 0 : i32
    %parallel_loop3A_554 = arith.constant 200 : i32
    %parallel_loop3A_555 = arith.constant 1 : i32
    scf.for %parallel_loop3A_1023 = %parallel_loop3A_553 to %parallel_loop3A_554 step %parallel_loop3A_555  : i32 {
      %parallel_loop3A_1024 = arith.index_cast %parallel_loop3A_1023 : i32 to index
      %parallel_loop3A_1025 = arith.constant 0 : index
      %parallel_loop3A_1026 = tpu.vector_load %arg14[%parallel_loop3A_1024, %parallel_loop3A_1025] {strides = array<i32>} : memref<200x64xf32, #tpu.memory_space<vmem>>, vector<1x16xf32>,
      %parallel_loop3A_1027 = vector.shape_cast %parallel_loop3A_1026 : vector<1x16xf32> to vector<16xf32>
      %parallel_loop3A_1028 = arith.constant 0 : i32
      %parallel_loop3A_1029 = arith.index_cast %parallel_loop3A_1028 : i32 to index
      %parallel_loop3A_1030 = arith.index_cast %parallel_loop3A_1023 : i32 to index
      %parallel_loop3A_1031 = arith.constant 0 : index
      %parallel_loop3A_1032 = tpu.vector_load %arg13[%parallel_loop3A_1029, %parallel_loop3A_1030, %parallel_loop3A_1031] {strides = array<i32>} : memref<2x200x64xf32, #tpu.memory_space<vmem>>, vector<1x1x16xf32>,
      %parallel_loop3A_1033 = vector.shape_cast %parallel_loop3A_1032 : vector<1x1x16xf32> to vector<16xf32>
      %parallel_loop3A_1034 = vector.shape_cast %parallel_loop3A_1027 : vector<16xf32> to vector<1x1x16xf32>
      tpu.vector_store %arg13[%parallel_loop3A_1029, %parallel_loop3A_1030, %parallel_loop3A_1031], %parallel_loop3A_1034 {add = true, strides = array<i32>} : memref<2x200x64xf32, #tpu.memory_space<vmem>>, vector<1x1x16xf32>,
      %parallel_loop3A_1035 = arith.constant 1 : i32
      %parallel_loop3A_1036 = arith.index_cast %parallel_loop3A_1035 : i32 to index
      %parallel_loop3A_1037 = arith.index_cast %parallel_loop3A_1023 : i32 to index
      %parallel_loop3A_1038 = arith.constant 0 : index
      %parallel_loop3A_1039 = tpu.vector_load %arg13[%parallel_loop3A_1036, %parallel_loop3A_1037, %parallel_loop3A_1038] {strides = array<i32>} : memref<2x200x64xf32, #tpu.memory_space<vmem>>, vector<1x1x16xf32>,
      %parallel_loop3A_1040 = vector.shape_cast %parallel_loop3A_1039 : vector<1x1x16xf32> to vector<16xf32>
      %parallel_loop3A_1041 = vector.shape_cast %parallel_loop3A_1027 : vector<16xf32> to vector<1x1x16xf32>
      tpu.vector_store %arg13[%parallel_loop3A_1036, %parallel_loop3A_1037, %parallel_loop3A_1038], %parallel_loop3A_1041 {add = true, strides = array<i32>} : memref<2x200x64xf32, #tpu.memory_space<vmem>>, vector<1x1x16xf32>,
      %parallel_loop3A_1042 = arith.index_cast %parallel_loop3A_1023 : i32 to index
      %parallel_loop3A_1043 = arith.constant 16 : index
      %parallel_loop3A_1044 = tpu.vector_load %arg14[%parallel_loop3A_1042, %parallel_loop3A_1043] {strides = array<i32>} : memref<200x64xf32, #tpu.memory_space<vmem>>, vector<1x16xf32>,
      %parallel_loop3A_1045 = vector.shape_cast %parallel_loop3A_1044 : vector<1x16xf32> to vector<16xf32>
      %parallel_loop3A_1046 = arith.constant 0 : i32
      %parallel_loop3A_1047 = arith.index_cast %parallel_loop3A_1046 : i32 to index
      %parallel_loop3A_1048 = arith.index_cast %parallel_loop3A_1023 : i32 to index
      %parallel_loop3A_1049 = arith.constant 16 : index
      %parallel_loop3A_1050 = tpu.vector_load %arg13[%parallel_loop3A_1047, %parallel_loop3A_1048, %parallel_loop3A_1049] {strides = array<i32>} : memref<2x200x64xf32, #tpu.memory_space<vmem>>, vector<1x1x16xf32>,
      %parallel_loop3A_1051 = vector.shape_cast %parallel_loop3A_1050 : vector<1x1x16xf32> to vector<16xf32>
      %parallel_loop3A_1052 = vector.shape_cast %parallel_loop3A_1045 : vector<16xf32> to vector<1x1x16xf32>
      tpu.vector_store %arg13[%parallel_loop3A_1047, %parallel_loop3A_1048, %parallel_loop3A_1049], %parallel_loop3A_1052 {add = true, strides = array<i32>} : memref<2x200x64xf32, #tpu.memory_space<vmem>>, vector<1x1x16xf32>,
      %parallel_loop3A_1053 = arith.constant 1 : i32
      %parallel_loop3A_1054 = arith.index_cast %parallel_loop3A_1053 : i32 to index
      %parallel_loop3A_1055 = arith.index_cast %parallel_loop3A_1023 : i32 to index
      %parallel_loop3A_1056 = arith.constant 16 : index
      %parallel_loop3A_1057 = tpu.vector_load %arg13[%parallel_loop3A_1054, %parallel_loop3A_1055, %parallel_loop3A_1056] {strides = array<i32>} : memref<2x200x64xf32, #tpu.memory_space<vmem>>, vector<1x1x16xf32>,
      %parallel_loop3A_1058 = vector.shape_cast %parallel_loop3A_1057 : vector<1x1x16xf32> to vector<16xf32>
      %parallel_loop3A_1059 = vector.shape_cast %parallel_loop3A_1045 : vector<16xf32> to vector<1x1x16xf32>
      tpu.vector_store %arg13[%parallel_loop3A_1054, %parallel_loop3A_1055, %parallel_loop3A_1056], %parallel_loop3A_1059 {add = true, strides = array<i32>} : memref<2x200x64xf32, #tpu.memory_space<vmem>>, vector<1x1x16xf32>,
      %parallel_loop3A_1060 = arith.index_cast %parallel_loop3A_1023 : i32 to index
      %parallel_loop3A_1061 = arith.constant 32 : index
      %parallel_loop3A_1062 = tpu.vector_load %arg14[%parallel_loop3A_1060, %parallel_loop3A_1061] {strides = array<i32>} : memref<200x64xf32, #tpu.memory_space<vmem>>, vector<1x16xf32>,
      %parallel_loop3A_1063 = vector.shape_cast %parallel_loop3A_1062 : vector<1x16xf32> to vector<16xf32>
      %parallel_loop3A_1064 = arith.constant 0 : i32
      %parallel_loop3A_1065 = arith.index_cast %parallel_loop3A_1064 : i32 to index
      %parallel_loop3A_1066 = arith.index_cast %parallel_loop3A_1023 : i32 to index
      %parallel_loop3A_1067 = arith.constant 32 : index
      %parallel_loop3A_1068 = tpu.vector_load %arg13[%parallel_loop3A_1065, %parallel_loop3A_1066, %parallel_loop3A_1067] {strides = array<i32>} : memref<2x200x64xf32, #tpu.memory_space<vmem>>, vector<1x1x16xf32>,
      %parallel_loop3A_1069 = vector.shape_cast %parallel_loop3A_1068 : vector<1x1x16xf32> to vector<16xf32>
      %parallel_loop3A_1070 = vector.shape_cast %parallel_loop3A_1063 : vector<16xf32> to vector<1x1x16xf32>
      tpu.vector_store %arg13[%parallel_loop3A_1065, %parallel_loop3A_1066, %parallel_loop3A_1067], %parallel_loop3A_1070 {add = true, strides = array<i32>} : memref<2x200x64xf32, #tpu.memory_space<vmem>>, vector<1x1x16xf32>,
      %parallel_loop3A_1071 = arith.constant 1 : i32
      %parallel_loop3A_1072 = arith.index_cast %parallel_loop3A_1071 : i32 to index
      %parallel_loop3A_1073 = arith.index_cast %parallel_loop3A_1023 : i32 to index
      %parallel_loop3A_1074 = arith.constant 32 : index
      %parallel_loop3A_1075 = tpu.vector_load %arg13[%parallel_loop3A_1072, %parallel_loop3A_1073, %parallel_loop3A_1074] {strides = array<i32>} : memref<2x200x64xf32, #tpu.memory_space<vmem>>, vector<1x1x16xf32>,
      %parallel_loop3A_1076 = vector.shape_cast %parallel_loop3A_1075 : vector<1x1x16xf32> to vector<16xf32>
      %parallel_loop3A_1077 = vector.shape_cast %parallel_loop3A_1063 : vector<16xf32> to vector<1x1x16xf32>
      tpu.vector_store %arg13[%parallel_loop3A_1072, %parallel_loop3A_1073, %parallel_loop3A_1074], %parallel_loop3A_1077 {add = true, strides = array<i32>} : memref<2x200x64xf32, #tpu.memory_space<vmem>>, vector<1x1x16xf32>,
      %parallel_loop3A_1078 = arith.index_cast %parallel_loop3A_1023 : i32 to index
      %parallel_loop3A_1079 = arith.constant 48 : index
      %parallel_loop3A_1080 = tpu.vector_load %arg14[%parallel_loop3A_1078, %parallel_loop3A_1079] {strides = array<i32>} : memref<200x64xf32, #tpu.memory_space<vmem>>, vector<1x16xf32>,
      %parallel_loop3A_1081 = vector.shape_cast %parallel_loop3A_1080 : vector<1x16xf32> to vector<16xf32>
      %parallel_loop3A_1082 = arith.constant 0 : i32
      %parallel_loop3A_1083 = arith.index_cast %parallel_loop3A_1082 : i32 to index
      %parallel_loop3A_1084 = arith.index_cast %parallel_loop3A_1023 : i32 to index
      %parallel_loop3A_1085 = arith.constant 48 : index
      %parallel_loop3A_1086 = tpu.vector_load %arg13[%parallel_loop3A_1083, %parallel_loop3A_1084, %parallel_loop3A_1085] {strides = array<i32>} : memref<2x200x64xf32, #tpu.memory_space<vmem>>, vector<1x1x16xf32>,
      %parallel_loop3A_1087 = vector.shape_cast %parallel_loop3A_1086 : vector<1x1x16xf32> to vector<16xf32>
      %parallel_loop3A_1088 = vector.shape_cast %parallel_loop3A_1081 : vector<16xf32> to vector<1x1x16xf32>
      tpu.vector_store %arg13[%parallel_loop3A_1083, %parallel_loop3A_1084, %parallel_loop3A_1085], %parallel_loop3A_1088 {add = true, strides = array<i32>} : memref<2x200x64xf32, #tpu.memory_space<vmem>>, vector<1x1x16xf32>,
      %parallel_loop3A_1089 = arith.constant 1 : i32
      %parallel_loop3A_1090 = arith.index_cast %parallel_loop3A_1089 : i32 to index
      %parallel_loop3A_1091 = arith.index_cast %parallel_loop3A_1023 : i32 to index
      %parallel_loop3A_1092 = arith.constant 48 : index
      %parallel_loop3A_1093 = tpu.vector_load %arg13[%parallel_loop3A_1090, %parallel_loop3A_1091, %parallel_loop3A_1092] {strides = array<i32>} : memref<2x200x64xf32, #tpu.memory_space<vmem>>, vector<1x1x16xf32>,
      %parallel_loop3A_1094 = vector.shape_cast %parallel_loop3A_1093 : vector<1x1x16xf32> to vector<16xf32>
      %parallel_loop3A_1095 = vector.shape_cast %parallel_loop3A_1081 : vector<16xf32> to vector<1x1x16xf32>
      tpu.vector_store %arg13[%parallel_loop3A_1090, %parallel_loop3A_1091, %parallel_loop3A_1092], %parallel_loop3A_1095 {add = true, strides = array<i32>} : memref<2x200x64xf32, #tpu.memory_space<vmem>>, vector<1x1x16xf32>,
    } {sc.loop_unroll_factor = 4 : i64, sc.parallel_access}
    %add3A_556 = arith.constant 6 : i32
    %add3A_557 = arith.addi %mul3A_2, %add3A_556 : i32
    %dma_start3A_558 = arith.constant 0 : i32
    %dma_start3A_559 = arith.constant 0 : i32
    %dma_start3A_560 = tpu.memref_slice %arg5[%add3A_557, %dma_start3A_558, %dma_start3A_559] : memref<4096x200x64xf32, #tpu.memory_space<hbm>> -> memref<2x200x64xf32, #tpu.memory_space<hbm>>
    %dma_start3A_561 = arith.constant 0 : i32
    %dma_start3A_562 = arith.constant 0 : i32
    %dma_start3A_563 = tpu.memref_slice %arg5[%add3A_557, %dma_start3A_561, %dma_start3A_562] : memref<4096x200x64xf32, #tpu.memory_space<hbm>> -> memref<2x200x64xf32, #tpu.memory_space<hbm>>
    tpu.enqueue_dma source(%arg13 : memref<2x200x64xf32, #tpu.memory_space<vmem>>) target(%dma_start3A_563 : memref<2x200x64xf32, #tpu.memory_space<hbm>>) target_semaphore(%arg26 : memref<!tpu.dma_semaphore, #tpu.memory_space<semaphore_mem>>)
    %add3A_564 = arith.constant 2 : i32
    %add3A_565 = arith.addi %mul3A_2, %add3A_564 : i32
    %dma_wait3A_566 = arith.constant 0 : i32
    %dma_wait3A_567 = arith.constant 0 : i32
    %dma_wait3A_568 = tpu.memref_slice %arg5[%add3A_565, %dma_wait3A_566, %dma_wait3A_567] : memref<4096x200x64xf32, #tpu.memory_space<hbm>> -> memref<2x200x64xf32, #tpu.memory_space<hbm>>
    %dma_wait3A_569 = arith.constant 0 : i32
    %dma_wait3A_570 = arith.constant 0 : i32
    %dma_wait3A_571 = tpu.memref_slice %arg5[%add3A_565, %dma_wait3A_569, %dma_wait3A_570] : memref<4096x200x64xf32, #tpu.memory_space<hbm>> -> memref<2x200x64xf32, #tpu.memory_space<hbm>>
    tpu.wait_dma2 semaphore(%arg24 : memref<!tpu.dma_semaphore, #tpu.memory_space<semaphore_mem>>) src(%arg11 : memref<2x200x64xf32, #tpu.memory_space<vmem>>) dst(%dma_wait3A_571 : memref<2x200x64xf32, #tpu.memory_space<hbm>>)
    %add3A_572 = arith.constant 20 : i32
    %add3A_573 = arith.addi %mul3A_4, %add3A_572 : i32
    %dma_wait3A_574 = arith.constant 0 : i32
    %dma_wait3A_575 = tpu.memref_slice %arg2[%add3A_573, %dma_wait3A_574] : memref<8192x100xi32, #tpu.memory_space<hbm>> -> memref<4x100xi32, #tpu.memory_space<hbm>>
    %dma_wait3A_576 = arith.constant 0 : i32
    %dma_wait3A_577 = tpu.memref_slice %arg2[%add3A_573, %dma_wait3A_576] : memref<8192x100xi32, #tpu.memory_space<hbm>> -> memref<4x100xi32, #tpu.memory_space<hbm>>
    tpu.wait_dma2 semaphore(%arg16 : memref<!tpu.dma_semaphore, #tpu.memory_space<semaphore_mem>>) src(%dma_wait3A_577 : memref<4x100xi32, #tpu.memory_space<hbm>>) dst(%arg7 : memref<4x100xi32, #tpu.memory_space<vmem>>)
    %dma_start3A_578 = arith.constant 0 : i32
    %dma_start3A_579 = arith.constant 0 : i32
    %dma_start3A_580 = arith.constant 0 : i32
    %dma_start3A_581 = arith.constant 0 : i32
    %dma_start3A_582 = tpu.memref_slice %arg11[%dma_start3A_579, %dma_start3A_580, %dma_start3A_581] : memref<2x200x64xf32, #tpu.memory_space<vmem>> -> memref<1x100x64xf32, #tpu.memory_space<vmem>>
    %dma_start3A_583 = tpu.memref_squeeze %dma_start3A_582 : memref<1x100x64xf32, #tpu.memory_space<vmem>> -> memref<100x64xf32, #tpu.memory_space<vmem>>
    %dma_start3A_584 = arith.constant 0 : i32
    %dma_start3A_585 = tpu.memref_slice %arg7[%dma_start3A_578, %dma_start3A_584] : memref<4x100xi32, #tpu.memory_space<vmem>> -> memref<1x100xi32, #tpu.memory_space<vmem>>
    %dma_start3A_586 = tpu.memref_squeeze %dma_start3A_585 : memref<1x100xi32, #tpu.memory_space<vmem>> -> memref<100xi32, #tpu.memory_space<vmem>>
    %dma_start3A_587 = arith.constant 0 : i32
    %dma_start3A_588 = arith.constant 0 : i32
    %dma_start3A_589 = tpu.memref_slice %arg3[%dma_start3A_587, %dma_start3A_588] : memref<1000000x64xf32, #tpu.memory_space<hbm>> -> memref<1000000x64xf32, #tpu.memory_space<hbm>>
    tpu.enqueue_indirect_dma source(%dma_start3A_589 : memref<1000000x64xf32, #tpu.memory_space<hbm>>) target(%dma_start3A_583 : memref<100x64xf32, #tpu.memory_space<vmem>>) offsets(%dma_start3A_586 : memref<100xi32, #tpu.memory_space<vmem>>) semaphore(%arg20 : memref<!tpu.dma_semaphore, #tpu.memory_space<semaphore_mem>>)
    %dma_start3A_590 = arith.constant 1 : i32
    %dma_start3A_591 = arith.constant 0 : i32
    %dma_start3A_592 = arith.constant 100 : i32
    %dma_start3A_593 = arith.constant 0 : i32
    %dma_start3A_594 = tpu.memref_slice %arg11[%dma_start3A_591, %dma_start3A_592, %dma_start3A_593] : memref<2x200x64xf32, #tpu.memory_space<vmem>> -> memref<1x100x64xf32, #tpu.memory_space<vmem>>
    %dma_start3A_595 = tpu.memref_squeeze %dma_start3A_594 : memref<1x100x64xf32, #tpu.memory_space<vmem>> -> memref<100x64xf32, #tpu.memory_space<vmem>>
    %dma_start3A_596 = arith.constant 0 : i32
    %dma_start3A_597 = tpu.memref_slice %arg7[%dma_start3A_590, %dma_start3A_596] : memref<4x100xi32, #tpu.memory_space<vmem>> -> memref<1x100xi32, #tpu.memory_space<vmem>>
    %dma_start3A_598 = tpu.memref_squeeze %dma_start3A_597 : memref<1x100xi32, #tpu.memory_space<vmem>> -> memref<100xi32, #tpu.memory_space<vmem>>
    %dma_start3A_599 = arith.constant 0 : i32
    %dma_start3A_600 = arith.constant 0 : i32
    %dma_start3A_601 = tpu.memref_slice %arg3[%dma_start3A_599, %dma_start3A_600] : memref<1000000x64xf32, #tpu.memory_space<hbm>> -> memref<1000000x64xf32, #tpu.memory_space<hbm>>
    tpu.enqueue_indirect_dma source(%dma_start3A_601 : memref<1000000x64xf32, #tpu.memory_space<hbm>>) target(%dma_start3A_595 : memref<100x64xf32, #tpu.memory_space<vmem>>) offsets(%dma_start3A_598 : memref<100xi32, #tpu.memory_space<vmem>>) semaphore(%arg20 : memref<!tpu.dma_semaphore, #tpu.memory_space<semaphore_mem>>)
    %dma_start3A_602 = arith.constant 2 : i32
    %dma_start3A_603 = arith.constant 1 : i32
    %dma_start3A_604 = arith.constant 0 : i32
    %dma_start3A_605 = arith.constant 0 : i32
    %dma_start3A_606 = tpu.memref_slice %arg11[%dma_start3A_603, %dma_start3A_604, %dma_start3A_605] : memref<2x200x64xf32, #tpu.memory_space<vmem>> -> memref<1x100x64xf32, #tpu.memory_space<vmem>>
    %dma_start3A_607 = tpu.memref_squeeze %dma_start3A_606 : memref<1x100x64xf32, #tpu.memory_space<vmem>> -> memref<100x64xf32, #tpu.memory_space<vmem>>
    %dma_start3A_608 = arith.constant 0 : i32
    %dma_start3A_609 = tpu.memref_slice %arg7[%dma_start3A_602, %dma_start3A_608] : memref<4x100xi32, #tpu.memory_space<vmem>> -> memref<1x100xi32, #tpu.memory_space<vmem>>
    %dma_start3A_610 = tpu.memref_squeeze %dma_start3A_609 : memref<1x100xi32, #tpu.memory_space<vmem>> -> memref<100xi32, #tpu.memory_space<vmem>>
    %dma_start3A_611 = arith.constant 0 : i32
    %dma_start3A_612 = arith.constant 0 : i32
    %dma_start3A_613 = tpu.memref_slice %arg3[%dma_start3A_611, %dma_start3A_612] : memref<1000000x64xf32, #tpu.memory_space<hbm>> -> memref<1000000x64xf32, #tpu.memory_space<hbm>>
    tpu.enqueue_indirect_dma source(%dma_start3A_613 : memref<1000000x64xf32, #tpu.memory_space<hbm>>) target(%dma_start3A_607 : memref<100x64xf32, #tpu.memory_space<vmem>>) offsets(%dma_start3A_610 : memref<100xi32, #tpu.memory_space<vmem>>) semaphore(%arg20 : memref<!tpu.dma_semaphore, #tpu.memory_space<semaphore_mem>>)
    %dma_start3A_614 = arith.constant 3 : i32
    %dma_start3A_615 = arith.constant 1 : i32
    %dma_start3A_616 = arith.constant 100 : i32
    %dma_start3A_617 = arith.constant 0 : i32
    %dma_start3A_618 = tpu.memref_slice %arg11[%dma_start3A_615, %dma_start3A_616, %dma_start3A_617] : memref<2x200x64xf32, #tpu.memory_space<vmem>> -> memref<1x100x64xf32, #tpu.memory_space<vmem>>
    %dma_start3A_619 = tpu.memref_squeeze %dma_start3A_618 : memref<1x100x64xf32, #tpu.memory_space<vmem>> -> memref<100x64xf32, #tpu.memory_space<vmem>>
    %dma_start3A_620 = arith.constant 0 : i32
    %dma_start3A_621 = tpu.memref_slice %arg7[%dma_start3A_614, %dma_start3A_620] : memref<4x100xi32, #tpu.memory_space<vmem>> -> memref<1x100xi32, #tpu.memory_space<vmem>>
    %dma_start3A_622 = tpu.memref_squeeze %dma_start3A_621 : memref<1x100xi32, #tpu.memory_space<vmem>> -> memref<100xi32, #tpu.memory_space<vmem>>
    %dma_start3A_623 = arith.constant 0 : i32
    %dma_start3A_624 = arith.constant 0 : i32
    %dma_start3A_625 = tpu.memref_slice %arg3[%dma_start3A_623, %dma_start3A_624] : memref<1000000x64xf32, #tpu.memory_space<hbm>> -> memref<1000000x64xf32, #tpu.memory_space<hbm>>
    tpu.enqueue_indirect_dma source(%dma_start3A_625 : memref<1000000x64xf32, #tpu.memory_space<hbm>>) target(%dma_start3A_619 : memref<100x64xf32, #tpu.memory_space<vmem>>) offsets(%dma_start3A_622 : memref<100xi32, #tpu.memory_space<vmem>>) semaphore(%arg20 : memref<!tpu.dma_semaphore, #tpu.memory_space<semaphore_mem>>)
    %scan3A = arith.constant 0 : i32
    %scan3A_626 = arith.constant 1 : i32
    %scan3A_627 = arith.constant 14 : i32
    %scan3A_628 = arith.addi %scan3A_626, %scan3A_627 : i32
    %scan3A_629 = arith.constant 1 : i32
    scf.for %scan3A_1023 = %scan3A_626 to %scan3A_628 step %scan3A_629  : i32 {
      %mul3A_1024 = arith.constant 4 : i32
      %mul3A_1025 = arith.muli %mul3A_1024, %scan3A_1023 : i32
      %add3A_1026 = arith.constant 0 : i32
      %add3A_1027 = arith.addi %mul3A_1025, %add3A_1026 : i32
      %dma_wait3A_1028 = arith.constant 0 : i32
      %dma_wait3A_1029 = arith.constant 0 : i32
      %dma_wait3A_1030 = arith.constant 0 : i32
      %dma_wait3A_1031 = arith.constant 0 : i32
      %dma_wait3A_1032 = tpu.memref_slice %arg10[%dma_wait3A_1029, %dma_wait3A_1030, %dma_wait3A_1031] : memref<2x200x64xf32, #tpu.memory_space<vmem>> -> memref<1x100x64xf32, #tpu.memory_space<vmem>>
      %dma_wait3A_1033 = tpu.memref_squeeze %dma_wait3A_1032 : memref<1x100x64xf32, #tpu.memory_space<vmem>> -> memref<100x64xf32, #tpu.memory_space<vmem>>
      %dma_wait3A_1034 = arith.constant 0 : i32
      %dma_wait3A_1035 = tpu.memref_slice %arg6[%dma_wait3A_1028, %dma_wait3A_1034] : memref<4x100xi32, #tpu.memory_space<vmem>> -> memref<1x100xi32, #tpu.memory_space<vmem>>
      %dma_wait3A_1036 = tpu.memref_squeeze %dma_wait3A_1035 : memref<1x100xi32, #tpu.memory_space<vmem>> -> memref<100xi32, #tpu.memory_space<vmem>>
      %dma_wait3A_1037 = arith.constant 0 : i32
      %dma_wait3A_1038 = arith.constant 0 : i32
      %dma_wait3A_1039 = tpu.memref_slice %arg3[%dma_wait3A_1037, %dma_wait3A_1038] : memref<1000000x64xf32, #tpu.memory_space<hbm>> -> memref<1000000x64xf32, #tpu.memory_space<hbm>>
      tpu.wait_indirect_dma semaphore(%arg19 : memref<!tpu.dma_semaphore, #tpu.memory_space<semaphore_mem>>) src(%dma_wait3A_1039 : memref<1000000x64xf32, #tpu.memory_space<hbm>>) dst(%dma_wait3A_1033 : memref<100x64xf32, #tpu.memory_space<vmem>>)
      %dma_wait3A_1040 = arith.constant 1 : i32
      %dma_wait3A_1041 = arith.constant 0 : i32
      %dma_wait3A_1042 = arith.constant 100 : i32
      %dma_wait3A_1043 = arith.constant 0 : i32
      %dma_wait3A_1044 = tpu.memref_slice %arg10[%dma_wait3A_1041, %dma_wait3A_1042, %dma_wait3A_1043] : memref<2x200x64xf32, #tpu.memory_space<vmem>> -> memref<1x100x64xf32, #tpu.memory_space<vmem>>
      %dma_wait3A_1045 = tpu.memref_squeeze %dma_wait3A_1044 : memref<1x100x64xf32, #tpu.memory_space<vmem>> -> memref<100x64xf32, #tpu.memory_space<vmem>>
      %dma_wait3A_1046 = arith.constant 0 : i32
      %dma_wait3A_1047 = tpu.memref_slice %arg6[%dma_wait3A_1040, %dma_wait3A_1046] : memref<4x100xi32, #tpu.memory_space<vmem>> -> memref<1x100xi32, #tpu.memory_space<vmem>>
      %dma_wait3A_1048 = tpu.memref_squeeze %dma_wait3A_1047 : memref<1x100xi32, #tpu.memory_space<vmem>> -> memref<100xi32, #tpu.memory_space<vmem>>
      %dma_wait3A_1049 = arith.constant 0 : i32
      %dma_wait3A_1050 = arith.constant 0 : i32
      %dma_wait3A_1051 = tpu.memref_slice %arg3[%dma_wait3A_1049, %dma_wait3A_1050] : memref<1000000x64xf32, #tpu.memory_space<hbm>> -> memref<1000000x64xf32, #tpu.memory_space<hbm>>
      tpu.wait_indirect_dma semaphore(%arg19 : memref<!tpu.dma_semaphore, #tpu.memory_space<semaphore_mem>>) src(%dma_wait3A_1051 : memref<1000000x64xf32, #tpu.memory_space<hbm>>) dst(%dma_wait3A_1045 : memref<100x64xf32, #tpu.memory_space<vmem>>)
      %dma_wait3A_1052 = arith.constant 2 : i32
      %dma_wait3A_1053 = arith.constant 1 : i32
      %dma_wait3A_1054 = arith.constant 0 : i32
      %dma_wait3A_1055 = arith.constant 0 : i32
      %dma_wait3A_1056 = tpu.memref_slice %arg10[%dma_wait3A_1053, %dma_wait3A_1054, %dma_wait3A_1055] : memref<2x200x64xf32, #tpu.memory_space<vmem>> -> memref<1x100x64xf32, #tpu.memory_space<vmem>>
      %dma_wait3A_1057 = tpu.memref_squeeze %dma_wait3A_1056 : memref<1x100x64xf32, #tpu.memory_space<vmem>> -> memref<100x64xf32, #tpu.memory_space<vmem>>
      %dma_wait3A_1058 = arith.constant 0 : i32
      %dma_wait3A_1059 = tpu.memref_slice %arg6[%dma_wait3A_1052, %dma_wait3A_1058] : memref<4x100xi32, #tpu.memory_space<vmem>> -> memref<1x100xi32, #tpu.memory_space<vmem>>
      %dma_wait3A_1060 = tpu.memref_squeeze %dma_wait3A_1059 : memref<1x100xi32, #tpu.memory_space<vmem>> -> memref<100xi32, #tpu.memory_space<vmem>>
      %dma_wait3A_1061 = arith.constant 0 : i32
      %dma_wait3A_1062 = arith.constant 0 : i32
      %dma_wait3A_1063 = tpu.memref_slice %arg3[%dma_wait3A_1061, %dma_wait3A_1062] : memref<1000000x64xf32, #tpu.memory_space<hbm>> -> memref<1000000x64xf32, #tpu.memory_space<hbm>>
      tpu.wait_indirect_dma semaphore(%arg19 : memref<!tpu.dma_semaphore, #tpu.memory_space<semaphore_mem>>) src(%dma_wait3A_1063 : memref<1000000x64xf32, #tpu.memory_space<hbm>>) dst(%dma_wait3A_1057 : memref<100x64xf32, #tpu.memory_space<vmem>>)
      %dma_wait3A_1064 = arith.constant 3 : i32
      %dma_wait3A_1065 = arith.constant 1 : i32
      %dma_wait3A_1066 = arith.constant 100 : i32
      %dma_wait3A_1067 = arith.constant 0 : i32
      %dma_wait3A_1068 = tpu.memref_slice %arg10[%dma_wait3A_1065, %dma_wait3A_1066, %dma_wait3A_1067] : memref<2x200x64xf32, #tpu.memory_space<vmem>> -> memref<1x100x64xf32, #tpu.memory_space<vmem>>
      %dma_wait3A_1069 = tpu.memref_squeeze %dma_wait3A_1068 : memref<1x100x64xf32, #tpu.memory_space<vmem>> -> memref<100x64xf32, #tpu.memory_space<vmem>>
      %dma_wait3A_1070 = arith.constant 0 : i32
      %dma_wait3A_1071 = tpu.memref_slice %arg6[%dma_wait3A_1064, %dma_wait3A_1070] : memref<4x100xi32, #tpu.memory_space<vmem>> -> memref<1x100xi32, #tpu.memory_space<vmem>>
      %dma_wait3A_1072 = tpu.memref_squeeze %dma_wait3A_1071 : memref<1x100xi32, #tpu.memory_space<vmem>> -> memref<100xi32, #tpu.memory_space<vmem>>
      %dma_wait3A_1073 = arith.constant 0 : i32
      %dma_wait3A_1074 = arith.constant 0 : i32
      %dma_wait3A_1075 = tpu.memref_slice %arg3[%dma_wait3A_1073, %dma_wait3A_1074] : memref<1000000x64xf32, #tpu.memory_space<hbm>> -> memref<1000000x64xf32, #tpu.memory_space<hbm>>
      tpu.wait_indirect_dma semaphore(%arg19 : memref<!tpu.dma_semaphore, #tpu.memory_space<semaphore_mem>>) src(%dma_wait3A_1075 : memref<1000000x64xf32, #tpu.memory_space<hbm>>) dst(%dma_wait3A_1069 : memref<100x64xf32, #tpu.memory_space<vmem>>)
      %add3A_1076 = arith.constant 4 : i32
      %add3A_1077 = arith.addi %add3A_1027, %add3A_1076 : i32
      %mul3A_1078 = arith.constant 4 : i32
      %mul3A_1079 = arith.muli %add3A_1077, %mul3A_1078 : i32
      %add3A_1080 = arith.addi %mul3A_4, %mul3A_1079 : i32
      %dma_start3A_1081 = arith.constant 0 : i32
      %dma_start3A_1082 = tpu.memref_slice %arg2[%add3A_1080, %dma_start3A_1081] : memref<8192x100xi32, #tpu.memory_space<hbm>> -> memref<4x100xi32, #tpu.memory_space<hbm>>
      %dma_start3A_1083 = arith.constant 0 : i32
      %dma_start3A_1084 = tpu.memref_slice %arg2[%add3A_1080, %dma_start3A_1083] : memref<8192x100xi32, #tpu.memory_space<hbm>> -> memref<4x100xi32, #tpu.memory_space<hbm>>
      tpu.enqueue_dma source(%dma_start3A_1084 : memref<4x100xi32, #tpu.memory_space<hbm>>) target(%arg6 : memref<4x100xi32, #tpu.memory_space<vmem>>) target_semaphore(%arg15 : memref<!tpu.dma_semaphore, #tpu.memory_space<semaphore_mem>>)
      %parallel_loop3A_1085 = arith.constant 0 : i32
      %parallel_loop3A_1086 = arith.constant 200 : i32
      %parallel_loop3A_1087 = arith.constant 1 : i32
      scf.for %parallel_loop3A_1581 = %parallel_loop3A_1085 to %parallel_loop3A_1086 step %parallel_loop3A_1087  : i32 {
        %parallel_loop3A_1582 = arith.index_cast %parallel_loop3A_1581 : i32 to index
        %parallel_loop3A_1583 = arith.constant 0 : index
        %parallel_loop3A_1584 = tpu.vector_load %arg14[%parallel_loop3A_1582, %parallel_loop3A_1583] {strides = array<i32>} : memref<200x64xf32, #tpu.memory_space<vmem>>, vector<1x16xf32>,
        %parallel_loop3A_1585 = vector.shape_cast %parallel_loop3A_1584 : vector<1x16xf32> to vector<16xf32>
        %parallel_loop3A_1586 = arith.constant 0 : i32
        %parallel_loop3A_1587 = arith.index_cast %parallel_loop3A_1586 : i32 to index
        %parallel_loop3A_1588 = arith.index_cast %parallel_loop3A_1581 : i32 to index
        %parallel_loop3A_1589 = arith.constant 0 : index
        %parallel_loop3A_1590 = tpu.vector_load %arg10[%parallel_loop3A_1587, %parallel_loop3A_1588, %parallel_loop3A_1589] {strides = array<i32>} : memref<2x200x64xf32, #tpu.memory_space<vmem>>, vector<1x1x16xf32>,
        %parallel_loop3A_1591 = vector.shape_cast %parallel_loop3A_1590 : vector<1x1x16xf32> to vector<16xf32>
        %parallel_loop3A_1592 = vector.shape_cast %parallel_loop3A_1585 : vector<16xf32> to vector<1x1x16xf32>
        tpu.vector_store %arg10[%parallel_loop3A_1587, %parallel_loop3A_1588, %parallel_loop3A_1589], %parallel_loop3A_1592 {add = true, strides = array<i32>} : memref<2x200x64xf32, #tpu.memory_space<vmem>>, vector<1x1x16xf32>,
        %parallel_loop3A_1593 = arith.constant 1 : i32
        %parallel_loop3A_1594 = arith.index_cast %parallel_loop3A_1593 : i32 to index
        %parallel_loop3A_1595 = arith.index_cast %parallel_loop3A_1581 : i32 to index
        %parallel_loop3A_1596 = arith.constant 0 : index
        %parallel_loop3A_1597 = tpu.vector_load %arg10[%parallel_loop3A_1594, %parallel_loop3A_1595, %parallel_loop3A_1596] {strides = array<i32>} : memref<2x200x64xf32, #tpu.memory_space<vmem>>, vector<1x1x16xf32>,
        %parallel_loop3A_1598 = vector.shape_cast %parallel_loop3A_1597 : vector<1x1x16xf32> to vector<16xf32>
        %parallel_loop3A_1599 = vector.shape_cast %parallel_loop3A_1585 : vector<16xf32> to vector<1x1x16xf32>
        tpu.vector_store %arg10[%parallel_loop3A_1594, %parallel_loop3A_1595, %parallel_loop3A_1596], %parallel_loop3A_1599 {add = true, strides = array<i32>} : memref<2x200x64xf32, #tpu.memory_space<vmem>>, vector<1x1x16xf32>,
        %parallel_loop3A_1600 = arith.index_cast %parallel_loop3A_1581 : i32 to index
        %parallel_loop3A_1601 = arith.constant 16 : index
        %parallel_loop3A_1602 = tpu.vector_load %arg14[%parallel_loop3A_1600, %parallel_loop3A_1601] {strides = array<i32>} : memref<200x64xf32, #tpu.memory_space<vmem>>, vector<1x16xf32>,
        %parallel_loop3A_1603 = vector.shape_cast %parallel_loop3A_1602 : vector<1x16xf32> to vector<16xf32>
        %parallel_loop3A_1604 = arith.constant 0 : i32
        %parallel_loop3A_1605 = arith.index_cast %parallel_loop3A_1604 : i32 to index
        %parallel_loop3A_1606 = arith.index_cast %parallel_loop3A_1581 : i32 to index
        %parallel_loop3A_1607 = arith.constant 16 : index
        %parallel_loop3A_1608 = tpu.vector_load %arg10[%parallel_loop3A_1605, %parallel_loop3A_1606, %parallel_loop3A_1607] {strides = array<i32>} : memref<2x200x64xf32, #tpu.memory_space<vmem>>, vector<1x1x16xf32>,
        %parallel_loop3A_1609 = vector.shape_cast %parallel_loop3A_1608 : vector<1x1x16xf32> to vector<16xf32>
        %parallel_loop3A_1610 = vector.shape_cast %parallel_loop3A_1603 : vector<16xf32> to vector<1x1x16xf32>
        tpu.vector_store %arg10[%parallel_loop3A_1605, %parallel_loop3A_1606, %parallel_loop3A_1607], %parallel_loop3A_1610 {add = true, strides = array<i32>} : memref<2x200x64xf32, #tpu.memory_space<vmem>>, vector<1x1x16xf32>,
        %parallel_loop3A_1611 = arith.constant 1 : i32
        %parallel_loop3A_1612 = arith.index_cast %parallel_loop3A_1611 : i32 to index
        %parallel_loop3A_1613 = arith.index_cast %parallel_loop3A_1581 : i32 to index
        %parallel_loop3A_1614 = arith.constant 16 : index
        %parallel_loop3A_1615 = tpu.vector_load %arg10[%parallel_loop3A_1612, %parallel_loop3A_1613, %parallel_loop3A_1614] {strides = array<i32>} : memref<2x200x64xf32, #tpu.memory_space<vmem>>, vector<1x1x16xf32>,
        %parallel_loop3A_1616 = vector.shape_cast %parallel_loop3A_1615 : vector<1x1x16xf32> to vector<16xf32>
        %parallel_loop3A_1617 = vector.shape_cast %parallel_loop3A_1603 : vector<16xf32> to vector<1x1x16xf32>
        tpu.vector_store %arg10[%parallel_loop3A_1612, %parallel_loop3A_1613, %parallel_loop3A_1614], %parallel_loop3A_1617 {add = true, strides = array<i32>} : memref<2x200x64xf32, #tpu.memory_space<vmem>>, vector<1x1x16xf32>,
        %parallel_loop3A_1618 = arith.index_cast %parallel_loop3A_1581 : i32 to index
        %parallel_loop3A_1619 = arith.constant 32 : index
        %parallel_loop3A_1620 = tpu.vector_load %arg14[%parallel_loop3A_1618, %parallel_loop3A_1619] {strides = array<i32>} : memref<200x64xf32, #tpu.memory_space<vmem>>, vector<1x16xf32>,
        %parallel_loop3A_1621 = vector.shape_cast %parallel_loop3A_1620 : vector<1x16xf32> to vector<16xf32>
        %parallel_loop3A_1622 = arith.constant 0 : i32
        %parallel_loop3A_1623 = arith.index_cast %parallel_loop3A_1622 : i32 to index
        %parallel_loop3A_1624 = arith.index_cast %parallel_loop3A_1581 : i32 to index
        %parallel_loop3A_1625 = arith.constant 32 : index
        %parallel_loop3A_1626 = tpu.vector_load %arg10[%parallel_loop3A_1623, %parallel_loop3A_1624, %parallel_loop3A_1625] {strides = array<i32>} : memref<2x200x64xf32, #tpu.memory_space<vmem>>, vector<1x1x16xf32>,
        %parallel_loop3A_1627 = vector.shape_cast %parallel_loop3A_1626 : vector<1x1x16xf32> to vector<16xf32>
        %parallel_loop3A_1628 = vector.shape_cast %parallel_loop3A_1621 : vector<16xf32> to vector<1x1x16xf32>
        tpu.vector_store %arg10[%parallel_loop3A_1623, %parallel_loop3A_1624, %parallel_loop3A_1625], %parallel_loop3A_1628 {add = true, strides = array<i32>} : memref<2x200x64xf32, #tpu.memory_space<vmem>>, vector<1x1x16xf32>,
        %parallel_loop3A_1629 = arith.constant 1 : i32
        %parallel_loop3A_1630 = arith.index_cast %parallel_loop3A_1629 : i32 to index
        %parallel_loop3A_1631 = arith.index_cast %parallel_loop3A_1581 : i32 to index
        %parallel_loop3A_1632 = arith.constant 32 : index
        %parallel_loop3A_1633 = tpu.vector_load %arg10[%parallel_loop3A_1630, %parallel_loop3A_1631, %parallel_loop3A_1632] {strides = array<i32>} : memref<2x200x64xf32, #tpu.memory_space<vmem>>, vector<1x1x16xf32>,
        %parallel_loop3A_1634 = vector.shape_cast %parallel_loop3A_1633 : vector<1x1x16xf32> to vector<16xf32>
        %parallel_loop3A_1635 = vector.shape_cast %parallel_loop3A_1621 : vector<16xf32> to vector<1x1x16xf32>
        tpu.vector_store %arg10[%parallel_loop3A_1630, %parallel_loop3A_1631, %parallel_loop3A_1632], %parallel_loop3A_1635 {add = true, strides = array<i32>} : memref<2x200x64xf32, #tpu.memory_space<vmem>>, vector<1x1x16xf32>,
        %parallel_loop3A_1636 = arith.index_cast %parallel_loop3A_1581 : i32 to index
        %parallel_loop3A_1637 = arith.constant 48 : index
        %parallel_loop3A_1638 = tpu.vector_load %arg14[%parallel_loop3A_1636, %parallel_loop3A_1637] {strides = array<i32>} : memref<200x64xf32, #tpu.memory_space<vmem>>, vector<1x16xf32>,
        %parallel_loop3A_1639 = vector.shape_cast %parallel_loop3A_1638 : vector<1x16xf32> to vector<16xf32>
        %parallel_loop3A_1640 = arith.constant 0 : i32
        %parallel_loop3A_1641 = arith.index_cast %parallel_loop3A_1640 : i32 to index
        %parallel_loop3A_1642 = arith.index_cast %parallel_loop3A_1581 : i32 to index
        %parallel_loop3A_1643 = arith.constant 48 : index
        %parallel_loop3A_1644 = tpu.vector_load %arg10[%parallel_loop3A_1641, %parallel_loop3A_1642, %parallel_loop3A_1643] {strides = array<i32>} : memref<2x200x64xf32, #tpu.memory_space<vmem>>, vector<1x1x16xf32>,
        %parallel_loop3A_1645 = vector.shape_cast %parallel_loop3A_1644 : vector<1x1x16xf32> to vector<16xf32>
        %parallel_loop3A_1646 = vector.shape_cast %parallel_loop3A_1639 : vector<16xf32> to vector<1x1x16xf32>
        tpu.vector_store %arg10[%parallel_loop3A_1641, %parallel_loop3A_1642, %parallel_loop3A_1643], %parallel_loop3A_1646 {add = true, strides = array<i32>} : memref<2x200x64xf32, #tpu.memory_space<vmem>>, vector<1x1x16xf32>,
        %parallel_loop3A_1647 = arith.constant 1 : i32
        %parallel_loop3A_1648 = arith.index_cast %parallel_loop3A_1647 : i32 to index
        %parallel_loop3A_1649 = arith.index_cast %parallel_loop3A_1581 : i32 to index
        %parallel_loop3A_1650 = arith.constant 48 : index
        %parallel_loop3A_1651 = tpu.vector_load %arg10[%parallel_loop3A_1648, %parallel_loop3A_1649, %parallel_loop3A_1650] {strides = array<i32>} : memref<2x200x64xf32, #tpu.memory_space<vmem>>, vector<1x1x16xf32>,
        %parallel_loop3A_1652 = vector.shape_cast %parallel_loop3A_1651 : vector<1x1x16xf32> to vector<16xf32>
        %parallel_loop3A_1653 = vector.shape_cast %parallel_loop3A_1639 : vector<16xf32> to vector<1x1x16xf32>
        tpu.vector_store %arg10[%parallel_loop3A_1648, %parallel_loop3A_1649, %parallel_loop3A_1650], %parallel_loop3A_1653 {add = true, strides = array<i32>} : memref<2x200x64xf32, #tpu.memory_space<vmem>>, vector<1x1x16xf32>,
      } {sc.loop_unroll_factor = 4 : i64, sc.parallel_access}
      %mul3A_1088 = arith.constant 2 : i32
      %mul3A_1089 = arith.muli %add3A_1027, %mul3A_1088 : i32
      %add3A_1090 = arith.addi %mul3A_2, %mul3A_1089 : i32
      %dma_start3A_1091 = arith.constant 0 : i32
      %dma_start3A_1092 = arith.constant 0 : i32
      %dma_start3A_1093 = tpu.memref_slice %arg5[%add3A_1090, %dma_start3A_1091, %dma_start3A_1092] : memref<4096x200x64xf32, #tpu.memory_space<hbm>> -> memref<2x200x64xf32, #tpu.memory_space<hbm>>
      %dma_start3A_1094 = arith.constant 0 : i32
      %dma_start3A_1095 = arith.constant 0 : i32
      %dma_start3A_1096 = tpu.memref_slice %arg5[%add3A_1090, %dma_start3A_1094, %dma_start3A_1095] : memref<4096x200x64xf32, #tpu.memory_space<hbm>> -> memref<2x200x64xf32, #tpu.memory_space<hbm>>
      tpu.enqueue_dma source(%arg10 : memref<2x200x64xf32, #tpu.memory_space<vmem>>) target(%dma_start3A_1096 : memref<2x200x64xf32, #tpu.memory_space<hbm>>) target_semaphore(%arg23 : memref<!tpu.dma_semaphore, #tpu.memory_space<semaphore_mem>>)
      %sub3A = arith.constant 2 : i32
      %sub3A_1097 = arith.subi %add3A_1027, %sub3A : i32
      %mul3A_1098 = arith.constant 2 : i32
      %mul3A_1099 = arith.muli %sub3A_1097, %mul3A_1098 : i32
      %add3A_1100 = arith.addi %mul3A_2, %mul3A_1099 : i32
      %dma_wait3A_1101 = arith.constant 0 : i32
      %dma_wait3A_1102 = arith.constant 0 : i32
      %dma_wait3A_1103 = tpu.memref_slice %arg5[%add3A_1100, %dma_wait3A_1101, %dma_wait3A_1102] : memref<4096x200x64xf32, #tpu.memory_space<hbm>> -> memref<2x200x64xf32, #tpu.memory_space<hbm>>
      %dma_wait3A_1104 = arith.constant 0 : i32
      %dma_wait3A_1105 = arith.constant 0 : i32
      %dma_wait3A_1106 = tpu.memref_slice %arg5[%add3A_1100, %dma_wait3A_1104, %dma_wait3A_1105] : memref<4096x200x64xf32, #tpu.memory_space<hbm>> -> memref<2x200x64xf32, #tpu.memory_space<hbm>>
      tpu.wait_dma2 semaphore(%arg25 : memref<!tpu.dma_semaphore, #tpu.memory_space<semaphore_mem>>) src(%arg12 : memref<2x200x64xf32, #tpu.memory_space<vmem>>) dst(%dma_wait3A_1106 : memref<2x200x64xf32, #tpu.memory_space<hbm>>)
      %add3A_1107 = arith.constant 2 : i32
      %add3A_1108 = arith.addi %add3A_1027, %add3A_1107 : i32
      %mul3A_1109 = arith.constant 4 : i32
      %mul3A_1110 = arith.muli %add3A_1108, %mul3A_1109 : i32
      %add3A_1111 = arith.addi %mul3A_4, %mul3A_1110 : i32
      %dma_wait3A_1112 = arith.constant 0 : i32
      %dma_wait3A_1113 = tpu.memref_slice %arg2[%add3A_1111, %dma_wait3A_1112] : memref<8192x100xi32, #tpu.memory_space<hbm>> -> memref<4x100xi32, #tpu.memory_space<hbm>>
      %dma_wait3A_1114 = arith.constant 0 : i32
      %dma_wait3A_1115 = tpu.memref_slice %arg2[%add3A_1111, %dma_wait3A_1114] : memref<8192x100xi32, #tpu.memory_space<hbm>> -> memref<4x100xi32, #tpu.memory_space<hbm>>
      tpu.wait_dma2 semaphore(%arg17 : memref<!tpu.dma_semaphore, #tpu.memory_space<semaphore_mem>>) src(%dma_wait3A_1115 : memref<4x100xi32, #tpu.memory_space<hbm>>) dst(%arg8 : memref<4x100xi32, #tpu.memory_space<vmem>>)
      %dma_start3A_1116 = arith.constant 0 : i32
      %dma_start3A_1117 = arith.constant 0 : i32
      %dma_start3A_1118 = arith.constant 0 : i32
      %dma_start3A_1119 = arith.constant 0 : i32
      %dma_start3A_1120 = tpu.memref_slice %arg12[%dma_start3A_1117, %dma_start3A_1118, %dma_start3A_1119] : memref<2x200x64xf32, #tpu.memory_space<vmem>> -> memref<1x100x64xf32, #tpu.memory_space<vmem>>
      %dma_start3A_1121 = tpu.memref_squeeze %dma_start3A_1120 : memref<1x100x64xf32, #tpu.memory_space<vmem>> -> memref<100x64xf32, #tpu.memory_space<vmem>>
      %dma_start3A_1122 = arith.constant 0 : i32
      %dma_start3A_1123 = tpu.memref_slice %arg8[%dma_start3A_1116, %dma_start3A_1122] : memref<4x100xi32, #tpu.memory_space<vmem>> -> memref<1x100xi32, #tpu.memory_space<vmem>>
      %dma_start3A_1124 = tpu.memref_squeeze %dma_start3A_1123 : memref<1x100xi32, #tpu.memory_space<vmem>> -> memref<100xi32, #tpu.memory_space<vmem>>
      %dma_start3A_1125 = arith.constant 0 : i32
      %dma_start3A_1126 = arith.constant 0 : i32
      %dma_start3A_1127 = tpu.memref_slice %arg3[%dma_start3A_1125, %dma_start3A_1126] : memref<1000000x64xf32, #tpu.memory_space<hbm>> -> memref<1000000x64xf32, #tpu.memory_space<hbm>>
      tpu.enqueue_indirect_dma source(%dma_start3A_1127 : memref<1000000x64xf32, #tpu.memory_space<hbm>>) target(%dma_start3A_1121 : memref<100x64xf32, #tpu.memory_space<vmem>>) offsets(%dma_start3A_1124 : memref<100xi32, #tpu.memory_space<vmem>>) semaphore(%arg21 : memref<!tpu.dma_semaphore, #tpu.memory_space<semaphore_mem>>)
      %dma_start3A_1128 = arith.constant 1 : i32
      %dma_start3A_1129 = arith.constant 0 : i32
      %dma_start3A_1130 = arith.constant 100 : i32
      %dma_start3A_1131 = arith.constant 0 : i32
      %dma_start3A_1132 = tpu.memref_slice %arg12[%dma_start3A_1129, %dma_start3A_1130, %dma_start3A_1131] : memref<2x200x64xf32, #tpu.memory_space<vmem>> -> memref<1x100x64xf32, #tpu.memory_space<vmem>>
      %dma_start3A_1133 = tpu.memref_squeeze %dma_start3A_1132 : memref<1x100x64xf32, #tpu.memory_space<vmem>> -> memref<100x64xf32, #tpu.memory_space<vmem>>
      %dma_start3A_1134 = arith.constant 0 : i32
      %dma_start3A_1135 = tpu.memref_slice %arg8[%dma_start3A_1128, %dma_start3A_1134] : memref<4x100xi32, #tpu.memory_space<vmem>> -> memref<1x100xi32, #tpu.memory_space<vmem>>
      %dma_start3A_1136 = tpu.memref_squeeze %dma_start3A_1135 : memref<1x100xi32, #tpu.memory_space<vmem>> -> memref<100xi32, #tpu.memory_space<vmem>>
      %dma_start3A_1137 = arith.constant 0 : i32
      %dma_start3A_1138 = arith.constant 0 : i32
      %dma_start3A_1139 = tpu.memref_slice %arg3[%dma_start3A_1137, %dma_start3A_1138] : memref<1000000x64xf32, #tpu.memory_space<hbm>> -> memref<1000000x64xf32, #tpu.memory_space<hbm>>
      tpu.enqueue_indirect_dma source(%dma_start3A_1139 : memref<1000000x64xf32, #tpu.memory_space<hbm>>) target(%dma_start3A_1133 : memref<100x64xf32, #tpu.memory_space<vmem>>) offsets(%dma_start3A_1136 : memref<100xi32, #tpu.memory_space<vmem>>) semaphore(%arg21 : memref<!tpu.dma_semaphore, #tpu.memory_space<semaphore_mem>>)
      %dma_start3A_1140 = arith.constant 2 : i32
      %dma_start3A_1141 = arith.constant 1 : i32
      %dma_start3A_1142 = arith.constant 0 : i32
      %dma_start3A_1143 = arith.constant 0 : i32
      %dma_start3A_1144 = tpu.memref_slice %arg12[%dma_start3A_1141, %dma_start3A_1142, %dma_start3A_1143] : memref<2x200x64xf32, #tpu.memory_space<vmem>> -> memref<1x100x64xf32, #tpu.memory_space<vmem>>
      %dma_start3A_1145 = tpu.memref_squeeze %dma_start3A_1144 : memref<1x100x64xf32, #tpu.memory_space<vmem>> -> memref<100x64xf32, #tpu.memory_space<vmem>>
      %dma_start3A_1146 = arith.constant 0 : i32
      %dma_start3A_1147 = tpu.memref_slice %arg8[%dma_start3A_1140, %dma_start3A_1146] : memref<4x100xi32, #tpu.memory_space<vmem>> -> memref<1x100xi32, #tpu.memory_space<vmem>>
      %dma_start3A_1148 = tpu.memref_squeeze %dma_start3A_1147 : memref<1x100xi32, #tpu.memory_space<vmem>> -> memref<100xi32, #tpu.memory_space<vmem>>
      %dma_start3A_1149 = arith.constant 0 : i32
      %dma_start3A_1150 = arith.constant 0 : i32
      %dma_start3A_1151 = tpu.memref_slice %arg3[%dma_start3A_1149, %dma_start3A_1150] : memref<1000000x64xf32, #tpu.memory_space<hbm>> -> memref<1000000x64xf32, #tpu.memory_space<hbm>>
      tpu.enqueue_indirect_dma source(%dma_start3A_1151 : memref<1000000x64xf32, #tpu.memory_space<hbm>>) target(%dma_start3A_1145 : memref<100x64xf32, #tpu.memory_space<vmem>>) offsets(%dma_start3A_1148 : memref<100xi32, #tpu.memory_space<vmem>>) semaphore(%arg21 : memref<!tpu.dma_semaphore, #tpu.memory_space<semaphore_mem>>)
      %dma_start3A_1152 = arith.constant 3 : i32
      %dma_start3A_1153 = arith.constant 1 : i32
      %dma_start3A_1154 = arith.constant 100 : i32
      %dma_start3A_1155 = arith.constant 0 : i32
      %dma_start3A_1156 = tpu.memref_slice %arg12[%dma_start3A_1153, %dma_start3A_1154, %dma_start3A_1155] : memref<2x200x64xf32, #tpu.memory_space<vmem>> -> memref<1x100x64xf32, #tpu.memory_space<vmem>>
      %dma_start3A_1157 = tpu.memref_squeeze %dma_start3A_1156 : memref<1x100x64xf32, #tpu.memory_space<vmem>> -> memref<100x64xf32, #tpu.memory_space<vmem>>
      %dma_start3A_1158 = arith.constant 0 : i32
      %dma_start3A_1159 = tpu.memref_slice %arg8[%dma_start3A_1152, %dma_start3A_1158] : memref<4x100xi32, #tpu.memory_space<vmem>> -> memref<1x100xi32, #tpu.memory_space<vmem>>
      %dma_start3A_1160 = tpu.memref_squeeze %dma_start3A_1159 : memref<1x100xi32, #tpu.memory_space<vmem>> -> memref<100xi32, #tpu.memory_space<vmem>>
      %dma_start3A_1161 = arith.constant 0 : i32
      %dma_start3A_1162 = arith.constant 0 : i32
      %dma_start3A_1163 = tpu.memref_slice %arg3[%dma_start3A_1161, %dma_start3A_1162] : memref<1000000x64xf32, #tpu.memory_space<hbm>> -> memref<1000000x64xf32, #tpu.memory_space<hbm>>
      tpu.enqueue_indirect_dma source(%dma_start3A_1163 : memref<1000000x64xf32, #tpu.memory_space<hbm>>) target(%dma_start3A_1157 : memref<100x64xf32, #tpu.memory_space<vmem>>) offsets(%dma_start3A_1160 : memref<100xi32, #tpu.memory_space<vmem>>) semaphore(%arg21 : memref<!tpu.dma_semaphore, #tpu.memory_space<semaphore_mem>>)
      %add3A_1164 = arith.constant 1 : i32
      %add3A_1165 = arith.addi %mul3A_1025, %add3A_1164 : i32
      %dma_wait3A_1166 = arith.constant 0 : i32
      %dma_wait3A_1167 = arith.constant 0 : i32
      %dma_wait3A_1168 = arith.constant 0 : i32
      %dma_wait3A_1169 = arith.constant 0 : i32
      %dma_wait3A_1170 = tpu.memref_slice %arg11[%dma_wait3A_1167, %dma_wait3A_1168, %dma_wait3A_1169] : memref<2x200x64xf32, #tpu.memory_space<vmem>> -> memref<1x100x64xf32, #tpu.memory_space<vmem>>
      %dma_wait3A_1171 = tpu.memref_squeeze %dma_wait3A_1170 : memref<1x100x64xf32, #tpu.memory_space<vmem>> -> memref<100x64xf32, #tpu.memory_space<vmem>>
      %dma_wait3A_1172 = arith.constant 0 : i32
      %dma_wait3A_1173 = tpu.memref_slice %arg7[%dma_wait3A_1166, %dma_wait3A_1172] : memref<4x100xi32, #tpu.memory_space<vmem>> -> memref<1x100xi32, #tpu.memory_space<vmem>>
      %dma_wait3A_1174 = tpu.memref_squeeze %dma_wait3A_1173 : memref<1x100xi32, #tpu.memory_space<vmem>> -> memref<100xi32, #tpu.memory_space<vmem>>
      %dma_wait3A_1175 = arith.constant 0 : i32
      %dma_wait3A_1176 = arith.constant 0 : i32
      %dma_wait3A_1177 = tpu.memref_slice %arg3[%dma_wait3A_1175, %dma_wait3A_1176] : memref<1000000x64xf32, #tpu.memory_space<hbm>> -> memref<1000000x64xf32, #tpu.memory_space<hbm>>
      tpu.wait_indirect_dma semaphore(%arg20 : memref<!tpu.dma_semaphore, #tpu.memory_space<semaphore_mem>>) src(%dma_wait3A_1177 : memref<1000000x64xf32, #tpu.memory_space<hbm>>) dst(%dma_wait3A_1171 : memref<100x64xf32, #tpu.memory_space<vmem>>)
      %dma_wait3A_1178 = arith.constant 1 : i32
      %dma_wait3A_1179 = arith.constant 0 : i32
      %dma_wait3A_1180 = arith.constant 100 : i32
      %dma_wait3A_1181 = arith.constant 0 : i32
      %dma_wait3A_1182 = tpu.memref_slice %arg11[%dma_wait3A_1179, %dma_wait3A_1180, %dma_wait3A_1181] : memref<2x200x64xf32, #tpu.memory_space<vmem>> -> memref<1x100x64xf32, #tpu.memory_space<vmem>>
      %dma_wait3A_1183 = tpu.memref_squeeze %dma_wait3A_1182 : memref<1x100x64xf32, #tpu.memory_space<vmem>> -> memref<100x64xf32, #tpu.memory_space<vmem>>
      %dma_wait3A_1184 = arith.constant 0 : i32
      %dma_wait3A_1185 = tpu.memref_slice %arg7[%dma_wait3A_1178, %dma_wait3A_1184] : memref<4x100xi32, #tpu.memory_space<vmem>> -> memref<1x100xi32, #tpu.memory_space<vmem>>
      %dma_wait3A_1186 = tpu.memref_squeeze %dma_wait3A_1185 : memref<1x100xi32, #tpu.memory_space<vmem>> -> memref<100xi32, #tpu.memory_space<vmem>>
      %dma_wait3A_1187 = arith.constant 0 : i32
      %dma_wait3A_1188 = arith.constant 0 : i32
      %dma_wait3A_1189 = tpu.memref_slice %arg3[%dma_wait3A_1187, %dma_wait3A_1188] : memref<1000000x64xf32, #tpu.memory_space<hbm>> -> memref<1000000x64xf32, #tpu.memory_space<hbm>>
      tpu.wait_indirect_dma semaphore(%arg20 : memref<!tpu.dma_semaphore, #tpu.memory_space<semaphore_mem>>) src(%dma_wait3A_1189 : memref<1000000x64xf32, #tpu.memory_space<hbm>>) dst(%dma_wait3A_1183 : memref<100x64xf32, #tpu.memory_space<vmem>>)
      %dma_wait3A_1190 = arith.constant 2 : i32
      %dma_wait3A_1191 = arith.constant 1 : i32
      %dma_wait3A_1192 = arith.constant 0 : i32
      %dma_wait3A_1193 = arith.constant 0 : i32
      %dma_wait3A_1194 = tpu.memref_slice %arg11[%dma_wait3A_1191, %dma_wait3A_1192, %dma_wait3A_1193] : memref<2x200x64xf32, #tpu.memory_space<vmem>> -> memref<1x100x64xf32, #tpu.memory_space<vmem>>
      %dma_wait3A_1195 = tpu.memref_squeeze %dma_wait3A_1194 : memref<1x100x64xf32, #tpu.memory_space<vmem>> -> memref<100x64xf32, #tpu.memory_space<vmem>>
      %dma_wait3A_1196 = arith.constant 0 : i32
      %dma_wait3A_1197 = tpu.memref_slice %arg7[%dma_wait3A_1190, %dma_wait3A_1196] : memref<4x100xi32, #tpu.memory_space<vmem>> -> memref<1x100xi32, #tpu.memory_space<vmem>>
      %dma_wait3A_1198 = tpu.memref_squeeze %dma_wait3A_1197 : memref<1x100xi32, #tpu.memory_space<vmem>> -> memref<100xi32, #tpu.memory_space<vmem>>
      %dma_wait3A_1199 = arith.constant 0 : i32
      %dma_wait3A_1200 = arith.constant 0 : i32
      %dma_wait3A_1201 = tpu.memref_slice %arg3[%dma_wait3A_1199, %dma_wait3A_1200] : memref<1000000x64xf32, #tpu.memory_space<hbm>> -> memref<1000000x64xf32, #tpu.memory_space<hbm>>
      tpu.wait_indirect_dma semaphore(%arg20 : memref<!tpu.dma_semaphore, #tpu.memory_space<semaphore_mem>>) src(%dma_wait3A_1201 : memref<1000000x64xf32, #tpu.memory_space<hbm>>) dst(%dma_wait3A_1195 : memref<100x64xf32, #tpu.memory_space<vmem>>)
      %dma_wait3A_1202 = arith.constant 3 : i32
      %dma_wait3A_1203 = arith.constant 1 : i32
      %dma_wait3A_1204 = arith.constant 100 : i32
      %dma_wait3A_1205 = arith.constant 0 : i32
      %dma_wait3A_1206 = tpu.memref_slice %arg11[%dma_wait3A_1203, %dma_wait3A_1204, %dma_wait3A_1205] : memref<2x200x64xf32, #tpu.memory_space<vmem>> -> memref<1x100x64xf32, #tpu.memory_space<vmem>>
      %dma_wait3A_1207 = tpu.memref_squeeze %dma_wait3A_1206 : memref<1x100x64xf32, #tpu.memory_space<vmem>> -> memref<100x64xf32, #tpu.memory_space<vmem>>
      %dma_wait3A_1208 = arith.constant 0 : i32
      %dma_wait3A_1209 = tpu.memref_slice %arg7[%dma_wait3A_1202, %dma_wait3A_1208] : memref<4x100xi32, #tpu.memory_space<vmem>> -> memref<1x100xi32, #tpu.memory_space<vmem>>
      %dma_wait3A_1210 = tpu.memref_squeeze %dma_wait3A_1209 : memref<1x100xi32, #tpu.memory_space<vmem>> -> memref<100xi32, #tpu.memory_space<vmem>>
      %dma_wait3A_1211 = arith.constant 0 : i32
      %dma_wait3A_1212 = arith.constant 0 : i32
      %dma_wait3A_1213 = tpu.memref_slice %arg3[%dma_wait3A_1211, %dma_wait3A_1212] : memref<1000000x64xf32, #tpu.memory_space<hbm>> -> memref<1000000x64xf32, #tpu.memory_space<hbm>>
      tpu.wait_indirect_dma semaphore(%arg20 : memref<!tpu.dma_semaphore, #tpu.memory_space<semaphore_mem>>) src(%dma_wait3A_1213 : memref<1000000x64xf32, #tpu.memory_space<hbm>>) dst(%dma_wait3A_1207 : memref<100x64xf32, #tpu.memory_space<vmem>>)
      %add3A_1214 = arith.constant 4 : i32
      %add3A_1215 = arith.addi %add3A_1165, %add3A_1214 : i32
      %mul3A_1216 = arith.constant 4 : i32
      %mul3A_1217 = arith.muli %add3A_1215, %mul3A_1216 : i32
      %add3A_1218 = arith.addi %mul3A_4, %mul3A_1217 : i32
      %dma_start3A_1219 = arith.constant 0 : i32
      %dma_start3A_1220 = tpu.memref_slice %arg2[%add3A_1218, %dma_start3A_1219] : memref<8192x100xi32, #tpu.memory_space<hbm>> -> memref<4x100xi32, #tpu.memory_space<hbm>>
      %dma_start3A_1221 = arith.constant 0 : i32
      %dma_start3A_1222 = tpu.memref_slice %arg2[%add3A_1218, %dma_start3A_1221] : memref<8192x100xi32, #tpu.memory_space<hbm>> -> memref<4x100xi32, #tpu.memory_space<hbm>>
      tpu.enqueue_dma source(%dma_start3A_1222 : memref<4x100xi32, #tpu.memory_space<hbm>>) target(%arg7 : memref<4x100xi32, #tpu.memory_space<vmem>>) target_semaphore(%arg16 : memref<!tpu.dma_semaphore, #tpu.memory_space<semaphore_mem>>)
      %parallel_loop3A_1223 = arith.constant 0 : i32
      %parallel_loop3A_1224 = arith.constant 200 : i32
      %parallel_loop3A_1225 = arith.constant 1 : i32
      scf.for %parallel_loop3A_1581 = %parallel_loop3A_1223 to %parallel_loop3A_1224 step %parallel_loop3A_1225  : i32 {
        %parallel_loop3A_1582 = arith.index_cast %parallel_loop3A_1581 : i32 to index
        %parallel_loop3A_1583 = arith.constant 0 : index
        %parallel_loop3A_1584 = tpu.vector_load %arg14[%parallel_loop3A_1582, %parallel_loop3A_1583] {strides = array<i32>} : memref<200x64xf32, #tpu.memory_space<vmem>>, vector<1x16xf32>,
        %parallel_loop3A_1585 = vector.shape_cast %parallel_loop3A_1584 : vector<1x16xf32> to vector<16xf32>
        %parallel_loop3A_1586 = arith.constant 0 : i32
        %parallel_loop3A_1587 = arith.index_cast %parallel_loop3A_1586 : i32 to index
        %parallel_loop3A_1588 = arith.index_cast %parallel_loop3A_1581 : i32 to index
        %parallel_loop3A_1589 = arith.constant 0 : index
        %parallel_loop3A_1590 = tpu.vector_load %arg11[%parallel_loop3A_1587, %parallel_loop3A_1588, %parallel_loop3A_1589] {strides = array<i32>} : memref<2x200x64xf32, #tpu.memory_space<vmem>>, vector<1x1x16xf32>,
        %parallel_loop3A_1591 = vector.shape_cast %parallel_loop3A_1590 : vector<1x1x16xf32> to vector<16xf32>
        %parallel_loop3A_1592 = vector.shape_cast %parallel_loop3A_1585 : vector<16xf32> to vector<1x1x16xf32>
        tpu.vector_store %arg11[%parallel_loop3A_1587, %parallel_loop3A_1588, %parallel_loop3A_1589], %parallel_loop3A_1592 {add = true, strides = array<i32>} : memref<2x200x64xf32, #tpu.memory_space<vmem>>, vector<1x1x16xf32>,
        %parallel_loop3A_1593 = arith.constant 1 : i32
        %parallel_loop3A_1594 = arith.index_cast %parallel_loop3A_1593 : i32 to index
        %parallel_loop3A_1595 = arith.index_cast %parallel_loop3A_1581 : i32 to index
        %parallel_loop3A_1596 = arith.constant 0 : index
        %parallel_loop3A_1597 = tpu.vector_load %arg11[%parallel_loop3A_1594, %parallel_loop3A_1595, %parallel_loop3A_1596] {strides = array<i32>} : memref<2x200x64xf32, #tpu.memory_space<vmem>>, vector<1x1x16xf32>,
        %parallel_loop3A_1598 = vector.shape_cast %parallel_loop3A_1597 : vector<1x1x16xf32> to vector<16xf32>
        %parallel_loop3A_1599 = vector.shape_cast %parallel_loop3A_1585 : vector<16xf32> to vector<1x1x16xf32>
        tpu.vector_store %arg11[%parallel_loop3A_1594, %parallel_loop3A_1595, %parallel_loop3A_1596], %parallel_loop3A_1599 {add = true, strides = array<i32>} : memref<2x200x64xf32, #tpu.memory_space<vmem>>, vector<1x1x16xf32>,
        %parallel_loop3A_1600 = arith.index_cast %parallel_loop3A_1581 : i32 to index
        %parallel_loop3A_1601 = arith.constant 16 : index
        %parallel_loop3A_1602 = tpu.vector_load %arg14[%parallel_loop3A_1600, %parallel_loop3A_1601] {strides = array<i32>} : memref<200x64xf32, #tpu.memory_space<vmem>>, vector<1x16xf32>,
        %parallel_loop3A_1603 = vector.shape_cast %parallel_loop3A_1602 : vector<1x16xf32> to vector<16xf32>
        %parallel_loop3A_1604 = arith.constant 0 : i32
        %parallel_loop3A_1605 = arith.index_cast %parallel_loop3A_1604 : i32 to index
        %parallel_loop3A_1606 = arith.index_cast %parallel_loop3A_1581 : i32 to index
        %parallel_loop3A_1607 = arith.constant 16 : index
        %parallel_loop3A_1608 = tpu.vector_load %arg11[%parallel_loop3A_1605, %parallel_loop3A_1606, %parallel_loop3A_1607] {strides = array<i32>} : memref<2x200x64xf32, #tpu.memory_space<vmem>>, vector<1x1x16xf32>,
        %parallel_loop3A_1609 = vector.shape_cast %parallel_loop3A_1608 : vector<1x1x16xf32> to vector<16xf32>
        %parallel_loop3A_1610 = vector.shape_cast %parallel_loop3A_1603 : vector<16xf32> to vector<1x1x16xf32>
        tpu.vector_store %arg11[%parallel_loop3A_1605, %parallel_loop3A_1606, %parallel_loop3A_1607], %parallel_loop3A_1610 {add = true, strides = array<i32>} : memref<2x200x64xf32, #tpu.memory_space<vmem>>, vector<1x1x16xf32>,
        %parallel_loop3A_1611 = arith.constant 1 : i32
        %parallel_loop3A_1612 = arith.index_cast %parallel_loop3A_1611 : i32 to index
        %parallel_loop3A_1613 = arith.index_cast %parallel_loop3A_1581 : i32 to index
        %parallel_loop3A_1614 = arith.constant 16 : index
        %parallel_loop3A_1615 = tpu.vector_load %arg11[%parallel_loop3A_1612, %parallel_loop3A_1613, %parallel_loop3A_1614] {strides = array<i32>} : memref<2x200x64xf32, #tpu.memory_space<vmem>>, vector<1x1x16xf32>,
        %parallel_loop3A_1616 = vector.shape_cast %parallel_loop3A_1615 : vector<1x1x16xf32> to vector<16xf32>
        %parallel_loop3A_1617 = vector.shape_cast %parallel_loop3A_1603 : vector<16xf32> to vector<1x1x16xf32>
        tpu.vector_store %arg11[%parallel_loop3A_1612, %parallel_loop3A_1613, %parallel_loop3A_1614], %parallel_loop3A_1617 {add = true, strides = array<i32>} : memref<2x200x64xf32, #tpu.memory_space<vmem>>, vector<1x1x16xf32>,
        %parallel_loop3A_1618 = arith.index_cast %parallel_loop3A_1581 : i32 to index
        %parallel_loop3A_1619 = arith.constant 32 : index
        %parallel_loop3A_1620 = tpu.vector_load %arg14[%parallel_loop3A_1618, %parallel_loop3A_1619] {strides = array<i32>} : memref<200x64xf32, #tpu.memory_space<vmem>>, vector<1x16xf32>,
        %parallel_loop3A_1621 = vector.shape_cast %parallel_loop3A_1620 : vector<1x16xf32> to vector<16xf32>
        %parallel_loop3A_1622 = arith.constant 0 : i32
        %parallel_loop3A_1623 = arith.index_cast %parallel_loop3A_1622 : i32 to index
        %parallel_loop3A_1624 = arith.index_cast %parallel_loop3A_1581 : i32 to index
        %parallel_loop3A_1625 = arith.constant 32 : index
        %parallel_loop3A_1626 = tpu.vector_load %arg11[%parallel_loop3A_1623, %parallel_loop3A_1624, %parallel_loop3A_1625] {strides = array<i32>} : memref<2x200x64xf32, #tpu.memory_space<vmem>>, vector<1x1x16xf32>,
        %parallel_loop3A_1627 = vector.shape_cast %parallel_loop3A_1626 : vector<1x1x16xf32> to vector<16xf32>
        %parallel_loop3A_1628 = vector.shape_cast %parallel_loop3A_1621 : vector<16xf32> to vector<1x1x16xf32>
        tpu.vector_store %arg11[%parallel_loop3A_1623, %parallel_loop3A_1624, %parallel_loop3A_1625], %parallel_loop3A_1628 {add = true, strides = array<i32>} : memref<2x200x64xf32, #tpu.memory_space<vmem>>, vector<1x1x16xf32>,
        %parallel_loop3A_1629 = arith.constant 1 : i32
        %parallel_loop3A_1630 = arith.index_cast %parallel_loop3A_1629 : i32 to index
        %parallel_loop3A_1631 = arith.index_cast %parallel_loop3A_1581 : i32 to index
        %parallel_loop3A_1632 = arith.constant 32 : index
        %parallel_loop3A_1633 = tpu.vector_load %arg11[%parallel_loop3A_1630, %parallel_loop3A_1631, %parallel_loop3A_1632] {strides = array<i32>} : memref<2x200x64xf32, #tpu.memory_space<vmem>>, vector<1x1x16xf32>,
        %parallel_loop3A_1634 = vector.shape_cast %parallel_loop3A_1633 : vector<1x1x16xf32> to vector<16xf32>
        %parallel_loop3A_1635 = vector.shape_cast %parallel_loop3A_1621 : vector<16xf32> to vector<1x1x16xf32>
        tpu.vector_store %arg11[%parallel_loop3A_1630, %parallel_loop3A_1631, %parallel_loop3A_1632], %parallel_loop3A_1635 {add = true, strides = array<i32>} : memref<2x200x64xf32, #tpu.memory_space<vmem>>, vector<1x1x16xf32>,
        %parallel_loop3A_1636 = arith.index_cast %parallel_loop3A_1581 : i32 to index
        %parallel_loop3A_1637 = arith.constant 48 : index
        %parallel_loop3A_1638 = tpu.vector_load %arg14[%parallel_loop3A_1636, %parallel_loop3A_1637] {strides = array<i32>} : memref<200x64xf32, #tpu.memory_space<vmem>>, vector<1x16xf32>,
        %parallel_loop3A_1639 = vector.shape_cast %parallel_loop3A_1638 : vector<1x16xf32> to vector<16xf32>
        %parallel_loop3A_1640 = arith.constant 0 : i32
        %parallel_loop3A_1641 = arith.index_cast %parallel_loop3A_1640 : i32 to index
        %parallel_loop3A_1642 = arith.index_cast %parallel_loop3A_1581 : i32 to index
        %parallel_loop3A_1643 = arith.constant 48 : index
        %parallel_loop3A_1644 = tpu.vector_load %arg11[%parallel_loop3A_1641, %parallel_loop3A_1642, %parallel_loop3A_1643] {strides = array<i32>} : memref<2x200x64xf32, #tpu.memory_space<vmem>>, vector<1x1x16xf32>,
        %parallel_loop3A_1645 = vector.shape_cast %parallel_loop3A_1644 : vector<1x1x16xf32> to vector<16xf32>
        %parallel_loop3A_1646 = vector.shape_cast %parallel_loop3A_1639 : vector<16xf32> to vector<1x1x16xf32>
        tpu.vector_store %arg11[%parallel_loop3A_1641, %parallel_loop3A_1642, %parallel_loop3A_1643], %parallel_loop3A_1646 {add = true, strides = array<i32>} : memref<2x200x64xf32, #tpu.memory_space<vmem>>, vector<1x1x16xf32>,
        %parallel_loop3A_1647 = arith.constant 1 : i32
        %parallel_loop3A_1648 = arith.index_cast %parallel_loop3A_1647 : i32 to index
        %parallel_loop3A_1649 = arith.index_cast %parallel_loop3A_1581 : i32 to index
        %parallel_loop3A_1650 = arith.constant 48 : index
        %parallel_loop3A_1651 = tpu.vector_load %arg11[%parallel_loop3A_1648, %parallel_loop3A_1649, %parallel_loop3A_1650] {strides = array<i32>} : memref<2x200x64xf32, #tpu.memory_space<vmem>>, vector<1x1x16xf32>,
        %parallel_loop3A_1652 = vector.shape_cast %parallel_loop3A_1651 : vector<1x1x16xf32> to vector<16xf32>
        %parallel_loop3A_1653 = vector.shape_cast %parallel_loop3A_1639 : vector<16xf32> to vector<1x1x16xf32>
        tpu.vector_store %arg11[%parallel_loop3A_1648, %parallel_loop3A_1649, %parallel_loop3A_1650], %parallel_loop3A_1653 {add = true, strides = array<i32>} : memref<2x200x64xf32, #tpu.memory_space<vmem>>, vector<1x1x16xf32>,
      } {sc.loop_unroll_factor = 4 : i64, sc.parallel_access}
      %mul3A_1226 = arith.constant 2 : i32
      %mul3A_1227 = arith.muli %add3A_1165, %mul3A_1226 : i32
      %add3A_1228 = arith.addi %mul3A_2, %mul3A_1227 : i32
      %dma_start3A_1229 = arith.constant 0 : i32
      %dma_start3A_1230 = arith.constant 0 : i32
      %dma_start3A_1231 = tpu.memref_slice %arg5[%add3A_1228, %dma_start3A_1229, %dma_start3A_1230] : memref<4096x200x64xf32, #tpu.memory_space<hbm>> -> memref<2x200x64xf32, #tpu.memory_space<hbm>>
      %dma_start3A_1232 = arith.constant 0 : i32
      %dma_start3A_1233 = arith.constant 0 : i32
      %dma_start3A_1234 = tpu.memref_slice %arg5[%add3A_1228, %dma_start3A_1232, %dma_start3A_1233] : memref<4096x200x64xf32, #tpu.memory_space<hbm>> -> memref<2x200x64xf32, #tpu.memory_space<hbm>>
      tpu.enqueue_dma source(%arg11 : memref<2x200x64xf32, #tpu.memory_space<vmem>>) target(%dma_start3A_1234 : memref<2x200x64xf32, #tpu.memory_space<hbm>>) target_semaphore(%arg24 : memref<!tpu.dma_semaphore, #tpu.memory_space<semaphore_mem>>)
      %sub3A_1235 = arith.constant 2 : i32
      %sub3A_1236 = arith.subi %add3A_1165, %sub3A_1235 : i32
      %mul3A_1237 = arith.constant 2 : i32
      %mul3A_1238 = arith.muli %sub3A_1236, %mul3A_1237 : i32
      %add3A_1239 = arith.addi %mul3A_2, %mul3A_1238 : i32
      %dma_wait3A_1240 = arith.constant 0 : i32
      %dma_wait3A_1241 = arith.constant 0 : i32
      %dma_wait3A_1242 = tpu.memref_slice %arg5[%add3A_1239, %dma_wait3A_1240, %dma_wait3A_1241] : memref<4096x200x64xf32, #tpu.memory_space<hbm>> -> memref<2x200x64xf32, #tpu.memory_space<hbm>>
      %dma_wait3A_1243 = arith.constant 0 : i32
      %dma_wait3A_1244 = arith.constant 0 : i32
      %dma_wait3A_1245 = tpu.memref_slice %arg5[%add3A_1239, %dma_wait3A_1243, %dma_wait3A_1244] : memref<4096x200x64xf32, #tpu.memory_space<hbm>> -> memref<2x200x64xf32, #tpu.memory_space<hbm>>
      tpu.wait_dma2 semaphore(%arg26 : memref<!tpu.dma_semaphore, #tpu.memory_space<semaphore_mem>>) src(%arg13 : memref<2x200x64xf32, #tpu.memory_space<vmem>>) dst(%dma_wait3A_1245 : memref<2x200x64xf32, #tpu.memory_space<hbm>>)
      %add3A_1246 = arith.constant 2 : i32
      %add3A_1247 = arith.addi %add3A_1165, %add3A_1246 : i32
      %mul3A_1248 = arith.constant 4 : i32
      %mul3A_1249 = arith.muli %add3A_1247, %mul3A_1248 : i32
      %add3A_1250 = arith.addi %mul3A_4, %mul3A_1249 : i32
      %dma_wait3A_1251 = arith.constant 0 : i32
      %dma_wait3A_1252 = tpu.memref_slice %arg2[%add3A_1250, %dma_wait3A_1251] : memref<8192x100xi32, #tpu.memory_space<hbm>> -> memref<4x100xi32, #tpu.memory_space<hbm>>
      %dma_wait3A_1253 = arith.constant 0 : i32
      %dma_wait3A_1254 = tpu.memref_slice %arg2[%add3A_1250, %dma_wait3A_1253] : memref<8192x100xi32, #tpu.memory_space<hbm>> -> memref<4x100xi32, #tpu.memory_space<hbm>>
      tpu.wait_dma2 semaphore(%arg18 : memref<!tpu.dma_semaphore, #tpu.memory_space<semaphore_mem>>) src(%dma_wait3A_1254 : memref<4x100xi32, #tpu.memory_space<hbm>>) dst(%arg9 : memref<4x100xi32, #tpu.memory_space<vmem>>)
      %dma_start3A_1255 = arith.constant 0 : i32
      %dma_start3A_1256 = arith.constant 0 : i32
      %dma_start3A_1257 = arith.constant 0 : i32
      %dma_start3A_1258 = arith.constant 0 : i32
      %dma_start3A_1259 = tpu.memref_slice %arg13[%dma_start3A_1256, %dma_start3A_1257, %dma_start3A_1258] : memref<2x200x64xf32, #tpu.memory_space<vmem>> -> memref<1x100x64xf32, #tpu.memory_space<vmem>>
      %dma_start3A_1260 = tpu.memref_squeeze %dma_start3A_1259 : memref<1x100x64xf32, #tpu.memory_space<vmem>> -> memref<100x64xf32, #tpu.memory_space<vmem>>
      %dma_start3A_1261 = arith.constant 0 : i32
      %dma_start3A_1262 = tpu.memref_slice %arg9[%dma_start3A_1255, %dma_start3A_1261] : memref<4x100xi32, #tpu.memory_space<vmem>> -> memref<1x100xi32, #tpu.memory_space<vmem>>
      %dma_start3A_1263 = tpu.memref_squeeze %dma_start3A_1262 : memref<1x100xi32, #tpu.memory_space<vmem>> -> memref<100xi32, #tpu.memory_space<vmem>>
      %dma_start3A_1264 = arith.constant 0 : i32
      %dma_start3A_1265 = arith.constant 0 : i32
      %dma_start3A_1266 = tpu.memref_slice %arg3[%dma_start3A_1264, %dma_start3A_1265] : memref<1000000x64xf32, #tpu.memory_space<hbm>> -> memref<1000000x64xf32, #tpu.memory_space<hbm>>
      tpu.enqueue_indirect_dma source(%dma_start3A_1266 : memref<1000000x64xf32, #tpu.memory_space<hbm>>) target(%dma_start3A_1260 : memref<100x64xf32, #tpu.memory_space<vmem>>) offsets(%dma_start3A_1263 : memref<100xi32, #tpu.memory_space<vmem>>) semaphore(%arg22 : memref<!tpu.dma_semaphore, #tpu.memory_space<semaphore_mem>>)
      %dma_start3A_1267 = arith.constant 1 : i32
      %dma_start3A_1268 = arith.constant 0 : i32
      %dma_start3A_1269 = arith.constant 100 : i32
      %dma_start3A_1270 = arith.constant 0 : i32
      %dma_start3A_1271 = tpu.memref_slice %arg13[%dma_start3A_1268, %dma_start3A_1269, %dma_start3A_1270] : memref<2x200x64xf32, #tpu.memory_space<vmem>> -> memref<1x100x64xf32, #tpu.memory_space<vmem>>
      %dma_start3A_1272 = tpu.memref_squeeze %dma_start3A_1271 : memref<1x100x64xf32, #tpu.memory_space<vmem>> -> memref<100x64xf32, #tpu.memory_space<vmem>>
      %dma_start3A_1273 = arith.constant 0 : i32
      %dma_start3A_1274 = tpu.memref_slice %arg9[%dma_start3A_1267, %dma_start3A_1273] : memref<4x100xi32, #tpu.memory_space<vmem>> -> memref<1x100xi32, #tpu.memory_space<vmem>>
      %dma_start3A_1275 = tpu.memref_squeeze %dma_start3A_1274 : memref<1x100xi32, #tpu.memory_space<vmem>> -> memref<100xi32, #tpu.memory_space<vmem>>
      %dma_start3A_1276 = arith.constant 0 : i32
      %dma_start3A_1277 = arith.constant 0 : i32
      %dma_start3A_1278 = tpu.memref_slice %arg3[%dma_start3A_1276, %dma_start3A_1277] : memref<1000000x64xf32, #tpu.memory_space<hbm>> -> memref<1000000x64xf32, #tpu.memory_space<hbm>>
      tpu.enqueue_indirect_dma source(%dma_start3A_1278 : memref<1000000x64xf32, #tpu.memory_space<hbm>>) target(%dma_start3A_1272 : memref<100x64xf32, #tpu.memory_space<vmem>>) offsets(%dma_start3A_1275 : memref<100xi32, #tpu.memory_space<vmem>>) semaphore(%arg22 : memref<!tpu.dma_semaphore, #tpu.memory_space<semaphore_mem>>)
      %dma_start3A_1279 = arith.constant 2 : i32
      %dma_start3A_1280 = arith.constant 1 : i32
      %dma_start3A_1281 = arith.constant 0 : i32
      %dma_start3A_1282 = arith.constant 0 : i32
      %dma_start3A_1283 = tpu.memref_slice %arg13[%dma_start3A_1280, %dma_start3A_1281, %dma_start3A_1282] : memref<2x200x64xf32, #tpu.memory_space<vmem>> -> memref<1x100x64xf32, #tpu.memory_space<vmem>>
      %dma_start3A_1284 = tpu.memref_squeeze %dma_start3A_1283 : memref<1x100x64xf32, #tpu.memory_space<vmem>> -> memref<100x64xf32, #tpu.memory_space<vmem>>
      %dma_start3A_1285 = arith.constant 0 : i32
      %dma_start3A_1286 = tpu.memref_slice %arg9[%dma_start3A_1279, %dma_start3A_1285] : memref<4x100xi32, #tpu.memory_space<vmem>> -> memref<1x100xi32, #tpu.memory_space<vmem>>
      %dma_start3A_1287 = tpu.memref_squeeze %dma_start3A_1286 : memref<1x100xi32, #tpu.memory_space<vmem>> -> memref<100xi32, #tpu.memory_space<vmem>>
      %dma_start3A_1288 = arith.constant 0 : i32
      %dma_start3A_1289 = arith.constant 0 : i32
      %dma_start3A_1290 = tpu.memref_slice %arg3[%dma_start3A_1288, %dma_start3A_1289] : memref<1000000x64xf32, #tpu.memory_space<hbm>> -> memref<1000000x64xf32, #tpu.memory_space<hbm>>
      tpu.enqueue_indirect_dma source(%dma_start3A_1290 : memref<1000000x64xf32, #tpu.memory_space<hbm>>) target(%dma_start3A_1284 : memref<100x64xf32, #tpu.memory_space<vmem>>) offsets(%dma_start3A_1287 : memref<100xi32, #tpu.memory_space<vmem>>) semaphore(%arg22 : memref<!tpu.dma_semaphore, #tpu.memory_space<semaphore_mem>>)
      %dma_start3A_1291 = arith.constant 3 : i32
      %dma_start3A_1292 = arith.constant 1 : i32
      %dma_start3A_1293 = arith.constant 100 : i32
      %dma_start3A_1294 = arith.constant 0 : i32
      %dma_start3A_1295 = tpu.memref_slice %arg13[%dma_start3A_1292, %dma_start3A_1293, %dma_start3A_1294] : memref<2x200x64xf32, #tpu.memory_space<vmem>> -> memref<1x100x64xf32, #tpu.memory_space<vmem>>
      %dma_start3A_1296 = tpu.memref_squeeze %dma_start3A_1295 : memref<1x100x64xf32, #tpu.memory_space<vmem>> -> memref<100x64xf32, #tpu.memory_space<vmem>>
      %dma_start3A_1297 = arith.constant 0 : i32
      %dma_start3A_1298 = tpu.memref_slice %arg9[%dma_start3A_1291, %dma_start3A_1297] : memref<4x100xi32, #tpu.memory_space<vmem>> -> memref<1x100xi32, #tpu.memory_space<vmem>>
      %dma_start3A_1299 = tpu.memref_squeeze %dma_start3A_1298 : memref<1x100xi32, #tpu.memory_space<vmem>> -> memref<100xi32, #tpu.memory_space<vmem>>
      %dma_start3A_1300 = arith.constant 0 : i32
      %dma_start3A_1301 = arith.constant 0 : i32
      %dma_start3A_1302 = tpu.memref_slice %arg3[%dma_start3A_1300, %dma_start3A_1301] : memref<1000000x64xf32, #tpu.memory_space<hbm>> -> memref<1000000x64xf32, #tpu.memory_space<hbm>>
      tpu.enqueue_indirect_dma source(%dma_start3A_1302 : memref<1000000x64xf32, #tpu.memory_space<hbm>>) target(%dma_start3A_1296 : memref<100x64xf32, #tpu.memory_space<vmem>>) offsets(%dma_start3A_1299 : memref<100xi32, #tpu.memory_space<vmem>>) semaphore(%arg22 : memref<!tpu.dma_semaphore, #tpu.memory_space<semaphore_mem>>)
      %add3A_1303 = arith.constant 2 : i32
      %add3A_1304 = arith.addi %mul3A_1025, %add3A_1303 : i32
      %dma_wait3A_1305 = arith.constant 0 : i32
      %dma_wait3A_1306 = arith.constant 0 : i32
      %dma_wait3A_1307 = arith.constant 0 : i32
      %dma_wait3A_1308 = arith.constant 0 : i32
      %dma_wait3A_1309 = tpu.memref_slice %arg12[%dma_wait3A_1306, %dma_wait3A_1307, %dma_wait3A_1308] : memref<2x200x64xf32, #tpu.memory_space<vmem>> -> memref<1x100x64xf32, #tpu.memory_space<vmem>>
      %dma_wait3A_1310 = tpu.memref_squeeze %dma_wait3A_1309 : memref<1x100x64xf32, #tpu.memory_space<vmem>> -> memref<100x64xf32, #tpu.memory_space<vmem>>
      %dma_wait3A_1311 = arith.constant 0 : i32
      %dma_wait3A_1312 = tpu.memref_slice %arg8[%dma_wait3A_1305, %dma_wait3A_1311] : memref<4x100xi32, #tpu.memory_space<vmem>> -> memref<1x100xi32, #tpu.memory_space<vmem>>
      %dma_wait3A_1313 = tpu.memref_squeeze %dma_wait3A_1312 : memref<1x100xi32, #tpu.memory_space<vmem>> -> memref<100xi32, #tpu.memory_space<vmem>>
      %dma_wait3A_1314 = arith.constant 0 : i32
      %dma_wait3A_1315 = arith.constant 0 : i32
      %dma_wait3A_1316 = tpu.memref_slice %arg3[%dma_wait3A_1314, %dma_wait3A_1315] : memref<1000000x64xf32, #tpu.memory_space<hbm>> -> memref<1000000x64xf32, #tpu.memory_space<hbm>>
      tpu.wait_indirect_dma semaphore(%arg21 : memref<!tpu.dma_semaphore, #tpu.memory_space<semaphore_mem>>) src(%dma_wait3A_1316 : memref<1000000x64xf32, #tpu.memory_space<hbm>>) dst(%dma_wait3A_1310 : memref<100x64xf32, #tpu.memory_space<vmem>>)
      %dma_wait3A_1317 = arith.constant 1 : i32
      %dma_wait3A_1318 = arith.constant 0 : i32
      %dma_wait3A_1319 = arith.constant 100 : i32
      %dma_wait3A_1320 = arith.constant 0 : i32
      %dma_wait3A_1321 = tpu.memref_slice %arg12[%dma_wait3A_1318, %dma_wait3A_1319, %dma_wait3A_1320] : memref<2x200x64xf32, #tpu.memory_space<vmem>> -> memref<1x100x64xf32, #tpu.memory_space<vmem>>
      %dma_wait3A_1322 = tpu.memref_squeeze %dma_wait3A_1321 : memref<1x100x64xf32, #tpu.memory_space<vmem>> -> memref<100x64xf32, #tpu.memory_space<vmem>>
      %dma_wait3A_1323 = arith.constant 0 : i32
      %dma_wait3A_1324 = tpu.memref_slice %arg8[%dma_wait3A_1317, %dma_wait3A_1323] : memref<4x100xi32, #tpu.memory_space<vmem>> -> memref<1x100xi32, #tpu.memory_space<vmem>>
      %dma_wait3A_1325 = tpu.memref_squeeze %dma_wait3A_1324 : memref<1x100xi32, #tpu.memory_space<vmem>> -> memref<100xi32, #tpu.memory_space<vmem>>
      %dma_wait3A_1326 = arith.constant 0 : i32
      %dma_wait3A_1327 = arith.constant 0 : i32
      %dma_wait3A_1328 = tpu.memref_slice %arg3[%dma_wait3A_1326, %dma_wait3A_1327] : memref<1000000x64xf32, #tpu.memory_space<hbm>> -> memref<1000000x64xf32, #tpu.memory_space<hbm>>
      tpu.wait_indirect_dma semaphore(%arg21 : memref<!tpu.dma_semaphore, #tpu.memory_space<semaphore_mem>>) src(%dma_wait3A_1328 : memref<1000000x64xf32, #tpu.memory_space<hbm>>) dst(%dma_wait3A_1322 : memref<100x64xf32, #tpu.memory_space<vmem>>)
      %dma_wait3A_1329 = arith.constant 2 : i32
      %dma_wait3A_1330 = arith.constant 1 : i32
      %dma_wait3A_1331 = arith.constant 0 : i32
      %dma_wait3A_1332 = arith.constant 0 : i32
      %dma_wait3A_1333 = tpu.memref_slice %arg12[%dma_wait3A_1330, %dma_wait3A_1331, %dma_wait3A_1332] : memref<2x200x64xf32, #tpu.memory_space<vmem>> -> memref<1x100x64xf32, #tpu.memory_space<vmem>>
      %dma_wait3A_1334 = tpu.memref_squeeze %dma_wait3A_1333 : memref<1x100x64xf32, #tpu.memory_space<vmem>> -> memref<100x64xf32, #tpu.memory_space<vmem>>
      %dma_wait3A_1335 = arith.constant 0 : i32
      %dma_wait3A_1336 = tpu.memref_slice %arg8[%dma_wait3A_1329, %dma_wait3A_1335] : memref<4x100xi32, #tpu.memory_space<vmem>> -> memref<1x100xi32, #tpu.memory_space<vmem>>
      %dma_wait3A_1337 = tpu.memref_squeeze %dma_wait3A_1336 : memref<1x100xi32, #tpu.memory_space<vmem>> -> memref<100xi32, #tpu.memory_space<vmem>>
      %dma_wait3A_1338 = arith.constant 0 : i32
      %dma_wait3A_1339 = arith.constant 0 : i32
      %dma_wait3A_1340 = tpu.memref_slice %arg3[%dma_wait3A_1338, %dma_wait3A_1339] : memref<1000000x64xf32, #tpu.memory_space<hbm>> -> memref<1000000x64xf32, #tpu.memory_space<hbm>>
      tpu.wait_indirect_dma semaphore(%arg21 : memref<!tpu.dma_semaphore, #tpu.memory_space<semaphore_mem>>) src(%dma_wait3A_1340 : memref<1000000x64xf32, #tpu.memory_space<hbm>>) dst(%dma_wait3A_1334 : memref<100x64xf32, #tpu.memory_space<vmem>>)
      %dma_wait3A_1341 = arith.constant 3 : i32
      %dma_wait3A_1342 = arith.constant 1 : i32
      %dma_wait3A_1343 = arith.constant 100 : i32
      %dma_wait3A_1344 = arith.constant 0 : i32
      %dma_wait3A_1345 = tpu.memref_slice %arg12[%dma_wait3A_1342, %dma_wait3A_1343, %dma_wait3A_1344] : memref<2x200x64xf32, #tpu.memory_space<vmem>> -> memref<1x100x64xf32, #tpu.memory_space<vmem>>
      %dma_wait3A_1346 = tpu.memref_squeeze %dma_wait3A_1345 : memref<1x100x64xf32, #tpu.memory_space<vmem>> -> memref<100x64xf32, #tpu.memory_space<vmem>>
      %dma_wait3A_1347 = arith.constant 0 : i32
      %dma_wait3A_1348 = tpu.memref_slice %arg8[%dma_wait3A_1341, %dma_wait3A_1347] : memref<4x100xi32, #tpu.memory_space<vmem>> -> memref<1x100xi32, #tpu.memory_space<vmem>>
      %dma_wait3A_1349 = tpu.memref_squeeze %dma_wait3A_1348 : memref<1x100xi32, #tpu.memory_space<vmem>> -> memref<100xi32, #tpu.memory_space<vmem>>
      %dma_wait3A_1350 = arith.constant 0 : i32
      %dma_wait3A_1351 = arith.constant 0 : i32
      %dma_wait3A_1352 = tpu.memref_slice %arg3[%dma_wait3A_1350, %dma_wait3A_1351] : memref<1000000x64xf32, #tpu.memory_space<hbm>> -> memref<1000000x64xf32, #tpu.memory_space<hbm>>
      tpu.wait_indirect_dma semaphore(%arg21 : memref<!tpu.dma_semaphore, #tpu.memory_space<semaphore_mem>>) src(%dma_wait3A_1352 : memref<1000000x64xf32, #tpu.memory_space<hbm>>) dst(%dma_wait3A_1346 : memref<100x64xf32, #tpu.memory_space<vmem>>)
      %add3A_1353 = arith.constant 4 : i32
      %add3A_1354 = arith.addi %add3A_1304, %add3A_1353 : i32
      %mul3A_1355 = arith.constant 4 : i32
      %mul3A_1356 = arith.muli %add3A_1354, %mul3A_1355 : i32
      %add3A_1357 = arith.addi %mul3A_4, %mul3A_1356 : i32
      %dma_start3A_1358 = arith.constant 0 : i32
      %dma_start3A_1359 = tpu.memref_slice %arg2[%add3A_1357, %dma_start3A_1358] : memref<8192x100xi32, #tpu.memory_space<hbm>> -> memref<4x100xi32, #tpu.memory_space<hbm>>
      %dma_start3A_1360 = arith.constant 0 : i32
      %dma_start3A_1361 = tpu.memref_slice %arg2[%add3A_1357, %dma_start3A_1360] : memref<8192x100xi32, #tpu.memory_space<hbm>> -> memref<4x100xi32, #tpu.memory_space<hbm>>
      tpu.enqueue_dma source(%dma_start3A_1361 : memref<4x100xi32, #tpu.memory_space<hbm>>) target(%arg8 : memref<4x100xi32, #tpu.memory_space<vmem>>) target_semaphore(%arg17 : memref<!tpu.dma_semaphore, #tpu.memory_space<semaphore_mem>>)
      %parallel_loop3A_1362 = arith.constant 0 : i32
      %parallel_loop3A_1363 = arith.constant 200 : i32
      %parallel_loop3A_1364 = arith.constant 1 : i32
      scf.for %parallel_loop3A_1581 = %parallel_loop3A_1362 to %parallel_loop3A_1363 step %parallel_loop3A_1364  : i32 {
        %parallel_loop3A_1582 = arith.index_cast %parallel_loop3A_1581 : i32 to index
        %parallel_loop3A_1583 = arith.constant 0 : index
        %parallel_loop3A_1584 = tpu.vector_load %arg14[%parallel_loop3A_1582, %parallel_loop3A_1583] {strides = array<i32>} : memref<200x64xf32, #tpu.memory_space<vmem>>, vector<1x16xf32>,
        %parallel_loop3A_1585 = vector.shape_cast %parallel_loop3A_1584 : vector<1x16xf32> to vector<16xf32>
        %parallel_loop3A_1586 = arith.constant 0 : i32
        %parallel_loop3A_1587 = arith.index_cast %parallel_loop3A_1586 : i32 to index
        %parallel_loop3A_1588 = arith.index_cast %parallel_loop3A_1581 : i32 to index
        %parallel_loop3A_1589 = arith.constant 0 : index
        %parallel_loop3A_1590 = tpu.vector_load %arg12[%parallel_loop3A_1587, %parallel_loop3A_1588, %parallel_loop3A_1589] {strides = array<i32>} : memref<2x200x64xf32, #tpu.memory_space<vmem>>, vector<1x1x16xf32>,
        %parallel_loop3A_1591 = vector.shape_cast %parallel_loop3A_1590 : vector<1x1x16xf32> to vector<16xf32>
        %parallel_loop3A_1592 = vector.shape_cast %parallel_loop3A_1585 : vector<16xf32> to vector<1x1x16xf32>
        tpu.vector_store %arg12[%parallel_loop3A_1587, %parallel_loop3A_1588, %parallel_loop3A_1589], %parallel_loop3A_1592 {add = true, strides = array<i32>} : memref<2x200x64xf32, #tpu.memory_space<vmem>>, vector<1x1x16xf32>,
        %parallel_loop3A_1593 = arith.constant 1 : i32
        %parallel_loop3A_1594 = arith.index_cast %parallel_loop3A_1593 : i32 to index
        %parallel_loop3A_1595 = arith.index_cast %parallel_loop3A_1581 : i32 to index
        %parallel_loop3A_1596 = arith.constant 0 : index
        %parallel_loop3A_1597 = tpu.vector_load %arg12[%parallel_loop3A_1594, %parallel_loop3A_1595, %parallel_loop3A_1596] {strides = array<i32>} : memref<2x200x64xf32, #tpu.memory_space<vmem>>, vector<1x1x16xf32>,
        %parallel_loop3A_1598 = vector.shape_cast %parallel_loop3A_1597 : vector<1x1x16xf32> to vector<16xf32>
        %parallel_loop3A_1599 = vector.shape_cast %parallel_loop3A_1585 : vector<16xf32> to vector<1x1x16xf32>
        tpu.vector_store %arg12[%parallel_loop3A_1594, %parallel_loop3A_1595, %parallel_loop3A_1596], %parallel_loop3A_1599 {add = true, strides = array<i32>} : memref<2x200x64xf32, #tpu.memory_space<vmem>>, vector<1x1x16xf32>,
        %parallel_loop3A_1600 = arith.index_cast %parallel_loop3A_1581 : i32 to index
        %parallel_loop3A_1601 = arith.constant 16 : index
        %parallel_loop3A_1602 = tpu.vector_load %arg14[%parallel_loop3A_1600, %parallel_loop3A_1601] {strides = array<i32>} : memref<200x64xf32, #tpu.memory_space<vmem>>, vector<1x16xf32>,
        %parallel_loop3A_1603 = vector.shape_cast %parallel_loop3A_1602 : vector<1x16xf32> to vector<16xf32>
        %parallel_loop3A_1604 = arith.constant 0 : i32
        %parallel_loop3A_1605 = arith.index_cast %parallel_loop3A_1604 : i32 to index
        %parallel_loop3A_1606 = arith.index_cast %parallel_loop3A_1581 : i32 to index
        %parallel_loop3A_1607 = arith.constant 16 : index
        %parallel_loop3A_1608 = tpu.vector_load %arg12[%parallel_loop3A_1605, %parallel_loop3A_1606, %parallel_loop3A_1607] {strides = array<i32>} : memref<2x200x64xf32, #tpu.memory_space<vmem>>, vector<1x1x16xf32>,
        %parallel_loop3A_1609 = vector.shape_cast %parallel_loop3A_1608 : vector<1x1x16xf32> to vector<16xf32>
        %parallel_loop3A_1610 = vector.shape_cast %parallel_loop3A_1603 : vector<16xf32> to vector<1x1x16xf32>
        tpu.vector_store %arg12[%parallel_loop3A_1605, %parallel_loop3A_1606, %parallel_loop3A_1607], %parallel_loop3A_1610 {add = true, strides = array<i32>} : memref<2x200x64xf32, #tpu.memory_space<vmem>>, vector<1x1x16xf32>,
        %parallel_loop3A_1611 = arith.constant 1 : i32
        %parallel_loop3A_1612 = arith.index_cast %parallel_loop3A_1611 : i32 to index
        %parallel_loop3A_1613 = arith.index_cast %parallel_loop3A_1581 : i32 to index
        %parallel_loop3A_1614 = arith.constant 16 : index
        %parallel_loop3A_1615 = tpu.vector_load %arg12[%parallel_loop3A_1612, %parallel_loop3A_1613, %parallel_loop3A_1614] {strides = array<i32>} : memref<2x200x64xf32, #tpu.memory_space<vmem>>, vector<1x1x16xf32>,
        %parallel_loop3A_1616 = vector.shape_cast %parallel_loop3A_1615 : vector<1x1x16xf32> to vector<16xf32>
        %parallel_loop3A_1617 = vector.shape_cast %parallel_loop3A_1603 : vector<16xf32> to vector<1x1x16xf32>
        tpu.vector_store %arg12[%parallel_loop3A_1612, %parallel_loop3A_1613, %parallel_loop3A_1614], %parallel_loop3A_1617 {add = true, strides = array<i32>} : memref<2x200x64xf32, #tpu.memory_space<vmem>>, vector<1x1x16xf32>,
        %parallel_loop3A_1618 = arith.index_cast %parallel_loop3A_1581 : i32 to index
        %parallel_loop3A_1619 = arith.constant 32 : index
        %parallel_loop3A_1620 = tpu.vector_load %arg14[%parallel_loop3A_1618, %parallel_loop3A_1619] {strides = array<i32>} : memref<200x64xf32, #tpu.memory_space<vmem>>, vector<1x16xf32>,
        %parallel_loop3A_1621 = vector.shape_cast %parallel_loop3A_1620 : vector<1x16xf32> to vector<16xf32>
        %parallel_loop3A_1622 = arith.constant 0 : i32
        %parallel_loop3A_1623 = arith.index_cast %parallel_loop3A_1622 : i32 to index
        %parallel_loop3A_1624 = arith.index_cast %parallel_loop3A_1581 : i32 to index
        %parallel_loop3A_1625 = arith.constant 32 : index
        %parallel_loop3A_1626 = tpu.vector_load %arg12[%parallel_loop3A_1623, %parallel_loop3A_1624, %parallel_loop3A_1625] {strides = array<i32>} : memref<2x200x64xf32, #tpu.memory_space<vmem>>, vector<1x1x16xf32>,
        %parallel_loop3A_1627 = vector.shape_cast %parallel_loop3A_1626 : vector<1x1x16xf32> to vector<16xf32>
        %parallel_loop3A_1628 = vector.shape_cast %parallel_loop3A_1621 : vector<16xf32> to vector<1x1x16xf32>
        tpu.vector_store %arg12[%parallel_loop3A_1623, %parallel_loop3A_1624, %parallel_loop3A_1625], %parallel_loop3A_1628 {add = true, strides = array<i32>} : memref<2x200x64xf32, #tpu.memory_space<vmem>>, vector<1x1x16xf32>,
        %parallel_loop3A_1629 = arith.constant 1 : i32
        %parallel_loop3A_1630 = arith.index_cast %parallel_loop3A_1629 : i32 to index
        %parallel_loop3A_1631 = arith.index_cast %parallel_loop3A_1581 : i32 to index
        %parallel_loop3A_1632 = arith.constant 32 : index
        %parallel_loop3A_1633 = tpu.vector_load %arg12[%parallel_loop3A_1630, %parallel_loop3A_1631, %parallel_loop3A_1632] {strides = array<i32>} : memref<2x200x64xf32, #tpu.memory_space<vmem>>, vector<1x1x16xf32>,
        %parallel_loop3A_1634 = vector.shape_cast %parallel_loop3A_1633 : vector<1x1x16xf32> to vector<16xf32>
        %parallel_loop3A_1635 = vector.shape_cast %parallel_loop3A_1621 : vector<16xf32> to vector<1x1x16xf32>
        tpu.vector_store %arg12[%parallel_loop3A_1630, %parallel_loop3A_1631, %parallel_loop3A_1632], %parallel_loop3A_1635 {add = true, strides = array<i32>} : memref<2x200x64xf32, #tpu.memory_space<vmem>>, vector<1x1x16xf32>,
        %parallel_loop3A_1636 = arith.index_cast %parallel_loop3A_1581 : i32 to index
        %parallel_loop3A_1637 = arith.constant 48 : index
        %parallel_loop3A_1638 = tpu.vector_load %arg14[%parallel_loop3A_1636, %parallel_loop3A_1637] {strides = array<i32>} : memref<200x64xf32, #tpu.memory_space<vmem>>, vector<1x16xf32>,
        %parallel_loop3A_1639 = vector.shape_cast %parallel_loop3A_1638 : vector<1x16xf32> to vector<16xf32>
        %parallel_loop3A_1640 = arith.constant 0 : i32
        %parallel_loop3A_1641 = arith.index_cast %parallel_loop3A_1640 : i32 to index
        %parallel_loop3A_1642 = arith.index_cast %parallel_loop3A_1581 : i32 to index
        %parallel_loop3A_1643 = arith.constant 48 : index
        %parallel_loop3A_1644 = tpu.vector_load %arg12[%parallel_loop3A_1641, %parallel_loop3A_1642, %parallel_loop3A_1643] {strides = array<i32>} : memref<2x200x64xf32, #tpu.memory_space<vmem>>, vector<1x1x16xf32>,
        %parallel_loop3A_1645 = vector.shape_cast %parallel_loop3A_1644 : vector<1x1x16xf32> to vector<16xf32>
        %parallel_loop3A_1646 = vector.shape_cast %parallel_loop3A_1639 : vector<16xf32> to vector<1x1x16xf32>
        tpu.vector_store %arg12[%parallel_loop3A_1641, %parallel_loop3A_1642, %parallel_loop3A_1643], %parallel_loop3A_1646 {add = true, strides = array<i32>} : memref<2x200x64xf32, #tpu.memory_space<vmem>>, vector<1x1x16xf32>,
        %parallel_loop3A_1647 = arith.constant 1 : i32
        %parallel_loop3A_1648 = arith.index_cast %parallel_loop3A_1647 : i32 to index
        %parallel_loop3A_1649 = arith.index_cast %parallel_loop3A_1581 : i32 to index
        %parallel_loop3A_1650 = arith.constant 48 : index
        %parallel_loop3A_1651 = tpu.vector_load %arg12[%parallel_loop3A_1648, %parallel_loop3A_1649, %parallel_loop3A_1650] {strides = array<i32>} : memref<2x200x64xf32, #tpu.memory_space<vmem>>, vector<1x1x16xf32>,
        %parallel_loop3A_1652 = vector.shape_cast %parallel_loop3A_1651 : vector<1x1x16xf32> to vector<16xf32>
        %parallel_loop3A_1653 = vector.shape_cast %parallel_loop3A_1639 : vector<16xf32> to vector<1x1x16xf32>
        tpu.vector_store %arg12[%parallel_loop3A_1648, %parallel_loop3A_1649, %parallel_loop3A_1650], %parallel_loop3A_1653 {add = true, strides = array<i32>} : memref<2x200x64xf32, #tpu.memory_space<vmem>>, vector<1x1x16xf32>,
      } {sc.loop_unroll_factor = 4 : i64, sc.parallel_access}
      %mul3A_1365 = arith.constant 2 : i32
      %mul3A_1366 = arith.muli %add3A_1304, %mul3A_1365 : i32
      %add3A_1367 = arith.addi %mul3A_2, %mul3A_1366 : i32
      %dma_start3A_1368 = arith.constant 0 : i32
      %dma_start3A_1369 = arith.constant 0 : i32
      %dma_start3A_1370 = tpu.memref_slice %arg5[%add3A_1367, %dma_start3A_1368, %dma_start3A_1369] : memref<4096x200x64xf32, #tpu.memory_space<hbm>> -> memref<2x200x64xf32, #tpu.memory_space<hbm>>
      %dma_start3A_1371 = arith.constant 0 : i32
      %dma_start3A_1372 = arith.constant 0 : i32
      %dma_start3A_1373 = tpu.memref_slice %arg5[%add3A_1367, %dma_start3A_1371, %dma_start3A_1372] : memref<4096x200x64xf32, #tpu.memory_space<hbm>> -> memref<2x200x64xf32, #tpu.memory_space<hbm>>
      tpu.enqueue_dma source(%arg12 : memref<2x200x64xf32, #tpu.memory_space<vmem>>) target(%dma_start3A_1373 : memref<2x200x64xf32, #tpu.memory_space<hbm>>) target_semaphore(%arg25 : memref<!tpu.dma_semaphore, #tpu.memory_space<semaphore_mem>>)
      %sub3A_1374 = arith.constant 2 : i32
      %sub3A_1375 = arith.subi %add3A_1304, %sub3A_1374 : i32
      %mul3A_1376 = arith.constant 2 : i32
      %mul3A_1377 = arith.muli %sub3A_1375, %mul3A_1376 : i32
      %add3A_1378 = arith.addi %mul3A_2, %mul3A_1377 : i32
      %dma_wait3A_1379 = arith.constant 0 : i32
      %dma_wait3A_1380 = arith.constant 0 : i32
      %dma_wait3A_1381 = tpu.memref_slice %arg5[%add3A_1378, %dma_wait3A_1379, %dma_wait3A_1380] : memref<4096x200x64xf32, #tpu.memory_space<hbm>> -> memref<2x200x64xf32, #tpu.memory_space<hbm>>
      %dma_wait3A_1382 = arith.constant 0 : i32
      %dma_wait3A_1383 = arith.constant 0 : i32
      %dma_wait3A_1384 = tpu.memref_slice %arg5[%add3A_1378, %dma_wait3A_1382, %dma_wait3A_1383] : memref<4096x200x64xf32, #tpu.memory_space<hbm>> -> memref<2x200x64xf32, #tpu.memory_space<hbm>>
      tpu.wait_dma2 semaphore(%arg23 : memref<!tpu.dma_semaphore, #tpu.memory_space<semaphore_mem>>) src(%arg10 : memref<2x200x64xf32, #tpu.memory_space<vmem>>) dst(%dma_wait3A_1384 : memref<2x200x64xf32, #tpu.memory_space<hbm>>)
      %add3A_1385 = arith.constant 2 : i32
      %add3A_1386 = arith.addi %add3A_1304, %add3A_1385 : i32
      %mul3A_1387 = arith.constant 4 : i32
      %mul3A_1388 = arith.muli %add3A_1386, %mul3A_1387 : i32
      %add3A_1389 = arith.addi %mul3A_4, %mul3A_1388 : i32
      %dma_wait3A_1390 = arith.constant 0 : i32
      %dma_wait3A_1391 = tpu.memref_slice %arg2[%add3A_1389, %dma_wait3A_1390] : memref<8192x100xi32, #tpu.memory_space<hbm>> -> memref<4x100xi32, #tpu.memory_space<hbm>>
      %dma_wait3A_1392 = arith.constant 0 : i32
      %dma_wait3A_1393 = tpu.memref_slice %arg2[%add3A_1389, %dma_wait3A_1392] : memref<8192x100xi32, #tpu.memory_space<hbm>> -> memref<4x100xi32, #tpu.memory_space<hbm>>
      tpu.wait_dma2 semaphore(%arg15 : memref<!tpu.dma_semaphore, #tpu.memory_space<semaphore_mem>>) src(%dma_wait3A_1393 : memref<4x100xi32, #tpu.memory_space<hbm>>) dst(%arg6 : memref<4x100xi32, #tpu.memory_space<vmem>>)
      %dma_start3A_1394 = arith.constant 0 : i32
      %dma_start3A_1395 = arith.constant 0 : i32
      %dma_start3A_1396 = arith.constant 0 : i32
      %dma_start3A_1397 = arith.constant 0 : i32
      %dma_start3A_1398 = tpu.memref_slice %arg10[%dma_start3A_1395, %dma_start3A_1396, %dma_start3A_1397] : memref<2x200x64xf32, #tpu.memory_space<vmem>> -> memref<1x100x64xf32, #tpu.memory_space<vmem>>
      %dma_start3A_1399 = tpu.memref_squeeze %dma_start3A_1398 : memref<1x100x64xf32, #tpu.memory_space<vmem>> -> memref<100x64xf32, #tpu.memory_space<vmem>>
      %dma_start3A_1400 = arith.constant 0 : i32
      %dma_start3A_1401 = tpu.memref_slice %arg6[%dma_start3A_1394, %dma_start3A_1400] : memref<4x100xi32, #tpu.memory_space<vmem>> -> memref<1x100xi32, #tpu.memory_space<vmem>>
      %dma_start3A_1402 = tpu.memref_squeeze %dma_start3A_1401 : memref<1x100xi32, #tpu.memory_space<vmem>> -> memref<100xi32, #tpu.memory_space<vmem>>
      %dma_start3A_1403 = arith.constant 0 : i32
      %dma_start3A_1404 = arith.constant 0 : i32
      %dma_start3A_1405 = tpu.memref_slice %arg3[%dma_start3A_1403, %dma_start3A_1404] : memref<1000000x64xf32, #tpu.memory_space<hbm>> -> memref<1000000x64xf32, #tpu.memory_space<hbm>>
      tpu.enqueue_indirect_dma source(%dma_start3A_1405 : memref<1000000x64xf32, #tpu.memory_space<hbm>>) target(%dma_start3A_1399 : memref<100x64xf32, #tpu.memory_space<vmem>>) offsets(%dma_start3A_1402 : memref<100xi32, #tpu.memory_space<vmem>>) semaphore(%arg19 : memref<!tpu.dma_semaphore, #tpu.memory_space<semaphore_mem>>)
      %dma_start3A_1406 = arith.constant 1 : i32
      %dma_start3A_1407 = arith.constant 0 : i32
      %dma_start3A_1408 = arith.constant 100 : i32
      %dma_start3A_1409 = arith.constant 0 : i32
      %dma_start3A_1410 = tpu.memref_slice %arg10[%dma_start3A_1407, %dma_start3A_1408, %dma_start3A_1409] : memref<2x200x64xf32, #tpu.memory_space<vmem>> -> memref<1x100x64xf32, #tpu.memory_space<vmem>>
      %dma_start3A_1411 = tpu.memref_squeeze %dma_start3A_1410 : memref<1x100x64xf32, #tpu.memory_space<vmem>> -> memref<100x64xf32, #tpu.memory_space<vmem>>
      %dma_start3A_1412 = arith.constant 0 : i32
      %dma_start3A_1413 = tpu.memref_slice %arg6[%dma_start3A_1406, %dma_start3A_1412] : memref<4x100xi32, #tpu.memory_space<vmem>> -> memref<1x100xi32, #tpu.memory_space<vmem>>
      %dma_start3A_1414 = tpu.memref_squeeze %dma_start3A_1413 : memref<1x100xi32, #tpu.memory_space<vmem>> -> memref<100xi32, #tpu.memory_space<vmem>>
      %dma_start3A_1415 = arith.constant 0 : i32
      %dma_start3A_1416 = arith.constant 0 : i32
      %dma_start3A_1417 = tpu.memref_slice %arg3[%dma_start3A_1415, %dma_start3A_1416] : memref<1000000x64xf32, #tpu.memory_space<hbm>> -> memref<1000000x64xf32, #tpu.memory_space<hbm>>
      tpu.enqueue_indirect_dma source(%dma_start3A_1417 : memref<1000000x64xf32, #tpu.memory_space<hbm>>) target(%dma_start3A_1411 : memref<100x64xf32, #tpu.memory_space<vmem>>) offsets(%dma_start3A_1414 : memref<100xi32, #tpu.memory_space<vmem>>) semaphore(%arg19 : memref<!tpu.dma_semaphore, #tpu.memory_space<semaphore_mem>>)
      %dma_start3A_1418 = arith.constant 2 : i32
      %dma_start3A_1419 = arith.constant 1 : i32
      %dma_start3A_1420 = arith.constant 0 : i32
      %dma_start3A_1421 = arith.constant 0 : i32
      %dma_start3A_1422 = tpu.memref_slice %arg10[%dma_start3A_1419, %dma_start3A_1420, %dma_start3A_1421] : memref<2x200x64xf32, #tpu.memory_space<vmem>> -> memref<1x100x64xf32, #tpu.memory_space<vmem>>
      %dma_start3A_1423 = tpu.memref_squeeze %dma_start3A_1422 : memref<1x100x64xf32, #tpu.memory_space<vmem>> -> memref<100x64xf32, #tpu.memory_space<vmem>>
      %dma_start3A_1424 = arith.constant 0 : i32
      %dma_start3A_1425 = tpu.memref_slice %arg6[%dma_start3A_1418, %dma_start3A_1424] : memref<4x100xi32, #tpu.memory_space<vmem>> -> memref<1x100xi32, #tpu.memory_space<vmem>>
      %dma_start3A_1426 = tpu.memref_squeeze %dma_start3A_1425 : memref<1x100xi32, #tpu.memory_space<vmem>> -> memref<100xi32, #tpu.memory_space<vmem>>
      %dma_start3A_1427 = arith.constant 0 : i32
      %dma_start3A_1428 = arith.constant 0 : i32
      %dma_start3A_1429 = tpu.memref_slice %arg3[%dma_start3A_1427, %dma_start3A_1428] : memref<1000000x64xf32, #tpu.memory_space<hbm>> -> memref<1000000x64xf32, #tpu.memory_space<hbm>>
      tpu.enqueue_indirect_dma source(%dma_start3A_1429 : memref<1000000x64xf32, #tpu.memory_space<hbm>>) target(%dma_start3A_1423 : memref<100x64xf32, #tpu.memory_space<vmem>>) offsets(%dma_start3A_1426 : memref<100xi32, #tpu.memory_space<vmem>>) semaphore(%arg19 : memref<!tpu.dma_semaphore, #tpu.memory_space<semaphore_mem>>)
      %dma_start3A_1430 = arith.constant 3 : i32
      %dma_start3A_1431 = arith.constant 1 : i32
      %dma_start3A_1432 = arith.constant 100 : i32
      %dma_start3A_1433 = arith.constant 0 : i32
      %dma_start3A_1434 = tpu.memref_slice %arg10[%dma_start3A_1431, %dma_start3A_1432, %dma_start3A_1433] : memref<2x200x64xf32, #tpu.memory_space<vmem>> -> memref<1x100x64xf32, #tpu.memory_space<vmem>>
      %dma_start3A_1435 = tpu.memref_squeeze %dma_start3A_1434 : memref<1x100x64xf32, #tpu.memory_space<vmem>> -> memref<100x64xf32, #tpu.memory_space<vmem>>
      %dma_start3A_1436 = arith.constant 0 : i32
      %dma_start3A_1437 = tpu.memref_slice %arg6[%dma_start3A_1430, %dma_start3A_1436] : memref<4x100xi32, #tpu.memory_space<vmem>> -> memref<1x100xi32, #tpu.memory_space<vmem>>
      %dma_start3A_1438 = tpu.memref_squeeze %dma_start3A_1437 : memref<1x100xi32, #tpu.memory_space<vmem>> -> memref<100xi32, #tpu.memory_space<vmem>>
      %dma_start3A_1439 = arith.constant 0 : i32
      %dma_start3A_1440 = arith.constant 0 : i32
      %dma_start3A_1441 = tpu.memref_slice %arg3[%dma_start3A_1439, %dma_start3A_1440] : memref<1000000x64xf32, #tpu.memory_space<hbm>> -> memref<1000000x64xf32, #tpu.memory_space<hbm>>
      tpu.enqueue_indirect_dma source(%dma_start3A_1441 : memref<1000000x64xf32, #tpu.memory_space<hbm>>) target(%dma_start3A_1435 : memref<100x64xf32, #tpu.memory_space<vmem>>) offsets(%dma_start3A_1438 : memref<100xi32, #tpu.memory_space<vmem>>) semaphore(%arg19 : memref<!tpu.dma_semaphore, #tpu.memory_space<semaphore_mem>>)
      %add3A_1442 = arith.constant 3 : i32
      %add3A_1443 = arith.addi %mul3A_1025, %add3A_1442 : i32
      %dma_wait3A_1444 = arith.constant 0 : i32
      %dma_wait3A_1445 = arith.constant 0 : i32
      %dma_wait3A_1446 = arith.constant 0 : i32
      %dma_wait3A_1447 = arith.constant 0 : i32
      %dma_wait3A_1448 = tpu.memref_slice %arg13[%dma_wait3A_1445, %dma_wait3A_1446, %dma_wait3A_1447] : memref<2x200x64xf32, #tpu.memory_space<vmem>> -> memref<1x100x64xf32, #tpu.memory_space<vmem>>
      %dma_wait3A_1449 = tpu.memref_squeeze %dma_wait3A_1448 : memref<1x100x64xf32, #tpu.memory_space<vmem>> -> memref<100x64xf32, #tpu.memory_space<vmem>>
      %dma_wait3A_1450 = arith.constant 0 : i32
      %dma_wait3A_1451 = tpu.memref_slice %arg9[%dma_wait3A_1444, %dma_wait3A_1450] : memref<4x100xi32, #tpu.memory_space<vmem>> -> memref<1x100xi32, #tpu.memory_space<vmem>>
      %dma_wait3A_1452 = tpu.memref_squeeze %dma_wait3A_1451 : memref<1x100xi32, #tpu.memory_space<vmem>> -> memref<100xi32, #tpu.memory_space<vmem>>
      %dma_wait3A_1453 = arith.constant 0 : i32
      %dma_wait3A_1454 = arith.constant 0 : i32
      %dma_wait3A_1455 = tpu.memref_slice %arg3[%dma_wait3A_1453, %dma_wait3A_1454] : memref<1000000x64xf32, #tpu.memory_space<hbm>> -> memref<1000000x64xf32, #tpu.memory_space<hbm>>
      tpu.wait_indirect_dma semaphore(%arg22 : memref<!tpu.dma_semaphore, #tpu.memory_space<semaphore_mem>>) src(%dma_wait3A_1455 : memref<1000000x64xf32, #tpu.memory_space<hbm>>) dst(%dma_wait3A_1449 : memref<100x64xf32, #tpu.memory_space<vmem>>)
      %dma_wait3A_1456 = arith.constant 1 : i32
      %dma_wait3A_1457 = arith.constant 0 : i32
      %dma_wait3A_1458 = arith.constant 100 : i32
      %dma_wait3A_1459 = arith.constant 0 : i32
      %dma_wait3A_1460 = tpu.memref_slice %arg13[%dma_wait3A_1457, %dma_wait3A_1458, %dma_wait3A_1459] : memref<2x200x64xf32, #tpu.memory_space<vmem>> -> memref<1x100x64xf32, #tpu.memory_space<vmem>>
      %dma_wait3A_1461 = tpu.memref_squeeze %dma_wait3A_1460 : memref<1x100x64xf32, #tpu.memory_space<vmem>> -> memref<100x64xf32, #tpu.memory_space<vmem>>
      %dma_wait3A_1462 = arith.constant 0 : i32
      %dma_wait3A_1463 = tpu.memref_slice %arg9[%dma_wait3A_1456, %dma_wait3A_1462] : memref<4x100xi32, #tpu.memory_space<vmem>> -> memref<1x100xi32, #tpu.memory_space<vmem>>
      %dma_wait3A_1464 = tpu.memref_squeeze %dma_wait3A_1463 : memref<1x100xi32, #tpu.memory_space<vmem>> -> memref<100xi32, #tpu.memory_space<vmem>>
      %dma_wait3A_1465 = arith.constant 0 : i32
      %dma_wait3A_1466 = arith.constant 0 : i32
      %dma_wait3A_1467 = tpu.memref_slice %arg3[%dma_wait3A_1465, %dma_wait3A_1466] : memref<1000000x64xf32, #tpu.memory_space<hbm>> -> memref<1000000x64xf32, #tpu.memory_space<hbm>>
      tpu.wait_indirect_dma semaphore(%arg22 : memref<!tpu.dma_semaphore, #tpu.memory_space<semaphore_mem>>) src(%dma_wait3A_1467 : memref<1000000x64xf32, #tpu.memory_space<hbm>>) dst(%dma_wait3A_1461 : memref<100x64xf32, #tpu.memory_space<vmem>>)
      %dma_wait3A_1468 = arith.constant 2 : i32
      %dma_wait3A_1469 = arith.constant 1 : i32
      %dma_wait3A_1470 = arith.constant 0 : i32
      %dma_wait3A_1471 = arith.constant 0 : i32
      %dma_wait3A_1472 = tpu.memref_slice %arg13[%dma_wait3A_1469, %dma_wait3A_1470, %dma_wait3A_1471] : memref<2x200x64xf32, #tpu.memory_space<vmem>> -> memref<1x100x64xf32, #tpu.memory_space<vmem>>
      %dma_wait3A_1473 = tpu.memref_squeeze %dma_wait3A_1472 : memref<1x100x64xf32, #tpu.memory_space<vmem>> -> memref<100x64xf32, #tpu.memory_space<vmem>>
      %dma_wait3A_1474 = arith.constant 0 : i32
      %dma_wait3A_1475 = tpu.memref_slice %arg9[%dma_wait3A_1468, %dma_wait3A_1474] : memref<4x100xi32, #tpu.memory_space<vmem>> -> memref<1x100xi32, #tpu.memory_space<vmem>>
      %dma_wait3A_1476 = tpu.memref_squeeze %dma_wait3A_1475 : memref<1x100xi32, #tpu.memory_space<vmem>> -> memref<100xi32, #tpu.memory_space<vmem>>
      %dma_wait3A_1477 = arith.constant 0 : i32
      %dma_wait3A_1478 = arith.constant 0 : i32
      %dma_wait3A_1479 = tpu.memref_slice %arg3[%dma_wait3A_1477, %dma_wait3A_1478] : memref<1000000x64xf32, #tpu.memory_space<hbm>> -> memref<1000000x64xf32, #tpu.memory_space<hbm>>
      tpu.wait_indirect_dma semaphore(%arg22 : memref<!tpu.dma_semaphore, #tpu.memory_space<semaphore_mem>>) src(%dma_wait3A_1479 : memref<1000000x64xf32, #tpu.memory_space<hbm>>) dst(%dma_wait3A_1473 : memref<100x64xf32, #tpu.memory_space<vmem>>)
      %dma_wait3A_1480 = arith.constant 3 : i32
      %dma_wait3A_1481 = arith.constant 1 : i32
      %dma_wait3A_1482 = arith.constant 100 : i32
      %dma_wait3A_1483 = arith.constant 0 : i32
      %dma_wait3A_1484 = tpu.memref_slice %arg13[%dma_wait3A_1481, %dma_wait3A_1482, %dma_wait3A_1483] : memref<2x200x64xf32, #tpu.memory_space<vmem>> -> memref<1x100x64xf32, #tpu.memory_space<vmem>>
      %dma_wait3A_1485 = tpu.memref_squeeze %dma_wait3A_1484 : memref<1x100x64xf32, #tpu.memory_space<vmem>> -> memref<100x64xf32, #tpu.memory_space<vmem>>
      %dma_wait3A_1486 = arith.constant 0 : i32
      %dma_wait3A_1487 = tpu.memref_slice %arg9[%dma_wait3A_1480, %dma_wait3A_1486] : memref<4x100xi32, #tpu.memory_space<vmem>> -> memref<1x100xi32, #tpu.memory_space<vmem>>
      %dma_wait3A_1488 = tpu.memref_squeeze %dma_wait3A_1487 : memref<1x100xi32, #tpu.memory_space<vmem>> -> memref<100xi32, #tpu.memory_space<vmem>>
      %dma_wait3A_1489 = arith.constant 0 : i32
      %dma_wait3A_1490 = arith.constant 0 : i32
      %dma_wait3A_1491 = tpu.memref_slice %arg3[%dma_wait3A_1489, %dma_wait3A_1490] : memref<1000000x64xf32, #tpu.memory_space<hbm>> -> memref<1000000x64xf32, #tpu.memory_space<hbm>>
      tpu.wait_indirect_dma semaphore(%arg22 : memref<!tpu.dma_semaphore, #tpu.memory_space<semaphore_mem>>) src(%dma_wait3A_1491 : memref<1000000x64xf32, #tpu.memory_space<hbm>>) dst(%dma_wait3A_1485 : memref<100x64xf32, #tpu.memory_space<vmem>>)
      %add3A_1492 = arith.constant 4 : i32
      %add3A_1493 = arith.addi %add3A_1443, %add3A_1492 : i32
      %mul3A_1494 = arith.constant 4 : i32
      %mul3A_1495 = arith.muli %add3A_1493, %mul3A_1494 : i32
      %add3A_1496 = arith.addi %mul3A_4, %mul3A_1495 : i32
      %dma_start3A_1497 = arith.constant 0 : i32
      %dma_start3A_1498 = tpu.memref_slice %arg2[%add3A_1496, %dma_start3A_1497] : memref<8192x100xi32, #tpu.memory_space<hbm>> -> memref<4x100xi32, #tpu.memory_space<hbm>>
      %dma_start3A_1499 = arith.constant 0 : i32
      %dma_start3A_1500 = tpu.memref_slice %arg2[%add3A_1496, %dma_start3A_1499] : memref<8192x100xi32, #tpu.memory_space<hbm>> -> memref<4x100xi32, #tpu.memory_space<hbm>>
      tpu.enqueue_dma source(%dma_start3A_1500 : memref<4x100xi32, #tpu.memory_space<hbm>>) target(%arg9 : memref<4x100xi32, #tpu.memory_space<vmem>>) target_semaphore(%arg18 : memref<!tpu.dma_semaphore, #tpu.memory_space<semaphore_mem>>)
      %parallel_loop3A_1501 = arith.constant 0 : i32
      %parallel_loop3A_1502 = arith.constant 200 : i32
      %parallel_loop3A_1503 = arith.constant 1 : i32
      scf.for %parallel_loop3A_1581 = %parallel_loop3A_1501 to %parallel_loop3A_1502 step %parallel_loop3A_1503  : i32 {
        %parallel_loop3A_1582 = arith.index_cast %parallel_loop3A_1581 : i32 to index
        %parallel_loop3A_1583 = arith.constant 0 : index
        %parallel_loop3A_1584 = tpu.vector_load %arg14[%parallel_loop3A_1582, %parallel_loop3A_1583] {strides = array<i32>} : memref<200x64xf32, #tpu.memory_space<vmem>>, vector<1x16xf32>,
        %parallel_loop3A_1585 = vector.shape_cast %parallel_loop3A_1584 : vector<1x16xf32> to vector<16xf32>
        %parallel_loop3A_1586 = arith.constant 0 : i32
        %parallel_loop3A_1587 = arith.index_cast %parallel_loop3A_1586 : i32 to index
        %parallel_loop3A_1588 = arith.index_cast %parallel_loop3A_1581 : i32 to index
        %parallel_loop3A_1589 = arith.constant 0 : index
        %parallel_loop3A_1590 = tpu.vector_load %arg13[%parallel_loop3A_1587, %parallel_loop3A_1588, %parallel_loop3A_1589] {strides = array<i32>} : memref<2x200x64xf32, #tpu.memory_space<vmem>>, vector<1x1x16xf32>,
        %parallel_loop3A_1591 = vector.shape_cast %parallel_loop3A_1590 : vector<1x1x16xf32> to vector<16xf32>
        %parallel_loop3A_1592 = vector.shape_cast %parallel_loop3A_1585 : vector<16xf32> to vector<1x1x16xf32>
        tpu.vector_store %arg13[%parallel_loop3A_1587, %parallel_loop3A_1588, %parallel_loop3A_1589], %parallel_loop3A_1592 {add = true, strides = array<i32>} : memref<2x200x64xf32, #tpu.memory_space<vmem>>, vector<1x1x16xf32>,
        %parallel_loop3A_1593 = arith.constant 1 : i32
        %parallel_loop3A_1594 = arith.index_cast %parallel_loop3A_1593 : i32 to index
        %parallel_loop3A_1595 = arith.index_cast %parallel_loop3A_1581 : i32 to index
        %parallel_loop3A_1596 = arith.constant 0 : index
        %parallel_loop3A_1597 = tpu.vector_load %arg13[%parallel_loop3A_1594, %parallel_loop3A_1595, %parallel_loop3A_1596] {strides = array<i32>} : memref<2x200x64xf32, #tpu.memory_space<vmem>>, vector<1x1x16xf32>,
        %parallel_loop3A_1598 = vector.shape_cast %parallel_loop3A_1597 : vector<1x1x16xf32> to vector<16xf32>
        %parallel_loop3A_1599 = vector.shape_cast %parallel_loop3A_1585 : vector<16xf32> to vector<1x1x16xf32>
        tpu.vector_store %arg13[%parallel_loop3A_1594, %parallel_loop3A_1595, %parallel_loop3A_1596], %parallel_loop3A_1599 {add = true, strides = array<i32>} : memref<2x200x64xf32, #tpu.memory_space<vmem>>, vector<1x1x16xf32>,
        %parallel_loop3A_1600 = arith.index_cast %parallel_loop3A_1581 : i32 to index
        %parallel_loop3A_1601 = arith.constant 16 : index
        %parallel_loop3A_1602 = tpu.vector_load %arg14[%parallel_loop3A_1600, %parallel_loop3A_1601] {strides = array<i32>} : memref<200x64xf32, #tpu.memory_space<vmem>>, vector<1x16xf32>,
        %parallel_loop3A_1603 = vector.shape_cast %parallel_loop3A_1602 : vector<1x16xf32> to vector<16xf32>
        %parallel_loop3A_1604 = arith.constant 0 : i32
        %parallel_loop3A_1605 = arith.index_cast %parallel_loop3A_1604 : i32 to index
        %parallel_loop3A_1606 = arith.index_cast %parallel_loop3A_1581 : i32 to index
        %parallel_loop3A_1607 = arith.constant 16 : index
        %parallel_loop3A_1608 = tpu.vector_load %arg13[%parallel_loop3A_1605, %parallel_loop3A_1606, %parallel_loop3A_1607] {strides = array<i32>} : memref<2x200x64xf32, #tpu.memory_space<vmem>>, vector<1x1x16xf32>,
        %parallel_loop3A_1609 = vector.shape_cast %parallel_loop3A_1608 : vector<1x1x16xf32> to vector<16xf32>
        %parallel_loop3A_1610 = vector.shape_cast %parallel_loop3A_1603 : vector<16xf32> to vector<1x1x16xf32>
        tpu.vector_store %arg13[%parallel_loop3A_1605, %parallel_loop3A_1606, %parallel_loop3A_1607], %parallel_loop3A_1610 {add = true, strides = array<i32>} : memref<2x200x64xf32, #tpu.memory_space<vmem>>, vector<1x1x16xf32>,
        %parallel_loop3A_1611 = arith.constant 1 : i32
        %parallel_loop3A_1612 = arith.index_cast %parallel_loop3A_1611 : i32 to index
        %parallel_loop3A_1613 = arith.index_cast %parallel_loop3A_1581 : i32 to index
        %parallel_loop3A_1614 = arith.constant 16 : index
        %parallel_loop3A_1615 = tpu.vector_load %arg13[%parallel_loop3A_1612, %parallel_loop3A_1613, %parallel_loop3A_1614] {strides = array<i32>} : memref<2x200x64xf32, #tpu.memory_space<vmem>>, vector<1x1x16xf32>,
        %parallel_loop3A_1616 = vector.shape_cast %parallel_loop3A_1615 : vector<1x1x16xf32> to vector<16xf32>
        %parallel_loop3A_1617 = vector.shape_cast %parallel_loop3A_1603 : vector<16xf32> to vector<1x1x16xf32>
        tpu.vector_store %arg13[%parallel_loop3A_1612, %parallel_loop3A_1613, %parallel_loop3A_1614], %parallel_loop3A_1617 {add = true, strides = array<i32>} : memref<2x200x64xf32, #tpu.memory_space<vmem>>, vector<1x1x16xf32>,
        %parallel_loop3A_1618 = arith.index_cast %parallel_loop3A_1581 : i32 to index
        %parallel_loop3A_1619 = arith.constant 32 : index
        %parallel_loop3A_1620 = tpu.vector_load %arg14[%parallel_loop3A_1618, %parallel_loop3A_1619] {strides = array<i32>} : memref<200x64xf32, #tpu.memory_space<vmem>>, vector<1x16xf32>,
        %parallel_loop3A_1621 = vector.shape_cast %parallel_loop3A_1620 : vector<1x16xf32> to vector<16xf32>
        %parallel_loop3A_1622 = arith.constant 0 : i32
        %parallel_loop3A_1623 = arith.index_cast %parallel_loop3A_1622 : i32 to index
        %parallel_loop3A_1624 = arith.index_cast %parallel_loop3A_1581 : i32 to index
        %parallel_loop3A_1625 = arith.constant 32 : index
        %parallel_loop3A_1626 = tpu.vector_load %arg13[%parallel_loop3A_1623, %parallel_loop3A_1624, %parallel_loop3A_1625] {strides = array<i32>} : memref<2x200x64xf32, #tpu.memory_space<vmem>>, vector<1x1x16xf32>,
        %parallel_loop3A_1627 = vector.shape_cast %parallel_loop3A_1626 : vector<1x1x16xf32> to vector<16xf32>
        %parallel_loop3A_1628 = vector.shape_cast %parallel_loop3A_1621 : vector<16xf32> to vector<1x1x16xf32>
        tpu.vector_store %arg13[%parallel_loop3A_1623, %parallel_loop3A_1624, %parallel_loop3A_1625], %parallel_loop3A_1628 {add = true, strides = array<i32>} : memref<2x200x64xf32, #tpu.memory_space<vmem>>, vector<1x1x16xf32>,
        %parallel_loop3A_1629 = arith.constant 1 : i32
        %parallel_loop3A_1630 = arith.index_cast %parallel_loop3A_1629 : i32 to index
        %parallel_loop3A_1631 = arith.index_cast %parallel_loop3A_1581 : i32 to index
        %parallel_loop3A_1632 = arith.constant 32 : index
        %parallel_loop3A_1633 = tpu.vector_load %arg13[%parallel_loop3A_1630, %parallel_loop3A_1631, %parallel_loop3A_1632] {strides = array<i32>} : memref<2x200x64xf32, #tpu.memory_space<vmem>>, vector<1x1x16xf32>,
        %parallel_loop3A_1634 = vector.shape_cast %parallel_loop3A_1633 : vector<1x1x16xf32> to vector<16xf32>
        %parallel_loop3A_1635 = vector.shape_cast %parallel_loop3A_1621 : vector<16xf32> to vector<1x1x16xf32>
        tpu.vector_store %arg13[%parallel_loop3A_1630, %parallel_loop3A_1631, %parallel_loop3A_1632], %parallel_loop3A_1635 {add = true, strides = array<i32>} : memref<2x200x64xf32, #tpu.memory_space<vmem>>, vector<1x1x16xf32>,
        %parallel_loop3A_1636 = arith.index_cast %parallel_loop3A_1581 : i32 to index
        %parallel_loop3A_1637 = arith.constant 48 : index
        %parallel_loop3A_1638 = tpu.vector_load %arg14[%parallel_loop3A_1636, %parallel_loop3A_1637] {strides = array<i32>} : memref<200x64xf32, #tpu.memory_space<vmem>>, vector<1x16xf32>,
        %parallel_loop3A_1639 = vector.shape_cast %parallel_loop3A_1638 : vector<1x16xf32> to vector<16xf32>
        %parallel_loop3A_1640 = arith.constant 0 : i32
        %parallel_loop3A_1641 = arith.index_cast %parallel_loop3A_1640 : i32 to index
        %parallel_loop3A_1642 = arith.index_cast %parallel_loop3A_1581 : i32 to index
        %parallel_loop3A_1643 = arith.constant 48 : index
        %parallel_loop3A_1644 = tpu.vector_load %arg13[%parallel_loop3A_1641, %parallel_loop3A_1642, %parallel_loop3A_1643] {strides = array<i32>} : memref<2x200x64xf32, #tpu.memory_space<vmem>>, vector<1x1x16xf32>,
        %parallel_loop3A_1645 = vector.shape_cast %parallel_loop3A_1644 : vector<1x1x16xf32> to vector<16xf32>
        %parallel_loop3A_1646 = vector.shape_cast %parallel_loop3A_1639 : vector<16xf32> to vector<1x1x16xf32>
        tpu.vector_store %arg13[%parallel_loop3A_1641, %parallel_loop3A_1642, %parallel_loop3A_1643], %parallel_loop3A_1646 {add = true, strides = array<i32>} : memref<2x200x64xf32, #tpu.memory_space<vmem>>, vector<1x1x16xf32>,
        %parallel_loop3A_1647 = arith.constant 1 : i32
        %parallel_loop3A_1648 = arith.index_cast %parallel_loop3A_1647 : i32 to index
        %parallel_loop3A_1649 = arith.index_cast %parallel_loop3A_1581 : i32 to index
        %parallel_loop3A_1650 = arith.constant 48 : index
        %parallel_loop3A_1651 = tpu.vector_load %arg13[%parallel_loop3A_1648, %parallel_loop3A_1649, %parallel_loop3A_1650] {strides = array<i32>} : memref<2x200x64xf32, #tpu.memory_space<vmem>>, vector<1x1x16xf32>,
        %parallel_loop3A_1652 = vector.shape_cast %parallel_loop3A_1651 : vector<1x1x16xf32> to vector<16xf32>
        %parallel_loop3A_1653 = vector.shape_cast %parallel_loop3A_1639 : vector<16xf32> to vector<1x1x16xf32>
        tpu.vector_store %arg13[%parallel_loop3A_1648, %parallel_loop3A_1649, %parallel_loop3A_1650], %parallel_loop3A_1653 {add = true, strides = array<i32>} : memref<2x200x64xf32, #tpu.memory_space<vmem>>, vector<1x1x16xf32>,
      } {sc.loop_unroll_factor = 4 : i64, sc.parallel_access}
      %mul3A_1504 = arith.constant 2 : i32
      %mul3A_1505 = arith.muli %add3A_1443, %mul3A_1504 : i32
      %add3A_1506 = arith.addi %mul3A_2, %mul3A_1505 : i32
      %dma_start3A_1507 = arith.constant 0 : i32
      %dma_start3A_1508 = arith.constant 0 : i32
      %dma_start3A_1509 = tpu.memref_slice %arg5[%add3A_1506, %dma_start3A_1507, %dma_start3A_1508] : memref<4096x200x64xf32, #tpu.memory_space<hbm>> -> memref<2x200x64xf32, #tpu.memory_space<hbm>>
      %dma_start3A_1510 = arith.constant 0 : i32
      %dma_start3A_1511 = arith.constant 0 : i32
      %dma_start3A_1512 = tpu.memref_slice %arg5[%add3A_1506, %dma_start3A_1510, %dma_start3A_1511] : memref<4096x200x64xf32, #tpu.memory_space<hbm>> -> memref<2x200x64xf32, #tpu.memory_space<hbm>>
      tpu.enqueue_dma source(%arg13 : memref<2x200x64xf32, #tpu.memory_space<vmem>>) target(%dma_start3A_1512 : memref<2x200x64xf32, #tpu.memory_space<hbm>>) target_semaphore(%arg26 : memref<!tpu.dma_semaphore, #tpu.memory_space<semaphore_mem>>)
      %sub3A_1513 = arith.constant 2 : i32
      %sub3A_1514 = arith.subi %add3A_1443, %sub3A_1513 : i32
      %mul3A_1515 = arith.constant 2 : i32
      %mul3A_1516 = arith.muli %sub3A_1514, %mul3A_1515 : i32
      %add3A_1517 = arith.addi %mul3A_2, %mul3A_1516 : i32
      %dma_wait3A_1518 = arith.constant 0 : i32
      %dma_wait3A_1519 = arith.constant 0 : i32
      %dma_wait3A_1520 = tpu.memref_slice %arg5[%add3A_1517, %dma_wait3A_1518, %dma_wait3A_1519] : memref<4096x200x64xf32, #tpu.memory_space<hbm>> -> memref<2x200x64xf32, #tpu.memory_space<hbm>>
      %dma_wait3A_1521 = arith.constant 0 : i32
      %dma_wait3A_1522 = arith.constant 0 : i32
      %dma_wait3A_1523 = tpu.memref_slice %arg5[%add3A_1517, %dma_wait3A_1521, %dma_wait3A_1522] : memref<4096x200x64xf32, #tpu.memory_space<hbm>> -> memref<2x200x64xf32, #tpu.memory_space<hbm>>
      tpu.wait_dma2 semaphore(%arg24 : memref<!tpu.dma_semaphore, #tpu.memory_space<semaphore_mem>>) src(%arg11 : memref<2x200x64xf32, #tpu.memory_space<vmem>>) dst(%dma_wait3A_1523 : memref<2x200x64xf32, #tpu.memory_space<hbm>>)
      %add3A_1524 = arith.constant 2 : i32
      %add3A_1525 = arith.addi %add3A_1443, %add3A_1524 : i32
      %mul3A_1526 = arith.constant 4 : i32
      %mul3A_1527 = arith.muli %add3A_1525, %mul3A_1526 : i32
      %add3A_1528 = arith.addi %mul3A_4, %mul3A_1527 : i32
      %dma_wait3A_1529 = arith.constant 0 : i32
      %dma_wait3A_1530 = tpu.memref_slice %arg2[%add3A_1528, %dma_wait3A_1529] : memref<8192x100xi32, #tpu.memory_space<hbm>> -> memref<4x100xi32, #tpu.memory_space<hbm>>
      %dma_wait3A_1531 = arith.constant 0 : i32
      %dma_wait3A_1532 = tpu.memref_slice %arg2[%add3A_1528, %dma_wait3A_1531] : memref<8192x100xi32, #tpu.memory_space<hbm>> -> memref<4x100xi32, #tpu.memory_space<hbm>>
      tpu.wait_dma2 semaphore(%arg16 : memref<!tpu.dma_semaphore, #tpu.memory_space<semaphore_mem>>) src(%dma_wait3A_1532 : memref<4x100xi32, #tpu.memory_space<hbm>>) dst(%arg7 : memref<4x100xi32, #tpu.memory_space<vmem>>)
      %dma_start3A_1533 = arith.constant 0 : i32
      %dma_start3A_1534 = arith.constant 0 : i32
      %dma_start3A_1535 = arith.constant 0 : i32
      %dma_start3A_1536 = arith.constant 0 : i32
      %dma_start3A_1537 = tpu.memref_slice %arg11[%dma_start3A_1534, %dma_start3A_1535, %dma_start3A_1536] : memref<2x200x64xf32, #tpu.memory_space<vmem>> -> memref<1x100x64xf32, #tpu.memory_space<vmem>>
      %dma_start3A_1538 = tpu.memref_squeeze %dma_start3A_1537 : memref<1x100x64xf32, #tpu.memory_space<vmem>> -> memref<100x64xf32, #tpu.memory_space<vmem>>
      %dma_start3A_1539 = arith.constant 0 : i32
      %dma_start3A_1540 = tpu.memref_slice %arg7[%dma_start3A_1533, %dma_start3A_1539] : memref<4x100xi32, #tpu.memory_space<vmem>> -> memref<1x100xi32, #tpu.memory_space<vmem>>
      %dma_start3A_1541 = tpu.memref_squeeze %dma_start3A_1540 : memref<1x100xi32, #tpu.memory_space<vmem>> -> memref<100xi32, #tpu.memory_space<vmem>>
      %dma_start3A_1542 = arith.constant 0 : i32
      %dma_start3A_1543 = arith.constant 0 : i32
      %dma_start3A_1544 = tpu.memref_slice %arg3[%dma_start3A_1542, %dma_start3A_1543] : memref<1000000x64xf32, #tpu.memory_space<hbm>> -> memref<1000000x64xf32, #tpu.memory_space<hbm>>
      tpu.enqueue_indirect_dma source(%dma_start3A_1544 : memref<1000000x64xf32, #tpu.memory_space<hbm>>) target(%dma_start3A_1538 : memref<100x64xf32, #tpu.memory_space<vmem>>) offsets(%dma_start3A_1541 : memref<100xi32, #tpu.memory_space<vmem>>) semaphore(%arg20 : memref<!tpu.dma_semaphore, #tpu.memory_space<semaphore_mem>>)
      %dma_start3A_1545 = arith.constant 1 : i32
      %dma_start3A_1546 = arith.constant 0 : i32
      %dma_start3A_1547 = arith.constant 100 : i32
      %dma_start3A_1548 = arith.constant 0 : i32
      %dma_start3A_1549 = tpu.memref_slice %arg11[%dma_start3A_1546, %dma_start3A_1547, %dma_start3A_1548] : memref<2x200x64xf32, #tpu.memory_space<vmem>> -> memref<1x100x64xf32, #tpu.memory_space<vmem>>
      %dma_start3A_1550 = tpu.memref_squeeze %dma_start3A_1549 : memref<1x100x64xf32, #tpu.memory_space<vmem>> -> memref<100x64xf32, #tpu.memory_space<vmem>>
      %dma_start3A_1551 = arith.constant 0 : i32
      %dma_start3A_1552 = tpu.memref_slice %arg7[%dma_start3A_1545, %dma_start3A_1551] : memref<4x100xi32, #tpu.memory_space<vmem>> -> memref<1x100xi32, #tpu.memory_space<vmem>>
      %dma_start3A_1553 = tpu.memref_squeeze %dma_start3A_1552 : memref<1x100xi32, #tpu.memory_space<vmem>> -> memref<100xi32, #tpu.memory_space<vmem>>
      %dma_start3A_1554 = arith.constant 0 : i32
      %dma_start3A_1555 = arith.constant 0 : i32
      %dma_start3A_1556 = tpu.memref_slice %arg3[%dma_start3A_1554, %dma_start3A_1555] : memref<1000000x64xf32, #tpu.memory_space<hbm>> -> memref<1000000x64xf32, #tpu.memory_space<hbm>>
      tpu.enqueue_indirect_dma source(%dma_start3A_1556 : memref<1000000x64xf32, #tpu.memory_space<hbm>>) target(%dma_start3A_1550 : memref<100x64xf32, #tpu.memory_space<vmem>>) offsets(%dma_start3A_1553 : memref<100xi32, #tpu.memory_space<vmem>>) semaphore(%arg20 : memref<!tpu.dma_semaphore, #tpu.memory_space<semaphore_mem>>)
      %dma_start3A_1557 = arith.constant 2 : i32
      %dma_start3A_1558 = arith.constant 1 : i32
      %dma_start3A_1559 = arith.constant 0 : i32
      %dma_start3A_1560 = arith.constant 0 : i32
      %dma_start3A_1561 = tpu.memref_slice %arg11[%dma_start3A_1558, %dma_start3A_1559, %dma_start3A_1560] : memref<2x200x64xf32, #tpu.memory_space<vmem>> -> memref<1x100x64xf32, #tpu.memory_space<vmem>>
      %dma_start3A_1562 = tpu.memref_squeeze %dma_start3A_1561 : memref<1x100x64xf32, #tpu.memory_space<vmem>> -> memref<100x64xf32, #tpu.memory_space<vmem>>
      %dma_start3A_1563 = arith.constant 0 : i32
      %dma_start3A_1564 = tpu.memref_slice %arg7[%dma_start3A_1557, %dma_start3A_1563] : memref<4x100xi32, #tpu.memory_space<vmem>> -> memref<1x100xi32, #tpu.memory_space<vmem>>
      %dma_start3A_1565 = tpu.memref_squeeze %dma_start3A_1564 : memref<1x100xi32, #tpu.memory_space<vmem>> -> memref<100xi32, #tpu.memory_space<vmem>>
      %dma_start3A_1566 = arith.constant 0 : i32
      %dma_start3A_1567 = arith.constant 0 : i32
      %dma_start3A_1568 = tpu.memref_slice %arg3[%dma_start3A_1566, %dma_start3A_1567] : memref<1000000x64xf32, #tpu.memory_space<hbm>> -> memref<1000000x64xf32, #tpu.memory_space<hbm>>
      tpu.enqueue_indirect_dma source(%dma_start3A_1568 : memref<1000000x64xf32, #tpu.memory_space<hbm>>) target(%dma_start3A_1562 : memref<100x64xf32, #tpu.memory_space<vmem>>) offsets(%dma_start3A_1565 : memref<100xi32, #tpu.memory_space<vmem>>) semaphore(%arg20 : memref<!tpu.dma_semaphore, #tpu.memory_space<semaphore_mem>>)
      %dma_start3A_1569 = arith.constant 3 : i32
      %dma_start3A_1570 = arith.constant 1 : i32
      %dma_start3A_1571 = arith.constant 100 : i32
      %dma_start3A_1572 = arith.constant 0 : i32
      %dma_start3A_1573 = tpu.memref_slice %arg11[%dma_start3A_1570, %dma_start3A_1571, %dma_start3A_1572] : memref<2x200x64xf32, #tpu.memory_space<vmem>> -> memref<1x100x64xf32, #tpu.memory_space<vmem>>
      %dma_start3A_1574 = tpu.memref_squeeze %dma_start3A_1573 : memref<1x100x64xf32, #tpu.memory_space<vmem>> -> memref<100x64xf32, #tpu.memory_space<vmem>>
      %dma_start3A_1575 = arith.constant 0 : i32
      %dma_start3A_1576 = tpu.memref_slice %arg7[%dma_start3A_1569, %dma_start3A_1575] : memref<4x100xi32, #tpu.memory_space<vmem>> -> memref<1x100xi32, #tpu.memory_space<vmem>>
      %dma_start3A_1577 = tpu.memref_squeeze %dma_start3A_1576 : memref<1x100xi32, #tpu.memory_space<vmem>> -> memref<100xi32, #tpu.memory_space<vmem>>
      %dma_start3A_1578 = arith.constant 0 : i32
      %dma_start3A_1579 = arith.constant 0 : i32
      %dma_start3A_1580 = tpu.memref_slice %arg3[%dma_start3A_1578, %dma_start3A_1579] : memref<1000000x64xf32, #tpu.memory_space<hbm>> -> memref<1000000x64xf32, #tpu.memory_space<hbm>>
      tpu.enqueue_indirect_dma source(%dma_start3A_1580 : memref<1000000x64xf32, #tpu.memory_space<hbm>>) target(%dma_start3A_1574 : memref<100x64xf32, #tpu.memory_space<vmem>>) offsets(%dma_start3A_1577 : memref<100xi32, #tpu.memory_space<vmem>>) semaphore(%arg20 : memref<!tpu.dma_semaphore, #tpu.memory_space<semaphore_mem>>)
    }
    %scan3A_630 = arith.constant 14 : i32
    %dma_wait3A_631 = arith.constant 0 : i32
    %dma_wait3A_632 = arith.constant 0 : i32
    %dma_wait3A_633 = arith.constant 0 : i32
    %dma_wait3A_634 = arith.constant 0 : i32
    %dma_wait3A_635 = tpu.memref_slice %arg10[%dma_wait3A_632, %dma_wait3A_633, %dma_wait3A_634] : memref<2x200x64xf32, #tpu.memory_space<vmem>> -> memref<1x100x64xf32, #tpu.memory_space<vmem>>
    %dma_wait3A_636 = tpu.memref_squeeze %dma_wait3A_635 : memref<1x100x64xf32, #tpu.memory_space<vmem>> -> memref<100x64xf32, #tpu.memory_space<vmem>>
    %dma_wait3A_637 = arith.constant 0 : i32
    %dma_wait3A_638 = tpu.memref_slice %arg6[%dma_wait3A_631, %dma_wait3A_637] : memref<4x100xi32, #tpu.memory_space<vmem>> -> memref<1x100xi32, #tpu.memory_space<vmem>>
    %dma_wait3A_639 = tpu.memref_squeeze %dma_wait3A_638 : memref<1x100xi32, #tpu.memory_space<vmem>> -> memref<100xi32, #tpu.memory_space<vmem>>
    %dma_wait3A_640 = arith.constant 0 : i32
    %dma_wait3A_641 = arith.constant 0 : i32
    %dma_wait3A_642 = tpu.memref_slice %arg3[%dma_wait3A_640, %dma_wait3A_641] : memref<1000000x64xf32, #tpu.memory_space<hbm>> -> memref<1000000x64xf32, #tpu.memory_space<hbm>>
    tpu.wait_indirect_dma semaphore(%arg19 : memref<!tpu.dma_semaphore, #tpu.memory_space<semaphore_mem>>) src(%dma_wait3A_642 : memref<1000000x64xf32, #tpu.memory_space<hbm>>) dst(%dma_wait3A_636 : memref<100x64xf32, #tpu.memory_space<vmem>>)
    %dma_wait3A_643 = arith.constant 1 : i32
    %dma_wait3A_644 = arith.constant 0 : i32
    %dma_wait3A_645 = arith.constant 100 : i32
    %dma_wait3A_646 = arith.constant 0 : i32
    %dma_wait3A_647 = tpu.memref_slice %arg10[%dma_wait3A_644, %dma_wait3A_645, %dma_wait3A_646] : memref<2x200x64xf32, #tpu.memory_space<vmem>> -> memref<1x100x64xf32, #tpu.memory_space<vmem>>
    %dma_wait3A_648 = tpu.memref_squeeze %dma_wait3A_647 : memref<1x100x64xf32, #tpu.memory_space<vmem>> -> memref<100x64xf32, #tpu.memory_space<vmem>>
    %dma_wait3A_649 = arith.constant 0 : i32
    %dma_wait3A_650 = tpu.memref_slice %arg6[%dma_wait3A_643, %dma_wait3A_649] : memref<4x100xi32, #tpu.memory_space<vmem>> -> memref<1x100xi32, #tpu.memory_space<vmem>>
    %dma_wait3A_651 = tpu.memref_squeeze %dma_wait3A_650 : memref<1x100xi32, #tpu.memory_space<vmem>> -> memref<100xi32, #tpu.memory_space<vmem>>
    %dma_wait3A_652 = arith.constant 0 : i32
    %dma_wait3A_653 = arith.constant 0 : i32
    %dma_wait3A_654 = tpu.memref_slice %arg3[%dma_wait3A_652, %dma_wait3A_653] : memref<1000000x64xf32, #tpu.memory_space<hbm>> -> memref<1000000x64xf32, #tpu.memory_space<hbm>>
    tpu.wait_indirect_dma semaphore(%arg19 : memref<!tpu.dma_semaphore, #tpu.memory_space<semaphore_mem>>) src(%dma_wait3A_654 : memref<1000000x64xf32, #tpu.memory_space<hbm>>) dst(%dma_wait3A_648 : memref<100x64xf32, #tpu.memory_space<vmem>>)
    %dma_wait3A_655 = arith.constant 2 : i32
    %dma_wait3A_656 = arith.constant 1 : i32
    %dma_wait3A_657 = arith.constant 0 : i32
    %dma_wait3A_658 = arith.constant 0 : i32
    %dma_wait3A_659 = tpu.memref_slice %arg10[%dma_wait3A_656, %dma_wait3A_657, %dma_wait3A_658] : memref<2x200x64xf32, #tpu.memory_space<vmem>> -> memref<1x100x64xf32, #tpu.memory_space<vmem>>
    %dma_wait3A_660 = tpu.memref_squeeze %dma_wait3A_659 : memref<1x100x64xf32, #tpu.memory_space<vmem>> -> memref<100x64xf32, #tpu.memory_space<vmem>>
    %dma_wait3A_661 = arith.constant 0 : i32
    %dma_wait3A_662 = tpu.memref_slice %arg6[%dma_wait3A_655, %dma_wait3A_661] : memref<4x100xi32, #tpu.memory_space<vmem>> -> memref<1x100xi32, #tpu.memory_space<vmem>>
    %dma_wait3A_663 = tpu.memref_squeeze %dma_wait3A_662 : memref<1x100xi32, #tpu.memory_space<vmem>> -> memref<100xi32, #tpu.memory_space<vmem>>
    %dma_wait3A_664 = arith.constant 0 : i32
    %dma_wait3A_665 = arith.constant 0 : i32
    %dma_wait3A_666 = tpu.memref_slice %arg3[%dma_wait3A_664, %dma_wait3A_665] : memref<1000000x64xf32, #tpu.memory_space<hbm>> -> memref<1000000x64xf32, #tpu.memory_space<hbm>>
    tpu.wait_indirect_dma semaphore(%arg19 : memref<!tpu.dma_semaphore, #tpu.memory_space<semaphore_mem>>) src(%dma_wait3A_666 : memref<1000000x64xf32, #tpu.memory_space<hbm>>) dst(%dma_wait3A_660 : memref<100x64xf32, #tpu.memory_space<vmem>>)
    %dma_wait3A_667 = arith.constant 3 : i32
    %dma_wait3A_668 = arith.constant 1 : i32
    %dma_wait3A_669 = arith.constant 100 : i32
    %dma_wait3A_670 = arith.constant 0 : i32
    %dma_wait3A_671 = tpu.memref_slice %arg10[%dma_wait3A_668, %dma_wait3A_669, %dma_wait3A_670] : memref<2x200x64xf32, #tpu.memory_space<vmem>> -> memref<1x100x64xf32, #tpu.memory_space<vmem>>
    %dma_wait3A_672 = tpu.memref_squeeze %dma_wait3A_671 : memref<1x100x64xf32, #tpu.memory_space<vmem>> -> memref<100x64xf32, #tpu.memory_space<vmem>>
    %dma_wait3A_673 = arith.constant 0 : i32
    %dma_wait3A_674 = tpu.memref_slice %arg6[%dma_wait3A_667, %dma_wait3A_673] : memref<4x100xi32, #tpu.memory_space<vmem>> -> memref<1x100xi32, #tpu.memory_space<vmem>>
    %dma_wait3A_675 = tpu.memref_squeeze %dma_wait3A_674 : memref<1x100xi32, #tpu.memory_space<vmem>> -> memref<100xi32, #tpu.memory_space<vmem>>
    %dma_wait3A_676 = arith.constant 0 : i32
    %dma_wait3A_677 = arith.constant 0 : i32
    %dma_wait3A_678 = tpu.memref_slice %arg3[%dma_wait3A_676, %dma_wait3A_677] : memref<1000000x64xf32, #tpu.memory_space<hbm>> -> memref<1000000x64xf32, #tpu.memory_space<hbm>>
    tpu.wait_indirect_dma semaphore(%arg19 : memref<!tpu.dma_semaphore, #tpu.memory_space<semaphore_mem>>) src(%dma_wait3A_678 : memref<1000000x64xf32, #tpu.memory_space<hbm>>) dst(%dma_wait3A_672 : memref<100x64xf32, #tpu.memory_space<vmem>>)
    %parallel_loop3A_679 = arith.constant 0 : i32
    %parallel_loop3A_680 = arith.constant 200 : i32
    %parallel_loop3A_681 = arith.constant 1 : i32
    scf.for %parallel_loop3A_1023 = %parallel_loop3A_679 to %parallel_loop3A_680 step %parallel_loop3A_681  : i32 {
      %parallel_loop3A_1024 = arith.index_cast %parallel_loop3A_1023 : i32 to index
      %parallel_loop3A_1025 = arith.constant 0 : index
      %parallel_loop3A_1026 = tpu.vector_load %arg14[%parallel_loop3A_1024, %parallel_loop3A_1025] {strides = array<i32>} : memref<200x64xf32, #tpu.memory_space<vmem>>, vector<1x16xf32>,
      %parallel_loop3A_1027 = vector.shape_cast %parallel_loop3A_1026 : vector<1x16xf32> to vector<16xf32>
      %parallel_loop3A_1028 = arith.constant 0 : i32
      %parallel_loop3A_1029 = arith.index_cast %parallel_loop3A_1028 : i32 to index
      %parallel_loop3A_1030 = arith.index_cast %parallel_loop3A_1023 : i32 to index
      %parallel_loop3A_1031 = arith.constant 0 : index
      %parallel_loop3A_1032 = tpu.vector_load %arg10[%parallel_loop3A_1029, %parallel_loop3A_1030, %parallel_loop3A_1031] {strides = array<i32>} : memref<2x200x64xf32, #tpu.memory_space<vmem>>, vector<1x1x16xf32>,
      %parallel_loop3A_1033 = vector.shape_cast %parallel_loop3A_1032 : vector<1x1x16xf32> to vector<16xf32>
      %parallel_loop3A_1034 = vector.shape_cast %parallel_loop3A_1027 : vector<16xf32> to vector<1x1x16xf32>
      tpu.vector_store %arg10[%parallel_loop3A_1029, %parallel_loop3A_1030, %parallel_loop3A_1031], %parallel_loop3A_1034 {add = true, strides = array<i32>} : memref<2x200x64xf32, #tpu.memory_space<vmem>>, vector<1x1x16xf32>,
      %parallel_loop3A_1035 = arith.constant 1 : i32
      %parallel_loop3A_1036 = arith.index_cast %parallel_loop3A_1035 : i32 to index
      %parallel_loop3A_1037 = arith.index_cast %parallel_loop3A_1023 : i32 to index
      %parallel_loop3A_1038 = arith.constant 0 : index
      %parallel_loop3A_1039 = tpu.vector_load %arg10[%parallel_loop3A_1036, %parallel_loop3A_1037, %parallel_loop3A_1038] {strides = array<i32>} : memref<2x200x64xf32, #tpu.memory_space<vmem>>, vector<1x1x16xf32>,
      %parallel_loop3A_1040 = vector.shape_cast %parallel_loop3A_1039 : vector<1x1x16xf32> to vector<16xf32>
      %parallel_loop3A_1041 = vector.shape_cast %parallel_loop3A_1027 : vector<16xf32> to vector<1x1x16xf32>
      tpu.vector_store %arg10[%parallel_loop3A_1036, %parallel_loop3A_1037, %parallel_loop3A_1038], %parallel_loop3A_1041 {add = true, strides = array<i32>} : memref<2x200x64xf32, #tpu.memory_space<vmem>>, vector<1x1x16xf32>,
      %parallel_loop3A_1042 = arith.index_cast %parallel_loop3A_1023 : i32 to index
      %parallel_loop3A_1043 = arith.constant 16 : index
      %parallel_loop3A_1044 = tpu.vector_load %arg14[%parallel_loop3A_1042, %parallel_loop3A_1043] {strides = array<i32>} : memref<200x64xf32, #tpu.memory_space<vmem>>, vector<1x16xf32>,
      %parallel_loop3A_1045 = vector.shape_cast %parallel_loop3A_1044 : vector<1x16xf32> to vector<16xf32>
      %parallel_loop3A_1046 = arith.constant 0 : i32
      %parallel_loop3A_1047 = arith.index_cast %parallel_loop3A_1046 : i32 to index
      %parallel_loop3A_1048 = arith.index_cast %parallel_loop3A_1023 : i32 to index
      %parallel_loop3A_1049 = arith.constant 16 : index
      %parallel_loop3A_1050 = tpu.vector_load %arg10[%parallel_loop3A_1047, %parallel_loop3A_1048, %parallel_loop3A_1049] {strides = array<i32>} : memref<2x200x64xf32, #tpu.memory_space<vmem>>, vector<1x1x16xf32>,
      %parallel_loop3A_1051 = vector.shape_cast %parallel_loop3A_1050 : vector<1x1x16xf32> to vector<16xf32>
      %parallel_loop3A_1052 = vector.shape_cast %parallel_loop3A_1045 : vector<16xf32> to vector<1x1x16xf32>
      tpu.vector_store %arg10[%parallel_loop3A_1047, %parallel_loop3A_1048, %parallel_loop3A_1049], %parallel_loop3A_1052 {add = true, strides = array<i32>} : memref<2x200x64xf32, #tpu.memory_space<vmem>>, vector<1x1x16xf32>,
      %parallel_loop3A_1053 = arith.constant 1 : i32
      %parallel_loop3A_1054 = arith.index_cast %parallel_loop3A_1053 : i32 to index
      %parallel_loop3A_1055 = arith.index_cast %parallel_loop3A_1023 : i32 to index
      %parallel_loop3A_1056 = arith.constant 16 : index
      %parallel_loop3A_1057 = tpu.vector_load %arg10[%parallel_loop3A_1054, %parallel_loop3A_1055, %parallel_loop3A_1056] {strides = array<i32>} : memref<2x200x64xf32, #tpu.memory_space<vmem>>, vector<1x1x16xf32>,
      %parallel_loop3A_1058 = vector.shape_cast %parallel_loop3A_1057 : vector<1x1x16xf32> to vector<16xf32>
      %parallel_loop3A_1059 = vector.shape_cast %parallel_loop3A_1045 : vector<16xf32> to vector<1x1x16xf32>
      tpu.vector_store %arg10[%parallel_loop3A_1054, %parallel_loop3A_1055, %parallel_loop3A_1056], %parallel_loop3A_1059 {add = true, strides = array<i32>} : memref<2x200x64xf32, #tpu.memory_space<vmem>>, vector<1x1x16xf32>,
      %parallel_loop3A_1060 = arith.index_cast %parallel_loop3A_1023 : i32 to index
      %parallel_loop3A_1061 = arith.constant 32 : index
      %parallel_loop3A_1062 = tpu.vector_load %arg14[%parallel_loop3A_1060, %parallel_loop3A_1061] {strides = array<i32>} : memref<200x64xf32, #tpu.memory_space<vmem>>, vector<1x16xf32>,
      %parallel_loop3A_1063 = vector.shape_cast %parallel_loop3A_1062 : vector<1x16xf32> to vector<16xf32>
      %parallel_loop3A_1064 = arith.constant 0 : i32
      %parallel_loop3A_1065 = arith.index_cast %parallel_loop3A_1064 : i32 to index
      %parallel_loop3A_1066 = arith.index_cast %parallel_loop3A_1023 : i32 to index
      %parallel_loop3A_1067 = arith.constant 32 : index
      %parallel_loop3A_1068 = tpu.vector_load %arg10[%parallel_loop3A_1065, %parallel_loop3A_1066, %parallel_loop3A_1067] {strides = array<i32>} : memref<2x200x64xf32, #tpu.memory_space<vmem>>, vector<1x1x16xf32>,
      %parallel_loop3A_1069 = vector.shape_cast %parallel_loop3A_1068 : vector<1x1x16xf32> to vector<16xf32>
      %parallel_loop3A_1070 = vector.shape_cast %parallel_loop3A_1063 : vector<16xf32> to vector<1x1x16xf32>
      tpu.vector_store %arg10[%parallel_loop3A_1065, %parallel_loop3A_1066, %parallel_loop3A_1067], %parallel_loop3A_1070 {add = true, strides = array<i32>} : memref<2x200x64xf32, #tpu.memory_space<vmem>>, vector<1x1x16xf32>,
      %parallel_loop3A_1071 = arith.constant 1 : i32
      %parallel_loop3A_1072 = arith.index_cast %parallel_loop3A_1071 : i32 to index
      %parallel_loop3A_1073 = arith.index_cast %parallel_loop3A_1023 : i32 to index
      %parallel_loop3A_1074 = arith.constant 32 : index
      %parallel_loop3A_1075 = tpu.vector_load %arg10[%parallel_loop3A_1072, %parallel_loop3A_1073, %parallel_loop3A_1074] {strides = array<i32>} : memref<2x200x64xf32, #tpu.memory_space<vmem>>, vector<1x1x16xf32>,
      %parallel_loop3A_1076 = vector.shape_cast %parallel_loop3A_1075 : vector<1x1x16xf32> to vector<16xf32>
      %parallel_loop3A_1077 = vector.shape_cast %parallel_loop3A_1063 : vector<16xf32> to vector<1x1x16xf32>
      tpu.vector_store %arg10[%parallel_loop3A_1072, %parallel_loop3A_1073, %parallel_loop3A_1074], %parallel_loop3A_1077 {add = true, strides = array<i32>} : memref<2x200x64xf32, #tpu.memory_space<vmem>>, vector<1x1x16xf32>,
      %parallel_loop3A_1078 = arith.index_cast %parallel_loop3A_1023 : i32 to index
      %parallel_loop3A_1079 = arith.constant 48 : index
      %parallel_loop3A_1080 = tpu.vector_load %arg14[%parallel_loop3A_1078, %parallel_loop3A_1079] {strides = array<i32>} : memref<200x64xf32, #tpu.memory_space<vmem>>, vector<1x16xf32>,
      %parallel_loop3A_1081 = vector.shape_cast %parallel_loop3A_1080 : vector<1x16xf32> to vector<16xf32>
      %parallel_loop3A_1082 = arith.constant 0 : i32
      %parallel_loop3A_1083 = arith.index_cast %parallel_loop3A_1082 : i32 to index
      %parallel_loop3A_1084 = arith.index_cast %parallel_loop3A_1023 : i32 to index
      %parallel_loop3A_1085 = arith.constant 48 : index
      %parallel_loop3A_1086 = tpu.vector_load %arg10[%parallel_loop3A_1083, %parallel_loop3A_1084, %parallel_loop3A_1085] {strides = array<i32>} : memref<2x200x64xf32, #tpu.memory_space<vmem>>, vector<1x1x16xf32>,
      %parallel_loop3A_1087 = vector.shape_cast %parallel_loop3A_1086 : vector<1x1x16xf32> to vector<16xf32>
      %parallel_loop3A_1088 = vector.shape_cast %parallel_loop3A_1081 : vector<16xf32> to vector<1x1x16xf32>
      tpu.vector_store %arg10[%parallel_loop3A_1083, %parallel_loop3A_1084, %parallel_loop3A_1085], %parallel_loop3A_1088 {add = true, strides = array<i32>} : memref<2x200x64xf32, #tpu.memory_space<vmem>>, vector<1x1x16xf32>,
      %parallel_loop3A_1089 = arith.constant 1 : i32
      %parallel_loop3A_1090 = arith.index_cast %parallel_loop3A_1089 : i32 to index
      %parallel_loop3A_1091 = arith.index_cast %parallel_loop3A_1023 : i32 to index
      %parallel_loop3A_1092 = arith.constant 48 : index
      %parallel_loop3A_1093 = tpu.vector_load %arg10[%parallel_loop3A_1090, %parallel_loop3A_1091, %parallel_loop3A_1092] {strides = array<i32>} : memref<2x200x64xf32, #tpu.memory_space<vmem>>, vector<1x1x16xf32>,
      %parallel_loop3A_1094 = vector.shape_cast %parallel_loop3A_1093 : vector<1x1x16xf32> to vector<16xf32>
      %parallel_loop3A_1095 = vector.shape_cast %parallel_loop3A_1081 : vector<16xf32> to vector<1x1x16xf32>
      tpu.vector_store %arg10[%parallel_loop3A_1090, %parallel_loop3A_1091, %parallel_loop3A_1092], %parallel_loop3A_1095 {add = true, strides = array<i32>} : memref<2x200x64xf32, #tpu.memory_space<vmem>>, vector<1x1x16xf32>,
    } {sc.loop_unroll_factor = 4 : i64, sc.parallel_access}
    %add3A_682 = arith.constant 120 : i32
    %add3A_683 = arith.addi %mul3A_2, %add3A_682 : i32
    %dma_start3A_684 = arith.constant 0 : i32
    %dma_start3A_685 = arith.constant 0 : i32
    %dma_start3A_686 = tpu.memref_slice %arg5[%add3A_683, %dma_start3A_684, %dma_start3A_685] : memref<4096x200x64xf32, #tpu.memory_space<hbm>> -> memref<2x200x64xf32, #tpu.memory_space<hbm>>
    %dma_start3A_687 = arith.constant 0 : i32
    %dma_start3A_688 = arith.constant 0 : i32
    %dma_start3A_689 = tpu.memref_slice %arg5[%add3A_683, %dma_start3A_687, %dma_start3A_688] : memref<4096x200x64xf32, #tpu.memory_space<hbm>> -> memref<2x200x64xf32, #tpu.memory_space<hbm>>
    tpu.enqueue_dma source(%arg10 : memref<2x200x64xf32, #tpu.memory_space<vmem>>) target(%dma_start3A_689 : memref<2x200x64xf32, #tpu.memory_space<hbm>>) target_semaphore(%arg23 : memref<!tpu.dma_semaphore, #tpu.memory_space<semaphore_mem>>)
    %add3A_690 = arith.constant 116 : i32
    %add3A_691 = arith.addi %mul3A_2, %add3A_690 : i32
    %dma_wait3A_692 = arith.constant 0 : i32
    %dma_wait3A_693 = arith.constant 0 : i32
    %dma_wait3A_694 = tpu.memref_slice %arg5[%add3A_691, %dma_wait3A_692, %dma_wait3A_693] : memref<4096x200x64xf32, #tpu.memory_space<hbm>> -> memref<2x200x64xf32, #tpu.memory_space<hbm>>
    %dma_wait3A_695 = arith.constant 0 : i32
    %dma_wait3A_696 = arith.constant 0 : i32
    %dma_wait3A_697 = tpu.memref_slice %arg5[%add3A_691, %dma_wait3A_695, %dma_wait3A_696] : memref<4096x200x64xf32, #tpu.memory_space<hbm>> -> memref<2x200x64xf32, #tpu.memory_space<hbm>>
    tpu.wait_dma2 semaphore(%arg25 : memref<!tpu.dma_semaphore, #tpu.memory_space<semaphore_mem>>) src(%arg12 : memref<2x200x64xf32, #tpu.memory_space<vmem>>) dst(%dma_wait3A_697 : memref<2x200x64xf32, #tpu.memory_space<hbm>>)
    %add3A_698 = arith.constant 248 : i32
    %add3A_699 = arith.addi %mul3A_4, %add3A_698 : i32
    %dma_wait3A_700 = arith.constant 0 : i32
    %dma_wait3A_701 = tpu.memref_slice %arg2[%add3A_699, %dma_wait3A_700] : memref<8192x100xi32, #tpu.memory_space<hbm>> -> memref<4x100xi32, #tpu.memory_space<hbm>>
    %dma_wait3A_702 = arith.constant 0 : i32
    %dma_wait3A_703 = tpu.memref_slice %arg2[%add3A_699, %dma_wait3A_702] : memref<8192x100xi32, #tpu.memory_space<hbm>> -> memref<4x100xi32, #tpu.memory_space<hbm>>
    tpu.wait_dma2 semaphore(%arg17 : memref<!tpu.dma_semaphore, #tpu.memory_space<semaphore_mem>>) src(%dma_wait3A_703 : memref<4x100xi32, #tpu.memory_space<hbm>>) dst(%arg8 : memref<4x100xi32, #tpu.memory_space<vmem>>)
    %dma_start3A_704 = arith.constant 0 : i32
    %dma_start3A_705 = arith.constant 0 : i32
    %dma_start3A_706 = arith.constant 0 : i32
    %dma_start3A_707 = arith.constant 0 : i32
    %dma_start3A_708 = tpu.memref_slice %arg12[%dma_start3A_705, %dma_start3A_706, %dma_start3A_707] : memref<2x200x64xf32, #tpu.memory_space<vmem>> -> memref<1x100x64xf32, #tpu.memory_space<vmem>>
    %dma_start3A_709 = tpu.memref_squeeze %dma_start3A_708 : memref<1x100x64xf32, #tpu.memory_space<vmem>> -> memref<100x64xf32, #tpu.memory_space<vmem>>
    %dma_start3A_710 = arith.constant 0 : i32
    %dma_start3A_711 = tpu.memref_slice %arg8[%dma_start3A_704, %dma_start3A_710] : memref<4x100xi32, #tpu.memory_space<vmem>> -> memref<1x100xi32, #tpu.memory_space<vmem>>
    %dma_start3A_712 = tpu.memref_squeeze %dma_start3A_711 : memref<1x100xi32, #tpu.memory_space<vmem>> -> memref<100xi32, #tpu.memory_space<vmem>>
    %dma_start3A_713 = arith.constant 0 : i32
    %dma_start3A_714 = arith.constant 0 : i32
    %dma_start3A_715 = tpu.memref_slice %arg3[%dma_start3A_713, %dma_start3A_714] : memref<1000000x64xf32, #tpu.memory_space<hbm>> -> memref<1000000x64xf32, #tpu.memory_space<hbm>>
    tpu.enqueue_indirect_dma source(%dma_start3A_715 : memref<1000000x64xf32, #tpu.memory_space<hbm>>) target(%dma_start3A_709 : memref<100x64xf32, #tpu.memory_space<vmem>>) offsets(%dma_start3A_712 : memref<100xi32, #tpu.memory_space<vmem>>) semaphore(%arg21 : memref<!tpu.dma_semaphore, #tpu.memory_space<semaphore_mem>>)
    %dma_start3A_716 = arith.constant 1 : i32
    %dma_start3A_717 = arith.constant 0 : i32
    %dma_start3A_718 = arith.constant 100 : i32
    %dma_start3A_719 = arith.constant 0 : i32
    %dma_start3A_720 = tpu.memref_slice %arg12[%dma_start3A_717, %dma_start3A_718, %dma_start3A_719] : memref<2x200x64xf32, #tpu.memory_space<vmem>> -> memref<1x100x64xf32, #tpu.memory_space<vmem>>
    %dma_start3A_721 = tpu.memref_squeeze %dma_start3A_720 : memref<1x100x64xf32, #tpu.memory_space<vmem>> -> memref<100x64xf32, #tpu.memory_space<vmem>>
    %dma_start3A_722 = arith.constant 0 : i32
    %dma_start3A_723 = tpu.memref_slice %arg8[%dma_start3A_716, %dma_start3A_722] : memref<4x100xi32, #tpu.memory_space<vmem>> -> memref<1x100xi32, #tpu.memory_space<vmem>>
    %dma_start3A_724 = tpu.memref_squeeze %dma_start3A_723 : memref<1x100xi32, #tpu.memory_space<vmem>> -> memref<100xi32, #tpu.memory_space<vmem>>
    %dma_start3A_725 = arith.constant 0 : i32
    %dma_start3A_726 = arith.constant 0 : i32
    %dma_start3A_727 = tpu.memref_slice %arg3[%dma_start3A_725, %dma_start3A_726] : memref<1000000x64xf32, #tpu.memory_space<hbm>> -> memref<1000000x64xf32, #tpu.memory_space<hbm>>
    tpu.enqueue_indirect_dma source(%dma_start3A_727 : memref<1000000x64xf32, #tpu.memory_space<hbm>>) target(%dma_start3A_721 : memref<100x64xf32, #tpu.memory_space<vmem>>) offsets(%dma_start3A_724 : memref<100xi32, #tpu.memory_space<vmem>>) semaphore(%arg21 : memref<!tpu.dma_semaphore, #tpu.memory_space<semaphore_mem>>)
    %dma_start3A_728 = arith.constant 2 : i32
    %dma_start3A_729 = arith.constant 1 : i32
    %dma_start3A_730 = arith.constant 0 : i32
    %dma_start3A_731 = arith.constant 0 : i32
    %dma_start3A_732 = tpu.memref_slice %arg12[%dma_start3A_729, %dma_start3A_730, %dma_start3A_731] : memref<2x200x64xf32, #tpu.memory_space<vmem>> -> memref<1x100x64xf32, #tpu.memory_space<vmem>>
    %dma_start3A_733 = tpu.memref_squeeze %dma_start3A_732 : memref<1x100x64xf32, #tpu.memory_space<vmem>> -> memref<100x64xf32, #tpu.memory_space<vmem>>
    %dma_start3A_734 = arith.constant 0 : i32
    %dma_start3A_735 = tpu.memref_slice %arg8[%dma_start3A_728, %dma_start3A_734] : memref<4x100xi32, #tpu.memory_space<vmem>> -> memref<1x100xi32, #tpu.memory_space<vmem>>
    %dma_start3A_736 = tpu.memref_squeeze %dma_start3A_735 : memref<1x100xi32, #tpu.memory_space<vmem>> -> memref<100xi32, #tpu.memory_space<vmem>>
    %dma_start3A_737 = arith.constant 0 : i32
    %dma_start3A_738 = arith.constant 0 : i32
    %dma_start3A_739 = tpu.memref_slice %arg3[%dma_start3A_737, %dma_start3A_738] : memref<1000000x64xf32, #tpu.memory_space<hbm>> -> memref<1000000x64xf32, #tpu.memory_space<hbm>>
    tpu.enqueue_indirect_dma source(%dma_start3A_739 : memref<1000000x64xf32, #tpu.memory_space<hbm>>) target(%dma_start3A_733 : memref<100x64xf32, #tpu.memory_space<vmem>>) offsets(%dma_start3A_736 : memref<100xi32, #tpu.memory_space<vmem>>) semaphore(%arg21 : memref<!tpu.dma_semaphore, #tpu.memory_space<semaphore_mem>>)
    %dma_start3A_740 = arith.constant 3 : i32
    %dma_start3A_741 = arith.constant 1 : i32
    %dma_start3A_742 = arith.constant 100 : i32
    %dma_start3A_743 = arith.constant 0 : i32
    %dma_start3A_744 = tpu.memref_slice %arg12[%dma_start3A_741, %dma_start3A_742, %dma_start3A_743] : memref<2x200x64xf32, #tpu.memory_space<vmem>> -> memref<1x100x64xf32, #tpu.memory_space<vmem>>
    %dma_start3A_745 = tpu.memref_squeeze %dma_start3A_744 : memref<1x100x64xf32, #tpu.memory_space<vmem>> -> memref<100x64xf32, #tpu.memory_space<vmem>>
    %dma_start3A_746 = arith.constant 0 : i32
    %dma_start3A_747 = tpu.memref_slice %arg8[%dma_start3A_740, %dma_start3A_746] : memref<4x100xi32, #tpu.memory_space<vmem>> -> memref<1x100xi32, #tpu.memory_space<vmem>>
    %dma_start3A_748 = tpu.memref_squeeze %dma_start3A_747 : memref<1x100xi32, #tpu.memory_space<vmem>> -> memref<100xi32, #tpu.memory_space<vmem>>
    %dma_start3A_749 = arith.constant 0 : i32
    %dma_start3A_750 = arith.constant 0 : i32
    %dma_start3A_751 = tpu.memref_slice %arg3[%dma_start3A_749, %dma_start3A_750] : memref<1000000x64xf32, #tpu.memory_space<hbm>> -> memref<1000000x64xf32, #tpu.memory_space<hbm>>
    tpu.enqueue_indirect_dma source(%dma_start3A_751 : memref<1000000x64xf32, #tpu.memory_space<hbm>>) target(%dma_start3A_745 : memref<100x64xf32, #tpu.memory_space<vmem>>) offsets(%dma_start3A_748 : memref<100xi32, #tpu.memory_space<vmem>>) semaphore(%arg21 : memref<!tpu.dma_semaphore, #tpu.memory_space<semaphore_mem>>)
    %dma_wait3A_752 = arith.constant 0 : i32
    %dma_wait3A_753 = arith.constant 0 : i32
    %dma_wait3A_754 = arith.constant 0 : i32
    %dma_wait3A_755 = arith.constant 0 : i32
    %dma_wait3A_756 = tpu.memref_slice %arg11[%dma_wait3A_753, %dma_wait3A_754, %dma_wait3A_755] : memref<2x200x64xf32, #tpu.memory_space<vmem>> -> memref<1x100x64xf32, #tpu.memory_space<vmem>>
    %dma_wait3A_757 = tpu.memref_squeeze %dma_wait3A_756 : memref<1x100x64xf32, #tpu.memory_space<vmem>> -> memref<100x64xf32, #tpu.memory_space<vmem>>
    %dma_wait3A_758 = arith.constant 0 : i32
    %dma_wait3A_759 = tpu.memref_slice %arg7[%dma_wait3A_752, %dma_wait3A_758] : memref<4x100xi32, #tpu.memory_space<vmem>> -> memref<1x100xi32, #tpu.memory_space<vmem>>
    %dma_wait3A_760 = tpu.memref_squeeze %dma_wait3A_759 : memref<1x100xi32, #tpu.memory_space<vmem>> -> memref<100xi32, #tpu.memory_space<vmem>>
    %dma_wait3A_761 = arith.constant 0 : i32
    %dma_wait3A_762 = arith.constant 0 : i32
    %dma_wait3A_763 = tpu.memref_slice %arg3[%dma_wait3A_761, %dma_wait3A_762] : memref<1000000x64xf32, #tpu.memory_space<hbm>> -> memref<1000000x64xf32, #tpu.memory_space<hbm>>
    tpu.wait_indirect_dma semaphore(%arg20 : memref<!tpu.dma_semaphore, #tpu.memory_space<semaphore_mem>>) src(%dma_wait3A_763 : memref<1000000x64xf32, #tpu.memory_space<hbm>>) dst(%dma_wait3A_757 : memref<100x64xf32, #tpu.memory_space<vmem>>)
    %dma_wait3A_764 = arith.constant 1 : i32
    %dma_wait3A_765 = arith.constant 0 : i32
    %dma_wait3A_766 = arith.constant 100 : i32
    %dma_wait3A_767 = arith.constant 0 : i32
    %dma_wait3A_768 = tpu.memref_slice %arg11[%dma_wait3A_765, %dma_wait3A_766, %dma_wait3A_767] : memref<2x200x64xf32, #tpu.memory_space<vmem>> -> memref<1x100x64xf32, #tpu.memory_space<vmem>>
    %dma_wait3A_769 = tpu.memref_squeeze %dma_wait3A_768 : memref<1x100x64xf32, #tpu.memory_space<vmem>> -> memref<100x64xf32, #tpu.memory_space<vmem>>
    %dma_wait3A_770 = arith.constant 0 : i32
    %dma_wait3A_771 = tpu.memref_slice %arg7[%dma_wait3A_764, %dma_wait3A_770] : memref<4x100xi32, #tpu.memory_space<vmem>> -> memref<1x100xi32, #tpu.memory_space<vmem>>
    %dma_wait3A_772 = tpu.memref_squeeze %dma_wait3A_771 : memref<1x100xi32, #tpu.memory_space<vmem>> -> memref<100xi32, #tpu.memory_space<vmem>>
    %dma_wait3A_773 = arith.constant 0 : i32
    %dma_wait3A_774 = arith.constant 0 : i32
    %dma_wait3A_775 = tpu.memref_slice %arg3[%dma_wait3A_773, %dma_wait3A_774] : memref<1000000x64xf32, #tpu.memory_space<hbm>> -> memref<1000000x64xf32, #tpu.memory_space<hbm>>
    tpu.wait_indirect_dma semaphore(%arg20 : memref<!tpu.dma_semaphore, #tpu.memory_space<semaphore_mem>>) src(%dma_wait3A_775 : memref<1000000x64xf32, #tpu.memory_space<hbm>>) dst(%dma_wait3A_769 : memref<100x64xf32, #tpu.memory_space<vmem>>)
    %dma_wait3A_776 = arith.constant 2 : i32
    %dma_wait3A_777 = arith.constant 1 : i32
    %dma_wait3A_778 = arith.constant 0 : i32
    %dma_wait3A_779 = arith.constant 0 : i32
    %dma_wait3A_780 = tpu.memref_slice %arg11[%dma_wait3A_777, %dma_wait3A_778, %dma_wait3A_779] : memref<2x200x64xf32, #tpu.memory_space<vmem>> -> memref<1x100x64xf32, #tpu.memory_space<vmem>>
    %dma_wait3A_781 = tpu.memref_squeeze %dma_wait3A_780 : memref<1x100x64xf32, #tpu.memory_space<vmem>> -> memref<100x64xf32, #tpu.memory_space<vmem>>
    %dma_wait3A_782 = arith.constant 0 : i32
    %dma_wait3A_783 = tpu.memref_slice %arg7[%dma_wait3A_776, %dma_wait3A_782] : memref<4x100xi32, #tpu.memory_space<vmem>> -> memref<1x100xi32, #tpu.memory_space<vmem>>
    %dma_wait3A_784 = tpu.memref_squeeze %dma_wait3A_783 : memref<1x100xi32, #tpu.memory_space<vmem>> -> memref<100xi32, #tpu.memory_space<vmem>>
    %dma_wait3A_785 = arith.constant 0 : i32
    %dma_wait3A_786 = arith.constant 0 : i32
    %dma_wait3A_787 = tpu.memref_slice %arg3[%dma_wait3A_785, %dma_wait3A_786] : memref<1000000x64xf32, #tpu.memory_space<hbm>> -> memref<1000000x64xf32, #tpu.memory_space<hbm>>
    tpu.wait_indirect_dma semaphore(%arg20 : memref<!tpu.dma_semaphore, #tpu.memory_space<semaphore_mem>>) src(%dma_wait3A_787 : memref<1000000x64xf32, #tpu.memory_space<hbm>>) dst(%dma_wait3A_781 : memref<100x64xf32, #tpu.memory_space<vmem>>)
    %dma_wait3A_788 = arith.constant 3 : i32
    %dma_wait3A_789 = arith.constant 1 : i32
    %dma_wait3A_790 = arith.constant 100 : i32
    %dma_wait3A_791 = arith.constant 0 : i32
    %dma_wait3A_792 = tpu.memref_slice %arg11[%dma_wait3A_789, %dma_wait3A_790, %dma_wait3A_791] : memref<2x200x64xf32, #tpu.memory_space<vmem>> -> memref<1x100x64xf32, #tpu.memory_space<vmem>>
    %dma_wait3A_793 = tpu.memref_squeeze %dma_wait3A_792 : memref<1x100x64xf32, #tpu.memory_space<vmem>> -> memref<100x64xf32, #tpu.memory_space<vmem>>
    %dma_wait3A_794 = arith.constant 0 : i32
    %dma_wait3A_795 = tpu.memref_slice %arg7[%dma_wait3A_788, %dma_wait3A_794] : memref<4x100xi32, #tpu.memory_space<vmem>> -> memref<1x100xi32, #tpu.memory_space<vmem>>
    %dma_wait3A_796 = tpu.memref_squeeze %dma_wait3A_795 : memref<1x100xi32, #tpu.memory_space<vmem>> -> memref<100xi32, #tpu.memory_space<vmem>>
    %dma_wait3A_797 = arith.constant 0 : i32
    %dma_wait3A_798 = arith.constant 0 : i32
    %dma_wait3A_799 = tpu.memref_slice %arg3[%dma_wait3A_797, %dma_wait3A_798] : memref<1000000x64xf32, #tpu.memory_space<hbm>> -> memref<1000000x64xf32, #tpu.memory_space<hbm>>
    tpu.wait_indirect_dma semaphore(%arg20 : memref<!tpu.dma_semaphore, #tpu.memory_space<semaphore_mem>>) src(%dma_wait3A_799 : memref<1000000x64xf32, #tpu.memory_space<hbm>>) dst(%dma_wait3A_793 : memref<100x64xf32, #tpu.memory_space<vmem>>)
    %parallel_loop3A_800 = arith.constant 0 : i32
    %parallel_loop3A_801 = arith.constant 200 : i32
    %parallel_loop3A_802 = arith.constant 1 : i32
    scf.for %parallel_loop3A_1023 = %parallel_loop3A_800 to %parallel_loop3A_801 step %parallel_loop3A_802  : i32 {
      %parallel_loop3A_1024 = arith.index_cast %parallel_loop3A_1023 : i32 to index
      %parallel_loop3A_1025 = arith.constant 0 : index
      %parallel_loop3A_1026 = tpu.vector_load %arg14[%parallel_loop3A_1024, %parallel_loop3A_1025] {strides = array<i32>} : memref<200x64xf32, #tpu.memory_space<vmem>>, vector<1x16xf32>,
      %parallel_loop3A_1027 = vector.shape_cast %parallel_loop3A_1026 : vector<1x16xf32> to vector<16xf32>
      %parallel_loop3A_1028 = arith.constant 0 : i32
      %parallel_loop3A_1029 = arith.index_cast %parallel_loop3A_1028 : i32 to index
      %parallel_loop3A_1030 = arith.index_cast %parallel_loop3A_1023 : i32 to index
      %parallel_loop3A_1031 = arith.constant 0 : index
      %parallel_loop3A_1032 = tpu.vector_load %arg11[%parallel_loop3A_1029, %parallel_loop3A_1030, %parallel_loop3A_1031] {strides = array<i32>} : memref<2x200x64xf32, #tpu.memory_space<vmem>>, vector<1x1x16xf32>,
      %parallel_loop3A_1033 = vector.shape_cast %parallel_loop3A_1032 : vector<1x1x16xf32> to vector<16xf32>
      %parallel_loop3A_1034 = vector.shape_cast %parallel_loop3A_1027 : vector<16xf32> to vector<1x1x16xf32>
      tpu.vector_store %arg11[%parallel_loop3A_1029, %parallel_loop3A_1030, %parallel_loop3A_1031], %parallel_loop3A_1034 {add = true, strides = array<i32>} : memref<2x200x64xf32, #tpu.memory_space<vmem>>, vector<1x1x16xf32>,
      %parallel_loop3A_1035 = arith.constant 1 : i32
      %parallel_loop3A_1036 = arith.index_cast %parallel_loop3A_1035 : i32 to index
      %parallel_loop3A_1037 = arith.index_cast %parallel_loop3A_1023 : i32 to index
      %parallel_loop3A_1038 = arith.constant 0 : index
      %parallel_loop3A_1039 = tpu.vector_load %arg11[%parallel_loop3A_1036, %parallel_loop3A_1037, %parallel_loop3A_1038] {strides = array<i32>} : memref<2x200x64xf32, #tpu.memory_space<vmem>>, vector<1x1x16xf32>,
      %parallel_loop3A_1040 = vector.shape_cast %parallel_loop3A_1039 : vector<1x1x16xf32> to vector<16xf32>
      %parallel_loop3A_1041 = vector.shape_cast %parallel_loop3A_1027 : vector<16xf32> to vector<1x1x16xf32>
      tpu.vector_store %arg11[%parallel_loop3A_1036, %parallel_loop3A_1037, %parallel_loop3A_1038], %parallel_loop3A_1041 {add = true, strides = array<i32>} : memref<2x200x64xf32, #tpu.memory_space<vmem>>, vector<1x1x16xf32>,
      %parallel_loop3A_1042 = arith.index_cast %parallel_loop3A_1023 : i32 to index
      %parallel_loop3A_1043 = arith.constant 16 : index
      %parallel_loop3A_1044 = tpu.vector_load %arg14[%parallel_loop3A_1042, %parallel_loop3A_1043] {strides = array<i32>} : memref<200x64xf32, #tpu.memory_space<vmem>>, vector<1x16xf32>,
      %parallel_loop3A_1045 = vector.shape_cast %parallel_loop3A_1044 : vector<1x16xf32> to vector<16xf32>
      %parallel_loop3A_1046 = arith.constant 0 : i32
      %parallel_loop3A_1047 = arith.index_cast %parallel_loop3A_1046 : i32 to index
      %parallel_loop3A_1048 = arith.index_cast %parallel_loop3A_1023 : i32 to index
      %parallel_loop3A_1049 = arith.constant 16 : index
      %parallel_loop3A_1050 = tpu.vector_load %arg11[%parallel_loop3A_1047, %parallel_loop3A_1048, %parallel_loop3A_1049] {strides = array<i32>} : memref<2x200x64xf32, #tpu.memory_space<vmem>>, vector<1x1x16xf32>,
      %parallel_loop3A_1051 = vector.shape_cast %parallel_loop3A_1050 : vector<1x1x16xf32> to vector<16xf32>
      %parallel_loop3A_1052 = vector.shape_cast %parallel_loop3A_1045 : vector<16xf32> to vector<1x1x16xf32>
      tpu.vector_store %arg11[%parallel_loop3A_1047, %parallel_loop3A_1048, %parallel_loop3A_1049], %parallel_loop3A_1052 {add = true, strides = array<i32>} : memref<2x200x64xf32, #tpu.memory_space<vmem>>, vector<1x1x16xf32>,
      %parallel_loop3A_1053 = arith.constant 1 : i32
      %parallel_loop3A_1054 = arith.index_cast %parallel_loop3A_1053 : i32 to index
      %parallel_loop3A_1055 = arith.index_cast %parallel_loop3A_1023 : i32 to index
      %parallel_loop3A_1056 = arith.constant 16 : index
      %parallel_loop3A_1057 = tpu.vector_load %arg11[%parallel_loop3A_1054, %parallel_loop3A_1055, %parallel_loop3A_1056] {strides = array<i32>} : memref<2x200x64xf32, #tpu.memory_space<vmem>>, vector<1x1x16xf32>,
      %parallel_loop3A_1058 = vector.shape_cast %parallel_loop3A_1057 : vector<1x1x16xf32> to vector<16xf32>
      %parallel_loop3A_1059 = vector.shape_cast %parallel_loop3A_1045 : vector<16xf32> to vector<1x1x16xf32>
      tpu.vector_store %arg11[%parallel_loop3A_1054, %parallel_loop3A_1055, %parallel_loop3A_1056], %parallel_loop3A_1059 {add = true, strides = array<i32>} : memref<2x200x64xf32, #tpu.memory_space<vmem>>, vector<1x1x16xf32>,
      %parallel_loop3A_1060 = arith.index_cast %parallel_loop3A_1023 : i32 to index
      %parallel_loop3A_1061 = arith.constant 32 : index
      %parallel_loop3A_1062 = tpu.vector_load %arg14[%parallel_loop3A_1060, %parallel_loop3A_1061] {strides = array<i32>} : memref<200x64xf32, #tpu.memory_space<vmem>>, vector<1x16xf32>,
      %parallel_loop3A_1063 = vector.shape_cast %parallel_loop3A_1062 : vector<1x16xf32> to vector<16xf32>
      %parallel_loop3A_1064 = arith.constant 0 : i32
      %parallel_loop3A_1065 = arith.index_cast %parallel_loop3A_1064 : i32 to index
      %parallel_loop3A_1066 = arith.index_cast %parallel_loop3A_1023 : i32 to index
      %parallel_loop3A_1067 = arith.constant 32 : index
      %parallel_loop3A_1068 = tpu.vector_load %arg11[%parallel_loop3A_1065, %parallel_loop3A_1066, %parallel_loop3A_1067] {strides = array<i32>} : memref<2x200x64xf32, #tpu.memory_space<vmem>>, vector<1x1x16xf32>,
      %parallel_loop3A_1069 = vector.shape_cast %parallel_loop3A_1068 : vector<1x1x16xf32> to vector<16xf32>
      %parallel_loop3A_1070 = vector.shape_cast %parallel_loop3A_1063 : vector<16xf32> to vector<1x1x16xf32>
      tpu.vector_store %arg11[%parallel_loop3A_1065, %parallel_loop3A_1066, %parallel_loop3A_1067], %parallel_loop3A_1070 {add = true, strides = array<i32>} : memref<2x200x64xf32, #tpu.memory_space<vmem>>, vector<1x1x16xf32>,
      %parallel_loop3A_1071 = arith.constant 1 : i32
      %parallel_loop3A_1072 = arith.index_cast %parallel_loop3A_1071 : i32 to index
      %parallel_loop3A_1073 = arith.index_cast %parallel_loop3A_1023 : i32 to index
      %parallel_loop3A_1074 = arith.constant 32 : index
      %parallel_loop3A_1075 = tpu.vector_load %arg11[%parallel_loop3A_1072, %parallel_loop3A_1073, %parallel_loop3A_1074] {strides = array<i32>} : memref<2x200x64xf32, #tpu.memory_space<vmem>>, vector<1x1x16xf32>,
      %parallel_loop3A_1076 = vector.shape_cast %parallel_loop3A_1075 : vector<1x1x16xf32> to vector<16xf32>
      %parallel_loop3A_1077 = vector.shape_cast %parallel_loop3A_1063 : vector<16xf32> to vector<1x1x16xf32>
      tpu.vector_store %arg11[%parallel_loop3A_1072, %parallel_loop3A_1073, %parallel_loop3A_1074], %parallel_loop3A_1077 {add = true, strides = array<i32>} : memref<2x200x64xf32, #tpu.memory_space<vmem>>, vector<1x1x16xf32>,
      %parallel_loop3A_1078 = arith.index_cast %parallel_loop3A_1023 : i32 to index
      %parallel_loop3A_1079 = arith.constant 48 : index
      %parallel_loop3A_1080 = tpu.vector_load %arg14[%parallel_loop3A_1078, %parallel_loop3A_1079] {strides = array<i32>} : memref<200x64xf32, #tpu.memory_space<vmem>>, vector<1x16xf32>,
      %parallel_loop3A_1081 = vector.shape_cast %parallel_loop3A_1080 : vector<1x16xf32> to vector<16xf32>
      %parallel_loop3A_1082 = arith.constant 0 : i32
      %parallel_loop3A_1083 = arith.index_cast %parallel_loop3A_1082 : i32 to index
      %parallel_loop3A_1084 = arith.index_cast %parallel_loop3A_1023 : i32 to index
      %parallel_loop3A_1085 = arith.constant 48 : index
      %parallel_loop3A_1086 = tpu.vector_load %arg11[%parallel_loop3A_1083, %parallel_loop3A_1084, %parallel_loop3A_1085] {strides = array<i32>} : memref<2x200x64xf32, #tpu.memory_space<vmem>>, vector<1x1x16xf32>,
      %parallel_loop3A_1087 = vector.shape_cast %parallel_loop3A_1086 : vector<1x1x16xf32> to vector<16xf32>
      %parallel_loop3A_1088 = vector.shape_cast %parallel_loop3A_1081 : vector<16xf32> to vector<1x1x16xf32>
      tpu.vector_store %arg11[%parallel_loop3A_1083, %parallel_loop3A_1084, %parallel_loop3A_1085], %parallel_loop3A_1088 {add = true, strides = array<i32>} : memref<2x200x64xf32, #tpu.memory_space<vmem>>, vector<1x1x16xf32>,
      %parallel_loop3A_1089 = arith.constant 1 : i32
      %parallel_loop3A_1090 = arith.index_cast %parallel_loop3A_1089 : i32 to index
      %parallel_loop3A_1091 = arith.index_cast %parallel_loop3A_1023 : i32 to index
      %parallel_loop3A_1092 = arith.constant 48 : index
      %parallel_loop3A_1093 = tpu.vector_load %arg11[%parallel_loop3A_1090, %parallel_loop3A_1091, %parallel_loop3A_1092] {strides = array<i32>} : memref<2x200x64xf32, #tpu.memory_space<vmem>>, vector<1x1x16xf32>,
      %parallel_loop3A_1094 = vector.shape_cast %parallel_loop3A_1093 : vector<1x1x16xf32> to vector<16xf32>
      %parallel_loop3A_1095 = vector.shape_cast %parallel_loop3A_1081 : vector<16xf32> to vector<1x1x16xf32>
      tpu.vector_store %arg11[%parallel_loop3A_1090, %parallel_loop3A_1091, %parallel_loop3A_1092], %parallel_loop3A_1095 {add = true, strides = array<i32>} : memref<2x200x64xf32, #tpu.memory_space<vmem>>, vector<1x1x16xf32>,
    } {sc.loop_unroll_factor = 4 : i64, sc.parallel_access}
    %add3A_803 = arith.constant 122 : i32
    %add3A_804 = arith.addi %mul3A_2, %add3A_803 : i32
    %dma_start3A_805 = arith.constant 0 : i32
    %dma_start3A_806 = arith.constant 0 : i32
    %dma_start3A_807 = tpu.memref_slice %arg5[%add3A_804, %dma_start3A_805, %dma_start3A_806] : memref<4096x200x64xf32, #tpu.memory_space<hbm>> -> memref<2x200x64xf32, #tpu.memory_space<hbm>>
    %dma_start3A_808 = arith.constant 0 : i32
    %dma_start3A_809 = arith.constant 0 : i32
    %dma_start3A_810 = tpu.memref_slice %arg5[%add3A_804, %dma_start3A_808, %dma_start3A_809] : memref<4096x200x64xf32, #tpu.memory_space<hbm>> -> memref<2x200x64xf32, #tpu.memory_space<hbm>>
    tpu.enqueue_dma source(%arg11 : memref<2x200x64xf32, #tpu.memory_space<vmem>>) target(%dma_start3A_810 : memref<2x200x64xf32, #tpu.memory_space<hbm>>) target_semaphore(%arg24 : memref<!tpu.dma_semaphore, #tpu.memory_space<semaphore_mem>>)
    %add3A_811 = arith.constant 118 : i32
    %add3A_812 = arith.addi %mul3A_2, %add3A_811 : i32
    %dma_wait3A_813 = arith.constant 0 : i32
    %dma_wait3A_814 = arith.constant 0 : i32
    %dma_wait3A_815 = tpu.memref_slice %arg5[%add3A_812, %dma_wait3A_813, %dma_wait3A_814] : memref<4096x200x64xf32, #tpu.memory_space<hbm>> -> memref<2x200x64xf32, #tpu.memory_space<hbm>>
    %dma_wait3A_816 = arith.constant 0 : i32
    %dma_wait3A_817 = arith.constant 0 : i32
    %dma_wait3A_818 = tpu.memref_slice %arg5[%add3A_812, %dma_wait3A_816, %dma_wait3A_817] : memref<4096x200x64xf32, #tpu.memory_space<hbm>> -> memref<2x200x64xf32, #tpu.memory_space<hbm>>
    tpu.wait_dma2 semaphore(%arg26 : memref<!tpu.dma_semaphore, #tpu.memory_space<semaphore_mem>>) src(%arg13 : memref<2x200x64xf32, #tpu.memory_space<vmem>>) dst(%dma_wait3A_818 : memref<2x200x64xf32, #tpu.memory_space<hbm>>)
    %add3A_819 = arith.constant 252 : i32
    %add3A_820 = arith.addi %mul3A_4, %add3A_819 : i32
    %dma_wait3A_821 = arith.constant 0 : i32
    %dma_wait3A_822 = tpu.memref_slice %arg2[%add3A_820, %dma_wait3A_821] : memref<8192x100xi32, #tpu.memory_space<hbm>> -> memref<4x100xi32, #tpu.memory_space<hbm>>
    %dma_wait3A_823 = arith.constant 0 : i32
    %dma_wait3A_824 = tpu.memref_slice %arg2[%add3A_820, %dma_wait3A_823] : memref<8192x100xi32, #tpu.memory_space<hbm>> -> memref<4x100xi32, #tpu.memory_space<hbm>>
    tpu.wait_dma2 semaphore(%arg18 : memref<!tpu.dma_semaphore, #tpu.memory_space<semaphore_mem>>) src(%dma_wait3A_824 : memref<4x100xi32, #tpu.memory_space<hbm>>) dst(%arg9 : memref<4x100xi32, #tpu.memory_space<vmem>>)
    %dma_start3A_825 = arith.constant 0 : i32
    %dma_start3A_826 = arith.constant 0 : i32
    %dma_start3A_827 = arith.constant 0 : i32
    %dma_start3A_828 = arith.constant 0 : i32
    %dma_start3A_829 = tpu.memref_slice %arg13[%dma_start3A_826, %dma_start3A_827, %dma_start3A_828] : memref<2x200x64xf32, #tpu.memory_space<vmem>> -> memref<1x100x64xf32, #tpu.memory_space<vmem>>
    %dma_start3A_830 = tpu.memref_squeeze %dma_start3A_829 : memref<1x100x64xf32, #tpu.memory_space<vmem>> -> memref<100x64xf32, #tpu.memory_space<vmem>>
    %dma_start3A_831 = arith.constant 0 : i32
    %dma_start3A_832 = tpu.memref_slice %arg9[%dma_start3A_825, %dma_start3A_831] : memref<4x100xi32, #tpu.memory_space<vmem>> -> memref<1x100xi32, #tpu.memory_space<vmem>>
    %dma_start3A_833 = tpu.memref_squeeze %dma_start3A_832 : memref<1x100xi32, #tpu.memory_space<vmem>> -> memref<100xi32, #tpu.memory_space<vmem>>
    %dma_start3A_834 = arith.constant 0 : i32
    %dma_start3A_835 = arith.constant 0 : i32
    %dma_start3A_836 = tpu.memref_slice %arg3[%dma_start3A_834, %dma_start3A_835] : memref<1000000x64xf32, #tpu.memory_space<hbm>> -> memref<1000000x64xf32, #tpu.memory_space<hbm>>
    tpu.enqueue_indirect_dma source(%dma_start3A_836 : memref<1000000x64xf32, #tpu.memory_space<hbm>>) target(%dma_start3A_830 : memref<100x64xf32, #tpu.memory_space<vmem>>) offsets(%dma_start3A_833 : memref<100xi32, #tpu.memory_space<vmem>>) semaphore(%arg22 : memref<!tpu.dma_semaphore, #tpu.memory_space<semaphore_mem>>)
    %dma_start3A_837 = arith.constant 1 : i32
    %dma_start3A_838 = arith.constant 0 : i32
    %dma_start3A_839 = arith.constant 100 : i32
    %dma_start3A_840 = arith.constant 0 : i32
    %dma_start3A_841 = tpu.memref_slice %arg13[%dma_start3A_838, %dma_start3A_839, %dma_start3A_840] : memref<2x200x64xf32, #tpu.memory_space<vmem>> -> memref<1x100x64xf32, #tpu.memory_space<vmem>>
    %dma_start3A_842 = tpu.memref_squeeze %dma_start3A_841 : memref<1x100x64xf32, #tpu.memory_space<vmem>> -> memref<100x64xf32, #tpu.memory_space<vmem>>
    %dma_start3A_843 = arith.constant 0 : i32
    %dma_start3A_844 = tpu.memref_slice %arg9[%dma_start3A_837, %dma_start3A_843] : memref<4x100xi32, #tpu.memory_space<vmem>> -> memref<1x100xi32, #tpu.memory_space<vmem>>
    %dma_start3A_845 = tpu.memref_squeeze %dma_start3A_844 : memref<1x100xi32, #tpu.memory_space<vmem>> -> memref<100xi32, #tpu.memory_space<vmem>>
    %dma_start3A_846 = arith.constant 0 : i32
    %dma_start3A_847 = arith.constant 0 : i32
    %dma_start3A_848 = tpu.memref_slice %arg3[%dma_start3A_846, %dma_start3A_847] : memref<1000000x64xf32, #tpu.memory_space<hbm>> -> memref<1000000x64xf32, #tpu.memory_space<hbm>>
    tpu.enqueue_indirect_dma source(%dma_start3A_848 : memref<1000000x64xf32, #tpu.memory_space<hbm>>) target(%dma_start3A_842 : memref<100x64xf32, #tpu.memory_space<vmem>>) offsets(%dma_start3A_845 : memref<100xi32, #tpu.memory_space<vmem>>) semaphore(%arg22 : memref<!tpu.dma_semaphore, #tpu.memory_space<semaphore_mem>>)
    %dma_start3A_849 = arith.constant 2 : i32
    %dma_start3A_850 = arith.constant 1 : i32
    %dma_start3A_851 = arith.constant 0 : i32
    %dma_start3A_852 = arith.constant 0 : i32
    %dma_start3A_853 = tpu.memref_slice %arg13[%dma_start3A_850, %dma_start3A_851, %dma_start3A_852] : memref<2x200x64xf32, #tpu.memory_space<vmem>> -> memref<1x100x64xf32, #tpu.memory_space<vmem>>
    %dma_start3A_854 = tpu.memref_squeeze %dma_start3A_853 : memref<1x100x64xf32, #tpu.memory_space<vmem>> -> memref<100x64xf32, #tpu.memory_space<vmem>>
    %dma_start3A_855 = arith.constant 0 : i32
    %dma_start3A_856 = tpu.memref_slice %arg9[%dma_start3A_849, %dma_start3A_855] : memref<4x100xi32, #tpu.memory_space<vmem>> -> memref<1x100xi32, #tpu.memory_space<vmem>>
    %dma_start3A_857 = tpu.memref_squeeze %dma_start3A_856 : memref<1x100xi32, #tpu.memory_space<vmem>> -> memref<100xi32, #tpu.memory_space<vmem>>
    %dma_start3A_858 = arith.constant 0 : i32
    %dma_start3A_859 = arith.constant 0 : i32
    %dma_start3A_860 = tpu.memref_slice %arg3[%dma_start3A_858, %dma_start3A_859] : memref<1000000x64xf32, #tpu.memory_space<hbm>> -> memref<1000000x64xf32, #tpu.memory_space<hbm>>
    tpu.enqueue_indirect_dma source(%dma_start3A_860 : memref<1000000x64xf32, #tpu.memory_space<hbm>>) target(%dma_start3A_854 : memref<100x64xf32, #tpu.memory_space<vmem>>) offsets(%dma_start3A_857 : memref<100xi32, #tpu.memory_space<vmem>>) semaphore(%arg22 : memref<!tpu.dma_semaphore, #tpu.memory_space<semaphore_mem>>)
    %dma_start3A_861 = arith.constant 3 : i32
    %dma_start3A_862 = arith.constant 1 : i32
    %dma_start3A_863 = arith.constant 100 : i32
    %dma_start3A_864 = arith.constant 0 : i32
    %dma_start3A_865 = tpu.memref_slice %arg13[%dma_start3A_862, %dma_start3A_863, %dma_start3A_864] : memref<2x200x64xf32, #tpu.memory_space<vmem>> -> memref<1x100x64xf32, #tpu.memory_space<vmem>>
    %dma_start3A_866 = tpu.memref_squeeze %dma_start3A_865 : memref<1x100x64xf32, #tpu.memory_space<vmem>> -> memref<100x64xf32, #tpu.memory_space<vmem>>
    %dma_start3A_867 = arith.constant 0 : i32
    %dma_start3A_868 = tpu.memref_slice %arg9[%dma_start3A_861, %dma_start3A_867] : memref<4x100xi32, #tpu.memory_space<vmem>> -> memref<1x100xi32, #tpu.memory_space<vmem>>
    %dma_start3A_869 = tpu.memref_squeeze %dma_start3A_868 : memref<1x100xi32, #tpu.memory_space<vmem>> -> memref<100xi32, #tpu.memory_space<vmem>>
    %dma_start3A_870 = arith.constant 0 : i32
    %dma_start3A_871 = arith.constant 0 : i32
    %dma_start3A_872 = tpu.memref_slice %arg3[%dma_start3A_870, %dma_start3A_871] : memref<1000000x64xf32, #tpu.memory_space<hbm>> -> memref<1000000x64xf32, #tpu.memory_space<hbm>>
    tpu.enqueue_indirect_dma source(%dma_start3A_872 : memref<1000000x64xf32, #tpu.memory_space<hbm>>) target(%dma_start3A_866 : memref<100x64xf32, #tpu.memory_space<vmem>>) offsets(%dma_start3A_869 : memref<100xi32, #tpu.memory_space<vmem>>) semaphore(%arg22 : memref<!tpu.dma_semaphore, #tpu.memory_space<semaphore_mem>>)
    %dma_wait3A_873 = arith.constant 0 : i32
    %dma_wait3A_874 = arith.constant 0 : i32
    %dma_wait3A_875 = arith.constant 0 : i32
    %dma_wait3A_876 = arith.constant 0 : i32
    %dma_wait3A_877 = tpu.memref_slice %arg12[%dma_wait3A_874, %dma_wait3A_875, %dma_wait3A_876] : memref<2x200x64xf32, #tpu.memory_space<vmem>> -> memref<1x100x64xf32, #tpu.memory_space<vmem>>
    %dma_wait3A_878 = tpu.memref_squeeze %dma_wait3A_877 : memref<1x100x64xf32, #tpu.memory_space<vmem>> -> memref<100x64xf32, #tpu.memory_space<vmem>>
    %dma_wait3A_879 = arith.constant 0 : i32
    %dma_wait3A_880 = tpu.memref_slice %arg8[%dma_wait3A_873, %dma_wait3A_879] : memref<4x100xi32, #tpu.memory_space<vmem>> -> memref<1x100xi32, #tpu.memory_space<vmem>>
    %dma_wait3A_881 = tpu.memref_squeeze %dma_wait3A_880 : memref<1x100xi32, #tpu.memory_space<vmem>> -> memref<100xi32, #tpu.memory_space<vmem>>
    %dma_wait3A_882 = arith.constant 0 : i32
    %dma_wait3A_883 = arith.constant 0 : i32
    %dma_wait3A_884 = tpu.memref_slice %arg3[%dma_wait3A_882, %dma_wait3A_883] : memref<1000000x64xf32, #tpu.memory_space<hbm>> -> memref<1000000x64xf32, #tpu.memory_space<hbm>>
    tpu.wait_indirect_dma semaphore(%arg21 : memref<!tpu.dma_semaphore, #tpu.memory_space<semaphore_mem>>) src(%dma_wait3A_884 : memref<1000000x64xf32, #tpu.memory_space<hbm>>) dst(%dma_wait3A_878 : memref<100x64xf32, #tpu.memory_space<vmem>>)
    %dma_wait3A_885 = arith.constant 1 : i32
    %dma_wait3A_886 = arith.constant 0 : i32
    %dma_wait3A_887 = arith.constant 100 : i32
    %dma_wait3A_888 = arith.constant 0 : i32
    %dma_wait3A_889 = tpu.memref_slice %arg12[%dma_wait3A_886, %dma_wait3A_887, %dma_wait3A_888] : memref<2x200x64xf32, #tpu.memory_space<vmem>> -> memref<1x100x64xf32, #tpu.memory_space<vmem>>
    %dma_wait3A_890 = tpu.memref_squeeze %dma_wait3A_889 : memref<1x100x64xf32, #tpu.memory_space<vmem>> -> memref<100x64xf32, #tpu.memory_space<vmem>>
    %dma_wait3A_891 = arith.constant 0 : i32
    %dma_wait3A_892 = tpu.memref_slice %arg8[%dma_wait3A_885, %dma_wait3A_891] : memref<4x100xi32, #tpu.memory_space<vmem>> -> memref<1x100xi32, #tpu.memory_space<vmem>>
    %dma_wait3A_893 = tpu.memref_squeeze %dma_wait3A_892 : memref<1x100xi32, #tpu.memory_space<vmem>> -> memref<100xi32, #tpu.memory_space<vmem>>
    %dma_wait3A_894 = arith.constant 0 : i32
    %dma_wait3A_895 = arith.constant 0 : i32
    %dma_wait3A_896 = tpu.memref_slice %arg3[%dma_wait3A_894, %dma_wait3A_895] : memref<1000000x64xf32, #tpu.memory_space<hbm>> -> memref<1000000x64xf32, #tpu.memory_space<hbm>>
    tpu.wait_indirect_dma semaphore(%arg21 : memref<!tpu.dma_semaphore, #tpu.memory_space<semaphore_mem>>) src(%dma_wait3A_896 : memref<1000000x64xf32, #tpu.memory_space<hbm>>) dst(%dma_wait3A_890 : memref<100x64xf32, #tpu.memory_space<vmem>>)
    %dma_wait3A_897 = arith.constant 2 : i32
    %dma_wait3A_898 = arith.constant 1 : i32
    %dma_wait3A_899 = arith.constant 0 : i32
    %dma_wait3A_900 = arith.constant 0 : i32
    %dma_wait3A_901 = tpu.memref_slice %arg12[%dma_wait3A_898, %dma_wait3A_899, %dma_wait3A_900] : memref<2x200x64xf32, #tpu.memory_space<vmem>> -> memref<1x100x64xf32, #tpu.memory_space<vmem>>
    %dma_wait3A_902 = tpu.memref_squeeze %dma_wait3A_901 : memref<1x100x64xf32, #tpu.memory_space<vmem>> -> memref<100x64xf32, #tpu.memory_space<vmem>>
    %dma_wait3A_903 = arith.constant 0 : i32
    %dma_wait3A_904 = tpu.memref_slice %arg8[%dma_wait3A_897, %dma_wait3A_903] : memref<4x100xi32, #tpu.memory_space<vmem>> -> memref<1x100xi32, #tpu.memory_space<vmem>>
    %dma_wait3A_905 = tpu.memref_squeeze %dma_wait3A_904 : memref<1x100xi32, #tpu.memory_space<vmem>> -> memref<100xi32, #tpu.memory_space<vmem>>
    %dma_wait3A_906 = arith.constant 0 : i32
    %dma_wait3A_907 = arith.constant 0 : i32
    %dma_wait3A_908 = tpu.memref_slice %arg3[%dma_wait3A_906, %dma_wait3A_907] : memref<1000000x64xf32, #tpu.memory_space<hbm>> -> memref<1000000x64xf32, #tpu.memory_space<hbm>>
    tpu.wait_indirect_dma semaphore(%arg21 : memref<!tpu.dma_semaphore, #tpu.memory_space<semaphore_mem>>) src(%dma_wait3A_908 : memref<1000000x64xf32, #tpu.memory_space<hbm>>) dst(%dma_wait3A_902 : memref<100x64xf32, #tpu.memory_space<vmem>>)
    %dma_wait3A_909 = arith.constant 3 : i32
    %dma_wait3A_910 = arith.constant 1 : i32
    %dma_wait3A_911 = arith.constant 100 : i32
    %dma_wait3A_912 = arith.constant 0 : i32
    %dma_wait3A_913 = tpu.memref_slice %arg12[%dma_wait3A_910, %dma_wait3A_911, %dma_wait3A_912] : memref<2x200x64xf32, #tpu.memory_space<vmem>> -> memref<1x100x64xf32, #tpu.memory_space<vmem>>
    %dma_wait3A_914 = tpu.memref_squeeze %dma_wait3A_913 : memref<1x100x64xf32, #tpu.memory_space<vmem>> -> memref<100x64xf32, #tpu.memory_space<vmem>>
    %dma_wait3A_915 = arith.constant 0 : i32
    %dma_wait3A_916 = tpu.memref_slice %arg8[%dma_wait3A_909, %dma_wait3A_915] : memref<4x100xi32, #tpu.memory_space<vmem>> -> memref<1x100xi32, #tpu.memory_space<vmem>>
    %dma_wait3A_917 = tpu.memref_squeeze %dma_wait3A_916 : memref<1x100xi32, #tpu.memory_space<vmem>> -> memref<100xi32, #tpu.memory_space<vmem>>
    %dma_wait3A_918 = arith.constant 0 : i32
    %dma_wait3A_919 = arith.constant 0 : i32
    %dma_wait3A_920 = tpu.memref_slice %arg3[%dma_wait3A_918, %dma_wait3A_919] : memref<1000000x64xf32, #tpu.memory_space<hbm>> -> memref<1000000x64xf32, #tpu.memory_space<hbm>>
    tpu.wait_indirect_dma semaphore(%arg21 : memref<!tpu.dma_semaphore, #tpu.memory_space<semaphore_mem>>) src(%dma_wait3A_920 : memref<1000000x64xf32, #tpu.memory_space<hbm>>) dst(%dma_wait3A_914 : memref<100x64xf32, #tpu.memory_space<vmem>>)
    %parallel_loop3A_921 = arith.constant 0 : i32
    %parallel_loop3A_922 = arith.constant 200 : i32
    %parallel_loop3A_923 = arith.constant 1 : i32
    scf.for %parallel_loop3A_1023 = %parallel_loop3A_921 to %parallel_loop3A_922 step %parallel_loop3A_923  : i32 {
      %parallel_loop3A_1024 = arith.index_cast %parallel_loop3A_1023 : i32 to index
      %parallel_loop3A_1025 = arith.constant 0 : index
      %parallel_loop3A_1026 = tpu.vector_load %arg14[%parallel_loop3A_1024, %parallel_loop3A_1025] {strides = array<i32>} : memref<200x64xf32, #tpu.memory_space<vmem>>, vector<1x16xf32>,
      %parallel_loop3A_1027 = vector.shape_cast %parallel_loop3A_1026 : vector<1x16xf32> to vector<16xf32>
      %parallel_loop3A_1028 = arith.constant 0 : i32
      %parallel_loop3A_1029 = arith.index_cast %parallel_loop3A_1028 : i32 to index
      %parallel_loop3A_1030 = arith.index_cast %parallel_loop3A_1023 : i32 to index
      %parallel_loop3A_1031 = arith.constant 0 : index
      %parallel_loop3A_1032 = tpu.vector_load %arg12[%parallel_loop3A_1029, %parallel_loop3A_1030, %parallel_loop3A_1031] {strides = array<i32>} : memref<2x200x64xf32, #tpu.memory_space<vmem>>, vector<1x1x16xf32>,
      %parallel_loop3A_1033 = vector.shape_cast %parallel_loop3A_1032 : vector<1x1x16xf32> to vector<16xf32>
      %parallel_loop3A_1034 = vector.shape_cast %parallel_loop3A_1027 : vector<16xf32> to vector<1x1x16xf32>
      tpu.vector_store %arg12[%parallel_loop3A_1029, %parallel_loop3A_1030, %parallel_loop3A_1031], %parallel_loop3A_1034 {add = true, strides = array<i32>} : memref<2x200x64xf32, #tpu.memory_space<vmem>>, vector<1x1x16xf32>,
      %parallel_loop3A_1035 = arith.constant 1 : i32
      %parallel_loop3A_1036 = arith.index_cast %parallel_loop3A_1035 : i32 to index
      %parallel_loop3A_1037 = arith.index_cast %parallel_loop3A_1023 : i32 to index
      %parallel_loop3A_1038 = arith.constant 0 : index
      %parallel_loop3A_1039 = tpu.vector_load %arg12[%parallel_loop3A_1036, %parallel_loop3A_1037, %parallel_loop3A_1038] {strides = array<i32>} : memref<2x200x64xf32, #tpu.memory_space<vmem>>, vector<1x1x16xf32>,
      %parallel_loop3A_1040 = vector.shape_cast %parallel_loop3A_1039 : vector<1x1x16xf32> to vector<16xf32>
      %parallel_loop3A_1041 = vector.shape_cast %parallel_loop3A_1027 : vector<16xf32> to vector<1x1x16xf32>
      tpu.vector_store %arg12[%parallel_loop3A_1036, %parallel_loop3A_1037, %parallel_loop3A_1038], %parallel_loop3A_1041 {add = true, strides = array<i32>} : memref<2x200x64xf32, #tpu.memory_space<vmem>>, vector<1x1x16xf32>,
      %parallel_loop3A_1042 = arith.index_cast %parallel_loop3A_1023 : i32 to index
      %parallel_loop3A_1043 = arith.constant 16 : index
      %parallel_loop3A_1044 = tpu.vector_load %arg14[%parallel_loop3A_1042, %parallel_loop3A_1043] {strides = array<i32>} : memref<200x64xf32, #tpu.memory_space<vmem>>, vector<1x16xf32>,
      %parallel_loop3A_1045 = vector.shape_cast %parallel_loop3A_1044 : vector<1x16xf32> to vector<16xf32>
      %parallel_loop3A_1046 = arith.constant 0 : i32
      %parallel_loop3A_1047 = arith.index_cast %parallel_loop3A_1046 : i32 to index
      %parallel_loop3A_1048 = arith.index_cast %parallel_loop3A_1023 : i32 to index
      %parallel_loop3A_1049 = arith.constant 16 : index
      %parallel_loop3A_1050 = tpu.vector_load %arg12[%parallel_loop3A_1047, %parallel_loop3A_1048, %parallel_loop3A_1049] {strides = array<i32>} : memref<2x200x64xf32, #tpu.memory_space<vmem>>, vector<1x1x16xf32>,
      %parallel_loop3A_1051 = vector.shape_cast %parallel_loop3A_1050 : vector<1x1x16xf32> to vector<16xf32>
      %parallel_loop3A_1052 = vector.shape_cast %parallel_loop3A_1045 : vector<16xf32> to vector<1x1x16xf32>
      tpu.vector_store %arg12[%parallel_loop3A_1047, %parallel_loop3A_1048, %parallel_loop3A_1049], %parallel_loop3A_1052 {add = true, strides = array<i32>} : memref<2x200x64xf32, #tpu.memory_space<vmem>>, vector<1x1x16xf32>,
      %parallel_loop3A_1053 = arith.constant 1 : i32
      %parallel_loop3A_1054 = arith.index_cast %parallel_loop3A_1053 : i32 to index
      %parallel_loop3A_1055 = arith.index_cast %parallel_loop3A_1023 : i32 to index
      %parallel_loop3A_1056 = arith.constant 16 : index
      %parallel_loop3A_1057 = tpu.vector_load %arg12[%parallel_loop3A_1054, %parallel_loop3A_1055, %parallel_loop3A_1056] {strides = array<i32>} : memref<2x200x64xf32, #tpu.memory_space<vmem>>, vector<1x1x16xf32>,
      %parallel_loop3A_1058 = vector.shape_cast %parallel_loop3A_1057 : vector<1x1x16xf32> to vector<16xf32>
      %parallel_loop3A_1059 = vector.shape_cast %parallel_loop3A_1045 : vector<16xf32> to vector<1x1x16xf32>
      tpu.vector_store %arg12[%parallel_loop3A_1054, %parallel_loop3A_1055, %parallel_loop3A_1056], %parallel_loop3A_1059 {add = true, strides = array<i32>} : memref<2x200x64xf32, #tpu.memory_space<vmem>>, vector<1x1x16xf32>,
      %parallel_loop3A_1060 = arith.index_cast %parallel_loop3A_1023 : i32 to index
      %parallel_loop3A_1061 = arith.constant 32 : index
      %parallel_loop3A_1062 = tpu.vector_load %arg14[%parallel_loop3A_1060, %parallel_loop3A_1061] {strides = array<i32>} : memref<200x64xf32, #tpu.memory_space<vmem>>, vector<1x16xf32>,
      %parallel_loop3A_1063 = vector.shape_cast %parallel_loop3A_1062 : vector<1x16xf32> to vector<16xf32>
      %parallel_loop3A_1064 = arith.constant 0 : i32
      %parallel_loop3A_1065 = arith.index_cast %parallel_loop3A_1064 : i32 to index
      %parallel_loop3A_1066 = arith.index_cast %parallel_loop3A_1023 : i32 to index
      %parallel_loop3A_1067 = arith.constant 32 : index
      %parallel_loop3A_1068 = tpu.vector_load %arg12[%parallel_loop3A_1065, %parallel_loop3A_1066, %parallel_loop3A_1067] {strides = array<i32>} : memref<2x200x64xf32, #tpu.memory_space<vmem>>, vector<1x1x16xf32>,
      %parallel_loop3A_1069 = vector.shape_cast %parallel_loop3A_1068 : vector<1x1x16xf32> to vector<16xf32>
      %parallel_loop3A_1070 = vector.shape_cast %parallel_loop3A_1063 : vector<16xf32> to vector<1x1x16xf32>
      tpu.vector_store %arg12[%parallel_loop3A_1065, %parallel_loop3A_1066, %parallel_loop3A_1067], %parallel_loop3A_1070 {add = true, strides = array<i32>} : memref<2x200x64xf32, #tpu.memory_space<vmem>>, vector<1x1x16xf32>,
      %parallel_loop3A_1071 = arith.constant 1 : i32
      %parallel_loop3A_1072 = arith.index_cast %parallel_loop3A_1071 : i32 to index
      %parallel_loop3A_1073 = arith.index_cast %parallel_loop3A_1023 : i32 to index
      %parallel_loop3A_1074 = arith.constant 32 : index
      %parallel_loop3A_1075 = tpu.vector_load %arg12[%parallel_loop3A_1072, %parallel_loop3A_1073, %parallel_loop3A_1074] {strides = array<i32>} : memref<2x200x64xf32, #tpu.memory_space<vmem>>, vector<1x1x16xf32>,
      %parallel_loop3A_1076 = vector.shape_cast %parallel_loop3A_1075 : vector<1x1x16xf32> to vector<16xf32>
      %parallel_loop3A_1077 = vector.shape_cast %parallel_loop3A_1063 : vector<16xf32> to vector<1x1x16xf32>
      tpu.vector_store %arg12[%parallel_loop3A_1072, %parallel_loop3A_1073, %parallel_loop3A_1074], %parallel_loop3A_1077 {add = true, strides = array<i32>} : memref<2x200x64xf32, #tpu.memory_space<vmem>>, vector<1x1x16xf32>,
      %parallel_loop3A_1078 = arith.index_cast %parallel_loop3A_1023 : i32 to index
      %parallel_loop3A_1079 = arith.constant 48 : index
      %parallel_loop3A_1080 = tpu.vector_load %arg14[%parallel_loop3A_1078, %parallel_loop3A_1079] {strides = array<i32>} : memref<200x64xf32, #tpu.memory_space<vmem>>, vector<1x16xf32>,
      %parallel_loop3A_1081 = vector.shape_cast %parallel_loop3A_1080 : vector<1x16xf32> to vector<16xf32>
      %parallel_loop3A_1082 = arith.constant 0 : i32
      %parallel_loop3A_1083 = arith.index_cast %parallel_loop3A_1082 : i32 to index
      %parallel_loop3A_1084 = arith.index_cast %parallel_loop3A_1023 : i32 to index
      %parallel_loop3A_1085 = arith.constant 48 : index
      %parallel_loop3A_1086 = tpu.vector_load %arg12[%parallel_loop3A_1083, %parallel_loop3A_1084, %parallel_loop3A_1085] {strides = array<i32>} : memref<2x200x64xf32, #tpu.memory_space<vmem>>, vector<1x1x16xf32>,
      %parallel_loop3A_1087 = vector.shape_cast %parallel_loop3A_1086 : vector<1x1x16xf32> to vector<16xf32>
      %parallel_loop3A_1088 = vector.shape_cast %parallel_loop3A_1081 : vector<16xf32> to vector<1x1x16xf32>
      tpu.vector_store %arg12[%parallel_loop3A_1083, %parallel_loop3A_1084, %parallel_loop3A_1085], %parallel_loop3A_1088 {add = true, strides = array<i32>} : memref<2x200x64xf32, #tpu.memory_space<vmem>>, vector<1x1x16xf32>,
      %parallel_loop3A_1089 = arith.constant 1 : i32
      %parallel_loop3A_1090 = arith.index_cast %parallel_loop3A_1089 : i32 to index
      %parallel_loop3A_1091 = arith.index_cast %parallel_loop3A_1023 : i32 to index
      %parallel_loop3A_1092 = arith.constant 48 : index
      %parallel_loop3A_1093 = tpu.vector_load %arg12[%parallel_loop3A_1090, %parallel_loop3A_1091, %parallel_loop3A_1092] {strides = array<i32>} : memref<2x200x64xf32, #tpu.memory_space<vmem>>, vector<1x1x16xf32>,
      %parallel_loop3A_1094 = vector.shape_cast %parallel_loop3A_1093 : vector<1x1x16xf32> to vector<16xf32>
      %parallel_loop3A_1095 = vector.shape_cast %parallel_loop3A_1081 : vector<16xf32> to vector<1x1x16xf32>
      tpu.vector_store %arg12[%parallel_loop3A_1090, %parallel_loop3A_1091, %parallel_loop3A_1092], %parallel_loop3A_1095 {add = true, strides = array<i32>} : memref<2x200x64xf32, #tpu.memory_space<vmem>>, vector<1x1x16xf32>,
    } {sc.loop_unroll_factor = 4 : i64, sc.parallel_access}
    %add3A_924 = arith.constant 124 : i32
    %add3A_925 = arith.addi %mul3A_2, %add3A_924 : i32
    %dma_start3A_926 = arith.constant 0 : i32
    %dma_start3A_927 = arith.constant 0 : i32
    %dma_start3A_928 = tpu.memref_slice %arg5[%add3A_925, %dma_start3A_926, %dma_start3A_927] : memref<4096x200x64xf32, #tpu.memory_space<hbm>> -> memref<2x200x64xf32, #tpu.memory_space<hbm>>
    %dma_start3A_929 = arith.constant 0 : i32
    %dma_start3A_930 = arith.constant 0 : i32
    %dma_start3A_931 = tpu.memref_slice %arg5[%add3A_925, %dma_start3A_929, %dma_start3A_930] : memref<4096x200x64xf32, #tpu.memory_space<hbm>> -> memref<2x200x64xf32, #tpu.memory_space<hbm>>
    tpu.enqueue_dma source(%arg12 : memref<2x200x64xf32, #tpu.memory_space<vmem>>) target(%dma_start3A_931 : memref<2x200x64xf32, #tpu.memory_space<hbm>>) target_semaphore(%arg25 : memref<!tpu.dma_semaphore, #tpu.memory_space<semaphore_mem>>)
    %dma_wait3A_932 = arith.constant 0 : i32
    %dma_wait3A_933 = arith.constant 0 : i32
    %dma_wait3A_934 = arith.constant 0 : i32
    %dma_wait3A_935 = arith.constant 0 : i32
    %dma_wait3A_936 = tpu.memref_slice %arg13[%dma_wait3A_933, %dma_wait3A_934, %dma_wait3A_935] : memref<2x200x64xf32, #tpu.memory_space<vmem>> -> memref<1x100x64xf32, #tpu.memory_space<vmem>>
    %dma_wait3A_937 = tpu.memref_squeeze %dma_wait3A_936 : memref<1x100x64xf32, #tpu.memory_space<vmem>> -> memref<100x64xf32, #tpu.memory_space<vmem>>
    %dma_wait3A_938 = arith.constant 0 : i32
    %dma_wait3A_939 = tpu.memref_slice %arg9[%dma_wait3A_932, %dma_wait3A_938] : memref<4x100xi32, #tpu.memory_space<vmem>> -> memref<1x100xi32, #tpu.memory_space<vmem>>
    %dma_wait3A_940 = tpu.memref_squeeze %dma_wait3A_939 : memref<1x100xi32, #tpu.memory_space<vmem>> -> memref<100xi32, #tpu.memory_space<vmem>>
    %dma_wait3A_941 = arith.constant 0 : i32
    %dma_wait3A_942 = arith.constant 0 : i32
    %dma_wait3A_943 = tpu.memref_slice %arg3[%dma_wait3A_941, %dma_wait3A_942] : memref<1000000x64xf32, #tpu.memory_space<hbm>> -> memref<1000000x64xf32, #tpu.memory_space<hbm>>
    tpu.wait_indirect_dma semaphore(%arg22 : memref<!tpu.dma_semaphore, #tpu.memory_space<semaphore_mem>>) src(%dma_wait3A_943 : memref<1000000x64xf32, #tpu.memory_space<hbm>>) dst(%dma_wait3A_937 : memref<100x64xf32, #tpu.memory_space<vmem>>)
    %dma_wait3A_944 = arith.constant 1 : i32
    %dma_wait3A_945 = arith.constant 0 : i32
    %dma_wait3A_946 = arith.constant 100 : i32
    %dma_wait3A_947 = arith.constant 0 : i32
    %dma_wait3A_948 = tpu.memref_slice %arg13[%dma_wait3A_945, %dma_wait3A_946, %dma_wait3A_947] : memref<2x200x64xf32, #tpu.memory_space<vmem>> -> memref<1x100x64xf32, #tpu.memory_space<vmem>>
    %dma_wait3A_949 = tpu.memref_squeeze %dma_wait3A_948 : memref<1x100x64xf32, #tpu.memory_space<vmem>> -> memref<100x64xf32, #tpu.memory_space<vmem>>
    %dma_wait3A_950 = arith.constant 0 : i32
    %dma_wait3A_951 = tpu.memref_slice %arg9[%dma_wait3A_944, %dma_wait3A_950] : memref<4x100xi32, #tpu.memory_space<vmem>> -> memref<1x100xi32, #tpu.memory_space<vmem>>
    %dma_wait3A_952 = tpu.memref_squeeze %dma_wait3A_951 : memref<1x100xi32, #tpu.memory_space<vmem>> -> memref<100xi32, #tpu.memory_space<vmem>>
    %dma_wait3A_953 = arith.constant 0 : i32
    %dma_wait3A_954 = arith.constant 0 : i32
    %dma_wait3A_955 = tpu.memref_slice %arg3[%dma_wait3A_953, %dma_wait3A_954] : memref<1000000x64xf32, #tpu.memory_space<hbm>> -> memref<1000000x64xf32, #tpu.memory_space<hbm>>
    tpu.wait_indirect_dma semaphore(%arg22 : memref<!tpu.dma_semaphore, #tpu.memory_space<semaphore_mem>>) src(%dma_wait3A_955 : memref<1000000x64xf32, #tpu.memory_space<hbm>>) dst(%dma_wait3A_949 : memref<100x64xf32, #tpu.memory_space<vmem>>)
    %dma_wait3A_956 = arith.constant 2 : i32
    %dma_wait3A_957 = arith.constant 1 : i32
    %dma_wait3A_958 = arith.constant 0 : i32
    %dma_wait3A_959 = arith.constant 0 : i32
    %dma_wait3A_960 = tpu.memref_slice %arg13[%dma_wait3A_957, %dma_wait3A_958, %dma_wait3A_959] : memref<2x200x64xf32, #tpu.memory_space<vmem>> -> memref<1x100x64xf32, #tpu.memory_space<vmem>>
    %dma_wait3A_961 = tpu.memref_squeeze %dma_wait3A_960 : memref<1x100x64xf32, #tpu.memory_space<vmem>> -> memref<100x64xf32, #tpu.memory_space<vmem>>
    %dma_wait3A_962 = arith.constant 0 : i32
    %dma_wait3A_963 = tpu.memref_slice %arg9[%dma_wait3A_956, %dma_wait3A_962] : memref<4x100xi32, #tpu.memory_space<vmem>> -> memref<1x100xi32, #tpu.memory_space<vmem>>
    %dma_wait3A_964 = tpu.memref_squeeze %dma_wait3A_963 : memref<1x100xi32, #tpu.memory_space<vmem>> -> memref<100xi32, #tpu.memory_space<vmem>>
    %dma_wait3A_965 = arith.constant 0 : i32
    %dma_wait3A_966 = arith.constant 0 : i32
    %dma_wait3A_967 = tpu.memref_slice %arg3[%dma_wait3A_965, %dma_wait3A_966] : memref<1000000x64xf32, #tpu.memory_space<hbm>> -> memref<1000000x64xf32, #tpu.memory_space<hbm>>
    tpu.wait_indirect_dma semaphore(%arg22 : memref<!tpu.dma_semaphore, #tpu.memory_space<semaphore_mem>>) src(%dma_wait3A_967 : memref<1000000x64xf32, #tpu.memory_space<hbm>>) dst(%dma_wait3A_961 : memref<100x64xf32, #tpu.memory_space<vmem>>)
    %dma_wait3A_968 = arith.constant 3 : i32
    %dma_wait3A_969 = arith.constant 1 : i32
    %dma_wait3A_970 = arith.constant 100 : i32
    %dma_wait3A_971 = arith.constant 0 : i32
    %dma_wait3A_972 = tpu.memref_slice %arg13[%dma_wait3A_969, %dma_wait3A_970, %dma_wait3A_971] : memref<2x200x64xf32, #tpu.memory_space<vmem>> -> memref<1x100x64xf32, #tpu.memory_space<vmem>>
    %dma_wait3A_973 = tpu.memref_squeeze %dma_wait3A_972 : memref<1x100x64xf32, #tpu.memory_space<vmem>> -> memref<100x64xf32, #tpu.memory_space<vmem>>
    %dma_wait3A_974 = arith.constant 0 : i32
    %dma_wait3A_975 = tpu.memref_slice %arg9[%dma_wait3A_968, %dma_wait3A_974] : memref<4x100xi32, #tpu.memory_space<vmem>> -> memref<1x100xi32, #tpu.memory_space<vmem>>
    %dma_wait3A_976 = tpu.memref_squeeze %dma_wait3A_975 : memref<1x100xi32, #tpu.memory_space<vmem>> -> memref<100xi32, #tpu.memory_space<vmem>>
    %dma_wait3A_977 = arith.constant 0 : i32
    %dma_wait3A_978 = arith.constant 0 : i32
    %dma_wait3A_979 = tpu.memref_slice %arg3[%dma_wait3A_977, %dma_wait3A_978] : memref<1000000x64xf32, #tpu.memory_space<hbm>> -> memref<1000000x64xf32, #tpu.memory_space<hbm>>
    tpu.wait_indirect_dma semaphore(%arg22 : memref<!tpu.dma_semaphore, #tpu.memory_space<semaphore_mem>>) src(%dma_wait3A_979 : memref<1000000x64xf32, #tpu.memory_space<hbm>>) dst(%dma_wait3A_973 : memref<100x64xf32, #tpu.memory_space<vmem>>)
    %parallel_loop3A_980 = arith.constant 0 : i32
    %parallel_loop3A_981 = arith.constant 200 : i32
    %parallel_loop3A_982 = arith.constant 1 : i32
    scf.for %parallel_loop3A_1023 = %parallel_loop3A_980 to %parallel_loop3A_981 step %parallel_loop3A_982  : i32 {
      %parallel_loop3A_1024 = arith.index_cast %parallel_loop3A_1023 : i32 to index
      %parallel_loop3A_1025 = arith.constant 0 : index
      %parallel_loop3A_1026 = tpu.vector_load %arg14[%parallel_loop3A_1024, %parallel_loop3A_1025] {strides = array<i32>} : memref<200x64xf32, #tpu.memory_space<vmem>>, vector<1x16xf32>,
      %parallel_loop3A_1027 = vector.shape_cast %parallel_loop3A_1026 : vector<1x16xf32> to vector<16xf32>
      %parallel_loop3A_1028 = arith.constant 0 : i32
      %parallel_loop3A_1029 = arith.index_cast %parallel_loop3A_1028 : i32 to index
      %parallel_loop3A_1030 = arith.index_cast %parallel_loop3A_1023 : i32 to index
      %parallel_loop3A_1031 = arith.constant 0 : index
      %parallel_loop3A_1032 = tpu.vector_load %arg13[%parallel_loop3A_1029, %parallel_loop3A_1030, %parallel_loop3A_1031] {strides = array<i32>} : memref<2x200x64xf32, #tpu.memory_space<vmem>>, vector<1x1x16xf32>,
      %parallel_loop3A_1033 = vector.shape_cast %parallel_loop3A_1032 : vector<1x1x16xf32> to vector<16xf32>
      %parallel_loop3A_1034 = vector.shape_cast %parallel_loop3A_1027 : vector<16xf32> to vector<1x1x16xf32>
      tpu.vector_store %arg13[%parallel_loop3A_1029, %parallel_loop3A_1030, %parallel_loop3A_1031], %parallel_loop3A_1034 {add = true, strides = array<i32>} : memref<2x200x64xf32, #tpu.memory_space<vmem>>, vector<1x1x16xf32>,
      %parallel_loop3A_1035 = arith.constant 1 : i32
      %parallel_loop3A_1036 = arith.index_cast %parallel_loop3A_1035 : i32 to index
      %parallel_loop3A_1037 = arith.index_cast %parallel_loop3A_1023 : i32 to index
      %parallel_loop3A_1038 = arith.constant 0 : index
      %parallel_loop3A_1039 = tpu.vector_load %arg13[%parallel_loop3A_1036, %parallel_loop3A_1037, %parallel_loop3A_1038] {strides = array<i32>} : memref<2x200x64xf32, #tpu.memory_space<vmem>>, vector<1x1x16xf32>,
      %parallel_loop3A_1040 = vector.shape_cast %parallel_loop3A_1039 : vector<1x1x16xf32> to vector<16xf32>
      %parallel_loop3A_1041 = vector.shape_cast %parallel_loop3A_1027 : vector<16xf32> to vector<1x1x16xf32>
      tpu.vector_store %arg13[%parallel_loop3A_1036, %parallel_loop3A_1037, %parallel_loop3A_1038], %parallel_loop3A_1041 {add = true, strides = array<i32>} : memref<2x200x64xf32, #tpu.memory_space<vmem>>, vector<1x1x16xf32>,
      %parallel_loop3A_1042 = arith.index_cast %parallel_loop3A_1023 : i32 to index
      %parallel_loop3A_1043 = arith.constant 16 : index
      %parallel_loop3A_1044 = tpu.vector_load %arg14[%parallel_loop3A_1042, %parallel_loop3A_1043] {strides = array<i32>} : memref<200x64xf32, #tpu.memory_space<vmem>>, vector<1x16xf32>,
      %parallel_loop3A_1045 = vector.shape_cast %parallel_loop3A_1044 : vector<1x16xf32> to vector<16xf32>
      %parallel_loop3A_1046 = arith.constant 0 : i32
      %parallel_loop3A_1047 = arith.index_cast %parallel_loop3A_1046 : i32 to index
      %parallel_loop3A_1048 = arith.index_cast %parallel_loop3A_1023 : i32 to index
      %parallel_loop3A_1049 = arith.constant 16 : index
      %parallel_loop3A_1050 = tpu.vector_load %arg13[%parallel_loop3A_1047, %parallel_loop3A_1048, %parallel_loop3A_1049] {strides = array<i32>} : memref<2x200x64xf32, #tpu.memory_space<vmem>>, vector<1x1x16xf32>,
      %parallel_loop3A_1051 = vector.shape_cast %parallel_loop3A_1050 : vector<1x1x16xf32> to vector<16xf32>
      %parallel_loop3A_1052 = vector.shape_cast %parallel_loop3A_1045 : vector<16xf32> to vector<1x1x16xf32>
      tpu.vector_store %arg13[%parallel_loop3A_1047, %parallel_loop3A_1048, %parallel_loop3A_1049], %parallel_loop3A_1052 {add = true, strides = array<i32>} : memref<2x200x64xf32, #tpu.memory_space<vmem>>, vector<1x1x16xf32>,
      %parallel_loop3A_1053 = arith.constant 1 : i32
      %parallel_loop3A_1054 = arith.index_cast %parallel_loop3A_1053 : i32 to index
      %parallel_loop3A_1055 = arith.index_cast %parallel_loop3A_1023 : i32 to index
      %parallel_loop3A_1056 = arith.constant 16 : index
      %parallel_loop3A_1057 = tpu.vector_load %arg13[%parallel_loop3A_1054, %parallel_loop3A_1055, %parallel_loop3A_1056] {strides = array<i32>} : memref<2x200x64xf32, #tpu.memory_space<vmem>>, vector<1x1x16xf32>,
      %parallel_loop3A_1058 = vector.shape_cast %parallel_loop3A_1057 : vector<1x1x16xf32> to vector<16xf32>
      %parallel_loop3A_1059 = vector.shape_cast %parallel_loop3A_1045 : vector<16xf32> to vector<1x1x16xf32>
      tpu.vector_store %arg13[%parallel_loop3A_1054, %parallel_loop3A_1055, %parallel_loop3A_1056], %parallel_loop3A_1059 {add = true, strides = array<i32>} : memref<2x200x64xf32, #tpu.memory_space<vmem>>, vector<1x1x16xf32>,
      %parallel_loop3A_1060 = arith.index_cast %parallel_loop3A_1023 : i32 to index
      %parallel_loop3A_1061 = arith.constant 32 : index
      %parallel_loop3A_1062 = tpu.vector_load %arg14[%parallel_loop3A_1060, %parallel_loop3A_1061] {strides = array<i32>} : memref<200x64xf32, #tpu.memory_space<vmem>>, vector<1x16xf32>,
      %parallel_loop3A_1063 = vector.shape_cast %parallel_loop3A_1062 : vector<1x16xf32> to vector<16xf32>
      %parallel_loop3A_1064 = arith.constant 0 : i32
      %parallel_loop3A_1065 = arith.index_cast %parallel_loop3A_1064 : i32 to index
      %parallel_loop3A_1066 = arith.index_cast %parallel_loop3A_1023 : i32 to index
      %parallel_loop3A_1067 = arith.constant 32 : index
      %parallel_loop3A_1068 = tpu.vector_load %arg13[%parallel_loop3A_1065, %parallel_loop3A_1066, %parallel_loop3A_1067] {strides = array<i32>} : memref<2x200x64xf32, #tpu.memory_space<vmem>>, vector<1x1x16xf32>,
      %parallel_loop3A_1069 = vector.shape_cast %parallel_loop3A_1068 : vector<1x1x16xf32> to vector<16xf32>
      %parallel_loop3A_1070 = vector.shape_cast %parallel_loop3A_1063 : vector<16xf32> to vector<1x1x16xf32>
      tpu.vector_store %arg13[%parallel_loop3A_1065, %parallel_loop3A_1066, %parallel_loop3A_1067], %parallel_loop3A_1070 {add = true, strides = array<i32>} : memref<2x200x64xf32, #tpu.memory_space<vmem>>, vector<1x1x16xf32>,
      %parallel_loop3A_1071 = arith.constant 1 : i32
      %parallel_loop3A_1072 = arith.index_cast %parallel_loop3A_1071 : i32 to index
      %parallel_loop3A_1073 = arith.index_cast %parallel_loop3A_1023 : i32 to index
      %parallel_loop3A_1074 = arith.constant 32 : index
      %parallel_loop3A_1075 = tpu.vector_load %arg13[%parallel_loop3A_1072, %parallel_loop3A_1073, %parallel_loop3A_1074] {strides = array<i32>} : memref<2x200x64xf32, #tpu.memory_space<vmem>>, vector<1x1x16xf32>,
      %parallel_loop3A_1076 = vector.shape_cast %parallel_loop3A_1075 : vector<1x1x16xf32> to vector<16xf32>
      %parallel_loop3A_1077 = vector.shape_cast %parallel_loop3A_1063 : vector<16xf32> to vector<1x1x16xf32>
      tpu.vector_store %arg13[%parallel_loop3A_1072, %parallel_loop3A_1073, %parallel_loop3A_1074], %parallel_loop3A_1077 {add = true, strides = array<i32>} : memref<2x200x64xf32, #tpu.memory_space<vmem>>, vector<1x1x16xf32>,
      %parallel_loop3A_1078 = arith.index_cast %parallel_loop3A_1023 : i32 to index
      %parallel_loop3A_1079 = arith.constant 48 : index
      %parallel_loop3A_1080 = tpu.vector_load %arg14[%parallel_loop3A_1078, %parallel_loop3A_1079] {strides = array<i32>} : memref<200x64xf32, #tpu.memory_space<vmem>>, vector<1x16xf32>,
      %parallel_loop3A_1081 = vector.shape_cast %parallel_loop3A_1080 : vector<1x16xf32> to vector<16xf32>
      %parallel_loop3A_1082 = arith.constant 0 : i32
      %parallel_loop3A_1083 = arith.index_cast %parallel_loop3A_1082 : i32 to index
      %parallel_loop3A_1084 = arith.index_cast %parallel_loop3A_1023 : i32 to index
      %parallel_loop3A_1085 = arith.constant 48 : index
      %parallel_loop3A_1086 = tpu.vector_load %arg13[%parallel_loop3A_1083, %parallel_loop3A_1084, %parallel_loop3A_1085] {strides = array<i32>} : memref<2x200x64xf32, #tpu.memory_space<vmem>>, vector<1x1x16xf32>,
      %parallel_loop3A_1087 = vector.shape_cast %parallel_loop3A_1086 : vector<1x1x16xf32> to vector<16xf32>
      %parallel_loop3A_1088 = vector.shape_cast %parallel_loop3A_1081 : vector<16xf32> to vector<1x1x16xf32>
      tpu.vector_store %arg13[%parallel_loop3A_1083, %parallel_loop3A_1084, %parallel_loop3A_1085], %parallel_loop3A_1088 {add = true, strides = array<i32>} : memref<2x200x64xf32, #tpu.memory_space<vmem>>, vector<1x1x16xf32>,
      %parallel_loop3A_1089 = arith.constant 1 : i32
      %parallel_loop3A_1090 = arith.index_cast %parallel_loop3A_1089 : i32 to index
      %parallel_loop3A_1091 = arith.index_cast %parallel_loop3A_1023 : i32 to index
      %parallel_loop3A_1092 = arith.constant 48 : index
      %parallel_loop3A_1093 = tpu.vector_load %arg13[%parallel_loop3A_1090, %parallel_loop3A_1091, %parallel_loop3A_1092] {strides = array<i32>} : memref<2x200x64xf32, #tpu.memory_space<vmem>>, vector<1x1x16xf32>,
      %parallel_loop3A_1094 = vector.shape_cast %parallel_loop3A_1093 : vector<1x1x16xf32> to vector<16xf32>
      %parallel_loop3A_1095 = vector.shape_cast %parallel_loop3A_1081 : vector<16xf32> to vector<1x1x16xf32>
      tpu.vector_store %arg13[%parallel_loop3A_1090, %parallel_loop3A_1091, %parallel_loop3A_1092], %parallel_loop3A_1095 {add = true, strides = array<i32>} : memref<2x200x64xf32, #tpu.memory_space<vmem>>, vector<1x1x16xf32>,
    } {sc.loop_unroll_factor = 4 : i64, sc.parallel_access}
    %add3A_983 = arith.constant 126 : i32
    %add3A_984 = arith.addi %mul3A_2, %add3A_983 : i32
    %dma_start3A_985 = arith.constant 0 : i32
    %dma_start3A_986 = arith.constant 0 : i32
    %dma_start3A_987 = tpu.memref_slice %arg5[%add3A_984, %dma_start3A_985, %dma_start3A_986] : memref<4096x200x64xf32, #tpu.memory_space<hbm>> -> memref<2x200x64xf32, #tpu.memory_space<hbm>>
    %dma_start3A_988 = arith.constant 0 : i32
    %dma_start3A_989 = arith.constant 0 : i32
    %dma_start3A_990 = tpu.memref_slice %arg5[%add3A_984, %dma_start3A_988, %dma_start3A_989] : memref<4096x200x64xf32, #tpu.memory_space<hbm>> -> memref<2x200x64xf32, #tpu.memory_space<hbm>>
    tpu.enqueue_dma source(%arg13 : memref<2x200x64xf32, #tpu.memory_space<vmem>>) target(%dma_start3A_990 : memref<2x200x64xf32, #tpu.memory_space<hbm>>) target_semaphore(%arg26 : memref<!tpu.dma_semaphore, #tpu.memory_space<semaphore_mem>>)
    %add3A_991 = arith.constant 120 : i32
    %add3A_992 = arith.addi %mul3A_2, %add3A_991 : i32
    %dma_wait3A_993 = arith.constant 0 : i32
    %dma_wait3A_994 = arith.constant 0 : i32
    %dma_wait3A_995 = tpu.memref_slice %arg5[%add3A_992, %dma_wait3A_993, %dma_wait3A_994] : memref<4096x200x64xf32, #tpu.memory_space<hbm>> -> memref<2x200x64xf32, #tpu.memory_space<hbm>>
    %dma_wait3A_996 = arith.constant 0 : i32
    %dma_wait3A_997 = arith.constant 0 : i32
    %dma_wait3A_998 = tpu.memref_slice %arg5[%add3A_992, %dma_wait3A_996, %dma_wait3A_997] : memref<4096x200x64xf32, #tpu.memory_space<hbm>> -> memref<2x200x64xf32, #tpu.memory_space<hbm>>
    tpu.wait_dma2 semaphore(%arg23 : memref<!tpu.dma_semaphore, #tpu.memory_space<semaphore_mem>>) src(%arg10 : memref<2x200x64xf32, #tpu.memory_space<vmem>>) dst(%dma_wait3A_998 : memref<2x200x64xf32, #tpu.memory_space<hbm>>)
    %add3A_999 = arith.constant 122 : i32
    %add3A_1000 = arith.addi %mul3A_2, %add3A_999 : i32
    %dma_wait3A_1001 = arith.constant 0 : i32
    %dma_wait3A_1002 = arith.constant 0 : i32
    %dma_wait3A_1003 = tpu.memref_slice %arg5[%add3A_1000, %dma_wait3A_1001, %dma_wait3A_1002] : memref<4096x200x64xf32, #tpu.memory_space<hbm>> -> memref<2x200x64xf32, #tpu.memory_space<hbm>>
    %dma_wait3A_1004 = arith.constant 0 : i32
    %dma_wait3A_1005 = arith.constant 0 : i32
    %dma_wait3A_1006 = tpu.memref_slice %arg5[%add3A_1000, %dma_wait3A_1004, %dma_wait3A_1005] : memref<4096x200x64xf32, #tpu.memory_space<hbm>> -> memref<2x200x64xf32, #tpu.memory_space<hbm>>
    tpu.wait_dma2 semaphore(%arg24 : memref<!tpu.dma_semaphore, #tpu.memory_space<semaphore_mem>>) src(%arg11 : memref<2x200x64xf32, #tpu.memory_space<vmem>>) dst(%dma_wait3A_1006 : memref<2x200x64xf32, #tpu.memory_space<hbm>>)
    %add3A_1007 = arith.constant 124 : i32
    %add3A_1008 = arith.addi %mul3A_2, %add3A_1007 : i32
    %dma_wait3A_1009 = arith.constant 0 : i32
    %dma_wait3A_1010 = arith.constant 0 : i32
    %dma_wait3A_1011 = tpu.memref_slice %arg5[%add3A_1008, %dma_wait3A_1009, %dma_wait3A_1010] : memref<4096x200x64xf32, #tpu.memory_space<hbm>> -> memref<2x200x64xf32, #tpu.memory_space<hbm>>
    %dma_wait3A_1012 = arith.constant 0 : i32
    %dma_wait3A_1013 = arith.constant 0 : i32
    %dma_wait3A_1014 = tpu.memref_slice %arg5[%add3A_1008, %dma_wait3A_1012, %dma_wait3A_1013] : memref<4096x200x64xf32, #tpu.memory_space<hbm>> -> memref<2x200x64xf32, #tpu.memory_space<hbm>>
    tpu.wait_dma2 semaphore(%arg25 : memref<!tpu.dma_semaphore, #tpu.memory_space<semaphore_mem>>) src(%arg12 : memref<2x200x64xf32, #tpu.memory_space<vmem>>) dst(%dma_wait3A_1014 : memref<2x200x64xf32, #tpu.memory_space<hbm>>)
    %add3A_1015 = arith.constant 126 : i32
    %add3A_1016 = arith.addi %mul3A_2, %add3A_1015 : i32
    %dma_wait3A_1017 = arith.constant 0 : i32
    %dma_wait3A_1018 = arith.constant 0 : i32
    %dma_wait3A_1019 = tpu.memref_slice %arg5[%add3A_1016, %dma_wait3A_1017, %dma_wait3A_1018] : memref<4096x200x64xf32, #tpu.memory_space<hbm>> -> memref<2x200x64xf32, #tpu.memory_space<hbm>>
    %dma_wait3A_1020 = arith.constant 0 : i32
    %dma_wait3A_1021 = arith.constant 0 : i32
    %dma_wait3A_1022 = tpu.memref_slice %arg5[%add3A_1016, %dma_wait3A_1020, %dma_wait3A_1021] : memref<4096x200x64xf32, #tpu.memory_space<hbm>> -> memref<2x200x64xf32, #tpu.memory_space<hbm>>
    tpu.wait_dma2 semaphore(%arg26 : memref<!tpu.dma_semaphore, #tpu.memory_space<semaphore_mem>>) src(%arg13 : memref<2x200x64xf32, #tpu.memory_space<vmem>>) dst(%dma_wait3A_1022 : memref<2x200x64xf32, #tpu.memory_space<hbm>>)
    return
  }
}

</mosaic_0001>

<sc_bundles>
// kernel: kernel.3.cloned.1.call-start
scs
__scs_entry_jumppad:
0x0: {  	(pc) =	sbr.rel $0x88, $3  }
0x1: {  	(tag) =	ssettag $0x0;
	lr =	simm.s32 $0x1  }
0x2: {  	[smem:$0x3F9E] =	sst lr;
	_ =	strace $0xD0000000  }
0x3: {  	_ = 	snop  }
0x4: {  	_ = 	snop  }
0x5: {  	_ = 	snop  }
0x6: {  	_ = 	snop  }
0x7: {  	_ = 	snop  }
__scs_overlays_trampoline_lowered:
0x8: {  	[smem:$0x3FAD] =	sst s0  }
0x9: {  	[smem:$0x3FAE] =	sst s1  }
0xa: {  	[smem:$0x3FAF] =	sst s2  }
0xb: {  	[smem:$0x3FB0] =	sst s3  }
0xc: {  	[smem:$0x3FB1] =	sst s4  }
0xd: {  	[smem:$0x3FB2] =	sst s5  }
0xe: {  	[smem:$0x3FB3] =	sst s6  }
0xf: {  	[smem:$0x3FB4] =	sst s7  }
0x10: {  	[smem:$0x3FB5] =	sst s8  }
0x11: {  	[smem:$0x3FB6] =	sst s9;
	s0 =	simm.s32 @!p0 $0x0  }
0x12: {  	s1 =	sld [smem:$0x3F9C];
	s0 =	simm.s32 @p0 $0x1  }
0x13: {  	[smem:$0x3FB7] =	sst s0;
	s0 =	simm.s32 @!p1 $0x0  }
0x14: {  	s2 =	sld [smem:$0x3F9B];
	s0 =	simm.s32 @p1 $0x1  }
0x15: {  	[smem:$0x3FB8] =	sst s0;
	s0 =	simm.s32 @!p2 $0x0  }
0x16: {  	s3 =	sld [smem:$0x3FDB];
	s0 =	simm.s32 @p2 $0x1  }
0x17: {  	s4 =	simm.s32 $0x1BF5;
	[smem:$0x3FBA] =	sst s0  }
0x18: {  	s0 =	sld [smem:$0x3F9D];
	_ =	swait.ge [sflag:s4], $0x0  }
0x19: {  	s7 =	sld [smem:$0x3F9E]  }
0x1a: {  	s8 =	sadd.s32 $0xFFFFE003, lr  }
0x1b: {  	s9 =	sadd.s32 $0xFFFFFEF7, lr;
	s5 =	simm.s32 $0xFFFFFFFF;
	p2 =	slt.u32 s8, $0xFFFFF086  }
0x1c: {  	p1 =	slt.u32 s9, $0xF7A;
	s5 =	simm.s32 @!p2 $0x0  }
0x1d: {  	s5 =	simm.s32 @p1 $0x1;
	p0 =	seq.s32 s7, s2  }
0x1e: {  	s7 =	smul.u32 @!p0 $0xF7A, s2;
	p2 =	seq.s32 @!p0 s5, $0x0  }
0x1f: {  	s9 =	smul.u32 $0xF7A, s1;
	s8 =	simm.s32 @!p0 $0x1BF5;
	p2 =	por !p2, p0  }
0x20: {  	[sflag:s8] =	ssyncset.s32 @!p0 $0xFFFFF086;
	s6 =	sadd.s32 @!p0 s3, s7;
	s7 =	simm.s32 @!p0 $0x108  }
0x21: {  	s3 =	sadd.s32 s3, s9;
	s6 =	sadd.s32 @!p0 $0x88, s6;
	s7 =	simm.s32 @p2 $0x1082  }
0x22: {  	[simem:s7], [sflag:s8] =	dma.local @!p0 [hbm:s6], $0xF7A  }
0x23: {  	s9 =	sor.u32 $0xD0000000, s2;
	s6 =	simm.s32 $0x108;
	_ =	swait.ge @!p0 [sflag:s8], $0x0  }
0x24: {  	s3 =	sadd.s32 $0x88, s3;
	s6 =	simm.s32 @!p1 $0x1082;
	[sflag:s4] =	ssyncset.s32 $0xFFFFF086  }
0x25: {  	[simem:s6], [sflag:s4] =	dma.local [hbm:s3], $0xF7A  }
0x26: {  	[smem:$0x3F9E] =	sst s1;
	(tag) =	ssettag s2;
	_ =	strace s9  }
0x27: {  	s1 =	sld [smem:$0x3FAE]  }
0x28: {  	s2 =	sld [smem:$0x3FAF]  }
0x29: {  	s4 =	sld [smem:$0x3FB1]  }
0x2a: {  	p0 =	seq.s32 s5, $0x0;
	s5 =	sld [smem:$0x3FB2]  }
0x2b: {  	s6 =	sld [smem:$0x3FB3]  }
0x2c: {  	s7 =	sld [smem:$0x3FB4]  }
0x2d: {  	s3 =	simm.s32 $0x108;
	s8 =	sld [smem:$0x3FB5]  }
0x2e: {  	s3 =	simm.s32 @!p0 $0x1082;
	s9 =	sld [smem:$0x3FB6]  }
0x2f: {  	lr =	sadd.s32 s0, s3;
	s0 =	sld [smem:$0x3FAD]  }
0x30: {  	s3 =	sld [smem:$0x3FB0]  }
0x31: {  	[smem:$0x3FB9] =	sst s10  }
0x32: {  	s10 =	sld [smem:$0x3FB7];
	_ =	sdelay $0x3  }
0x33: {  	p0 =	seq.s32 s10, $0x1;
	s10 =	sld [smem:$0x3FB9];
	_ =	sdelay $0x3  }
0x34: {  	[smem:$0x3FB9] =	sst s10  }
0x35: {  	s10 =	sld [smem:$0x3FB8];
	_ =	sdelay $0x3  }
0x36: {  	p1 =	seq.s32 s10, $0x1;
	s10 =	sld [smem:$0x3FB9];
	_ =	sdelay $0x3  }
0x37: {  	[smem:$0x3FB9] =	sst s10  }
0x38: {  	s10 =	sld [smem:$0x3FBA]  }
0x39: {  	_ = 	snop;
	(pc) =	sbr.ind lr, $3  }
0x3a: {  	_ = 	snop  }
0x3b: {  	_ = 	snop  }
0x3c: {  	p2 =	seq.s32 s10, $0x1;
	s10 =	sld [smem:$0x3FB9]  }
0x3d: {  	_ =	shalt  }
0x3e: {  	_ =	shalt  }
0x3f: {  	_ =	shalt  }
0x40: {  	_ =	shalt  }
0x41: {  	_ =	shalt  }
0x42: {  	_ =	shalt  }
0x43: {  	_ =	shalt  }
0x44: {  	_ =	shalt  }
0x45: {  	_ =	shalt  }
0x46: {  	_ =	shalt  }
0x47: {  	_ =	shalt  }
0x48: {  	_ =	shalt  }
0x49: {  	_ =	shalt  }
0x4a: {  	_ =	shalt  }
0x4b: {  	_ =	shalt  }
0x4c: {  	_ =	shalt  }
0x4d: {  	_ =	shalt  }
0x4e: {  	_ =	shalt  }
0x4f: {  	_ =	shalt  }
0x50: {  	_ =	shalt  }
0x51: {  	_ =	shalt  }
0x52: {  	_ =	shalt  }
0x53: {  	_ =	shalt  }
0x54: {  	_ =	shalt  }
0x55: {  	_ =	shalt  }
0x56: {  	_ =	shalt  }
0x57: {  	_ =	shalt  }
0x58: {  	_ =	shalt  }
0x59: {  	_ =	shalt  }
0x5a: {  	_ =	shalt  }
0x5b: {  	_ =	shalt  }
0x5c: {  	_ =	shalt  }
0x5d: {  	_ =	shalt  }
0x5e: {  	_ =	shalt  }
0x5f: {  	_ =	shalt  }
0x60: {  	_ =	shalt  }
0x61: {  	_ =	shalt  }
0x62: {  	_ =	shalt  }
0x63: {  	_ =	shalt  }
0x64: {  	_ =	shalt  }
0x65: {  	_ =	shalt  }
0x66: {  	_ =	shalt  }
0x67: {  	_ =	shalt  }
0x68: {  	_ =	shalt  }
0x69: {  	_ =	shalt  }
0x6a: {  	_ =	shalt  }
0x6b: {  	_ =	shalt  }
0x6c: {  	_ =	shalt  }
0x6d: {  	_ =	shalt  }
0x6e: {  	_ =	shalt  }
0x6f: {  	_ =	shalt  }
0x70: {  	_ =	shalt  }
0x71: {  	_ =	shalt  }
0x72: {  	_ =	shalt  }
0x73: {  	_ =	shalt  }
0x74: {  	_ =	shalt  }
0x75: {  	_ =	shalt  }
0x76: {  	_ =	shalt  }
0x77: {  	_ =	shalt  }
0x78: {  	_ =	shalt  }
0x79: {  	_ =	shalt  }
0x7a: {  	_ =	shalt  }
0x7b: {  	_ =	shalt  }
0x7c: {  	_ =	shalt  }
0x7d: {  	_ =	shalt  }
0x7e: {  	_ =	shalt  }
0x7f: {  	_ =	shalt  }
0x80: {  	_ =	shalt  }
0x81: {  	_ =	shalt  }
0x82: {  	_ =	shalt  }
0x83: {  	_ =	shalt  }
0x84: {  	_ =	shalt  }
0x85: {  	_ =	shalt  }
0x86: {  	_ =	shalt  }
0x87: {  	_ =	shalt  }
.Lfunc_end0:
.L_simem_size_0:
called_computation.1_lowered:
.L_overlay_start_0:
0x88: {  	s2 =	sld [smem:$0x3FD9]  }
0x89: {  	s3 =	sld [smem:$0x3FFE];
	_ =	sdelay $0x1  }
0x8a: {  	s1 =	srdreg.scid  }
0x8b: {  	s0 =	sand.u32 $0x1, s1  }
0x8c: {  	s17 =	sshll.u32 s0, $0xA;
	s2 =	sadd.s32 s3, s2  }
0x8d: {  	s2 =	sadd.s32 s2, s17  }
0x8e: {  	[smem:$0x3FC5] =	sst s2  }
0x8f: {  	_ = 	snop  }
0x90: {  	s2 =	sld [smem:$0x3FD0];
	(tm) =	ssettm $0x1  }
0x91: {  	s18 =	sld [smem:$0x3FFB];
	_ =	sdelay $0x3  }
0x92: {  	_ =	strace s18  }
0x93: {  	s3 =	sld [smem:$0x3FFC];
	_ =	sdelay $0x3  }
0x94: {  	_ =	strace s3  }
0x95: {  	s3 =	sld [smem:$0x3FFD];
	_ =	sdelay $0x3  }
0x96: {  	_ =	strace s3  }
0x97: {  	_ =	strace $0x8FFFFFFF  }
0x98: {  	s19 =	sld [smem:$0x3FDB];
	_ =	sdelay $0x1  }
0x99: {  	s4 =	simm.s32 $_scs_section_size  }
0x9a: {  	s5 =	simm.s32 $_size__tile_overlayer_lowered;
	s6 =	simm.s32 $_tile_overlayer_lowered  }
0x9b: {  	s22 =	simm.s32 $0x1BFF;
	s21 =	sshll.u32 s6, $0x1;
	s3 =	sadd.s32 s4, s19  }
0x9c: {  	s7 =	simm.s32 $0x0;
	s20 =	sshll.u32 s5, $0x1;
	s5 =	sadd.s32 s21, s3  }
0x9d: {  	[timem:s7], [sflag:s22] =	dma.local [hbm:s5], s20  }
0x9e: {  	_ =	swait.ge [sflag:s22], s20  }
0x9f: {  	s4 =	ssub.s32 $0x0, s20;
	[sflag:s22] =	ssyncset.done $0x0  }
0xa0: {  	[sflag:s22] =	ssyncadd.s32 s4;
	_ =	sdelay $0x1  }
0xa1: {  	s23 =	simm.s32 $0x1B8B  }
0xa2: {  	_ =	swait.ge [sflag:s23], $0x1  }
0xa3: {  	[sflag:s23] =	ssyncset.done $0x0  }
0xa4: {  	s25 =	simm.s32 $0x1B8E;
	s24 =	sld [smem:$0x3FFE];
	[sflag:s23] =	ssyncadd.s32 $0xFFFFFFFF  }
0xa5: {  	s26 =	simm.s32 $execute0_lowered;
	[smem:$0x3FD2] =	sst s25  }
0xa6: {  	s5 =	sshll.u32 s26, $0x1;
	_ =	strace $0x80000046;
	[dreg:$0x1] =	wrdreg $0xFFFFFFFF  }
0xa7: {  	s28 =	simm.s32 $_size_execute0_lowered;
	s3 =	sadd.s32 s3, s5;
	[dreg:$0x0] =	wrdreg $0x0  }
0xa8: {  	s5 =	sshll.u32 s28, $0x1;
	[dreg:$0x2] =	wrdreg s3  }
0xa9: {  	[dreg:$0x3] =	wrdreg s5  }
0xaa: {  	[dreg:$0x4] =	wrdreg $0xC0  }
0xab: {  	_ =	task [dreg:s7], $0x5FFFF  }
0xac: {  	[dreg:$0x1] =	wrdreg $0xFFFFFFFF  }
0xad: {  	[dreg:$0x0] =	wrdreg $0x60  }
0xae: {  	[dreg:$0x2] =	wrdreg s24  }
0xaf: {  	[dreg:$0x3] =	wrdreg s2  }
0xb0: {  	[dreg:$0x4] =	wrdreg $0x9  }
0xb1: {  	_ =	task.clear_ibuf [dreg:s7], $0x5FFFF;
	_ =	strace $0x90000046  }
0xb2: {  	s29 =	simm.s32 $0x9;
	_ =	strace $0x80000048  }
0xb3: {  	_ =	swait.ge [sflag:s29], $0x1  }
0xb4: {  	[sflag:s29] =	ssyncadd.s32 $0xFFFFFFFF  }
0xb5: {  	_ =	strace $0x90000048  }
0xb6: {  	_ =	sfence  }
0xb7: {  	s30 =	sld [smem:$0x0];
	_ =	sdelay $0x2  }
0xb8: {  	s31 =	sshll.u32 s1, $0xD;
	s1 =	sshrl.u32 s1, $0x2  }
0xb9: {  	s3 =	sand.u32 $0x4000, s31;
	s1 =	sadd.s32 s1, s30  }
0xba: {  	s0 =	sor.u32 s3, s0;
	s1 =	sshll.u32 s1, $0x11  }
0xbb: {  	s0 =	sor.u32 s1, s0  }
0xbc: {  	s0 =	sadd.s32 $0x8F2B, s0  }
0xbd: {  	[sflag:s0] =	ssyncadd.remote.s32 $0x1  }
0xbe: {  	_ =	sfence.sel $0xFFFF  }
0xbf: {  	[dreg:$0x0] =	wrdreg $0xFFFFFFFF;
	(pc) =	sbr.abs _section_cstart, $3  }
0xc0: {  	[dreg:$0x1] =	wrdreg $0xFFFFFFFF  }
0xc1: {  	_ =	task.clear_ibuf [dreg:s7], $0x2FFFF;
	_ =	strace $0x9FFFFFFF  }
0xc2: {  	(tm) =	ssettm $0x7FFFFFFF  }
0xc3: {  	_ =	shalt  }
tec
execute0_lowered:
.L_overlay_start_1:
0x0: {  	(tag) =	ssettag $0x1  }
0x1: {  	s0 =	rddreg [dreg:$0x0]  }
0x2: {  	s8 =	rddreg [dreg:$0x1];
	s16 =	simm.s32 $0x0  }
0x3: {  	s1 =	srdreg.scid;
	s2 =	stileid.u32;
	s30 =	simm.s32 $0x4E0  }
0x4: {  	s31 =	simm.s32 $0x3;
	s28 =	simm.s32 $0x13280;
	s29 =	simm.s32 $0x8  }
0x5: {  	[smem:$0x7FF] =	sst s16;
	s4 =	sadd.s32 $0xC00, s0;
	s1 =	sand.u32 $0x1, s1  }
0x6: {  	s2 =	sshll.u32 s2, $0x1;
	s5 =	sadd.s32 $0xF43000, s0;
	s0 =	sadd.s32 $0x1AC00, s0  }
0x7: {  	s19 =	smov.u32 s8;
	s3 =	ssub.s32 $0x2, s1;
	s1 =	sor.u32 s1, s2  }
0x8: {  	_ =	strace $0x80000047;
	[dreg:$0x3] =	wrdreg s0;
	s6 =	sshll.u32 s1, $0x8  }
0x9: {  	s24 =	sshrl.u32 s3, $0x1;
	s2 =	smul.u32 $0xD00, s1;
	s17 =	sor.u32 $0x10, s6  }
0xa: {  	s7 =	sshll.u32 s1, $0x7;
	s18 =	sor.u32 $0x14, s6;
	[dreg:$0xd] =	wrdreg s17  }
0xb: {  	s0 =	ssub.s32 s3, s24;
	s20 =	sor.u32 $0x18, s6;
	[dreg:$0xe] =	wrdreg s18  }
0xc: {  	s26 =	smul.u32 $0x32000, s1;
	[dreg:$0xf] =	wrdreg s20;
	s0 =	smax.u32 s0, $0x1  }
0xd: {  	s25 =	smul.u32 $0x6800, s1;
	s9 =	sadd.s32 s4, s2;
	[dreg:$0x14] =	wrdreg s0  }
0xe: {  	s1 =	smul.u32 $0x190000, s1;
	s2 =	sadd.s32 s8, s26;
	[dreg:$0x4] =	wrdreg s9  }
0xf: {  	s3 =	sshrl.u32 s25, $0x3;
	s10 =	sadd.s32 $0x34, s9;
	[dreg:$0x8] =	wrdreg s2  }
0x10: {  	s1 =	sshrl.u32 s1, $0x3;
	s11 =	sadd.s32 $0x68, s9;
	[dreg:$0x5] =	wrdreg s10  }
0x11: {  	s20 =	sor.u32 $0x1C, s6;
	s12 =	sadd.s32 $0x9C, s9;
	[dreg:$0x6] =	wrdreg s11  }
0x12: {  	s6 =	simm.s32 $0x1;
	s24 =	sadd.s32 $0xD0, s9;
	[dreg:$0x7] =	wrdreg s12  }
0x13: {  	s3 =	sadd.s32 s4, s3;
	s25 =	sadd.s32 $0xC80, s2;
	[dreg:$0x15] =	wrdreg s24  }
0x14: {  	s1 =	sadd.s32 s8, s1;
	s26 =	sadd.s32 $0x1900, s2;
	[dreg:$0x16] =	wrdreg s25  }
0x15: {  	s0 =	simm.s32 $0x1A0;
	s13 =	sadd.s32 $0x104, s3;
	[dreg:$0x17] =	wrdreg s26  }
0x16: {  	s2 =	simm.s32 $0x340;
	s14 =	sadd.s32 $0x138, s3;
	[dreg:$0x9] =	wrdreg s13  }
0x17: {  	s9 =	simm.s32 $0x64;
	s3 =	sadd.s32 $0x16C, s3;
	[dreg:$0xa] =	wrdreg s14  }
0x18: {  	s8 =	simm.s32 $0x5;
	s15 =	sadd.s32 $0x2580, s1;
	[dreg:$0xb] =	wrdreg s3  }
0x19: {  	s21 =	sadd.s32 $0x2EE00, s1;
	s22 =	sadd.s32 $0x2FA80, s1;
	[dreg:$0xc] =	wrdreg s15  }
0x1a: {  	s23 =	sadd.s32 $0x30700, s1;
	s1 =	sadd.s32 $0x31380, s1;
	[dreg:$0x10] =	wrdreg s21  }
0x1b: {  	s10 =	simm.s32 $0x680;
	s11 =	simm.s32 $0xCE80;
	[dreg:$0x11] =	wrdreg s22  }
0x1c: {  	s25 =	simm.s32 $0x6;
	s26 =	simm.s32 $0x4;
	[dreg:$0x12] =	wrdreg s23  }
0x1d: {  	s24 =	simm.s32 $0x9;
	s12 =	simm.s32 $0xA;
	[dreg:$0x13] =	wrdreg s1  }
0x1e: {  	s22 =	simm.s32 $0x2;
	s23 =	simm.s32 $0x6A80;
	s21 =	simm.s32 $0x7  }
0x1f: {  	s13 =	simm.s32 $0xB;
	s14 =	simm.s32 $0xC;
	s3 =	simm.s32 $0x0  }
.LBB2_1:
0x20: {  	[dreg:$0x18] =	wrdreg s3  }
0x21: {  	s1 =	rddreg [dreg:$0x3];
	s18 =	simm.s32 $0x19680;
	s15 =	simm.s32 $0xD  }
0x22: {  	[tilespmem:s18], [sflag:$0xD] =	stream.linear.gather [hbm4b:s1+s16], $0x3200, $0x38;
	[tilespmem:$0x1C880] =	vst v63  }
0x23: {  	_ =	swait.ge [sflag:s15], $0x3200  }
0x24: {  	[sflag:s15] =	ssyncset.done $0x0  }
0x25: {  	s17 =	rddreg [dreg:$0x4];
	[sflag:s15] =	ssyncadd.s32 $0xFFFFCE00  }
0x26: {  	[tilespmem:s16], [sflag:$0x1] =	stream.linear.gather [hbm4b:s17+s16], $0x1A0, $0x38;
	[tilespmem:$0x1C880] =	vst v63  }
0x27: {  	s18 =	rddreg [dreg:$0x5]  }
0x28: {  	[tilespmem:s0], [sflag:$0x2] =	stream.linear.gather [hbm4b:s18+s16], $0x1A0, $0x38;
	[tilespmem:$0x1C880] =	vst v63  }
0x29: {  	s3 =	rddreg [dreg:$0x6]  }
0x2a: {  	[tilespmem:s2], [sflag:$0x3] =	stream.linear.gather [hbm4b:s3+s16], $0x1A0, $0x38;
	[tilespmem:$0x1C880] =	vst v63  }
0x2b: {  	s15 =	rddreg [dreg:$0x7]  }
0x2c: {  	[tilespmem:s30], [sflag:$0x4] =	stream.linear.gather [hbm4b:s15+s16], $0x1A0, $0x38;
	[tilespmem:$0x1C880] =	vst v63  }
0x2d: {  	_ =	swait.ge [sflag:s6], $0x1A0  }
0x2e: {  	[sflag:s6] =	ssyncset.done $0x0  }
0x2f: {  	[sflag:s6] =	ssyncadd.s32 $0xFFFFFE60  }
0x30: {  	[tilespmem:s10], [sflag:$0x5] =	stream.indirect.gather [hbm4b:s5+s9], $0x40, s16, s9, $0xb8;
	[tilespmem:$0x1C880] =	vst v63  }
0x31: {  	s17 =	simm.s32 $0x68;
	s18 =	simm.s32 $0x1F80  }
0x32: {  	[tilespmem:s18], [sflag:$0x5] =	stream.indirect.gather [hbm4b:s5+s9], $0x40, s17, s9, $0xb8;
	[tilespmem:$0x1C880] =	vst v63  }
0x33: {  	s3 =	simm.s32 $0xD0;
	s15 =	simm.s32 $0x3880  }
0x34: {  	[tilespmem:s15], [sflag:$0x5] =	stream.indirect.gather [hbm4b:s5+s9], $0x40, s3, s9, $0xb8;
	[tilespmem:$0x1C880] =	vst v63  }
0x35: {  	s17 =	simm.s32 $0x138;
	s18 =	simm.s32 $0x5180  }
0x36: {  	[tilespmem:s18], [sflag:$0x5] =	stream.indirect.gather [hbm4b:s5+s9], $0x40, s17, s9, $0xb8;
	[tilespmem:$0x1C880] =	vst v63  }
0x37: {  	_ =	swait.ge [sflag:s22], $0x1A0  }
0x38: {  	[sflag:s22] =	ssyncset.done $0x0  }
0x39: {  	[sflag:s22] =	ssyncadd.s32 $0xFFFFFE60  }
0x3a: {  	[tilespmem:s23], [sflag:$0x6] =	stream.indirect.gather [hbm4b:s5+s9], $0x40, s0, s9, $0xb8;
	[tilespmem:$0x1C880] =	vst v63  }
0x3b: {  	s3 =	simm.s32 $0x208;
	s15 =	simm.s32 $0x8380  }
0x3c: {  	[tilespmem:s15], [sflag:$0x6] =	stream.indirect.gather [hbm4b:s5+s9], $0x40, s3, s9, $0xb8;
	[tilespmem:$0x1C880] =	vst v63  }
0x3d: {  	s17 =	simm.s32 $0x270;
	s18 =	simm.s32 $0x9C80  }
0x3e: {  	[tilespmem:s18], [sflag:$0x6] =	stream.indirect.gather [hbm4b:s5+s9], $0x40, s17, s9, $0xb8;
	[tilespmem:$0x1C880] =	vst v63  }
0x3f: {  	s15 =	simm.s32 $0x2D8;
	s17 =	simm.s32 $0xB580  }
0x40: {  	[tilespmem:s17], [sflag:$0x6] =	stream.indirect.gather [hbm4b:s5+s9], $0x40, s15, s9, $0xb8;
	[tilespmem:$0x1C880] =	vst v63  }
0x41: {  	_ =	swait.ge [sflag:s8], $0x1900  }
0x42: {  	[sflag:s8] =	ssyncset.done $0x0  }
0x43: {  	[sflag:s8] =	ssyncadd.s32 $0xFFFFE700  }
0x44: {  	_ =	swait.ge [sflag:s8], $0x1900  }
0x45: {  	[sflag:s8] =	ssyncset.done $0x0  }
0x46: {  	[sflag:s8] =	ssyncadd.s32 $0xFFFFE700  }
0x47: {  	_ =	swait.ge [sflag:s8], $0x1900  }
0x48: {  	[sflag:s8] =	ssyncset.done $0x0  }
0x49: {  	[sflag:s8] =	ssyncadd.s32 $0xFFFFE700  }
0x4a: {  	_ =	swait.ge [sflag:s8], $0x1900  }
0x4b: {  	[sflag:s8] =	ssyncset.done $0x0  }
0x4c: {  	s1 =	simm.s32 $0x0;
	s18 =	rddreg [dreg:$0x15];
	[sflag:s8] =	ssyncadd.s32 $0xFFFFE700  }
0x4d: {  	[tilespmem:s16], [sflag:$0x1] =	stream.linear.gather [hbm4b:s18+s16], $0x1A0, $0x38;
	[tilespmem:$0x1C880] =	vst v63  }
0x4e: {  	v0 =	vld [tilespmem:s1+$0x19770]  }
0x4f: {  	v1 =	vld [tilespmem:s1+$0x19680]  }
0x50: {  	v2 =	vld [tilespmem:s1+$0x19690]  }
0x51: {  	v3 =	vld [tilespmem:s1+$0x196A0]  }
0x52: {  	v4 =	vld [tilespmem:s1+$0x196B0]  }
0x53: {  	v5 =	vld [tilespmem:s1+$0x196C0]  }
0x54: {  	v6 =	vld [tilespmem:s1+$0x196D0]  }
0x55: {  	v7 =	vld [tilespmem:s1+$0x196E0]  }
0x56: {  	v8 =	vld [tilespmem:s1+$0x196F0]  }
0x57: {  	v9 =	vld [tilespmem:s1+$0x19700]  }
0x58: {  	v10 =	vld [tilespmem:s1+$0x19710]  }
0x59: {  	v11 =	vld [tilespmem:s1+$0x19720]  }
0x5a: {  	v12 =	vld [tilespmem:s1+$0x19730]  }
0x5b: {  	v13 =	vld [tilespmem:s1+$0x19740]  }
0x5c: {  	v14 =	vld [tilespmem:s1+$0x19750]  }
0x5d: {  	v15 =	vld [tilespmem:s1+$0x19760]  }
0x5e: {  	[tilespmem:s1+$0x3970] =	vst.add.f32.msk $0xffff, v0  }
0x5f: {  	[tilespmem:s1+$0x680] =	vst.add.f32.msk $0xffff, v1  }
0x60: {  	[tilespmem:s1+$0x3880] =	vst.add.f32.msk $0xffff, v1  }
0x61: {  	[tilespmem:s1+$0x690] =	vst.add.f32.msk $0xffff, v2  }
0x62: {  	[tilespmem:s1+$0x3890] =	vst.add.f32.msk $0xffff, v2  }
0x63: {  	[tilespmem:s1+$0x6A0] =	vst.add.f32.msk $0xffff, v3  }
0x64: {  	[tilespmem:s1+$0x38A0] =	vst.add.f32.msk $0xffff, v3  }
0x65: {  	[tilespmem:s1+$0x6B0] =	vst.add.f32.msk $0xffff, v4  }
0x66: {  	[tilespmem:s1+$0x38B0] =	vst.add.f32.msk $0xffff, v4  }
0x67: {  	[tilespmem:s1+$0x6C0] =	vst.add.f32.msk $0xffff, v5  }
0x68: {  	[tilespmem:s1+$0x38C0] =	vst.add.f32.msk $0xffff, v5  }
0x69: {  	[tilespmem:s1+$0x6D0] =	vst.add.f32.msk $0xffff, v6  }
0x6a: {  	[tilespmem:s1+$0x38D0] =	vst.add.f32.msk $0xffff, v6  }
0x6b: {  	[tilespmem:s1+$0x6E0] =	vst.add.f32.msk $0xffff, v7  }
0x6c: {  	[tilespmem:s1+$0x38E0] =	vst.add.f32.msk $0xffff, v7  }
0x6d: {  	[tilespmem:s1+$0x6F0] =	vst.add.f32.msk $0xffff, v8  }
0x6e: {  	[tilespmem:s1+$0x38F0] =	vst.add.f32.msk $0xffff, v8  }
0x6f: {  	[tilespmem:s1+$0x700] =	vst.add.f32.msk $0xffff, v9  }
0x70: {  	[tilespmem:s1+$0x3900] =	vst.add.f32.msk $0xffff, v9  }
0x71: {  	[tilespmem:s1+$0x710] =	vst.add.f32.msk $0xffff, v10  }
0x72: {  	[tilespmem:s1+$0x3910] =	vst.add.f32.msk $0xffff, v10  }
0x73: {  	[tilespmem:s1+$0x720] =	vst.add.f32.msk $0xffff, v11  }
0x74: {  	[tilespmem:s1+$0x3920] =	vst.add.f32.msk $0xffff, v11  }
0x75: {  	[tilespmem:s1+$0x730] =	vst.add.f32.msk $0xffff, v12  }
0x76: {  	[tilespmem:s1+$0x3930] =	vst.add.f32.msk $0xffff, v12  }
0x77: {  	[tilespmem:s1+$0x740] =	vst.add.f32.msk $0xffff, v13  }
0x78: {  	[tilespmem:s1+$0x3940] =	vst.add.f32.msk $0xffff, v13  }
0x79: {  	[tilespmem:s1+$0x750] =	vst.add.f32.msk $0xffff, v14  }
0x7a: {  	[tilespmem:s1+$0x3950] =	vst.add.f32.msk $0xffff, v14  }
0x7b: {  	[tilespmem:s1+$0x760] =	vst.add.f32.msk $0xffff, v15  }
0x7c: {  	s3 =	simm.s32 $0x0;
	s15 =	simm.s32 $0x400;
	[tilespmem:s1+$0x3960] =	vst.add.f32.msk $0xffff, v15  }
.LBB2_2:
0x7d: {  	s3 =	sadd.s32 $0x4, s3;
	[tilespmem:s1+$0x770] =	vst.add.f32.msk $0xffff, v0;
	s1 =	sshra.s32 s15, $0x2  }
0x7e: {  	v0 =	vld [tilespmem:s1+$0x19770];
	p0 =	slt.u32 s3, $0xC4  }
0x7f: {  	v1 =	vld [tilespmem:s1+$0x19680]  }
0x80: {  	v2 =	vld [tilespmem:s1+$0x19690]  }
0x81: {  	v3 =	vld [tilespmem:s1+$0x196A0]  }
0x82: {  	v4 =	vld [tilespmem:s1+$0x196B0]  }
0x83: {  	[tilespmem:s1+$0x3970] =	vst.add.f32.msk $0xffff, v0  }
0x84: {  	v5 =	vld [tilespmem:s1+$0x196C0]  }
0x85: {  	v6 =	vld [tilespmem:s1+$0x196D0]  }
0x86: {  	v7 =	vld [tilespmem:s1+$0x196E0]  }
0x87: {  	v8 =	vld [tilespmem:s1+$0x196F0]  }
0x88: {  	v9 =	vld [tilespmem:s1+$0x19700]  }
0x89: {  	v10 =	vld [tilespmem:s1+$0x19710]  }
0x8a: {  	v11 =	vld [tilespmem:s1+$0x19720]  }
0x8b: {  	v12 =	vld [tilespmem:s1+$0x19730]  }
0x8c: {  	v13 =	vld [tilespmem:s1+$0x19740]  }
0x8d: {  	v14 =	vld [tilespmem:s1+$0x19750]  }
0x8e: {  	v15 =	vld [tilespmem:s1+$0x19760]  }
0x8f: {  	[tilespmem:s1+$0x680] =	vst.add.f32.msk $0xffff, v1  }
0x90: {  	[tilespmem:s1+$0x3880] =	vst.add.f32.msk $0xffff, v1  }
0x91: {  	[tilespmem:s1+$0x690] =	vst.add.f32.msk $0xffff, v2  }
0x92: {  	[tilespmem:s1+$0x3890] =	vst.add.f32.msk $0xffff, v2  }
0x93: {  	[tilespmem:s1+$0x6A0] =	vst.add.f32.msk $0xffff, v3  }
0x94: {  	[tilespmem:s1+$0x38A0] =	vst.add.f32.msk $0xffff, v3  }
0x95: {  	[tilespmem:s1+$0x6B0] =	vst.add.f32.msk $0xffff, v4  }
0x96: {  	[tilespmem:s1+$0x38B0] =	vst.add.f32.msk $0xffff, v4  }
0x97: {  	[tilespmem:s1+$0x6C0] =	vst.add.f32.msk $0xffff, v5  }
0x98: {  	[tilespmem:s1+$0x38C0] =	vst.add.f32.msk $0xffff, v5  }
0x99: {  	[tilespmem:s1+$0x6D0] =	vst.add.f32.msk $0xffff, v6  }
0x9a: {  	[tilespmem:s1+$0x38D0] =	vst.add.f32.msk $0xffff, v6  }
0x9b: {  	[tilespmem:s1+$0x6E0] =	vst.add.f32.msk $0xffff, v7  }
0x9c: {  	[tilespmem:s1+$0x38E0] =	vst.add.f32.msk $0xffff, v7  }
0x9d: {  	[tilespmem:s1+$0x6F0] =	vst.add.f32.msk $0xffff, v8  }
0x9e: {  	[tilespmem:s1+$0x38F0] =	vst.add.f32.msk $0xffff, v8  }
0x9f: {  	[tilespmem:s1+$0x700] =	vst.add.f32.msk $0xffff, v9  }
0xa0: {  	[tilespmem:s1+$0x3900] =	vst.add.f32.msk $0xffff, v9  }
0xa1: {  	[tilespmem:s1+$0x710] =	vst.add.f32.msk $0xffff, v10  }
0xa2: {  	[tilespmem:s1+$0x3910] =	vst.add.f32.msk $0xffff, v10  }
0xa3: {  	[tilespmem:s1+$0x720] =	vst.add.f32.msk $0xffff, v11  }
0xa4: {  	[tilespmem:s1+$0x3920] =	vst.add.f32.msk $0xffff, v11  }
0xa5: {  	[tilespmem:s1+$0x730] =	vst.add.f32.msk $0xffff, v12  }
0xa6: {  	[tilespmem:s1+$0x3930] =	vst.add.f32.msk $0xffff, v12  }
0xa7: {  	[tilespmem:s1+$0x740] =	vst.add.f32.msk $0xffff, v13  }
.Ltmp0:
0xa8: {  	[tilespmem:s1+$0x3940] =	vst.add.f32.msk $0xffff, v13;
	(pc) =	sbr.rel @p0 .LBB2_2-.Ltmp0, $4  }
0xa9: {  	[tilespmem:s1+$0x750] =	vst.add.f32.msk $0xffff, v14  }
0xaa: {  	[tilespmem:s1+$0x3950] =	vst.add.f32.msk $0xffff, v14  }
0xab: {  	[tilespmem:s1+$0x760] =	vst.add.f32.msk $0xffff, v15  }
0xac: {  	s15 =	sadd.s32 $0x400, s15;
	[tilespmem:s1+$0x3960] =	vst.add.f32.msk $0xffff, v15  }
0xad: {  	[tilespmem:s1+$0x770] =	vst.add.f32.msk $0xffff, v0  }
0xae: {  	s1 =	simm.s32 $0x0;
	s3 =	rddreg [dreg:$0x8]  }
0xaf: {  	[hbm4b:s3+s1] =	stream.linear.scatter [tilespmem:s10], [sflag:$0x9], $0x6400, $0x38;
	[tilespmem:$0x1C880] =	vst v63  }
0xb0: {  	_ =	swait.ge [sflag:s31], $0x1A0  }
0xb1: {  	[sflag:s31] =	ssyncset.done $0x0  }
0xb2: {  	[sflag:s31] =	ssyncadd.s32 $0xFFFFFE60  }
0xb3: {  	[tilespmem:s11], [sflag:$0x7] =	stream.indirect.gather [hbm4b:s5+s9], $0x40, s2, s9, $0xb8;
	[tilespmem:$0x1C880] =	vst v63  }
0xb4: {  	s18 =	simm.s32 $0x3A8;
	s15 =	simm.s32 $0xE780  }
0xb5: {  	[tilespmem:s15], [sflag:$0x7] =	stream.indirect.gather [hbm4b:s5+s9], $0x40, s18, s9, $0xb8;
	[tilespmem:$0x1C880] =	vst v63  }
0xb6: {  	s17 =	simm.s32 $0x410;
	s18 =	simm.s32 $0x10080  }
0xb7: {  	[tilespmem:s18], [sflag:$0x7] =	stream.indirect.gather [hbm4b:s5+s9], $0x40, s17, s9, $0xb8;
	[tilespmem:$0x1C880] =	vst v63  }
0xb8: {  	s15 =	simm.s32 $0x478;
	s17 =	simm.s32 $0x11980  }
0xb9: {  	[tilespmem:s17], [sflag:$0x7] =	stream.indirect.gather [hbm4b:s5+s9], $0x40, s15, s9, $0xb8;
	[tilespmem:$0x1C880] =	vst v63  }
0xba: {  	_ =	swait.ge [sflag:s25], $0x1900  }
0xbb: {  	[sflag:s25] =	ssyncset.done $0x0  }
0xbc: {  	[sflag:s25] =	ssyncadd.s32 $0xFFFFE700  }
0xbd: {  	_ =	swait.ge [sflag:s25], $0x1900  }
0xbe: {  	[sflag:s25] =	ssyncset.done $0x0  }
0xbf: {  	[sflag:s25] =	ssyncadd.s32 $0xFFFFE700  }
0xc0: {  	_ =	swait.ge [sflag:s25], $0x1900  }
0xc1: {  	[sflag:s25] =	ssyncset.done $0x0  }
0xc2: {  	[sflag:s25] =	ssyncadd.s32 $0xFFFFE700  }
0xc3: {  	_ =	swait.ge [sflag:s25], $0x1900  }
0xc4: {  	[sflag:s25] =	ssyncset.done $0x0  }
0xc5: {  	s18 =	rddreg [dreg:$0x9];
	[sflag:s25] =	ssyncadd.s32 $0xFFFFE700  }
0xc6: {  	[tilespmem:s0], [sflag:$0x2] =	stream.linear.gather [hbm4b:s18+s1], $0x1A0, $0x38;
	[tilespmem:$0x1C880] =	vst v63  }
0xc7: {  	s1 =	simm.s32 $0x0  }
0xc8: {  	v0 =	vld [tilespmem:s1+$0x19770]  }
0xc9: {  	v1 =	vld [tilespmem:s1+$0x19680]  }
0xca: {  	v2 =	vld [tilespmem:s1+$0x19690]  }
0xcb: {  	v3 =	vld [tilespmem:s1+$0x196A0]  }
0xcc: {  	v4 =	vld [tilespmem:s1+$0x196B0]  }
0xcd: {  	v5 =	vld [tilespmem:s1+$0x196C0]  }
0xce: {  	v6 =	vld [tilespmem:s1+$0x196D0]  }
0xcf: {  	v7 =	vld [tilespmem:s1+$0x196E0]  }
0xd0: {  	v8 =	vld [tilespmem:s1+$0x196F0]  }
0xd1: {  	v9 =	vld [tilespmem:s1+$0x19700]  }
0xd2: {  	v10 =	vld [tilespmem:s1+$0x19710]  }
0xd3: {  	v11 =	vld [tilespmem:s1+$0x19720]  }
0xd4: {  	v12 =	vld [tilespmem:s1+$0x19730]  }
0xd5: {  	v13 =	vld [tilespmem:s1+$0x19740]  }
0xd6: {  	v14 =	vld [tilespmem:s1+$0x19750]  }
0xd7: {  	v15 =	vld [tilespmem:s1+$0x19760]  }
0xd8: {  	[tilespmem:s1+$0x9D70] =	vst.add.f32.msk $0xffff, v0  }
0xd9: {  	[tilespmem:s1+$0x6A80] =	vst.add.f32.msk $0xffff, v1  }
0xda: {  	[tilespmem:s1+$0x9C80] =	vst.add.f32.msk $0xffff, v1  }
0xdb: {  	[tilespmem:s1+$0x6A90] =	vst.add.f32.msk $0xffff, v2  }
0xdc: {  	[tilespmem:s1+$0x9C90] =	vst.add.f32.msk $0xffff, v2  }
0xdd: {  	[tilespmem:s1+$0x6AA0] =	vst.add.f32.msk $0xffff, v3  }
0xde: {  	[tilespmem:s1+$0x9CA0] =	vst.add.f32.msk $0xffff, v3  }
0xdf: {  	[tilespmem:s1+$0x6AB0] =	vst.add.f32.msk $0xffff, v4  }
0xe0: {  	[tilespmem:s1+$0x9CB0] =	vst.add.f32.msk $0xffff, v4  }
0xe1: {  	[tilespmem:s1+$0x6AC0] =	vst.add.f32.msk $0xffff, v5  }
0xe2: {  	[tilespmem:s1+$0x9CC0] =	vst.add.f32.msk $0xffff, v5  }
0xe3: {  	[tilespmem:s1+$0x6AD0] =	vst.add.f32.msk $0xffff, v6  }
0xe4: {  	[tilespmem:s1+$0x9CD0] =	vst.add.f32.msk $0xffff, v6  }
0xe5: {  	[tilespmem:s1+$0x6AE0] =	vst.add.f32.msk $0xffff, v7  }
0xe6: {  	[tilespmem:s1+$0x9CE0] =	vst.add.f32.msk $0xffff, v7  }
0xe7: {  	[tilespmem:s1+$0x6AF0] =	vst.add.f32.msk $0xffff, v8  }
0xe8: {  	[tilespmem:s1+$0x9CF0] =	vst.add.f32.msk $0xffff, v8  }
0xe9: {  	[tilespmem:s1+$0x6B00] =	vst.add.f32.msk $0xffff, v9  }
0xea: {  	[tilespmem:s1+$0x9D00] =	vst.add.f32.msk $0xffff, v9  }
0xeb: {  	[tilespmem:s1+$0x6B10] =	vst.add.f32.msk $0xffff, v10  }
0xec: {  	[tilespmem:s1+$0x9D10] =	vst.add.f32.msk $0xffff, v10  }
0xed: {  	[tilespmem:s1+$0x6B20] =	vst.add.f32.msk $0xffff, v11  }
0xee: {  	[tilespmem:s1+$0x9D20] =	vst.add.f32.msk $0xffff, v11  }
0xef: {  	[tilespmem:s1+$0x6B30] =	vst.add.f32.msk $0xffff, v12  }
0xf0: {  	[tilespmem:s1+$0x9D30] =	vst.add.f32.msk $0xffff, v12  }
0xf1: {  	[tilespmem:s1+$0x6B40] =	vst.add.f32.msk $0xffff, v13  }
0xf2: {  	[tilespmem:s1+$0x9D40] =	vst.add.f32.msk $0xffff, v13  }
0xf3: {  	[tilespmem:s1+$0x6B50] =	vst.add.f32.msk $0xffff, v14  }
0xf4: {  	[tilespmem:s1+$0x9D50] =	vst.add.f32.msk $0xffff, v14  }
0xf5: {  	[tilespmem:s1+$0x6B60] =	vst.add.f32.msk $0xffff, v15  }
0xf6: {  	s3 =	simm.s32 $0x0;
	s15 =	simm.s32 $0x400;
	[tilespmem:s1+$0x9D60] =	vst.add.f32.msk $0xffff, v15  }
.LBB2_4:
0xf7: {  	s3 =	sadd.s32 $0x4, s3;
	[tilespmem:s1+$0x6B70] =	vst.add.f32.msk $0xffff, v0;
	s1 =	sshra.s32 s15, $0x2  }
0xf8: {  	v0 =	vld [tilespmem:s1+$0x19770];
	p0 =	slt.u32 s3, $0xC4  }
0xf9: {  	v1 =	vld [tilespmem:s1+$0x19680]  }
0xfa: {  	v2 =	vld [tilespmem:s1+$0x19690]  }
0xfb: {  	v3 =	vld [tilespmem:s1+$0x196A0]  }
0xfc: {  	v4 =	vld [tilespmem:s1+$0x196B0]  }
0xfd: {  	[tilespmem:s1+$0x9D70] =	vst.add.f32.msk $0xffff, v0  }
0xfe: {  	v5 =	vld [tilespmem:s1+$0x196C0]  }
0xff: {  	v6 =	vld [tilespmem:s1+$0x196D0]  }
0x100: {  	v7 =	vld [tilespmem:s1+$0x196E0]  }
0x101: {  	v8 =	vld [tilespmem:s1+$0x196F0]  }
0x102: {  	v9 =	vld [tilespmem:s1+$0x19700]  }
0x103: {  	v10 =	vld [tilespmem:s1+$0x19710]  }
0x104: {  	v11 =	vld [tilespmem:s1+$0x19720]  }
0x105: {  	v12 =	vld [tilespmem:s1+$0x19730]  }
0x106: {  	v13 =	vld [tilespmem:s1+$0x19740]  }
0x107: {  	v14 =	vld [tilespmem:s1+$0x19750]  }
0x108: {  	v15 =	vld [tilespmem:s1+$0x19760]  }
0x109: {  	[tilespmem:s1+$0x6A80] =	vst.add.f32.msk $0xffff, v1  }
0x10a: {  	[tilespmem:s1+$0x9C80] =	vst.add.f32.msk $0xffff, v1  }
0x10b: {  	[tilespmem:s1+$0x6A90] =	vst.add.f32.msk $0xffff, v2  }
0x10c: {  	[tilespmem:s1+$0x9C90] =	vst.add.f32.msk $0xffff, v2  }
0x10d: {  	[tilespmem:s1+$0x6AA0] =	vst.add.f32.msk $0xffff, v3  }
0x10e: {  	[tilespmem:s1+$0x9CA0] =	vst.add.f32.msk $0xffff, v3  }
0x10f: {  	[tilespmem:s1+$0x6AB0] =	vst.add.f32.msk $0xffff, v4  }
0x110: {  	[tilespmem:s1+$0x9CB0] =	vst.add.f32.msk $0xffff, v4  }
0x111: {  	[tilespmem:s1+$0x6AC0] =	vst.add.f32.msk $0xffff, v5  }
0x112: {  	[tilespmem:s1+$0x9CC0] =	vst.add.f32.msk $0xffff, v5  }
0x113: {  	[tilespmem:s1+$0x6AD0] =	vst.add.f32.msk $0xffff, v6  }
0x114: {  	[tilespmem:s1+$0x9CD0] =	vst.add.f32.msk $0xffff, v6  }
0x115: {  	[tilespmem:s1+$0x6AE0] =	vst.add.f32.msk $0xffff, v7  }
0x116: {  	[tilespmem:s1+$0x9CE0] =	vst.add.f32.msk $0xffff, v7  }
0x117: {  	[tilespmem:s1+$0x6AF0] =	vst.add.f32.msk $0xffff, v8  }
0x118: {  	[tilespmem:s1+$0x9CF0] =	vst.add.f32.msk $0xffff, v8  }
0x119: {  	[tilespmem:s1+$0x6B00] =	vst.add.f32.msk $0xffff, v9  }
0x11a: {  	[tilespmem:s1+$0x9D00] =	vst.add.f32.msk $0xffff, v9  }
0x11b: {  	[tilespmem:s1+$0x6B10] =	vst.add.f32.msk $0xffff, v10  }
0x11c: {  	[tilespmem:s1+$0x9D10] =	vst.add.f32.msk $0xffff, v10  }
0x11d: {  	[tilespmem:s1+$0x6B20] =	vst.add.f32.msk $0xffff, v11  }
0x11e: {  	[tilespmem:s1+$0x9D20] =	vst.add.f32.msk $0xffff, v11  }
0x11f: {  	[tilespmem:s1+$0x6B30] =	vst.add.f32.msk $0xffff, v12  }
0x120: {  	[tilespmem:s1+$0x9D30] =	vst.add.f32.msk $0xffff, v12  }
0x121: {  	[tilespmem:s1+$0x6B40] =	vst.add.f32.msk $0xffff, v13  }
.Ltmp1:
0x122: {  	[tilespmem:s1+$0x9D40] =	vst.add.f32.msk $0xffff, v13;
	(pc) =	sbr.rel @p0 .LBB2_4-.Ltmp1, $4  }
0x123: {  	[tilespmem:s1+$0x6B50] =	vst.add.f32.msk $0xffff, v14  }
0x124: {  	[tilespmem:s1+$0x9D50] =	vst.add.f32.msk $0xffff, v14  }
0x125: {  	[tilespmem:s1+$0x6B60] =	vst.add.f32.msk $0xffff, v15  }
0x126: {  	s15 =	sadd.s32 $0x400, s15;
	[tilespmem:s1+$0x9D60] =	vst.add.f32.msk $0xffff, v15  }
0x127: {  	[tilespmem:s1+$0x6B70] =	vst.add.f32.msk $0xffff, v0  }
0x128: {  	s1 =	simm.s32 $0x0;
	s3 =	rddreg [dreg:$0x16]  }
0x129: {  	[hbm4b:s3+s1] =	stream.linear.scatter [tilespmem:s23], [sflag:$0xA], $0x6400, $0x38;
	[tilespmem:$0x1C880] =	vst v63  }
0x12a: {  	_ =	swait.ge [sflag:s26], $0x1A0  }
0x12b: {  	[sflag:s26] =	ssyncset.done $0x0  }
0x12c: {  	[sflag:s26] =	ssyncadd.s32 $0xFFFFFE60  }
0x12d: {  	[tilespmem:s28], [sflag:$0x8] =	stream.indirect.gather [hbm4b:s5+s9], $0x40, s30, s9, $0xb8;
	[tilespmem:$0x1C880] =	vst v63  }
0x12e: {  	s18 =	simm.s32 $0x548;
	s15 =	simm.s32 $0x14B80  }
0x12f: {  	[tilespmem:s15], [sflag:$0x8] =	stream.indirect.gather [hbm4b:s5+s9], $0x40, s18, s9, $0xb8;
	[tilespmem:$0x1C880] =	vst v63  }
0x130: {  	s17 =	simm.s32 $0x5B0;
	s18 =	simm.s32 $0x16480  }
0x131: {  	[tilespmem:s18], [sflag:$0x8] =	stream.indirect.gather [hbm4b:s5+s9], $0x40, s17, s9, $0xb8;
	[tilespmem:$0x1C880] =	vst v63  }
0x132: {  	s15 =	simm.s32 $0x618;
	s17 =	simm.s32 $0x17D80  }
0x133: {  	[tilespmem:s17], [sflag:$0x8] =	stream.indirect.gather [hbm4b:s5+s9], $0x40, s15, s9, $0xb8;
	[tilespmem:$0x1C880] =	vst v63  }
0x134: {  	_ =	swait.ge [sflag:s21], $0x1900  }
0x135: {  	[sflag:s21] =	ssyncset.done $0x0  }
0x136: {  	[sflag:s21] =	ssyncadd.s32 $0xFFFFE700  }
0x137: {  	_ =	swait.ge [sflag:s21], $0x1900  }
0x138: {  	[sflag:s21] =	ssyncset.done $0x0  }
0x139: {  	[sflag:s21] =	ssyncadd.s32 $0xFFFFE700  }
0x13a: {  	_ =	swait.ge [sflag:s21], $0x1900  }
0x13b: {  	[sflag:s21] =	ssyncset.done $0x0  }
0x13c: {  	[sflag:s21] =	ssyncadd.s32 $0xFFFFE700  }
0x13d: {  	_ =	swait.ge [sflag:s21], $0x1900  }
0x13e: {  	[sflag:s21] =	ssyncset.done $0x0  }
0x13f: {  	s18 =	rddreg [dreg:$0xa];
	[sflag:s21] =	ssyncadd.s32 $0xFFFFE700  }
0x140: {  	[tilespmem:s2], [sflag:$0x3] =	stream.linear.gather [hbm4b:s18+s1], $0x1A0, $0x38;
	[tilespmem:$0x1C880] =	vst v63  }
0x141: {  	s1 =	simm.s32 $0x0  }
0x142: {  	v0 =	vld [tilespmem:s1+$0x19770]  }
0x143: {  	v1 =	vld [tilespmem:s1+$0x19680]  }
0x144: {  	v2 =	vld [tilespmem:s1+$0x19690]  }
0x145: {  	v3 =	vld [tilespmem:s1+$0x196A0]  }
0x146: {  	v4 =	vld [tilespmem:s1+$0x196B0]  }
0x147: {  	v5 =	vld [tilespmem:s1+$0x196C0]  }
0x148: {  	v6 =	vld [tilespmem:s1+$0x196D0]  }
0x149: {  	v7 =	vld [tilespmem:s1+$0x196E0]  }
0x14a: {  	v8 =	vld [tilespmem:s1+$0x196F0]  }
0x14b: {  	v9 =	vld [tilespmem:s1+$0x19700]  }
0x14c: {  	v10 =	vld [tilespmem:s1+$0x19710]  }
0x14d: {  	v11 =	vld [tilespmem:s1+$0x19720]  }
0x14e: {  	v12 =	vld [tilespmem:s1+$0x19730]  }
0x14f: {  	v13 =	vld [tilespmem:s1+$0x19740]  }
0x150: {  	v14 =	vld [tilespmem:s1+$0x19750]  }
0x151: {  	v15 =	vld [tilespmem:s1+$0x19760]  }
0x152: {  	[tilespmem:s1+$0x10170] =	vst.add.f32.msk $0xffff, v0  }
0x153: {  	[tilespmem:s1+$0xCE80] =	vst.add.f32.msk $0xffff, v1  }
0x154: {  	[tilespmem:s1+$0x10080] =	vst.add.f32.msk $0xffff, v1  }
0x155: {  	[tilespmem:s1+$0xCE90] =	vst.add.f32.msk $0xffff, v2  }
0x156: {  	[tilespmem:s1+$0x10090] =	vst.add.f32.msk $0xffff, v2  }
0x157: {  	[tilespmem:s1+$0xCEA0] =	vst.add.f32.msk $0xffff, v3  }
0x158: {  	[tilespmem:s1+$0x100A0] =	vst.add.f32.msk $0xffff, v3  }
0x159: {  	[tilespmem:s1+$0xCEB0] =	vst.add.f32.msk $0xffff, v4  }
0x15a: {  	[tilespmem:s1+$0x100B0] =	vst.add.f32.msk $0xffff, v4  }
0x15b: {  	[tilespmem:s1+$0xCEC0] =	vst.add.f32.msk $0xffff, v5  }
0x15c: {  	[tilespmem:s1+$0x100C0] =	vst.add.f32.msk $0xffff, v5  }
0x15d: {  	[tilespmem:s1+$0xCED0] =	vst.add.f32.msk $0xffff, v6  }
0x15e: {  	[tilespmem:s1+$0x100D0] =	vst.add.f32.msk $0xffff, v6  }
0x15f: {  	[tilespmem:s1+$0xCEE0] =	vst.add.f32.msk $0xffff, v7  }
0x160: {  	[tilespmem:s1+$0x100E0] =	vst.add.f32.msk $0xffff, v7  }
0x161: {  	[tilespmem:s1+$0xCEF0] =	vst.add.f32.msk $0xffff, v8  }
0x162: {  	[tilespmem:s1+$0x100F0] =	vst.add.f32.msk $0xffff, v8  }
0x163: {  	[tilespmem:s1+$0xCF00] =	vst.add.f32.msk $0xffff, v9  }
0x164: {  	[tilespmem:s1+$0x10100] =	vst.add.f32.msk $0xffff, v9  }
0x165: {  	[tilespmem:s1+$0xCF10] =	vst.add.f32.msk $0xffff, v10  }
0x166: {  	[tilespmem:s1+$0x10110] =	vst.add.f32.msk $0xffff, v10  }
0x167: {  	[tilespmem:s1+$0xCF20] =	vst.add.f32.msk $0xffff, v11  }
0x168: {  	[tilespmem:s1+$0x10120] =	vst.add.f32.msk $0xffff, v11  }
0x169: {  	[tilespmem:s1+$0xCF30] =	vst.add.f32.msk $0xffff, v12  }
0x16a: {  	[tilespmem:s1+$0x10130] =	vst.add.f32.msk $0xffff, v12  }
0x16b: {  	[tilespmem:s1+$0xCF40] =	vst.add.f32.msk $0xffff, v13  }
0x16c: {  	[tilespmem:s1+$0x10140] =	vst.add.f32.msk $0xffff, v13  }
0x16d: {  	[tilespmem:s1+$0xCF50] =	vst.add.f32.msk $0xffff, v14  }
0x16e: {  	[tilespmem:s1+$0x10150] =	vst.add.f32.msk $0xffff, v14  }
0x16f: {  	[tilespmem:s1+$0xCF60] =	vst.add.f32.msk $0xffff, v15  }
0x170: {  	s3 =	simm.s32 $0x0;
	s15 =	simm.s32 $0x400;
	[tilespmem:s1+$0x10160] =	vst.add.f32.msk $0xffff, v15  }
.LBB2_6:
0x171: {  	s3 =	sadd.s32 $0x4, s3;
	[tilespmem:s1+$0xCF70] =	vst.add.f32.msk $0xffff, v0;
	s1 =	sshra.s32 s15, $0x2  }
0x172: {  	v0 =	vld [tilespmem:s1+$0x19770];
	p0 =	slt.u32 s3, $0xC4  }
0x173: {  	v1 =	vld [tilespmem:s1+$0x19680]  }
0x174: {  	v2 =	vld [tilespmem:s1+$0x19690]  }
0x175: {  	v3 =	vld [tilespmem:s1+$0x196A0]  }
0x176: {  	v4 =	vld [tilespmem:s1+$0x196B0]  }
0x177: {  	[tilespmem:s1+$0x10170] =	vst.add.f32.msk $0xffff, v0  }
0x178: {  	v5 =	vld [tilespmem:s1+$0x196C0]  }
0x179: {  	v6 =	vld [tilespmem:s1+$0x196D0]  }
0x17a: {  	v7 =	vld [tilespmem:s1+$0x196E0]  }
0x17b: {  	v8 =	vld [tilespmem:s1+$0x196F0]  }
0x17c: {  	v9 =	vld [tilespmem:s1+$0x19700]  }
0x17d: {  	v10 =	vld [tilespmem:s1+$0x19710]  }
0x17e: {  	v11 =	vld [tilespmem:s1+$0x19720]  }
0x17f: {  	v12 =	vld [tilespmem:s1+$0x19730]  }
0x180: {  	v13 =	vld [tilespmem:s1+$0x19740]  }
0x181: {  	v14 =	vld [tilespmem:s1+$0x19750]  }
0x182: {  	v15 =	vld [tilespmem:s1+$0x19760]  }
0x183: {  	[tilespmem:s1+$0xCE80] =	vst.add.f32.msk $0xffff, v1  }
0x184: {  	[tilespmem:s1+$0x10080] =	vst.add.f32.msk $0xffff, v1  }
0x185: {  	[tilespmem:s1+$0xCE90] =	vst.add.f32.msk $0xffff, v2  }
0x186: {  	[tilespmem:s1+$0x10090] =	vst.add.f32.msk $0xffff, v2  }
0x187: {  	[tilespmem:s1+$0xCEA0] =	vst.add.f32.msk $0xffff, v3  }
0x188: {  	[tilespmem:s1+$0x100A0] =	vst.add.f32.msk $0xffff, v3  }
0x189: {  	[tilespmem:s1+$0xCEB0] =	vst.add.f32.msk $0xffff, v4  }
0x18a: {  	[tilespmem:s1+$0x100B0] =	vst.add.f32.msk $0xffff, v4  }
0x18b: {  	[tilespmem:s1+$0xCEC0] =	vst.add.f32.msk $0xffff, v5  }
0x18c: {  	[tilespmem:s1+$0x100C0] =	vst.add.f32.msk $0xffff, v5  }
0x18d: {  	[tilespmem:s1+$0xCED0] =	vst.add.f32.msk $0xffff, v6  }
0x18e: {  	[tilespmem:s1+$0x100D0] =	vst.add.f32.msk $0xffff, v6  }
0x18f: {  	[tilespmem:s1+$0xCEE0] =	vst.add.f32.msk $0xffff, v7  }
0x190: {  	[tilespmem:s1+$0x100E0] =	vst.add.f32.msk $0xffff, v7  }
0x191: {  	[tilespmem:s1+$0xCEF0] =	vst.add.f32.msk $0xffff, v8  }
0x192: {  	[tilespmem:s1+$0x100F0] =	vst.add.f32.msk $0xffff, v8  }
0x193: {  	[tilespmem:s1+$0xCF00] =	vst.add.f32.msk $0xffff, v9  }
0x194: {  	[tilespmem:s1+$0x10100] =	vst.add.f32.msk $0xffff, v9  }
0x195: {  	[tilespmem:s1+$0xCF10] =	vst.add.f32.msk $0xffff, v10  }
0x196: {  	[tilespmem:s1+$0x10110] =	vst.add.f32.msk $0xffff, v10  }
0x197: {  	[tilespmem:s1+$0xCF20] =	vst.add.f32.msk $0xffff, v11  }
0x198: {  	[tilespmem:s1+$0x10120] =	vst.add.f32.msk $0xffff, v11  }
0x199: {  	[tilespmem:s1+$0xCF30] =	vst.add.f32.msk $0xffff, v12  }
0x19a: {  	[tilespmem:s1+$0x10130] =	vst.add.f32.msk $0xffff, v12  }
0x19b: {  	[tilespmem:s1+$0xCF40] =	vst.add.f32.msk $0xffff, v13  }
.Ltmp2:
0x19c: {  	[tilespmem:s1+$0x10140] =	vst.add.f32.msk $0xffff, v13;
	(pc) =	sbr.rel @p0 .LBB2_6-.Ltmp2, $4  }
0x19d: {  	[tilespmem:s1+$0xCF50] =	vst.add.f32.msk $0xffff, v14  }
0x19e: {  	[tilespmem:s1+$0x10150] =	vst.add.f32.msk $0xffff, v14  }
0x19f: {  	[tilespmem:s1+$0xCF60] =	vst.add.f32.msk $0xffff, v15  }
0x1a0: {  	s15 =	sadd.s32 $0x400, s15;
	[tilespmem:s1+$0x10160] =	vst.add.f32.msk $0xffff, v15  }
0x1a1: {  	[tilespmem:s1+$0xCF70] =	vst.add.f32.msk $0xffff, v0  }
0x1a2: {  	s1 =	simm.s32 $0x0;
	s3 =	rddreg [dreg:$0x17]  }
0x1a3: {  	[hbm4b:s3+s1] =	stream.linear.scatter [tilespmem:s11], [sflag:$0xB], $0x6400, $0x38;
	[tilespmem:$0x1C880] =	vst v63  }
0x1a4: {  	_ =	swait.ge [sflag:s24], $0x6400  }
0x1a5: {  	[sflag:s24] =	ssyncset.done $0x0  }
0x1a6: {  	[sflag:s24] =	ssyncadd.s32 $0xFFFF9C00  }
0x1a7: {  	_ =	swait.ge [sflag:s6], $0x1A0  }
0x1a8: {  	[sflag:s6] =	ssyncset.done $0x0  }
0x1a9: {  	[sflag:s6] =	ssyncadd.s32 $0xFFFFFE60  }
0x1aa: {  	[tilespmem:s10], [sflag:$0x5] =	stream.indirect.gather [hbm4b:s5+s9], $0x40, s1, s9, $0xb8;
	[tilespmem:$0x1C880] =	vst v63  }
0x1ab: {  	s18 =	simm.s32 $0x68;
	s15 =	simm.s32 $0x1F80  }
0x1ac: {  	[tilespmem:s15], [sflag:$0x5] =	stream.indirect.gather [hbm4b:s5+s9], $0x40, s18, s9, $0xb8;
	[tilespmem:$0x1C880] =	vst v63  }
0x1ad: {  	s17 =	simm.s32 $0xD0;
	s18 =	simm.s32 $0x3880  }
0x1ae: {  	[tilespmem:s18], [sflag:$0x5] =	stream.indirect.gather [hbm4b:s5+s9], $0x40, s17, s9, $0xb8;
	[tilespmem:$0x1C880] =	vst v63  }
0x1af: {  	s15 =	simm.s32 $0x138;
	s17 =	simm.s32 $0x5180  }
0x1b0: {  	[tilespmem:s17], [sflag:$0x5] =	stream.indirect.gather [hbm4b:s5+s9], $0x40, s15, s9, $0xb8;
	[tilespmem:$0x1C880] =	vst v63  }
0x1b1: {  	_ =	swait.ge [sflag:s29], $0x1900  }
0x1b2: {  	[sflag:s29] =	ssyncset.done $0x0  }
0x1b3: {  	[sflag:s29] =	ssyncadd.s32 $0xFFFFE700  }
0x1b4: {  	_ =	swait.ge [sflag:s29], $0x1900  }
0x1b5: {  	[sflag:s29] =	ssyncset.done $0x0  }
0x1b6: {  	[sflag:s29] =	ssyncadd.s32 $0xFFFFE700  }
0x1b7: {  	_ =	swait.ge [sflag:s29], $0x1900  }
0x1b8: {  	[sflag:s29] =	ssyncset.done $0x0  }
0x1b9: {  	[sflag:s29] =	ssyncadd.s32 $0xFFFFE700  }
0x1ba: {  	_ =	swait.ge [sflag:s29], $0x1900  }
0x1bb: {  	[sflag:s29] =	ssyncset.done $0x0  }
0x1bc: {  	s18 =	rddreg [dreg:$0xb];
	[sflag:s29] =	ssyncadd.s32 $0xFFFFE700  }
0x1bd: {  	[tilespmem:s30], [sflag:$0x4] =	stream.linear.gather [hbm4b:s18+s1], $0x1A0, $0x38;
	[tilespmem:$0x1C880] =	vst v63  }
0x1be: {  	s1 =	simm.s32 $0x0  }
0x1bf: {  	v0 =	vld [tilespmem:s1+$0x19770]  }
0x1c0: {  	v1 =	vld [tilespmem:s1+$0x19680]  }
0x1c1: {  	v2 =	vld [tilespmem:s1+$0x19690]  }
0x1c2: {  	v3 =	vld [tilespmem:s1+$0x196A0]  }
0x1c3: {  	v4 =	vld [tilespmem:s1+$0x196B0]  }
0x1c4: {  	v5 =	vld [tilespmem:s1+$0x196C0]  }
0x1c5: {  	v6 =	vld [tilespmem:s1+$0x196D0]  }
0x1c6: {  	v7 =	vld [tilespmem:s1+$0x196E0]  }
0x1c7: {  	v8 =	vld [tilespmem:s1+$0x196F0]  }
0x1c8: {  	v9 =	vld [tilespmem:s1+$0x19700]  }
0x1c9: {  	v10 =	vld [tilespmem:s1+$0x19710]  }
0x1ca: {  	v11 =	vld [tilespmem:s1+$0x19720]  }
0x1cb: {  	v12 =	vld [tilespmem:s1+$0x19730]  }
0x1cc: {  	v13 =	vld [tilespmem:s1+$0x19740]  }
0x1cd: {  	v14 =	vld [tilespmem:s1+$0x19750]  }
0x1ce: {  	v15 =	vld [tilespmem:s1+$0x19760]  }
0x1cf: {  	[tilespmem:s1+$0x16570] =	vst.add.f32.msk $0xffff, v0  }
0x1d0: {  	[tilespmem:s1+$0x13280] =	vst.add.f32.msk $0xffff, v1  }
0x1d1: {  	[tilespmem:s1+$0x16480] =	vst.add.f32.msk $0xffff, v1  }
0x1d2: {  	[tilespmem:s1+$0x13290] =	vst.add.f32.msk $0xffff, v2  }
0x1d3: {  	[tilespmem:s1+$0x16490] =	vst.add.f32.msk $0xffff, v2  }
0x1d4: {  	[tilespmem:s1+$0x132A0] =	vst.add.f32.msk $0xffff, v3  }
0x1d5: {  	[tilespmem:s1+$0x164A0] =	vst.add.f32.msk $0xffff, v3  }
0x1d6: {  	[tilespmem:s1+$0x132B0] =	vst.add.f32.msk $0xffff, v4  }
0x1d7: {  	[tilespmem:s1+$0x164B0] =	vst.add.f32.msk $0xffff, v4  }
0x1d8: {  	[tilespmem:s1+$0x132C0] =	vst.add.f32.msk $0xffff, v5  }
0x1d9: {  	[tilespmem:s1+$0x164C0] =	vst.add.f32.msk $0xffff, v5  }
0x1da: {  	[tilespmem:s1+$0x132D0] =	vst.add.f32.msk $0xffff, v6  }
0x1db: {  	[tilespmem:s1+$0x164D0] =	vst.add.f32.msk $0xffff, v6  }
0x1dc: {  	[tilespmem:s1+$0x132E0] =	vst.add.f32.msk $0xffff, v7  }
0x1dd: {  	[tilespmem:s1+$0x164E0] =	vst.add.f32.msk $0xffff, v7  }
0x1de: {  	[tilespmem:s1+$0x132F0] =	vst.add.f32.msk $0xffff, v8  }
0x1df: {  	[tilespmem:s1+$0x164F0] =	vst.add.f32.msk $0xffff, v8  }
0x1e0: {  	[tilespmem:s1+$0x13300] =	vst.add.f32.msk $0xffff, v9  }
0x1e1: {  	[tilespmem:s1+$0x16500] =	vst.add.f32.msk $0xffff, v9  }
0x1e2: {  	[tilespmem:s1+$0x13310] =	vst.add.f32.msk $0xffff, v10  }
0x1e3: {  	[tilespmem:s1+$0x16510] =	vst.add.f32.msk $0xffff, v10  }
0x1e4: {  	[tilespmem:s1+$0x13320] =	vst.add.f32.msk $0xffff, v11  }
0x1e5: {  	[tilespmem:s1+$0x16520] =	vst.add.f32.msk $0xffff, v11  }
0x1e6: {  	[tilespmem:s1+$0x13330] =	vst.add.f32.msk $0xffff, v12  }
0x1e7: {  	[tilespmem:s1+$0x16530] =	vst.add.f32.msk $0xffff, v12  }
0x1e8: {  	[tilespmem:s1+$0x13340] =	vst.add.f32.msk $0xffff, v13  }
0x1e9: {  	[tilespmem:s1+$0x16540] =	vst.add.f32.msk $0xffff, v13  }
0x1ea: {  	[tilespmem:s1+$0x13350] =	vst.add.f32.msk $0xffff, v14  }
0x1eb: {  	[tilespmem:s1+$0x16550] =	vst.add.f32.msk $0xffff, v14  }
0x1ec: {  	[tilespmem:s1+$0x13360] =	vst.add.f32.msk $0xffff, v15  }
0x1ed: {  	s3 =	simm.s32 $0x0;
	s15 =	simm.s32 $0x400;
	[tilespmem:s1+$0x16560] =	vst.add.f32.msk $0xffff, v15  }
.LBB2_8:
0x1ee: {  	s3 =	sadd.s32 $0x4, s3;
	[tilespmem:s1+$0x13370] =	vst.add.f32.msk $0xffff, v0;
	s1 =	sshra.s32 s15, $0x2  }
0x1ef: {  	v0 =	vld [tilespmem:s1+$0x19770];
	p0 =	slt.u32 s3, $0xC4  }
0x1f0: {  	v1 =	vld [tilespmem:s1+$0x19680]  }
0x1f1: {  	v2 =	vld [tilespmem:s1+$0x19690]  }
0x1f2: {  	v3 =	vld [tilespmem:s1+$0x196A0]  }
0x1f3: {  	v4 =	vld [tilespmem:s1+$0x196B0]  }
0x1f4: {  	[tilespmem:s1+$0x16570] =	vst.add.f32.msk $0xffff, v0  }
0x1f5: {  	v5 =	vld [tilespmem:s1+$0x196C0]  }
0x1f6: {  	v6 =	vld [tilespmem:s1+$0x196D0]  }
0x1f7: {  	v7 =	vld [tilespmem:s1+$0x196E0]  }
0x1f8: {  	v8 =	vld [tilespmem:s1+$0x196F0]  }
0x1f9: {  	v9 =	vld [tilespmem:s1+$0x19700]  }
0x1fa: {  	v10 =	vld [tilespmem:s1+$0x19710]  }
0x1fb: {  	v11 =	vld [tilespmem:s1+$0x19720]  }
0x1fc: {  	v12 =	vld [tilespmem:s1+$0x19730]  }
0x1fd: {  	v13 =	vld [tilespmem:s1+$0x19740]  }
0x1fe: {  	v14 =	vld [tilespmem:s1+$0x19750]  }
0x1ff: {  	v15 =	vld [tilespmem:s1+$0x19760]  }
0x200: {  	[tilespmem:s1+$0x13280] =	vst.add.f32.msk $0xffff, v1  }
0x201: {  	[tilespmem:s1+$0x16480] =	vst.add.f32.msk $0xffff, v1  }
0x202: {  	[tilespmem:s1+$0x13290] =	vst.add.f32.msk $0xffff, v2  }
0x203: {  	[tilespmem:s1+$0x16490] =	vst.add.f32.msk $0xffff, v2  }
0x204: {  	[tilespmem:s1+$0x132A0] =	vst.add.f32.msk $0xffff, v3  }
0x205: {  	[tilespmem:s1+$0x164A0] =	vst.add.f32.msk $0xffff, v3  }
0x206: {  	[tilespmem:s1+$0x132B0] =	vst.add.f32.msk $0xffff, v4  }
0x207: {  	[tilespmem:s1+$0x164B0] =	vst.add.f32.msk $0xffff, v4  }
0x208: {  	[tilespmem:s1+$0x132C0] =	vst.add.f32.msk $0xffff, v5  }
0x209: {  	[tilespmem:s1+$0x164C0] =	vst.add.f32.msk $0xffff, v5  }
0x20a: {  	[tilespmem:s1+$0x132D0] =	vst.add.f32.msk $0xffff, v6  }
0x20b: {  	[tilespmem:s1+$0x164D0] =	vst.add.f32.msk $0xffff, v6  }
0x20c: {  	[tilespmem:s1+$0x132E0] =	vst.add.f32.msk $0xffff, v7  }
0x20d: {  	[tilespmem:s1+$0x164E0] =	vst.add.f32.msk $0xffff, v7  }
0x20e: {  	[tilespmem:s1+$0x132F0] =	vst.add.f32.msk $0xffff, v8  }
0x20f: {  	[tilespmem:s1+$0x164F0] =	vst.add.f32.msk $0xffff, v8  }
0x210: {  	[tilespmem:s1+$0x13300] =	vst.add.f32.msk $0xffff, v9  }
0x211: {  	[tilespmem:s1+$0x16500] =	vst.add.f32.msk $0xffff, v9  }
0x212: {  	[tilespmem:s1+$0x13310] =	vst.add.f32.msk $0xffff, v10  }
0x213: {  	[tilespmem:s1+$0x16510] =	vst.add.f32.msk $0xffff, v10  }
0x214: {  	[tilespmem:s1+$0x13320] =	vst.add.f32.msk $0xffff, v11  }
0x215: {  	[tilespmem:s1+$0x16520] =	vst.add.f32.msk $0xffff, v11  }
0x216: {  	[tilespmem:s1+$0x13330] =	vst.add.f32.msk $0xffff, v12  }
0x217: {  	[tilespmem:s1+$0x16530] =	vst.add.f32.msk $0xffff, v12  }
0x218: {  	[tilespmem:s1+$0x13340] =	vst.add.f32.msk $0xffff, v13  }
.Ltmp3:
0x219: {  	[tilespmem:s1+$0x16540] =	vst.add.f32.msk $0xffff, v13;
	(pc) =	sbr.rel @p0 .LBB2_8-.Ltmp3, $4  }
0x21a: {  	[tilespmem:s1+$0x13350] =	vst.add.f32.msk $0xffff, v14  }
0x21b: {  	[tilespmem:s1+$0x16550] =	vst.add.f32.msk $0xffff, v14  }
0x21c: {  	[tilespmem:s1+$0x13360] =	vst.add.f32.msk $0xffff, v15  }
0x21d: {  	s15 =	sadd.s32 $0x400, s15;
	[tilespmem:s1+$0x16560] =	vst.add.f32.msk $0xffff, v15  }
0x21e: {  	[tilespmem:s1+$0x13370] =	vst.add.f32.msk $0xffff, v0  }
0x21f: {  	s1 =	rddreg [dreg:$0xc]  }
0x220: {  	[hbm4b:s1+s16] =	stream.linear.scatter [tilespmem:s28], [sflag:$0xC], $0x6400, $0x38;
	[tilespmem:$0x1C880] =	vst v63  }
0x221: {  	_ =	swait.ge [sflag:s12], $0x6400  }
0x222: {  	[sflag:s12] =	ssyncset.done $0x0  }
0x223: {  	[sflag:s12] =	ssyncadd.s32 $0xFFFF9C00  }
0x224: {  	_ =	swait.ge [sflag:s22], $0x1A0  }
0x225: {  	[sflag:s22] =	ssyncset.done $0x0  }
0x226: {  	[sflag:s22] =	ssyncadd.s32 $0xFFFFFE60  }
0x227: {  	[tilespmem:s23], [sflag:$0x6] =	stream.indirect.gather [hbm4b:s5+s9], $0x40, s0, s9, $0xb8;
	[tilespmem:$0x1C880] =	vst v63  }
0x228: {  	s18 =	simm.s32 $0x208;
	s3 =	simm.s32 $0x8380  }
0x229: {  	[tilespmem:s3], [sflag:$0x6] =	stream.indirect.gather [hbm4b:s5+s9], $0x40, s18, s9, $0xb8;
	[tilespmem:$0x1C880] =	vst v63  }
0x22a: {  	s15 =	simm.s32 $0x270;
	s16 =	simm.s32 $0x9C80  }
0x22b: {  	[tilespmem:s16], [sflag:$0x6] =	stream.indirect.gather [hbm4b:s5+s9], $0x40, s15, s9, $0xb8;
	[tilespmem:$0x1C880] =	vst v63  }
0x22c: {  	s17 =	simm.s32 $0x2D8;
	s18 =	simm.s32 $0xB580;
	s15 =	simm.s32 $0x1  }
0x22d: {  	[tilespmem:s18], [sflag:$0x6] =	stream.indirect.gather [hbm4b:s5+s9], $0x40, s17, s9, $0xb8;
	[tilespmem:$0x1C880] =	vst v63  }
.LBB2_10:
0x22e: {  	_ =	swait.ge [sflag:s8], $0x1900  }
0x22f: {  	[sflag:s8] =	ssyncset.done $0x0  }
0x230: {  	[sflag:s8] =	ssyncadd.s32 $0xFFFFE700  }
0x231: {  	_ =	swait.ge [sflag:s8], $0x1900  }
0x232: {  	[sflag:s8] =	ssyncset.done $0x0  }
0x233: {  	[sflag:s8] =	ssyncadd.s32 $0xFFFFE700  }
0x234: {  	_ =	swait.ge [sflag:s8], $0x1900  }
0x235: {  	s16 =	sshll.u32 s15, $0x4;
	[sflag:s8] =	ssyncset.done $0x0;
	s1 =	rddreg [dreg:$0xd]  }
0x236: {  	[sflag:s8] =	ssyncadd.s32 $0xFFFFE700;
	s1 =	sadd.s32 s16, s1  }
0x237: {  	_ =	swait.ge [sflag:s8], $0x1900;
	s1 =	smul.u32 $0xD, s1  }
0x238: {  	[sflag:s8] =	ssyncset.done $0x0  }
0x239: {  	s3 =	simm.s32 $0x0;
	[sflag:s8] =	ssyncadd.s32 $0xFFFFE700;
	s1 =	sadd.s32 s4, s1  }
0x23a: {  	[tilespmem:s3], [sflag:$0x1] =	stream.linear.gather [hbm4b:s1+s3], $0x1A0, $0x38;
	[tilespmem:$0x1C880] =	vst v63  }
0x23b: {  	s1 =	simm.s32 $0x0  }
0x23c: {  	v0 =	vld [tilespmem:s1+$0x19770]  }
0x23d: {  	v1 =	vld [tilespmem:s1+$0x19680]  }
0x23e: {  	v2 =	vld [tilespmem:s1+$0x19690]  }
0x23f: {  	v3 =	vld [tilespmem:s1+$0x196A0]  }
0x240: {  	v4 =	vld [tilespmem:s1+$0x196B0]  }
0x241: {  	v5 =	vld [tilespmem:s1+$0x196C0]  }
0x242: {  	v6 =	vld [tilespmem:s1+$0x196D0]  }
0x243: {  	v7 =	vld [tilespmem:s1+$0x196E0]  }
0x244: {  	v8 =	vld [tilespmem:s1+$0x196F0]  }
0x245: {  	v9 =	vld [tilespmem:s1+$0x19700]  }
0x246: {  	v10 =	vld [tilespmem:s1+$0x19710]  }
0x247: {  	v11 =	vld [tilespmem:s1+$0x19720]  }
0x248: {  	v12 =	vld [tilespmem:s1+$0x19730]  }
0x249: {  	v13 =	vld [tilespmem:s1+$0x19740]  }
0x24a: {  	v14 =	vld [tilespmem:s1+$0x19750]  }
0x24b: {  	v15 =	vld [tilespmem:s1+$0x19760]  }
0x24c: {  	[tilespmem:s1+$0x3970] =	vst.add.f32.msk $0xffff, v0  }
0x24d: {  	[tilespmem:s1+$0x680] =	vst.add.f32.msk $0xffff, v1  }
0x24e: {  	[tilespmem:s1+$0x3880] =	vst.add.f32.msk $0xffff, v1  }
0x24f: {  	[tilespmem:s1+$0x690] =	vst.add.f32.msk $0xffff, v2  }
0x250: {  	[tilespmem:s1+$0x3890] =	vst.add.f32.msk $0xffff, v2  }
0x251: {  	[tilespmem:s1+$0x6A0] =	vst.add.f32.msk $0xffff, v3  }
0x252: {  	[tilespmem:s1+$0x38A0] =	vst.add.f32.msk $0xffff, v3  }
0x253: {  	[tilespmem:s1+$0x6B0] =	vst.add.f32.msk $0xffff, v4  }
0x254: {  	[tilespmem:s1+$0x38B0] =	vst.add.f32.msk $0xffff, v4  }
0x255: {  	[tilespmem:s1+$0x6C0] =	vst.add.f32.msk $0xffff, v5  }
0x256: {  	[tilespmem:s1+$0x38C0] =	vst.add.f32.msk $0xffff, v5  }
0x257: {  	[tilespmem:s1+$0x6D0] =	vst.add.f32.msk $0xffff, v6  }
0x258: {  	[tilespmem:s1+$0x38D0] =	vst.add.f32.msk $0xffff, v6  }
0x259: {  	[tilespmem:s1+$0x6E0] =	vst.add.f32.msk $0xffff, v7  }
0x25a: {  	[tilespmem:s1+$0x38E0] =	vst.add.f32.msk $0xffff, v7  }
0x25b: {  	[tilespmem:s1+$0x6F0] =	vst.add.f32.msk $0xffff, v8  }
0x25c: {  	[tilespmem:s1+$0x38F0] =	vst.add.f32.msk $0xffff, v8  }
0x25d: {  	[tilespmem:s1+$0x700] =	vst.add.f32.msk $0xffff, v9  }
0x25e: {  	[tilespmem:s1+$0x3900] =	vst.add.f32.msk $0xffff, v9  }
0x25f: {  	[tilespmem:s1+$0x710] =	vst.add.f32.msk $0xffff, v10  }
0x260: {  	[tilespmem:s1+$0x3910] =	vst.add.f32.msk $0xffff, v10  }
0x261: {  	[tilespmem:s1+$0x720] =	vst.add.f32.msk $0xffff, v11  }
0x262: {  	[tilespmem:s1+$0x3920] =	vst.add.f32.msk $0xffff, v11  }
0x263: {  	[tilespmem:s1+$0x730] =	vst.add.f32.msk $0xffff, v12  }
0x264: {  	[tilespmem:s1+$0x3930] =	vst.add.f32.msk $0xffff, v12  }
0x265: {  	[tilespmem:s1+$0x740] =	vst.add.f32.msk $0xffff, v13  }
0x266: {  	[tilespmem:s1+$0x3940] =	vst.add.f32.msk $0xffff, v13  }
0x267: {  	[tilespmem:s1+$0x750] =	vst.add.f32.msk $0xffff, v14  }
0x268: {  	[tilespmem:s1+$0x3950] =	vst.add.f32.msk $0xffff, v14  }
0x269: {  	[tilespmem:s1+$0x760] =	vst.add.f32.msk $0xffff, v15  }
0x26a: {  	s17 =	simm.s32 $0x400;
	s3 =	simm.s32 $0x0;
	[tilespmem:s1+$0x3960] =	vst.add.f32.msk $0xffff, v15  }
.LBB2_11:
0x26b: {  	s3 =	sadd.s32 $0x4, s3;
	[tilespmem:s1+$0x770] =	vst.add.f32.msk $0xffff, v0;
	s1 =	sshra.s32 s17, $0x2  }
0x26c: {  	v0 =	vld [tilespmem:s1+$0x19770];
	p0 =	slt.u32 s3, $0xC4  }
0x26d: {  	v1 =	vld [tilespmem:s1+$0x19680]  }
0x26e: {  	v2 =	vld [tilespmem:s1+$0x19690]  }
0x26f: {  	v3 =	vld [tilespmem:s1+$0x196A0]  }
0x270: {  	v4 =	vld [tilespmem:s1+$0x196B0]  }
0x271: {  	[tilespmem:s1+$0x3970] =	vst.add.f32.msk $0xffff, v0  }
0x272: {  	v5 =	vld [tilespmem:s1+$0x196C0]  }
0x273: {  	v6 =	vld [tilespmem:s1+$0x196D0]  }
0x274: {  	v7 =	vld [tilespmem:s1+$0x196E0]  }
0x275: {  	v8 =	vld [tilespmem:s1+$0x196F0]  }
0x276: {  	v9 =	vld [tilespmem:s1+$0x19700]  }
0x277: {  	v10 =	vld [tilespmem:s1+$0x19710]  }
0x278: {  	v11 =	vld [tilespmem:s1+$0x19720]  }
0x279: {  	v12 =	vld [tilespmem:s1+$0x19730]  }
0x27a: {  	v13 =	vld [tilespmem:s1+$0x19740]  }
0x27b: {  	v14 =	vld [tilespmem:s1+$0x19750]  }
0x27c: {  	v15 =	vld [tilespmem:s1+$0x19760]  }
0x27d: {  	[tilespmem:s1+$0x680] =	vst.add.f32.msk $0xffff, v1  }
0x27e: {  	[tilespmem:s1+$0x3880] =	vst.add.f32.msk $0xffff, v1  }
0x27f: {  	[tilespmem:s1+$0x690] =	vst.add.f32.msk $0xffff, v2  }
0x280: {  	[tilespmem:s1+$0x3890] =	vst.add.f32.msk $0xffff, v2  }
0x281: {  	[tilespmem:s1+$0x6A0] =	vst.add.f32.msk $0xffff, v3  }
0x282: {  	[tilespmem:s1+$0x38A0] =	vst.add.f32.msk $0xffff, v3  }
0x283: {  	[tilespmem:s1+$0x6B0] =	vst.add.f32.msk $0xffff, v4  }
0x284: {  	[tilespmem:s1+$0x38B0] =	vst.add.f32.msk $0xffff, v4  }
0x285: {  	[tilespmem:s1+$0x6C0] =	vst.add.f32.msk $0xffff, v5  }
0x286: {  	[tilespmem:s1+$0x38C0] =	vst.add.f32.msk $0xffff, v5  }
0x287: {  	[tilespmem:s1+$0x6D0] =	vst.add.f32.msk $0xffff, v6  }
0x288: {  	[tilespmem:s1+$0x38D0] =	vst.add.f32.msk $0xffff, v6  }
0x289: {  	[tilespmem:s1+$0x6E0] =	vst.add.f32.msk $0xffff, v7  }
0x28a: {  	[tilespmem:s1+$0x38E0] =	vst.add.f32.msk $0xffff, v7  }
0x28b: {  	[tilespmem:s1+$0x6F0] =	vst.add.f32.msk $0xffff, v8  }
0x28c: {  	[tilespmem:s1+$0x38F0] =	vst.add.f32.msk $0xffff, v8  }
0x28d: {  	[tilespmem:s1+$0x700] =	vst.add.f32.msk $0xffff, v9  }
0x28e: {  	[tilespmem:s1+$0x3900] =	vst.add.f32.msk $0xffff, v9  }
0x28f: {  	[tilespmem:s1+$0x710] =	vst.add.f32.msk $0xffff, v10  }
0x290: {  	[tilespmem:s1+$0x3910] =	vst.add.f32.msk $0xffff, v10  }
0x291: {  	[tilespmem:s1+$0x720] =	vst.add.f32.msk $0xffff, v11  }
0x292: {  	[tilespmem:s1+$0x3920] =	vst.add.f32.msk $0xffff, v11  }
0x293: {  	[tilespmem:s1+$0x730] =	vst.add.f32.msk $0xffff, v12  }
0x294: {  	[tilespmem:s1+$0x3930] =	vst.add.f32.msk $0xffff, v12  }
0x295: {  	[tilespmem:s1+$0x740] =	vst.add.f32.msk $0xffff, v13  }
.Ltmp4:
0x296: {  	[tilespmem:s1+$0x3940] =	vst.add.f32.msk $0xffff, v13;
	(pc) =	sbr.rel @p0 .LBB2_11-.Ltmp4, $4  }
0x297: {  	[tilespmem:s1+$0x750] =	vst.add.f32.msk $0xffff, v14  }
0x298: {  	[tilespmem:s1+$0x3950] =	vst.add.f32.msk $0xffff, v14  }
0x299: {  	[tilespmem:s1+$0x760] =	vst.add.f32.msk $0xffff, v15  }
0x29a: {  	s17 =	sadd.s32 $0x400, s17;
	[tilespmem:s1+$0x3960] =	vst.add.f32.msk $0xffff, v15  }
0x29b: {  	s3 =	sshll.u32 s15, $0x3  }
0x29c: {  	s17 =	sadd.s32 s7, s3  }
0x29d: {  	s17 =	smul.u32 $0x640, s17;
	_ =	sdelay $0x1  }
0x29e: {  	[tilespmem:s1+$0x770] =	vst.add.f32.msk $0xffff, v0;
	s18 =	sadd.s32 s19, s17;
	s17 =	simm.s32 $0x0  }
0x29f: {  	[hbm4b:s18+s17] =	stream.linear.scatter [tilespmem:s10], [sflag:$0x9], $0x6400, $0x38;
	[tilespmem:$0x1C880] =	vst v63  }
0x2a0: {  	_ =	swait.ge [sflag:s13], $0x6400  }
0x2a1: {  	[sflag:s13] =	ssyncset.done $0x0  }
0x2a2: {  	[sflag:s13] =	ssyncadd.s32 $0xFFFF9C00  }
0x2a3: {  	_ =	swait.ge [sflag:s31], $0x1A0  }
0x2a4: {  	[sflag:s31] =	ssyncset.done $0x0  }
0x2a5: {  	[sflag:s31] =	ssyncadd.s32 $0xFFFFFE60  }
0x2a6: {  	[tilespmem:s11], [sflag:$0x7] =	stream.indirect.gather [hbm4b:s5+s9], $0x40, s2, s9, $0xb8;
	[tilespmem:$0x1C880] =	vst v63  }
0x2a7: {  	s1 =	simm.s32 $0x3A8;
	s18 =	simm.s32 $0xE780  }
0x2a8: {  	[tilespmem:s18], [sflag:$0x7] =	stream.indirect.gather [hbm4b:s5+s9], $0x40, s1, s9, $0xb8;
	[tilespmem:$0x1C880] =	vst v63  }
0x2a9: {  	s1 =	simm.s32 $0x410;
	s18 =	simm.s32 $0x10080  }
0x2aa: {  	[tilespmem:s18], [sflag:$0x7] =	stream.indirect.gather [hbm4b:s5+s9], $0x40, s1, s9, $0xb8;
	[tilespmem:$0x1C880] =	vst v63  }
0x2ab: {  	s1 =	simm.s32 $0x478;
	s18 =	simm.s32 $0x11980  }
0x2ac: {  	[tilespmem:s18], [sflag:$0x7] =	stream.indirect.gather [hbm4b:s5+s9], $0x40, s1, s9, $0xb8;
	[tilespmem:$0x1C880] =	vst v63  }
0x2ad: {  	_ =	swait.ge [sflag:s25], $0x1900  }
0x2ae: {  	[sflag:s25] =	ssyncset.done $0x0  }
0x2af: {  	[sflag:s25] =	ssyncadd.s32 $0xFFFFE700  }
0x2b0: {  	_ =	swait.ge [sflag:s25], $0x1900  }
0x2b1: {  	[sflag:s25] =	ssyncset.done $0x0  }
0x2b2: {  	[sflag:s25] =	ssyncadd.s32 $0xFFFFE700  }
0x2b3: {  	_ =	swait.ge [sflag:s25], $0x1900  }
0x2b4: {  	[sflag:s25] =	ssyncset.done $0x0;
	s18 =	rddreg [dreg:$0xe]  }
0x2b5: {  	[sflag:s25] =	ssyncadd.s32 $0xFFFFE700;
	s1 =	sadd.s32 s16, s18  }
0x2b6: {  	_ =	swait.ge [sflag:s25], $0x1900;
	s1 =	smul.u32 $0xD, s1  }
0x2b7: {  	[sflag:s25] =	ssyncset.done $0x0  }
0x2b8: {  	[sflag:s25] =	ssyncadd.s32 $0xFFFFE700;
	s1 =	sadd.s32 s4, s1  }
0x2b9: {  	[tilespmem:s0], [sflag:$0x2] =	stream.linear.gather [hbm4b:s1+s17], $0x1A0, $0x38;
	[tilespmem:$0x1C880] =	vst v63  }
0x2ba: {  	s1 =	simm.s32 $0x0  }
0x2bb: {  	v0 =	vld [tilespmem:s1+$0x19770]  }
0x2bc: {  	v1 =	vld [tilespmem:s1+$0x19680]  }
0x2bd: {  	v2 =	vld [tilespmem:s1+$0x19690]  }
0x2be: {  	v3 =	vld [tilespmem:s1+$0x196A0]  }
0x2bf: {  	v4 =	vld [tilespmem:s1+$0x196B0]  }
0x2c0: {  	v5 =	vld [tilespmem:s1+$0x196C0]  }
0x2c1: {  	v6 =	vld [tilespmem:s1+$0x196D0]  }
0x2c2: {  	v7 =	vld [tilespmem:s1+$0x196E0]  }
0x2c3: {  	v8 =	vld [tilespmem:s1+$0x196F0]  }
0x2c4: {  	v9 =	vld [tilespmem:s1+$0x19700]  }
0x2c5: {  	v10 =	vld [tilespmem:s1+$0x19710]  }
0x2c6: {  	v11 =	vld [tilespmem:s1+$0x19720]  }
0x2c7: {  	v12 =	vld [tilespmem:s1+$0x19730]  }
0x2c8: {  	v13 =	vld [tilespmem:s1+$0x19740]  }
0x2c9: {  	v14 =	vld [tilespmem:s1+$0x19750]  }
0x2ca: {  	v15 =	vld [tilespmem:s1+$0x19760]  }
0x2cb: {  	[tilespmem:s1+$0x9D70] =	vst.add.f32.msk $0xffff, v0  }
0x2cc: {  	[tilespmem:s1+$0x6A80] =	vst.add.f32.msk $0xffff, v1  }
0x2cd: {  	[tilespmem:s1+$0x9C80] =	vst.add.f32.msk $0xffff, v1  }
0x2ce: {  	[tilespmem:s1+$0x6A90] =	vst.add.f32.msk $0xffff, v2  }
0x2cf: {  	[tilespmem:s1+$0x9C90] =	vst.add.f32.msk $0xffff, v2  }
0x2d0: {  	[tilespmem:s1+$0x6AA0] =	vst.add.f32.msk $0xffff, v3  }
0x2d1: {  	[tilespmem:s1+$0x9CA0] =	vst.add.f32.msk $0xffff, v3  }
0x2d2: {  	[tilespmem:s1+$0x6AB0] =	vst.add.f32.msk $0xffff, v4  }
0x2d3: {  	[tilespmem:s1+$0x9CB0] =	vst.add.f32.msk $0xffff, v4  }
0x2d4: {  	[tilespmem:s1+$0x6AC0] =	vst.add.f32.msk $0xffff, v5  }
0x2d5: {  	[tilespmem:s1+$0x9CC0] =	vst.add.f32.msk $0xffff, v5  }
0x2d6: {  	[tilespmem:s1+$0x6AD0] =	vst.add.f32.msk $0xffff, v6  }
0x2d7: {  	[tilespmem:s1+$0x9CD0] =	vst.add.f32.msk $0xffff, v6  }
0x2d8: {  	[tilespmem:s1+$0x6AE0] =	vst.add.f32.msk $0xffff, v7  }
0x2d9: {  	[tilespmem:s1+$0x9CE0] =	vst.add.f32.msk $0xffff, v7  }
0x2da: {  	[tilespmem:s1+$0x6AF0] =	vst.add.f32.msk $0xffff, v8  }
0x2db: {  	[tilespmem:s1+$0x9CF0] =	vst.add.f32.msk $0xffff, v8  }
0x2dc: {  	[tilespmem:s1+$0x6B00] =	vst.add.f32.msk $0xffff, v9  }
0x2dd: {  	[tilespmem:s1+$0x9D00] =	vst.add.f32.msk $0xffff, v9  }
0x2de: {  	[tilespmem:s1+$0x6B10] =	vst.add.f32.msk $0xffff, v10  }
0x2df: {  	[tilespmem:s1+$0x9D10] =	vst.add.f32.msk $0xffff, v10  }
0x2e0: {  	[tilespmem:s1+$0x6B20] =	vst.add.f32.msk $0xffff, v11  }
0x2e1: {  	[tilespmem:s1+$0x9D20] =	vst.add.f32.msk $0xffff, v11  }
0x2e2: {  	[tilespmem:s1+$0x6B30] =	vst.add.f32.msk $0xffff, v12  }
0x2e3: {  	[tilespmem:s1+$0x9D30] =	vst.add.f32.msk $0xffff, v12  }
0x2e4: {  	[tilespmem:s1+$0x6B40] =	vst.add.f32.msk $0xffff, v13  }
0x2e5: {  	[tilespmem:s1+$0x9D40] =	vst.add.f32.msk $0xffff, v13  }
0x2e6: {  	[tilespmem:s1+$0x6B50] =	vst.add.f32.msk $0xffff, v14  }
0x2e7: {  	[tilespmem:s1+$0x9D50] =	vst.add.f32.msk $0xffff, v14  }
0x2e8: {  	[tilespmem:s1+$0x6B60] =	vst.add.f32.msk $0xffff, v15  }
0x2e9: {  	s18 =	simm.s32 $0x400;
	s17 =	simm.s32 $0x0;
	[tilespmem:s1+$0x9D60] =	vst.add.f32.msk $0xffff, v15  }
.LBB2_13:
0x2ea: {  	s17 =	sadd.s32 $0x4, s17;
	[tilespmem:s1+$0x6B70] =	vst.add.f32.msk $0xffff, v0;
	s1 =	sshra.s32 s18, $0x2  }
0x2eb: {  	v0 =	vld [tilespmem:s1+$0x19770];
	p0 =	slt.u32 s17, $0xC4  }
0x2ec: {  	v1 =	vld [tilespmem:s1+$0x19680]  }
0x2ed: {  	v2 =	vld [tilespmem:s1+$0x19690]  }
0x2ee: {  	v3 =	vld [tilespmem:s1+$0x196A0]  }
0x2ef: {  	v4 =	vld [tilespmem:s1+$0x196B0]  }
0x2f0: {  	[tilespmem:s1+$0x9D70] =	vst.add.f32.msk $0xffff, v0  }
0x2f1: {  	v5 =	vld [tilespmem:s1+$0x196C0]  }
0x2f2: {  	v6 =	vld [tilespmem:s1+$0x196D0]  }
0x2f3: {  	v7 =	vld [tilespmem:s1+$0x196E0]  }
0x2f4: {  	v8 =	vld [tilespmem:s1+$0x196F0]  }
0x2f5: {  	v9 =	vld [tilespmem:s1+$0x19700]  }
0x2f6: {  	v10 =	vld [tilespmem:s1+$0x19710]  }
0x2f7: {  	v11 =	vld [tilespmem:s1+$0x19720]  }
0x2f8: {  	v12 =	vld [tilespmem:s1+$0x19730]  }
0x2f9: {  	v13 =	vld [tilespmem:s1+$0x19740]  }
0x2fa: {  	v14 =	vld [tilespmem:s1+$0x19750]  }
0x2fb: {  	v15 =	vld [tilespmem:s1+$0x19760]  }
0x2fc: {  	[tilespmem:s1+$0x6A80] =	vst.add.f32.msk $0xffff, v1  }
0x2fd: {  	[tilespmem:s1+$0x9C80] =	vst.add.f32.msk $0xffff, v1  }
0x2fe: {  	[tilespmem:s1+$0x6A90] =	vst.add.f32.msk $0xffff, v2  }
0x2ff: {  	[tilespmem:s1+$0x9C90] =	vst.add.f32.msk $0xffff, v2  }
0x300: {  	[tilespmem:s1+$0x6AA0] =	vst.add.f32.msk $0xffff, v3  }
0x301: {  	[tilespmem:s1+$0x9CA0] =	vst.add.f32.msk $0xffff, v3  }
0x302: {  	[tilespmem:s1+$0x6AB0] =	vst.add.f32.msk $0xffff, v4  }
0x303: {  	[tilespmem:s1+$0x9CB0] =	vst.add.f32.msk $0xffff, v4  }
0x304: {  	[tilespmem:s1+$0x6AC0] =	vst.add.f32.msk $0xffff, v5  }
0x305: {  	[tilespmem:s1+$0x9CC0] =	vst.add.f32.msk $0xffff, v5  }
0x306: {  	[tilespmem:s1+$0x6AD0] =	vst.add.f32.msk $0xffff, v6  }
0x307: {  	[tilespmem:s1+$0x9CD0] =	vst.add.f32.msk $0xffff, v6  }
0x308: {  	[tilespmem:s1+$0x6AE0] =	vst.add.f32.msk $0xffff, v7  }
0x309: {  	[tilespmem:s1+$0x9CE0] =	vst.add.f32.msk $0xffff, v7  }
0x30a: {  	[tilespmem:s1+$0x6AF0] =	vst.add.f32.msk $0xffff, v8  }
0x30b: {  	[tilespmem:s1+$0x9CF0] =	vst.add.f32.msk $0xffff, v8  }
0x30c: {  	[tilespmem:s1+$0x6B00] =	vst.add.f32.msk $0xffff, v9  }
0x30d: {  	[tilespmem:s1+$0x9D00] =	vst.add.f32.msk $0xffff, v9  }
0x30e: {  	[tilespmem:s1+$0x6B10] =	vst.add.f32.msk $0xffff, v10  }
0x30f: {  	[tilespmem:s1+$0x9D10] =	vst.add.f32.msk $0xffff, v10  }
0x310: {  	[tilespmem:s1+$0x6B20] =	vst.add.f32.msk $0xffff, v11  }
0x311: {  	[tilespmem:s1+$0x9D20] =	vst.add.f32.msk $0xffff, v11  }
0x312: {  	[tilespmem:s1+$0x6B30] =	vst.add.f32.msk $0xffff, v12  }
0x313: {  	[tilespmem:s1+$0x9D30] =	vst.add.f32.msk $0xffff, v12  }
0x314: {  	[tilespmem:s1+$0x6B40] =	vst.add.f32.msk $0xffff, v13  }
.Ltmp5:
0x315: {  	[tilespmem:s1+$0x9D40] =	vst.add.f32.msk $0xffff, v13;
	(pc) =	sbr.rel @p0 .LBB2_13-.Ltmp5, $4  }
0x316: {  	[tilespmem:s1+$0x6B50] =	vst.add.f32.msk $0xffff, v14  }
0x317: {  	[tilespmem:s1+$0x9D50] =	vst.add.f32.msk $0xffff, v14  }
0x318: {  	[tilespmem:s1+$0x6B60] =	vst.add.f32.msk $0xffff, v15  }
0x319: {  	s18 =	sadd.s32 $0x400, s18;
	[tilespmem:s1+$0x9D60] =	vst.add.f32.msk $0xffff, v15  }
0x31a: {  	s3 =	sadd.s32 s3, s7  }
0x31b: {  	s3 =	smul.u32 $0x640, s3;
	_ =	sdelay $0x1  }
0x31c: {  	s3 =	sadd.s32 s19, s3  }
0x31d: {  	[tilespmem:s1+$0x6B70] =	vst.add.f32.msk $0xffff, v0;
	s17 =	simm.s32 $0x0;
	s18 =	sadd.s32 $0xC80, s3  }
0x31e: {  	[hbm4b:s18+s17] =	stream.linear.scatter [tilespmem:s23], [sflag:$0xA], $0x6400, $0x38;
	[tilespmem:$0x1C880] =	vst v63  }
0x31f: {  	_ =	swait.ge [sflag:s14], $0x6400  }
0x320: {  	[sflag:s14] =	ssyncset.done $0x0  }
0x321: {  	[sflag:s14] =	ssyncadd.s32 $0xFFFF9C00  }
0x322: {  	_ =	swait.ge [sflag:s26], $0x1A0  }
0x323: {  	[sflag:s26] =	ssyncset.done $0x0  }
0x324: {  	[sflag:s26] =	ssyncadd.s32 $0xFFFFFE60  }
0x325: {  	[tilespmem:s28], [sflag:$0x8] =	stream.indirect.gather [hbm4b:s5+s9], $0x40, s30, s9, $0xb8;
	[tilespmem:$0x1C880] =	vst v63  }
0x326: {  	s1 =	simm.s32 $0x548;
	s18 =	simm.s32 $0x14B80  }
0x327: {  	[tilespmem:s18], [sflag:$0x8] =	stream.indirect.gather [hbm4b:s5+s9], $0x40, s1, s9, $0xb8;
	[tilespmem:$0x1C880] =	vst v63  }
0x328: {  	s1 =	simm.s32 $0x5B0;
	s18 =	simm.s32 $0x16480  }
0x329: {  	[tilespmem:s18], [sflag:$0x8] =	stream.indirect.gather [hbm4b:s5+s9], $0x40, s1, s9, $0xb8;
	[tilespmem:$0x1C880] =	vst v63  }
0x32a: {  	s1 =	simm.s32 $0x618;
	s18 =	simm.s32 $0x17D80  }
0x32b: {  	[tilespmem:s18], [sflag:$0x8] =	stream.indirect.gather [hbm4b:s5+s9], $0x40, s1, s9, $0xb8;
	[tilespmem:$0x1C880] =	vst v63  }
0x32c: {  	_ =	swait.ge [sflag:s21], $0x1900  }
0x32d: {  	[sflag:s21] =	ssyncset.done $0x0  }
0x32e: {  	[sflag:s21] =	ssyncadd.s32 $0xFFFFE700  }
0x32f: {  	_ =	swait.ge [sflag:s21], $0x1900  }
0x330: {  	[sflag:s21] =	ssyncset.done $0x0  }
0x331: {  	[sflag:s21] =	ssyncadd.s32 $0xFFFFE700  }
0x332: {  	_ =	swait.ge [sflag:s21], $0x1900  }
0x333: {  	[sflag:s21] =	ssyncset.done $0x0;
	s18 =	rddreg [dreg:$0xf]  }
0x334: {  	[sflag:s21] =	ssyncadd.s32 $0xFFFFE700;
	s1 =	sadd.s32 s16, s18  }
0x335: {  	_ =	swait.ge [sflag:s21], $0x1900;
	s1 =	smul.u32 $0xD, s1  }
0x336: {  	[sflag:s21] =	ssyncset.done $0x0  }
0x337: {  	[sflag:s21] =	ssyncadd.s32 $0xFFFFE700;
	s1 =	sadd.s32 s4, s1  }
0x338: {  	[tilespmem:s2], [sflag:$0x3] =	stream.linear.gather [hbm4b:s1+s17], $0x1A0, $0x38;
	[tilespmem:$0x1C880] =	vst v63  }
0x339: {  	s1 =	simm.s32 $0x0  }
0x33a: {  	v0 =	vld [tilespmem:s1+$0x19770]  }
0x33b: {  	v1 =	vld [tilespmem:s1+$0x19680]  }
0x33c: {  	v2 =	vld [tilespmem:s1+$0x19690]  }
0x33d: {  	v3 =	vld [tilespmem:s1+$0x196A0]  }
0x33e: {  	v4 =	vld [tilespmem:s1+$0x196B0]  }
0x33f: {  	v5 =	vld [tilespmem:s1+$0x196C0]  }
0x340: {  	v6 =	vld [tilespmem:s1+$0x196D0]  }
0x341: {  	v7 =	vld [tilespmem:s1+$0x196E0]  }
0x342: {  	v8 =	vld [tilespmem:s1+$0x196F0]  }
0x343: {  	v9 =	vld [tilespmem:s1+$0x19700]  }
0x344: {  	v10 =	vld [tilespmem:s1+$0x19710]  }
0x345: {  	v11 =	vld [tilespmem:s1+$0x19720]  }
0x346: {  	v12 =	vld [tilespmem:s1+$0x19730]  }
0x347: {  	v13 =	vld [tilespmem:s1+$0x19740]  }
0x348: {  	v14 =	vld [tilespmem:s1+$0x19750]  }
0x349: {  	v15 =	vld [tilespmem:s1+$0x19760]  }
0x34a: {  	[tilespmem:s1+$0x10170] =	vst.add.f32.msk $0xffff, v0  }
0x34b: {  	[tilespmem:s1+$0xCE80] =	vst.add.f32.msk $0xffff, v1  }
0x34c: {  	[tilespmem:s1+$0x10080] =	vst.add.f32.msk $0xffff, v1  }
0x34d: {  	[tilespmem:s1+$0xCE90] =	vst.add.f32.msk $0xffff, v2  }
0x34e: {  	[tilespmem:s1+$0x10090] =	vst.add.f32.msk $0xffff, v2  }
0x34f: {  	[tilespmem:s1+$0xCEA0] =	vst.add.f32.msk $0xffff, v3  }
0x350: {  	[tilespmem:s1+$0x100A0] =	vst.add.f32.msk $0xffff, v3  }
0x351: {  	[tilespmem:s1+$0xCEB0] =	vst.add.f32.msk $0xffff, v4  }
0x352: {  	[tilespmem:s1+$0x100B0] =	vst.add.f32.msk $0xffff, v4  }
0x353: {  	[tilespmem:s1+$0xCEC0] =	vst.add.f32.msk $0xffff, v5  }
0x354: {  	[tilespmem:s1+$0x100C0] =	vst.add.f32.msk $0xffff, v5  }
0x355: {  	[tilespmem:s1+$0xCED0] =	vst.add.f32.msk $0xffff, v6  }
0x356: {  	[tilespmem:s1+$0x100D0] =	vst.add.f32.msk $0xffff, v6  }
0x357: {  	[tilespmem:s1+$0xCEE0] =	vst.add.f32.msk $0xffff, v7  }
0x358: {  	[tilespmem:s1+$0x100E0] =	vst.add.f32.msk $0xffff, v7  }
0x359: {  	[tilespmem:s1+$0xCEF0] =	vst.add.f32.msk $0xffff, v8  }
0x35a: {  	[tilespmem:s1+$0x100F0] =	vst.add.f32.msk $0xffff, v8  }
0x35b: {  	[tilespmem:s1+$0xCF00] =	vst.add.f32.msk $0xffff, v9  }
0x35c: {  	[tilespmem:s1+$0x10100] =	vst.add.f32.msk $0xffff, v9  }
0x35d: {  	[tilespmem:s1+$0xCF10] =	vst.add.f32.msk $0xffff, v10  }
0x35e: {  	[tilespmem:s1+$0x10110] =	vst.add.f32.msk $0xffff, v10  }
0x35f: {  	[tilespmem:s1+$0xCF20] =	vst.add.f32.msk $0xffff, v11  }
0x360: {  	[tilespmem:s1+$0x10120] =	vst.add.f32.msk $0xffff, v11  }
0x361: {  	[tilespmem:s1+$0xCF30] =	vst.add.f32.msk $0xffff, v12  }
0x362: {  	[tilespmem:s1+$0x10130] =	vst.add.f32.msk $0xffff, v12  }
0x363: {  	[tilespmem:s1+$0xCF40] =	vst.add.f32.msk $0xffff, v13  }
0x364: {  	[tilespmem:s1+$0x10140] =	vst.add.f32.msk $0xffff, v13  }
0x365: {  	[tilespmem:s1+$0xCF50] =	vst.add.f32.msk $0xffff, v14  }
0x366: {  	[tilespmem:s1+$0x10150] =	vst.add.f32.msk $0xffff, v14  }
0x367: {  	[tilespmem:s1+$0xCF60] =	vst.add.f32.msk $0xffff, v15  }
0x368: {  	s18 =	simm.s32 $0x400;
	s17 =	simm.s32 $0x0;
	[tilespmem:s1+$0x10160] =	vst.add.f32.msk $0xffff, v15  }
.LBB2_15:
0x369: {  	s17 =	sadd.s32 $0x4, s17;
	[tilespmem:s1+$0xCF70] =	vst.add.f32.msk $0xffff, v0;
	s1 =	sshra.s32 s18, $0x2  }
0x36a: {  	v0 =	vld [tilespmem:s1+$0x19770];
	p0 =	slt.u32 s17, $0xC4  }
0x36b: {  	v1 =	vld [tilespmem:s1+$0x19680]  }
0x36c: {  	v2 =	vld [tilespmem:s1+$0x19690]  }
0x36d: {  	v3 =	vld [tilespmem:s1+$0x196A0]  }
0x36e: {  	v4 =	vld [tilespmem:s1+$0x196B0]  }
0x36f: {  	[tilespmem:s1+$0x10170] =	vst.add.f32.msk $0xffff, v0  }
0x370: {  	v5 =	vld [tilespmem:s1+$0x196C0]  }
0x371: {  	v6 =	vld [tilespmem:s1+$0x196D0]  }
0x372: {  	v7 =	vld [tilespmem:s1+$0x196E0]  }
0x373: {  	v8 =	vld [tilespmem:s1+$0x196F0]  }
0x374: {  	v9 =	vld [tilespmem:s1+$0x19700]  }
0x375: {  	v10 =	vld [tilespmem:s1+$0x19710]  }
0x376: {  	v11 =	vld [tilespmem:s1+$0x19720]  }
0x377: {  	v12 =	vld [tilespmem:s1+$0x19730]  }
0x378: {  	v13 =	vld [tilespmem:s1+$0x19740]  }
0x379: {  	v14 =	vld [tilespmem:s1+$0x19750]  }
0x37a: {  	v15 =	vld [tilespmem:s1+$0x19760]  }
0x37b: {  	[tilespmem:s1+$0xCE80] =	vst.add.f32.msk $0xffff, v1  }
0x37c: {  	[tilespmem:s1+$0x10080] =	vst.add.f32.msk $0xffff, v1  }
0x37d: {  	[tilespmem:s1+$0xCE90] =	vst.add.f32.msk $0xffff, v2  }
0x37e: {  	[tilespmem:s1+$0x10090] =	vst.add.f32.msk $0xffff, v2  }
0x37f: {  	[tilespmem:s1+$0xCEA0] =	vst.add.f32.msk $0xffff, v3  }
0x380: {  	[tilespmem:s1+$0x100A0] =	vst.add.f32.msk $0xffff, v3  }
0x381: {  	[tilespmem:s1+$0xCEB0] =	vst.add.f32.msk $0xffff, v4  }
0x382: {  	[tilespmem:s1+$0x100B0] =	vst.add.f32.msk $0xffff, v4  }
0x383: {  	[tilespmem:s1+$0xCEC0] =	vst.add.f32.msk $0xffff, v5  }
0x384: {  	[tilespmem:s1+$0x100C0] =	vst.add.f32.msk $0xffff, v5  }
0x385: {  	[tilespmem:s1+$0xCED0] =	vst.add.f32.msk $0xffff, v6  }
0x386: {  	[tilespmem:s1+$0x100D0] =	vst.add.f32.msk $0xffff, v6  }
0x387: {  	[tilespmem:s1+$0xCEE0] =	vst.add.f32.msk $0xffff, v7  }
0x388: {  	[tilespmem:s1+$0x100E0] =	vst.add.f32.msk $0xffff, v7  }
0x389: {  	[tilespmem:s1+$0xCEF0] =	vst.add.f32.msk $0xffff, v8  }
0x38a: {  	[tilespmem:s1+$0x100F0] =	vst.add.f32.msk $0xffff, v8  }
0x38b: {  	[tilespmem:s1+$0xCF00] =	vst.add.f32.msk $0xffff, v9  }
0x38c: {  	[tilespmem:s1+$0x10100] =	vst.add.f32.msk $0xffff, v9  }
0x38d: {  	[tilespmem:s1+$0xCF10] =	vst.add.f32.msk $0xffff, v10  }
0x38e: {  	[tilespmem:s1+$0x10110] =	vst.add.f32.msk $0xffff, v10  }
0x38f: {  	[tilespmem:s1+$0xCF20] =	vst.add.f32.msk $0xffff, v11  }
0x390: {  	[tilespmem:s1+$0x10120] =	vst.add.f32.msk $0xffff, v11  }
0x391: {  	[tilespmem:s1+$0xCF30] =	vst.add.f32.msk $0xffff, v12  }
0x392: {  	[tilespmem:s1+$0x10130] =	vst.add.f32.msk $0xffff, v12  }
0x393: {  	[tilespmem:s1+$0xCF40] =	vst.add.f32.msk $0xffff, v13  }
.Ltmp6:
0x394: {  	[tilespmem:s1+$0x10140] =	vst.add.f32.msk $0xffff, v13;
	(pc) =	sbr.rel @p0 .LBB2_15-.Ltmp6, $4  }
0x395: {  	[tilespmem:s1+$0xCF50] =	vst.add.f32.msk $0xffff, v14  }
0x396: {  	[tilespmem:s1+$0x10150] =	vst.add.f32.msk $0xffff, v14  }
0x397: {  	[tilespmem:s1+$0xCF60] =	vst.add.f32.msk $0xffff, v15  }
0x398: {  	s18 =	sadd.s32 $0x400, s18;
	[tilespmem:s1+$0x10160] =	vst.add.f32.msk $0xffff, v15  }
0x399: {  	[tilespmem:s1+$0xCF70] =	vst.add.f32.msk $0xffff, v0;
	s18 =	sadd.s32 $0x1900, s3;
	s17 =	simm.s32 $0x0  }
0x39a: {  	[hbm4b:s18+s17] =	stream.linear.scatter [tilespmem:s11], [sflag:$0xB], $0x6400, $0x38;
	[tilespmem:$0x1C880] =	vst v63  }
0x39b: {  	_ =	swait.ge [sflag:s24], $0x6400  }
0x39c: {  	[sflag:s24] =	ssyncset.done $0x0  }
0x39d: {  	[sflag:s24] =	ssyncadd.s32 $0xFFFF9C00  }
0x39e: {  	_ =	swait.ge [sflag:s6], $0x1A0  }
0x39f: {  	[sflag:s6] =	ssyncset.done $0x0  }
0x3a0: {  	[sflag:s6] =	ssyncadd.s32 $0xFFFFFE60  }
0x3a1: {  	[tilespmem:s10], [sflag:$0x5] =	stream.indirect.gather [hbm4b:s5+s9], $0x40, s17, s9, $0xb8;
	[tilespmem:$0x1C880] =	vst v63  }
0x3a2: {  	s1 =	simm.s32 $0x68;
	s18 =	simm.s32 $0x1F80  }
0x3a3: {  	[tilespmem:s18], [sflag:$0x5] =	stream.indirect.gather [hbm4b:s5+s9], $0x40, s1, s9, $0xb8;
	[tilespmem:$0x1C880] =	vst v63  }
0x3a4: {  	s1 =	simm.s32 $0xD0;
	s18 =	simm.s32 $0x3880  }
0x3a5: {  	[tilespmem:s18], [sflag:$0x5] =	stream.indirect.gather [hbm4b:s5+s9], $0x40, s1, s9, $0xb8;
	[tilespmem:$0x1C880] =	vst v63  }
0x3a6: {  	s1 =	simm.s32 $0x138;
	s18 =	simm.s32 $0x5180  }
0x3a7: {  	[tilespmem:s18], [sflag:$0x5] =	stream.indirect.gather [hbm4b:s5+s9], $0x40, s1, s9, $0xb8;
	[tilespmem:$0x1C880] =	vst v63  }
0x3a8: {  	_ =	swait.ge [sflag:s29], $0x1900  }
0x3a9: {  	[sflag:s29] =	ssyncset.done $0x0  }
0x3aa: {  	[sflag:s29] =	ssyncadd.s32 $0xFFFFE700  }
0x3ab: {  	_ =	swait.ge [sflag:s29], $0x1900  }
0x3ac: {  	[sflag:s29] =	ssyncset.done $0x0  }
0x3ad: {  	[sflag:s29] =	ssyncadd.s32 $0xFFFFE700  }
0x3ae: {  	_ =	swait.ge [sflag:s29], $0x1900  }
0x3af: {  	[sflag:s29] =	ssyncset.done $0x0  }
0x3b0: {  	s18 =	sadd.s32 s16, s20;
	[sflag:s29] =	ssyncadd.s32 $0xFFFFE700  }
0x3b1: {  	s1 =	smul.u32 $0xD, s18;
	_ =	swait.ge [sflag:s29], $0x1900  }
0x3b2: {  	[sflag:s29] =	ssyncset.done $0x0  }
0x3b3: {  	s1 =	sadd.s32 s4, s1;
	[sflag:s29] =	ssyncadd.s32 $0xFFFFE700  }
0x3b4: {  	[tilespmem:s30], [sflag:$0x4] =	stream.linear.gather [hbm4b:s1+s17], $0x1A0, $0x38;
	[tilespmem:$0x1C880] =	vst v63  }
0x3b5: {  	s1 =	simm.s32 $0x0  }
0x3b6: {  	v0 =	vld [tilespmem:s1+$0x19770]  }
0x3b7: {  	v1 =	vld [tilespmem:s1+$0x19680]  }
0x3b8: {  	v2 =	vld [tilespmem:s1+$0x19690]  }
0x3b9: {  	v3 =	vld [tilespmem:s1+$0x196A0]  }
0x3ba: {  	v4 =	vld [tilespmem:s1+$0x196B0]  }
0x3bb: {  	v5 =	vld [tilespmem:s1+$0x196C0]  }
0x3bc: {  	v6 =	vld [tilespmem:s1+$0x196D0]  }
0x3bd: {  	v7 =	vld [tilespmem:s1+$0x196E0]  }
0x3be: {  	v8 =	vld [tilespmem:s1+$0x196F0]  }
0x3bf: {  	v9 =	vld [tilespmem:s1+$0x19700]  }
0x3c0: {  	v10 =	vld [tilespmem:s1+$0x19710]  }
0x3c1: {  	v11 =	vld [tilespmem:s1+$0x19720]  }
0x3c2: {  	v12 =	vld [tilespmem:s1+$0x19730]  }
0x3c3: {  	v13 =	vld [tilespmem:s1+$0x19740]  }
0x3c4: {  	v14 =	vld [tilespmem:s1+$0x19750]  }
0x3c5: {  	v15 =	vld [tilespmem:s1+$0x19760]  }
0x3c6: {  	[tilespmem:s1+$0x16570] =	vst.add.f32.msk $0xffff, v0  }
0x3c7: {  	[tilespmem:s1+$0x13280] =	vst.add.f32.msk $0xffff, v1  }
0x3c8: {  	[tilespmem:s1+$0x16480] =	vst.add.f32.msk $0xffff, v1  }
0x3c9: {  	[tilespmem:s1+$0x13290] =	vst.add.f32.msk $0xffff, v2  }
0x3ca: {  	[tilespmem:s1+$0x16490] =	vst.add.f32.msk $0xffff, v2  }
0x3cb: {  	[tilespmem:s1+$0x132A0] =	vst.add.f32.msk $0xffff, v3  }
0x3cc: {  	[tilespmem:s1+$0x164A0] =	vst.add.f32.msk $0xffff, v3  }
0x3cd: {  	[tilespmem:s1+$0x132B0] =	vst.add.f32.msk $0xffff, v4  }
0x3ce: {  	[tilespmem:s1+$0x164B0] =	vst.add.f32.msk $0xffff, v4  }
0x3cf: {  	[tilespmem:s1+$0x132C0] =	vst.add.f32.msk $0xffff, v5  }
0x3d0: {  	[tilespmem:s1+$0x164C0] =	vst.add.f32.msk $0xffff, v5  }
0x3d1: {  	[tilespmem:s1+$0x132D0] =	vst.add.f32.msk $0xffff, v6  }
0x3d2: {  	[tilespmem:s1+$0x164D0] =	vst.add.f32.msk $0xffff, v6  }
0x3d3: {  	[tilespmem:s1+$0x132E0] =	vst.add.f32.msk $0xffff, v7  }
0x3d4: {  	[tilespmem:s1+$0x164E0] =	vst.add.f32.msk $0xffff, v7  }
0x3d5: {  	[tilespmem:s1+$0x132F0] =	vst.add.f32.msk $0xffff, v8  }
0x3d6: {  	[tilespmem:s1+$0x164F0] =	vst.add.f32.msk $0xffff, v8  }
0x3d7: {  	[tilespmem:s1+$0x13300] =	vst.add.f32.msk $0xffff, v9  }
0x3d8: {  	[tilespmem:s1+$0x16500] =	vst.add.f32.msk $0xffff, v9  }
0x3d9: {  	[tilespmem:s1+$0x13310] =	vst.add.f32.msk $0xffff, v10  }
0x3da: {  	[tilespmem:s1+$0x16510] =	vst.add.f32.msk $0xffff, v10  }
0x3db: {  	[tilespmem:s1+$0x13320] =	vst.add.f32.msk $0xffff, v11  }
0x3dc: {  	[tilespmem:s1+$0x16520] =	vst.add.f32.msk $0xffff, v11  }
0x3dd: {  	[tilespmem:s1+$0x13330] =	vst.add.f32.msk $0xffff, v12  }
0x3de: {  	[tilespmem:s1+$0x16530] =	vst.add.f32.msk $0xffff, v12  }
0x3df: {  	[tilespmem:s1+$0x13340] =	vst.add.f32.msk $0xffff, v13  }
0x3e0: {  	[tilespmem:s1+$0x16540] =	vst.add.f32.msk $0xffff, v13  }
0x3e1: {  	[tilespmem:s1+$0x13350] =	vst.add.f32.msk $0xffff, v14  }
0x3e2: {  	[tilespmem:s1+$0x16550] =	vst.add.f32.msk $0xffff, v14  }
0x3e3: {  	[tilespmem:s1+$0x13360] =	vst.add.f32.msk $0xffff, v15  }
0x3e4: {  	s16 =	simm.s32 $0x0;
	s17 =	simm.s32 $0x400;
	[tilespmem:s1+$0x16560] =	vst.add.f32.msk $0xffff, v15  }
.LBB2_17:
0x3e5: {  	s16 =	sadd.s32 $0x4, s16;
	[tilespmem:s1+$0x13370] =	vst.add.f32.msk $0xffff, v0;
	s1 =	sshra.s32 s17, $0x2  }
0x3e6: {  	v0 =	vld [tilespmem:s1+$0x19770];
	p0 =	slt.u32 s16, $0xC4  }
0x3e7: {  	v1 =	vld [tilespmem:s1+$0x19680]  }
0x3e8: {  	v2 =	vld [tilespmem:s1+$0x19690]  }
0x3e9: {  	v3 =	vld [tilespmem:s1+$0x196A0]  }
0x3ea: {  	v4 =	vld [tilespmem:s1+$0x196B0]  }
0x3eb: {  	[tilespmem:s1+$0x16570] =	vst.add.f32.msk $0xffff, v0  }
0x3ec: {  	v5 =	vld [tilespmem:s1+$0x196C0]  }
0x3ed: {  	v6 =	vld [tilespmem:s1+$0x196D0]  }
0x3ee: {  	v7 =	vld [tilespmem:s1+$0x196E0]  }
0x3ef: {  	v8 =	vld [tilespmem:s1+$0x196F0]  }
0x3f0: {  	v9 =	vld [tilespmem:s1+$0x19700]  }
0x3f1: {  	v10 =	vld [tilespmem:s1+$0x19710]  }
0x3f2: {  	v11 =	vld [tilespmem:s1+$0x19720]  }
0x3f3: {  	v12 =	vld [tilespmem:s1+$0x19730]  }
0x3f4: {  	v13 =	vld [tilespmem:s1+$0x19740]  }
0x3f5: {  	v14 =	vld [tilespmem:s1+$0x19750]  }
0x3f6: {  	v15 =	vld [tilespmem:s1+$0x19760]  }
0x3f7: {  	[tilespmem:s1+$0x13280] =	vst.add.f32.msk $0xffff, v1  }
0x3f8: {  	[tilespmem:s1+$0x16480] =	vst.add.f32.msk $0xffff, v1  }
0x3f9: {  	[tilespmem:s1+$0x13290] =	vst.add.f32.msk $0xffff, v2  }
0x3fa: {  	[tilespmem:s1+$0x16490] =	vst.add.f32.msk $0xffff, v2  }
0x3fb: {  	[tilespmem:s1+$0x132A0] =	vst.add.f32.msk $0xffff, v3  }
0x3fc: {  	[tilespmem:s1+$0x164A0] =	vst.add.f32.msk $0xffff, v3  }
0x3fd: {  	[tilespmem:s1+$0x132B0] =	vst.add.f32.msk $0xffff, v4  }
0x3fe: {  	[tilespmem:s1+$0x164B0] =	vst.add.f32.msk $0xffff, v4  }
0x3ff: {  	[tilespmem:s1+$0x132C0] =	vst.add.f32.msk $0xffff, v5  }
0x400: {  	[tilespmem:s1+$0x164C0] =	vst.add.f32.msk $0xffff, v5  }
0x401: {  	[tilespmem:s1+$0x132D0] =	vst.add.f32.msk $0xffff, v6  }
0x402: {  	[tilespmem:s1+$0x164D0] =	vst.add.f32.msk $0xffff, v6  }
0x403: {  	[tilespmem:s1+$0x132E0] =	vst.add.f32.msk $0xffff, v7  }
0x404: {  	[tilespmem:s1+$0x164E0] =	vst.add.f32.msk $0xffff, v7  }
0x405: {  	[tilespmem:s1+$0x132F0] =	vst.add.f32.msk $0xffff, v8  }
0x406: {  	[tilespmem:s1+$0x164F0] =	vst.add.f32.msk $0xffff, v8  }
0x407: {  	[tilespmem:s1+$0x13300] =	vst.add.f32.msk $0xffff, v9  }
0x408: {  	[tilespmem:s1+$0x16500] =	vst.add.f32.msk $0xffff, v9  }
0x409: {  	[tilespmem:s1+$0x13310] =	vst.add.f32.msk $0xffff, v10  }
0x40a: {  	[tilespmem:s1+$0x16510] =	vst.add.f32.msk $0xffff, v10  }
0x40b: {  	[tilespmem:s1+$0x13320] =	vst.add.f32.msk $0xffff, v11  }
0x40c: {  	[tilespmem:s1+$0x16520] =	vst.add.f32.msk $0xffff, v11  }
0x40d: {  	[tilespmem:s1+$0x13330] =	vst.add.f32.msk $0xffff, v12  }
0x40e: {  	[tilespmem:s1+$0x16530] =	vst.add.f32.msk $0xffff, v12  }
0x40f: {  	[tilespmem:s1+$0x13340] =	vst.add.f32.msk $0xffff, v13  }
.Ltmp7:
0x410: {  	[tilespmem:s1+$0x16540] =	vst.add.f32.msk $0xffff, v13;
	(pc) =	sbr.rel @p0 .LBB2_17-.Ltmp7, $4  }
0x411: {  	[tilespmem:s1+$0x13350] =	vst.add.f32.msk $0xffff, v14  }
0x412: {  	[tilespmem:s1+$0x16550] =	vst.add.f32.msk $0xffff, v14  }
0x413: {  	[tilespmem:s1+$0x13360] =	vst.add.f32.msk $0xffff, v15  }
0x414: {  	s17 =	sadd.s32 $0x400, s17;
	[tilespmem:s1+$0x16560] =	vst.add.f32.msk $0xffff, v15  }
0x415: {  	[tilespmem:s1+$0x13370] =	vst.add.f32.msk $0xffff, v0;
	s3 =	sadd.s32 $0x2580, s3;
	s16 =	simm.s32 $0x0  }
0x416: {  	[hbm4b:s3+s16] =	stream.linear.scatter [tilespmem:s28], [sflag:$0xC], $0x6400, $0x38;
	[tilespmem:$0x1C880] =	vst v63  }
0x417: {  	_ =	swait.ge [sflag:s12], $0x6400  }
0x418: {  	[sflag:s12] =	ssyncset.done $0x0  }
0x419: {  	[sflag:s12] =	ssyncadd.s32 $0xFFFF9C00  }
0x41a: {  	_ =	swait.ge [sflag:s22], $0x1A0  }
0x41b: {  	[sflag:s22] =	ssyncset.done $0x0  }
0x41c: {  	s15 =	sadd.s32 $0x1, s15;
	[sflag:s22] =	ssyncadd.s32 $0xFFFFFE60  }
0x41d: {  	[tilespmem:s23], [sflag:$0x6] =	stream.indirect.gather [hbm4b:s5+s9], $0x40, s0, s9, $0xb8;
	[tilespmem:$0x1C880] =	vst v63  }
0x41e: {  	s17 =	simm.s32 $0x208;
	s18 =	simm.s32 $0x8380;
	p0 =	sne.s32 s15, $0xF  }
0x41f: {  	[tilespmem:s18], [sflag:$0x6] =	stream.indirect.gather [hbm4b:s5+s9], $0x40, s17, s9, $0xb8;
	[tilespmem:$0x1C880] =	vst v63  }
.Ltmp8:
0x420: {  	_ = 	snop;
	(pc) =	sbr.rel @p0 .LBB2_10-.Ltmp8, $4  }
0x421: {  	s17 =	simm.s32 $0x270;
	s18 =	simm.s32 $0x9C80  }
0x422: {  	[tilespmem:s18], [sflag:$0x6] =	stream.indirect.gather [hbm4b:s5+s9], $0x40, s17, s9, $0xb8;
	[tilespmem:$0x1C880] =	vst v63  }
0x423: {  	s17 =	simm.s32 $0x2D8;
	s18 =	simm.s32 $0xB580  }
0x424: {  	[tilespmem:s18], [sflag:$0x6] =	stream.indirect.gather [hbm4b:s5+s9], $0x40, s17, s9, $0xb8;
	[tilespmem:$0x1C880] =	vst v63  }
0x425: {  	_ =	swait.ge [sflag:s8], $0x1900  }
0x426: {  	[sflag:s8] =	ssyncset.done $0x0  }
0x427: {  	[sflag:s8] =	ssyncadd.s32 $0xFFFFE700  }
0x428: {  	_ =	swait.ge [sflag:s8], $0x1900  }
0x429: {  	[sflag:s8] =	ssyncset.done $0x0  }
0x42a: {  	[sflag:s8] =	ssyncadd.s32 $0xFFFFE700  }
0x42b: {  	_ =	swait.ge [sflag:s8], $0x1900  }
0x42c: {  	[sflag:s8] =	ssyncset.done $0x0  }
0x42d: {  	[sflag:s8] =	ssyncadd.s32 $0xFFFFE700  }
0x42e: {  	_ =	swait.ge [sflag:s8], $0x1900  }
0x42f: {  	[sflag:s8] =	ssyncset.done $0x0  }
0x430: {  	s1 =	simm.s32 $0x0;
	[sflag:s8] =	ssyncadd.s32 $0xFFFFE700  }
0x431: {  	v0 =	vld [tilespmem:s1+$0x19770]  }
0x432: {  	v1 =	vld [tilespmem:s1+$0x19680]  }
0x433: {  	v2 =	vld [tilespmem:s1+$0x19690]  }
0x434: {  	v3 =	vld [tilespmem:s1+$0x196A0]  }
0x435: {  	v4 =	vld [tilespmem:s1+$0x196B0]  }
0x436: {  	v5 =	vld [tilespmem:s1+$0x196C0]  }
0x437: {  	v6 =	vld [tilespmem:s1+$0x196D0]  }
0x438: {  	v7 =	vld [tilespmem:s1+$0x196E0]  }
0x439: {  	v8 =	vld [tilespmem:s1+$0x196F0]  }
0x43a: {  	v9 =	vld [tilespmem:s1+$0x19700]  }
0x43b: {  	v10 =	vld [tilespmem:s1+$0x19710]  }
0x43c: {  	v11 =	vld [tilespmem:s1+$0x19720]  }
0x43d: {  	v12 =	vld [tilespmem:s1+$0x19730]  }
0x43e: {  	v13 =	vld [tilespmem:s1+$0x19740]  }
0x43f: {  	v14 =	vld [tilespmem:s1+$0x19750]  }
0x440: {  	v15 =	vld [tilespmem:s1+$0x19760]  }
0x441: {  	[tilespmem:s1+$0x3970] =	vst.add.f32.msk $0xffff, v0  }
0x442: {  	[tilespmem:s1+$0x680] =	vst.add.f32.msk $0xffff, v1  }
0x443: {  	[tilespmem:s1+$0x3880] =	vst.add.f32.msk $0xffff, v1  }
0x444: {  	[tilespmem:s1+$0x690] =	vst.add.f32.msk $0xffff, v2  }
0x445: {  	[tilespmem:s1+$0x3890] =	vst.add.f32.msk $0xffff, v2  }
0x446: {  	[tilespmem:s1+$0x6A0] =	vst.add.f32.msk $0xffff, v3  }
0x447: {  	[tilespmem:s1+$0x38A0] =	vst.add.f32.msk $0xffff, v3  }
0x448: {  	[tilespmem:s1+$0x6B0] =	vst.add.f32.msk $0xffff, v4  }
0x449: {  	[tilespmem:s1+$0x38B0] =	vst.add.f32.msk $0xffff, v4  }
0x44a: {  	[tilespmem:s1+$0x6C0] =	vst.add.f32.msk $0xffff, v5  }
0x44b: {  	[tilespmem:s1+$0x38C0] =	vst.add.f32.msk $0xffff, v5  }
0x44c: {  	[tilespmem:s1+$0x6D0] =	vst.add.f32.msk $0xffff, v6  }
0x44d: {  	[tilespmem:s1+$0x38D0] =	vst.add.f32.msk $0xffff, v6  }
0x44e: {  	[tilespmem:s1+$0x6E0] =	vst.add.f32.msk $0xffff, v7  }
0x44f: {  	[tilespmem:s1+$0x38E0] =	vst.add.f32.msk $0xffff, v7  }
0x450: {  	[tilespmem:s1+$0x6F0] =	vst.add.f32.msk $0xffff, v8  }
0x451: {  	[tilespmem:s1+$0x38F0] =	vst.add.f32.msk $0xffff, v8  }
0x452: {  	[tilespmem:s1+$0x700] =	vst.add.f32.msk $0xffff, v9  }
0x453: {  	[tilespmem:s1+$0x3900] =	vst.add.f32.msk $0xffff, v9  }
0x454: {  	[tilespmem:s1+$0x710] =	vst.add.f32.msk $0xffff, v10  }
0x455: {  	[tilespmem:s1+$0x3910] =	vst.add.f32.msk $0xffff, v10  }
0x456: {  	[tilespmem:s1+$0x720] =	vst.add.f32.msk $0xffff, v11  }
0x457: {  	[tilespmem:s1+$0x3920] =	vst.add.f32.msk $0xffff, v11  }
0x458: {  	[tilespmem:s1+$0x730] =	vst.add.f32.msk $0xffff, v12  }
0x459: {  	[tilespmem:s1+$0x3930] =	vst.add.f32.msk $0xffff, v12  }
0x45a: {  	[tilespmem:s1+$0x740] =	vst.add.f32.msk $0xffff, v13  }
0x45b: {  	[tilespmem:s1+$0x3940] =	vst.add.f32.msk $0xffff, v13  }
0x45c: {  	[tilespmem:s1+$0x750] =	vst.add.f32.msk $0xffff, v14  }
0x45d: {  	[tilespmem:s1+$0x3950] =	vst.add.f32.msk $0xffff, v14  }
0x45e: {  	[tilespmem:s1+$0x760] =	vst.add.f32.msk $0xffff, v15  }
0x45f: {  	s3 =	simm.s32 $0x0;
	s15 =	simm.s32 $0x400;
	[tilespmem:s1+$0x3960] =	vst.add.f32.msk $0xffff, v15  }
.LBB2_20:
0x460: {  	s3 =	sadd.s32 $0x4, s3;
	[tilespmem:s1+$0x770] =	vst.add.f32.msk $0xffff, v0;
	s1 =	sshra.s32 s15, $0x2  }
0x461: {  	v0 =	vld [tilespmem:s1+$0x19770];
	p0 =	slt.u32 s3, $0xC4  }
0x462: {  	v1 =	vld [tilespmem:s1+$0x19680]  }
0x463: {  	v2 =	vld [tilespmem:s1+$0x19690]  }
0x464: {  	v3 =	vld [tilespmem:s1+$0x196A0]  }
0x465: {  	v4 =	vld [tilespmem:s1+$0x196B0]  }
0x466: {  	[tilespmem:s1+$0x3970] =	vst.add.f32.msk $0xffff, v0  }
0x467: {  	v5 =	vld [tilespmem:s1+$0x196C0]  }
0x468: {  	v6 =	vld [tilespmem:s1+$0x196D0]  }
0x469: {  	v7 =	vld [tilespmem:s1+$0x196E0]  }
0x46a: {  	v8 =	vld [tilespmem:s1+$0x196F0]  }
0x46b: {  	v9 =	vld [tilespmem:s1+$0x19700]  }
0x46c: {  	v10 =	vld [tilespmem:s1+$0x19710]  }
0x46d: {  	v11 =	vld [tilespmem:s1+$0x19720]  }
0x46e: {  	v12 =	vld [tilespmem:s1+$0x19730]  }
0x46f: {  	v13 =	vld [tilespmem:s1+$0x19740]  }
0x470: {  	v14 =	vld [tilespmem:s1+$0x19750]  }
0x471: {  	v15 =	vld [tilespmem:s1+$0x19760]  }
0x472: {  	[tilespmem:s1+$0x680] =	vst.add.f32.msk $0xffff, v1  }
0x473: {  	[tilespmem:s1+$0x3880] =	vst.add.f32.msk $0xffff, v1  }
0x474: {  	[tilespmem:s1+$0x690] =	vst.add.f32.msk $0xffff, v2  }
0x475: {  	[tilespmem:s1+$0x3890] =	vst.add.f32.msk $0xffff, v2  }
0x476: {  	[tilespmem:s1+$0x6A0] =	vst.add.f32.msk $0xffff, v3  }
0x477: {  	[tilespmem:s1+$0x38A0] =	vst.add.f32.msk $0xffff, v3  }
0x478: {  	[tilespmem:s1+$0x6B0] =	vst.add.f32.msk $0xffff, v4  }
0x479: {  	[tilespmem:s1+$0x38B0] =	vst.add.f32.msk $0xffff, v4  }
0x47a: {  	[tilespmem:s1+$0x6C0] =	vst.add.f32.msk $0xffff, v5  }
0x47b: {  	[tilespmem:s1+$0x38C0] =	vst.add.f32.msk $0xffff, v5  }
0x47c: {  	[tilespmem:s1+$0x6D0] =	vst.add.f32.msk $0xffff, v6  }
0x47d: {  	[tilespmem:s1+$0x38D0] =	vst.add.f32.msk $0xffff, v6  }
0x47e: {  	[tilespmem:s1+$0x6E0] =	vst.add.f32.msk $0xffff, v7  }
0x47f: {  	[tilespmem:s1+$0x38E0] =	vst.add.f32.msk $0xffff, v7  }
0x480: {  	[tilespmem:s1+$0x6F0] =	vst.add.f32.msk $0xffff, v8  }
0x481: {  	[tilespmem:s1+$0x38F0] =	vst.add.f32.msk $0xffff, v8  }
0x482: {  	[tilespmem:s1+$0x700] =	vst.add.f32.msk $0xffff, v9  }
0x483: {  	[tilespmem:s1+$0x3900] =	vst.add.f32.msk $0xffff, v9  }
0x484: {  	[tilespmem:s1+$0x710] =	vst.add.f32.msk $0xffff, v10  }
0x485: {  	[tilespmem:s1+$0x3910] =	vst.add.f32.msk $0xffff, v10  }
0x486: {  	[tilespmem:s1+$0x720] =	vst.add.f32.msk $0xffff, v11  }
0x487: {  	[tilespmem:s1+$0x3920] =	vst.add.f32.msk $0xffff, v11  }
0x488: {  	[tilespmem:s1+$0x730] =	vst.add.f32.msk $0xffff, v12  }
0x489: {  	[tilespmem:s1+$0x3930] =	vst.add.f32.msk $0xffff, v12  }
0x48a: {  	[tilespmem:s1+$0x740] =	vst.add.f32.msk $0xffff, v13  }
.Ltmp9:
0x48b: {  	[tilespmem:s1+$0x3940] =	vst.add.f32.msk $0xffff, v13;
	(pc) =	sbr.rel @p0 .LBB2_20-.Ltmp9, $4  }
0x48c: {  	[tilespmem:s1+$0x750] =	vst.add.f32.msk $0xffff, v14  }
0x48d: {  	[tilespmem:s1+$0x3950] =	vst.add.f32.msk $0xffff, v14  }
0x48e: {  	[tilespmem:s1+$0x760] =	vst.add.f32.msk $0xffff, v15  }
0x48f: {  	s15 =	sadd.s32 $0x400, s15;
	[tilespmem:s1+$0x3960] =	vst.add.f32.msk $0xffff, v15  }
0x490: {  	[tilespmem:s1+$0x770] =	vst.add.f32.msk $0xffff, v0  }
0x491: {  	s15 =	simm.s32 $0x0;
	s3 =	rddreg [dreg:$0x10]  }
0x492: {  	[hbm4b:s3+s15] =	stream.linear.scatter [tilespmem:s10], [sflag:$0x9], $0x6400, $0x38;
	[tilespmem:$0x1C880] =	vst v63  }
0x493: {  	_ =	swait.ge [sflag:s13], $0x6400  }
0x494: {  	[sflag:s13] =	ssyncset.done $0x0  }
0x495: {  	[sflag:s13] =	ssyncadd.s32 $0xFFFF9C00  }
0x496: {  	_ =	swait.ge [sflag:s31], $0x1A0  }
0x497: {  	[sflag:s31] =	ssyncset.done $0x0  }
0x498: {  	[sflag:s31] =	ssyncadd.s32 $0xFFFFFE60  }
0x499: {  	[tilespmem:s11], [sflag:$0x7] =	stream.indirect.gather [hbm4b:s5+s9], $0x40, s2, s9, $0xb8;
	[tilespmem:$0x1C880] =	vst v63  }
0x49a: {  	s17 =	simm.s32 $0x3A8;
	s18 =	simm.s32 $0xE780  }
0x49b: {  	[tilespmem:s18], [sflag:$0x7] =	stream.indirect.gather [hbm4b:s5+s9], $0x40, s17, s9, $0xb8;
	[tilespmem:$0x1C880] =	vst v63  }
0x49c: {  	s3 =	simm.s32 $0x410;
	s15 =	simm.s32 $0x10080  }
0x49d: {  	[tilespmem:s15], [sflag:$0x7] =	stream.indirect.gather [hbm4b:s5+s9], $0x40, s3, s9, $0xb8;
	[tilespmem:$0x1C880] =	vst v63  }
0x49e: {  	s17 =	simm.s32 $0x478;
	s18 =	simm.s32 $0x11980  }
0x49f: {  	[tilespmem:s18], [sflag:$0x7] =	stream.indirect.gather [hbm4b:s5+s9], $0x40, s17, s9, $0xb8;
	[tilespmem:$0x1C880] =	vst v63  }
0x4a0: {  	_ =	swait.ge [sflag:s25], $0x1900  }
0x4a1: {  	[sflag:s25] =	ssyncset.done $0x0  }
0x4a2: {  	[sflag:s25] =	ssyncadd.s32 $0xFFFFE700  }
0x4a3: {  	_ =	swait.ge [sflag:s25], $0x1900  }
0x4a4: {  	[sflag:s25] =	ssyncset.done $0x0  }
0x4a5: {  	[sflag:s25] =	ssyncadd.s32 $0xFFFFE700  }
0x4a6: {  	_ =	swait.ge [sflag:s25], $0x1900  }
0x4a7: {  	[sflag:s25] =	ssyncset.done $0x0  }
0x4a8: {  	[sflag:s25] =	ssyncadd.s32 $0xFFFFE700  }
0x4a9: {  	_ =	swait.ge [sflag:s25], $0x1900  }
0x4aa: {  	[sflag:s25] =	ssyncset.done $0x0  }
0x4ab: {  	s1 =	simm.s32 $0x0;
	[sflag:s25] =	ssyncadd.s32 $0xFFFFE700  }
0x4ac: {  	v0 =	vld [tilespmem:s1+$0x19770]  }
0x4ad: {  	v1 =	vld [tilespmem:s1+$0x19680]  }
0x4ae: {  	v2 =	vld [tilespmem:s1+$0x19690]  }
0x4af: {  	v3 =	vld [tilespmem:s1+$0x196A0]  }
0x4b0: {  	v4 =	vld [tilespmem:s1+$0x196B0]  }
0x4b1: {  	v5 =	vld [tilespmem:s1+$0x196C0]  }
0x4b2: {  	v6 =	vld [tilespmem:s1+$0x196D0]  }
0x4b3: {  	v7 =	vld [tilespmem:s1+$0x196E0]  }
0x4b4: {  	v8 =	vld [tilespmem:s1+$0x196F0]  }
0x4b5: {  	v9 =	vld [tilespmem:s1+$0x19700]  }
0x4b6: {  	v10 =	vld [tilespmem:s1+$0x19710]  }
0x4b7: {  	v11 =	vld [tilespmem:s1+$0x19720]  }
0x4b8: {  	v12 =	vld [tilespmem:s1+$0x19730]  }
0x4b9: {  	v13 =	vld [tilespmem:s1+$0x19740]  }
0x4ba: {  	v14 =	vld [tilespmem:s1+$0x19750]  }
0x4bb: {  	v15 =	vld [tilespmem:s1+$0x19760]  }
0x4bc: {  	[tilespmem:s1+$0x9D70] =	vst.add.f32.msk $0xffff, v0  }
0x4bd: {  	[tilespmem:s1+$0x6A80] =	vst.add.f32.msk $0xffff, v1  }
0x4be: {  	[tilespmem:s1+$0x9C80] =	vst.add.f32.msk $0xffff, v1  }
0x4bf: {  	[tilespmem:s1+$0x6A90] =	vst.add.f32.msk $0xffff, v2  }
0x4c0: {  	[tilespmem:s1+$0x9C90] =	vst.add.f32.msk $0xffff, v2  }
0x4c1: {  	[tilespmem:s1+$0x6AA0] =	vst.add.f32.msk $0xffff, v3  }
0x4c2: {  	[tilespmem:s1+$0x9CA0] =	vst.add.f32.msk $0xffff, v3  }
0x4c3: {  	[tilespmem:s1+$0x6AB0] =	vst.add.f32.msk $0xffff, v4  }
0x4c4: {  	[tilespmem:s1+$0x9CB0] =	vst.add.f32.msk $0xffff, v4  }
0x4c5: {  	[tilespmem:s1+$0x6AC0] =	vst.add.f32.msk $0xffff, v5  }
0x4c6: {  	[tilespmem:s1+$0x9CC0] =	vst.add.f32.msk $0xffff, v5  }
0x4c7: {  	[tilespmem:s1+$0x6AD0] =	vst.add.f32.msk $0xffff, v6  }
0x4c8: {  	[tilespmem:s1+$0x9CD0] =	vst.add.f32.msk $0xffff, v6  }
0x4c9: {  	[tilespmem:s1+$0x6AE0] =	vst.add.f32.msk $0xffff, v7  }
0x4ca: {  	[tilespmem:s1+$0x9CE0] =	vst.add.f32.msk $0xffff, v7  }
0x4cb: {  	[tilespmem:s1+$0x6AF0] =	vst.add.f32.msk $0xffff, v8  }
0x4cc: {  	[tilespmem:s1+$0x9CF0] =	vst.add.f32.msk $0xffff, v8  }
0x4cd: {  	[tilespmem:s1+$0x6B00] =	vst.add.f32.msk $0xffff, v9  }
0x4ce: {  	[tilespmem:s1+$0x9D00] =	vst.add.f32.msk $0xffff, v9  }
0x4cf: {  	[tilespmem:s1+$0x6B10] =	vst.add.f32.msk $0xffff, v10  }
0x4d0: {  	[tilespmem:s1+$0x9D10] =	vst.add.f32.msk $0xffff, v10  }
0x4d1: {  	[tilespmem:s1+$0x6B20] =	vst.add.f32.msk $0xffff, v11  }
0x4d2: {  	[tilespmem:s1+$0x9D20] =	vst.add.f32.msk $0xffff, v11  }
0x4d3: {  	[tilespmem:s1+$0x6B30] =	vst.add.f32.msk $0xffff, v12  }
0x4d4: {  	[tilespmem:s1+$0x9D30] =	vst.add.f32.msk $0xffff, v12  }
0x4d5: {  	[tilespmem:s1+$0x6B40] =	vst.add.f32.msk $0xffff, v13  }
0x4d6: {  	[tilespmem:s1+$0x9D40] =	vst.add.f32.msk $0xffff, v13  }
0x4d7: {  	[tilespmem:s1+$0x6B50] =	vst.add.f32.msk $0xffff, v14  }
0x4d8: {  	[tilespmem:s1+$0x9D50] =	vst.add.f32.msk $0xffff, v14  }
0x4d9: {  	[tilespmem:s1+$0x6B60] =	vst.add.f32.msk $0xffff, v15  }
0x4da: {  	s3 =	simm.s32 $0x0;
	s15 =	simm.s32 $0x400;
	[tilespmem:s1+$0x9D60] =	vst.add.f32.msk $0xffff, v15  }
.LBB2_22:
0x4db: {  	s3 =	sadd.s32 $0x4, s3;
	[tilespmem:s1+$0x6B70] =	vst.add.f32.msk $0xffff, v0;
	s1 =	sshra.s32 s15, $0x2  }
0x4dc: {  	v0 =	vld [tilespmem:s1+$0x19770];
	p0 =	slt.u32 s3, $0xC4  }
0x4dd: {  	v1 =	vld [tilespmem:s1+$0x19680]  }
0x4de: {  	v2 =	vld [tilespmem:s1+$0x19690]  }
0x4df: {  	v3 =	vld [tilespmem:s1+$0x196A0]  }
0x4e0: {  	v4 =	vld [tilespmem:s1+$0x196B0]  }
0x4e1: {  	[tilespmem:s1+$0x9D70] =	vst.add.f32.msk $0xffff, v0  }
0x4e2: {  	v5 =	vld [tilespmem:s1+$0x196C0]  }
0x4e3: {  	v6 =	vld [tilespmem:s1+$0x196D0]  }
0x4e4: {  	v7 =	vld [tilespmem:s1+$0x196E0]  }
0x4e5: {  	v8 =	vld [tilespmem:s1+$0x196F0]  }
0x4e6: {  	v9 =	vld [tilespmem:s1+$0x19700]  }
0x4e7: {  	v10 =	vld [tilespmem:s1+$0x19710]  }
0x4e8: {  	v11 =	vld [tilespmem:s1+$0x19720]  }
0x4e9: {  	v12 =	vld [tilespmem:s1+$0x19730]  }
0x4ea: {  	v13 =	vld [tilespmem:s1+$0x19740]  }
0x4eb: {  	v14 =	vld [tilespmem:s1+$0x19750]  }
0x4ec: {  	v15 =	vld [tilespmem:s1+$0x19760]  }
0x4ed: {  	[tilespmem:s1+$0x6A80] =	vst.add.f32.msk $0xffff, v1  }
0x4ee: {  	[tilespmem:s1+$0x9C80] =	vst.add.f32.msk $0xffff, v1  }
0x4ef: {  	[tilespmem:s1+$0x6A90] =	vst.add.f32.msk $0xffff, v2  }
0x4f0: {  	[tilespmem:s1+$0x9C90] =	vst.add.f32.msk $0xffff, v2  }
0x4f1: {  	[tilespmem:s1+$0x6AA0] =	vst.add.f32.msk $0xffff, v3  }
0x4f2: {  	[tilespmem:s1+$0x9CA0] =	vst.add.f32.msk $0xffff, v3  }
0x4f3: {  	[tilespmem:s1+$0x6AB0] =	vst.add.f32.msk $0xffff, v4  }
0x4f4: {  	[tilespmem:s1+$0x9CB0] =	vst.add.f32.msk $0xffff, v4  }
0x4f5: {  	[tilespmem:s1+$0x6AC0] =	vst.add.f32.msk $0xffff, v5  }
0x4f6: {  	[tilespmem:s1+$0x9CC0] =	vst.add.f32.msk $0xffff, v5  }
0x4f7: {  	[tilespmem:s1+$0x6AD0] =	vst.add.f32.msk $0xffff, v6  }
0x4f8: {  	[tilespmem:s1+$0x9CD0] =	vst.add.f32.msk $0xffff, v6  }
0x4f9: {  	[tilespmem:s1+$0x6AE0] =	vst.add.f32.msk $0xffff, v7  }
0x4fa: {  	[tilespmem:s1+$0x9CE0] =	vst.add.f32.msk $0xffff, v7  }
0x4fb: {  	[tilespmem:s1+$0x6AF0] =	vst.add.f32.msk $0xffff, v8  }
0x4fc: {  	[tilespmem:s1+$0x9CF0] =	vst.add.f32.msk $0xffff, v8  }
0x4fd: {  	[tilespmem:s1+$0x6B00] =	vst.add.f32.msk $0xffff, v9  }
0x4fe: {  	[tilespmem:s1+$0x9D00] =	vst.add.f32.msk $0xffff, v9  }
0x4ff: {  	[tilespmem:s1+$0x6B10] =	vst.add.f32.msk $0xffff, v10  }
0x500: {  	[tilespmem:s1+$0x9D10] =	vst.add.f32.msk $0xffff, v10  }
0x501: {  	[tilespmem:s1+$0x6B20] =	vst.add.f32.msk $0xffff, v11  }
0x502: {  	[tilespmem:s1+$0x9D20] =	vst.add.f32.msk $0xffff, v11  }
0x503: {  	[tilespmem:s1+$0x6B30] =	vst.add.f32.msk $0xffff, v12  }
0x504: {  	[tilespmem:s1+$0x9D30] =	vst.add.f32.msk $0xffff, v12  }
0x505: {  	[tilespmem:s1+$0x6B40] =	vst.add.f32.msk $0xffff, v13  }
.Ltmp10:
0x506: {  	[tilespmem:s1+$0x9D40] =	vst.add.f32.msk $0xffff, v13;
	(pc) =	sbr.rel @p0 .LBB2_22-.Ltmp10, $4  }
0x507: {  	[tilespmem:s1+$0x6B50] =	vst.add.f32.msk $0xffff, v14  }
0x508: {  	[tilespmem:s1+$0x9D50] =	vst.add.f32.msk $0xffff, v14  }
0x509: {  	[tilespmem:s1+$0x6B60] =	vst.add.f32.msk $0xffff, v15  }
0x50a: {  	s15 =	sadd.s32 $0x400, s15;
	[tilespmem:s1+$0x9D60] =	vst.add.f32.msk $0xffff, v15  }
0x50b: {  	[tilespmem:s1+$0x6B70] =	vst.add.f32.msk $0xffff, v0  }
0x50c: {  	s15 =	simm.s32 $0x0;
	s3 =	rddreg [dreg:$0x11]  }
0x50d: {  	[hbm4b:s3+s15] =	stream.linear.scatter [tilespmem:s23], [sflag:$0xA], $0x6400, $0x38;
	[tilespmem:$0x1C880] =	vst v63  }
0x50e: {  	_ =	swait.ge [sflag:s14], $0x6400  }
0x50f: {  	[sflag:s14] =	ssyncset.done $0x0  }
0x510: {  	[sflag:s14] =	ssyncadd.s32 $0xFFFF9C00  }
0x511: {  	_ =	swait.ge [sflag:s26], $0x1A0  }
0x512: {  	[sflag:s26] =	ssyncset.done $0x0  }
0x513: {  	[sflag:s26] =	ssyncadd.s32 $0xFFFFFE60  }
0x514: {  	[tilespmem:s28], [sflag:$0x8] =	stream.indirect.gather [hbm4b:s5+s9], $0x40, s30, s9, $0xb8;
	[tilespmem:$0x1C880] =	vst v63  }
0x515: {  	s17 =	simm.s32 $0x548;
	s18 =	simm.s32 $0x14B80  }
0x516: {  	[tilespmem:s18], [sflag:$0x8] =	stream.indirect.gather [hbm4b:s5+s9], $0x40, s17, s9, $0xb8;
	[tilespmem:$0x1C880] =	vst v63  }
0x517: {  	s3 =	simm.s32 $0x5B0;
	s15 =	simm.s32 $0x16480  }
0x518: {  	[tilespmem:s15], [sflag:$0x8] =	stream.indirect.gather [hbm4b:s5+s9], $0x40, s3, s9, $0xb8;
	[tilespmem:$0x1C880] =	vst v63  }
0x519: {  	s17 =	simm.s32 $0x618;
	s18 =	simm.s32 $0x17D80  }
0x51a: {  	[tilespmem:s18], [sflag:$0x8] =	stream.indirect.gather [hbm4b:s5+s9], $0x40, s17, s9, $0xb8;
	[tilespmem:$0x1C880] =	vst v63  }
0x51b: {  	_ =	swait.ge [sflag:s21], $0x1900  }
0x51c: {  	[sflag:s21] =	ssyncset.done $0x0  }
0x51d: {  	[sflag:s21] =	ssyncadd.s32 $0xFFFFE700  }
0x51e: {  	_ =	swait.ge [sflag:s21], $0x1900  }
0x51f: {  	[sflag:s21] =	ssyncset.done $0x0  }
0x520: {  	[sflag:s21] =	ssyncadd.s32 $0xFFFFE700  }
0x521: {  	_ =	swait.ge [sflag:s21], $0x1900  }
0x522: {  	[sflag:s21] =	ssyncset.done $0x0  }
0x523: {  	[sflag:s21] =	ssyncadd.s32 $0xFFFFE700  }
0x524: {  	_ =	swait.ge [sflag:s21], $0x1900  }
0x525: {  	[sflag:s21] =	ssyncset.done $0x0  }
0x526: {  	s1 =	simm.s32 $0x0;
	[sflag:s21] =	ssyncadd.s32 $0xFFFFE700  }
0x527: {  	v0 =	vld [tilespmem:s1+$0x19770]  }
0x528: {  	v1 =	vld [tilespmem:s1+$0x19680]  }
0x529: {  	v2 =	vld [tilespmem:s1+$0x19690]  }
0x52a: {  	v3 =	vld [tilespmem:s1+$0x196A0]  }
0x52b: {  	v4 =	vld [tilespmem:s1+$0x196B0]  }
0x52c: {  	v5 =	vld [tilespmem:s1+$0x196C0]  }
0x52d: {  	v6 =	vld [tilespmem:s1+$0x196D0]  }
0x52e: {  	v7 =	vld [tilespmem:s1+$0x196E0]  }
0x52f: {  	v8 =	vld [tilespmem:s1+$0x196F0]  }
0x530: {  	v9 =	vld [tilespmem:s1+$0x19700]  }
0x531: {  	v10 =	vld [tilespmem:s1+$0x19710]  }
0x532: {  	v11 =	vld [tilespmem:s1+$0x19720]  }
0x533: {  	v12 =	vld [tilespmem:s1+$0x19730]  }
0x534: {  	v13 =	vld [tilespmem:s1+$0x19740]  }
0x535: {  	v14 =	vld [tilespmem:s1+$0x19750]  }
0x536: {  	v15 =	vld [tilespmem:s1+$0x19760]  }
0x537: {  	[tilespmem:s1+$0x10170] =	vst.add.f32.msk $0xffff, v0  }
0x538: {  	[tilespmem:s1+$0xCE80] =	vst.add.f32.msk $0xffff, v1  }
0x539: {  	[tilespmem:s1+$0x10080] =	vst.add.f32.msk $0xffff, v1  }
0x53a: {  	[tilespmem:s1+$0xCE90] =	vst.add.f32.msk $0xffff, v2  }
0x53b: {  	[tilespmem:s1+$0x10090] =	vst.add.f32.msk $0xffff, v2  }
0x53c: {  	[tilespmem:s1+$0xCEA0] =	vst.add.f32.msk $0xffff, v3  }
0x53d: {  	[tilespmem:s1+$0x100A0] =	vst.add.f32.msk $0xffff, v3  }
0x53e: {  	[tilespmem:s1+$0xCEB0] =	vst.add.f32.msk $0xffff, v4  }
0x53f: {  	[tilespmem:s1+$0x100B0] =	vst.add.f32.msk $0xffff, v4  }
0x540: {  	[tilespmem:s1+$0xCEC0] =	vst.add.f32.msk $0xffff, v5  }
0x541: {  	[tilespmem:s1+$0x100C0] =	vst.add.f32.msk $0xffff, v5  }
0x542: {  	[tilespmem:s1+$0xCED0] =	vst.add.f32.msk $0xffff, v6  }
0x543: {  	[tilespmem:s1+$0x100D0] =	vst.add.f32.msk $0xffff, v6  }
0x544: {  	[tilespmem:s1+$0xCEE0] =	vst.add.f32.msk $0xffff, v7  }
0x545: {  	[tilespmem:s1+$0x100E0] =	vst.add.f32.msk $0xffff, v7  }
0x546: {  	[tilespmem:s1+$0xCEF0] =	vst.add.f32.msk $0xffff, v8  }
0x547: {  	[tilespmem:s1+$0x100F0] =	vst.add.f32.msk $0xffff, v8  }
0x548: {  	[tilespmem:s1+$0xCF00] =	vst.add.f32.msk $0xffff, v9  }
0x549: {  	[tilespmem:s1+$0x10100] =	vst.add.f32.msk $0xffff, v9  }
0x54a: {  	[tilespmem:s1+$0xCF10] =	vst.add.f32.msk $0xffff, v10  }
0x54b: {  	[tilespmem:s1+$0x10110] =	vst.add.f32.msk $0xffff, v10  }
0x54c: {  	[tilespmem:s1+$0xCF20] =	vst.add.f32.msk $0xffff, v11  }
0x54d: {  	[tilespmem:s1+$0x10120] =	vst.add.f32.msk $0xffff, v11  }
0x54e: {  	[tilespmem:s1+$0xCF30] =	vst.add.f32.msk $0xffff, v12  }
0x54f: {  	[tilespmem:s1+$0x10130] =	vst.add.f32.msk $0xffff, v12  }
0x550: {  	[tilespmem:s1+$0xCF40] =	vst.add.f32.msk $0xffff, v13  }
0x551: {  	[tilespmem:s1+$0x10140] =	vst.add.f32.msk $0xffff, v13  }
0x552: {  	[tilespmem:s1+$0xCF50] =	vst.add.f32.msk $0xffff, v14  }
0x553: {  	[tilespmem:s1+$0x10150] =	vst.add.f32.msk $0xffff, v14  }
0x554: {  	[tilespmem:s1+$0xCF60] =	vst.add.f32.msk $0xffff, v15  }
0x555: {  	s3 =	simm.s32 $0x0;
	s15 =	simm.s32 $0x400;
	[tilespmem:s1+$0x10160] =	vst.add.f32.msk $0xffff, v15  }
.LBB2_24:
0x556: {  	s3 =	sadd.s32 $0x4, s3;
	[tilespmem:s1+$0xCF70] =	vst.add.f32.msk $0xffff, v0;
	s1 =	sshra.s32 s15, $0x2  }
0x557: {  	v0 =	vld [tilespmem:s1+$0x19770];
	p0 =	slt.u32 s3, $0xC4  }
0x558: {  	v1 =	vld [tilespmem:s1+$0x19680]  }
0x559: {  	v2 =	vld [tilespmem:s1+$0x19690]  }
0x55a: {  	v3 =	vld [tilespmem:s1+$0x196A0]  }
0x55b: {  	v4 =	vld [tilespmem:s1+$0x196B0]  }
0x55c: {  	[tilespmem:s1+$0x10170] =	vst.add.f32.msk $0xffff, v0  }
0x55d: {  	v5 =	vld [tilespmem:s1+$0x196C0]  }
0x55e: {  	v6 =	vld [tilespmem:s1+$0x196D0]  }
0x55f: {  	v7 =	vld [tilespmem:s1+$0x196E0]  }
0x560: {  	v8 =	vld [tilespmem:s1+$0x196F0]  }
0x561: {  	v9 =	vld [tilespmem:s1+$0x19700]  }
0x562: {  	v10 =	vld [tilespmem:s1+$0x19710]  }
0x563: {  	v11 =	vld [tilespmem:s1+$0x19720]  }
0x564: {  	v12 =	vld [tilespmem:s1+$0x19730]  }
0x565: {  	v13 =	vld [tilespmem:s1+$0x19740]  }
0x566: {  	v14 =	vld [tilespmem:s1+$0x19750]  }
0x567: {  	v15 =	vld [tilespmem:s1+$0x19760]  }
0x568: {  	[tilespmem:s1+$0xCE80] =	vst.add.f32.msk $0xffff, v1  }
0x569: {  	[tilespmem:s1+$0x10080] =	vst.add.f32.msk $0xffff, v1  }
0x56a: {  	[tilespmem:s1+$0xCE90] =	vst.add.f32.msk $0xffff, v2  }
0x56b: {  	[tilespmem:s1+$0x10090] =	vst.add.f32.msk $0xffff, v2  }
0x56c: {  	[tilespmem:s1+$0xCEA0] =	vst.add.f32.msk $0xffff, v3  }
0x56d: {  	[tilespmem:s1+$0x100A0] =	vst.add.f32.msk $0xffff, v3  }
0x56e: {  	[tilespmem:s1+$0xCEB0] =	vst.add.f32.msk $0xffff, v4  }
0x56f: {  	[tilespmem:s1+$0x100B0] =	vst.add.f32.msk $0xffff, v4  }
0x570: {  	[tilespmem:s1+$0xCEC0] =	vst.add.f32.msk $0xffff, v5  }
0x571: {  	[tilespmem:s1+$0x100C0] =	vst.add.f32.msk $0xffff, v5  }
0x572: {  	[tilespmem:s1+$0xCED0] =	vst.add.f32.msk $0xffff, v6  }
0x573: {  	[tilespmem:s1+$0x100D0] =	vst.add.f32.msk $0xffff, v6  }
0x574: {  	[tilespmem:s1+$0xCEE0] =	vst.add.f32.msk $0xffff, v7  }
0x575: {  	[tilespmem:s1+$0x100E0] =	vst.add.f32.msk $0xffff, v7  }
0x576: {  	[tilespmem:s1+$0xCEF0] =	vst.add.f32.msk $0xffff, v8  }
0x577: {  	[tilespmem:s1+$0x100F0] =	vst.add.f32.msk $0xffff, v8  }
0x578: {  	[tilespmem:s1+$0xCF00] =	vst.add.f32.msk $0xffff, v9  }
0x579: {  	[tilespmem:s1+$0x10100] =	vst.add.f32.msk $0xffff, v9  }
0x57a: {  	[tilespmem:s1+$0xCF10] =	vst.add.f32.msk $0xffff, v10  }
0x57b: {  	[tilespmem:s1+$0x10110] =	vst.add.f32.msk $0xffff, v10  }
0x57c: {  	[tilespmem:s1+$0xCF20] =	vst.add.f32.msk $0xffff, v11  }
0x57d: {  	[tilespmem:s1+$0x10120] =	vst.add.f32.msk $0xffff, v11  }
0x57e: {  	[tilespmem:s1+$0xCF30] =	vst.add.f32.msk $0xffff, v12  }
0x57f: {  	[tilespmem:s1+$0x10130] =	vst.add.f32.msk $0xffff, v12  }
0x580: {  	[tilespmem:s1+$0xCF40] =	vst.add.f32.msk $0xffff, v13  }
.Ltmp11:
0x581: {  	[tilespmem:s1+$0x10140] =	vst.add.f32.msk $0xffff, v13;
	(pc) =	sbr.rel @p0 .LBB2_24-.Ltmp11, $4  }
0x582: {  	[tilespmem:s1+$0xCF50] =	vst.add.f32.msk $0xffff, v14  }
0x583: {  	[tilespmem:s1+$0x10150] =	vst.add.f32.msk $0xffff, v14  }
0x584: {  	[tilespmem:s1+$0xCF60] =	vst.add.f32.msk $0xffff, v15  }
0x585: {  	s15 =	sadd.s32 $0x400, s15;
	[tilespmem:s1+$0x10160] =	vst.add.f32.msk $0xffff, v15  }
0x586: {  	[tilespmem:s1+$0xCF70] =	vst.add.f32.msk $0xffff, v0  }
0x587: {  	s18 =	simm.s32 $0x0;
	s3 =	rddreg [dreg:$0x12]  }
0x588: {  	[hbm4b:s3+s18] =	stream.linear.scatter [tilespmem:s11], [sflag:$0xB], $0x6400, $0x38;
	[tilespmem:$0x1C880] =	vst v63  }
0x589: {  	_ =	swait.ge [sflag:s29], $0x1900  }
0x58a: {  	[sflag:s29] =	ssyncset.done $0x0  }
0x58b: {  	[sflag:s29] =	ssyncadd.s32 $0xFFFFE700  }
0x58c: {  	_ =	swait.ge [sflag:s29], $0x1900  }
0x58d: {  	[sflag:s29] =	ssyncset.done $0x0  }
0x58e: {  	[sflag:s29] =	ssyncadd.s32 $0xFFFFE700  }
0x58f: {  	_ =	swait.ge [sflag:s29], $0x1900  }
0x590: {  	[sflag:s29] =	ssyncset.done $0x0  }
0x591: {  	[sflag:s29] =	ssyncadd.s32 $0xFFFFE700  }
0x592: {  	_ =	swait.ge [sflag:s29], $0x1900  }
0x593: {  	[sflag:s29] =	ssyncset.done $0x0  }
0x594: {  	s1 =	simm.s32 $0x0;
	[sflag:s29] =	ssyncadd.s32 $0xFFFFE700  }
0x595: {  	v0 =	vld [tilespmem:s1+$0x19770]  }
0x596: {  	v1 =	vld [tilespmem:s1+$0x19680]  }
0x597: {  	v2 =	vld [tilespmem:s1+$0x19690]  }
0x598: {  	v3 =	vld [tilespmem:s1+$0x196A0]  }
0x599: {  	v4 =	vld [tilespmem:s1+$0x196B0]  }
0x59a: {  	v5 =	vld [tilespmem:s1+$0x196C0]  }
0x59b: {  	v6 =	vld [tilespmem:s1+$0x196D0]  }
0x59c: {  	v7 =	vld [tilespmem:s1+$0x196E0]  }
0x59d: {  	v8 =	vld [tilespmem:s1+$0x196F0]  }
0x59e: {  	v9 =	vld [tilespmem:s1+$0x19700]  }
0x59f: {  	v10 =	vld [tilespmem:s1+$0x19710]  }
0x5a0: {  	v11 =	vld [tilespmem:s1+$0x19720]  }
0x5a1: {  	v12 =	vld [tilespmem:s1+$0x19730]  }
0x5a2: {  	v13 =	vld [tilespmem:s1+$0x19740]  }
0x5a3: {  	v14 =	vld [tilespmem:s1+$0x19750]  }
0x5a4: {  	v15 =	vld [tilespmem:s1+$0x19760]  }
0x5a5: {  	[tilespmem:s1+$0x16570] =	vst.add.f32.msk $0xffff, v0  }
0x5a6: {  	[tilespmem:s1+$0x13280] =	vst.add.f32.msk $0xffff, v1  }
0x5a7: {  	[tilespmem:s1+$0x16480] =	vst.add.f32.msk $0xffff, v1  }
0x5a8: {  	[tilespmem:s1+$0x13290] =	vst.add.f32.msk $0xffff, v2  }
0x5a9: {  	[tilespmem:s1+$0x16490] =	vst.add.f32.msk $0xffff, v2  }
0x5aa: {  	[tilespmem:s1+$0x132A0] =	vst.add.f32.msk $0xffff, v3  }
0x5ab: {  	[tilespmem:s1+$0x164A0] =	vst.add.f32.msk $0xffff, v3  }
0x5ac: {  	[tilespmem:s1+$0x132B0] =	vst.add.f32.msk $0xffff, v4  }
0x5ad: {  	[tilespmem:s1+$0x164B0] =	vst.add.f32.msk $0xffff, v4  }
0x5ae: {  	[tilespmem:s1+$0x132C0] =	vst.add.f32.msk $0xffff, v5  }
0x5af: {  	[tilespmem:s1+$0x164C0] =	vst.add.f32.msk $0xffff, v5  }
0x5b0: {  	[tilespmem:s1+$0x132D0] =	vst.add.f32.msk $0xffff, v6  }
0x5b1: {  	[tilespmem:s1+$0x164D0] =	vst.add.f32.msk $0xffff, v6  }
0x5b2: {  	[tilespmem:s1+$0x132E0] =	vst.add.f32.msk $0xffff, v7  }
0x5b3: {  	[tilespmem:s1+$0x164E0] =	vst.add.f32.msk $0xffff, v7  }
0x5b4: {  	[tilespmem:s1+$0x132F0] =	vst.add.f32.msk $0xffff, v8  }
0x5b5: {  	[tilespmem:s1+$0x164F0] =	vst.add.f32.msk $0xffff, v8  }
0x5b6: {  	[tilespmem:s1+$0x13300] =	vst.add.f32.msk $0xffff, v9  }
0x5b7: {  	[tilespmem:s1+$0x16500] =	vst.add.f32.msk $0xffff, v9  }
0x5b8: {  	[tilespmem:s1+$0x13310] =	vst.add.f32.msk $0xffff, v10  }
0x5b9: {  	[tilespmem:s1+$0x16510] =	vst.add.f32.msk $0xffff, v10  }
0x5ba: {  	[tilespmem:s1+$0x13320] =	vst.add.f32.msk $0xffff, v11  }
0x5bb: {  	[tilespmem:s1+$0x16520] =	vst.add.f32.msk $0xffff, v11  }
0x5bc: {  	[tilespmem:s1+$0x13330] =	vst.add.f32.msk $0xffff, v12  }
0x5bd: {  	[tilespmem:s1+$0x16530] =	vst.add.f32.msk $0xffff, v12  }
0x5be: {  	[tilespmem:s1+$0x13340] =	vst.add.f32.msk $0xffff, v13  }
0x5bf: {  	[tilespmem:s1+$0x16540] =	vst.add.f32.msk $0xffff, v13  }
0x5c0: {  	[tilespmem:s1+$0x13350] =	vst.add.f32.msk $0xffff, v14  }
0x5c1: {  	[tilespmem:s1+$0x16550] =	vst.add.f32.msk $0xffff, v14  }
0x5c2: {  	[tilespmem:s1+$0x13360] =	vst.add.f32.msk $0xffff, v15  }
0x5c3: {  	s15 =	simm.s32 $0x400;
	s3 =	simm.s32 $0x0;
	[tilespmem:s1+$0x16560] =	vst.add.f32.msk $0xffff, v15  }
.LBB2_26:
0x5c4: {  	s3 =	sadd.s32 $0x4, s3;
	[tilespmem:s1+$0x13370] =	vst.add.f32.msk $0xffff, v0;
	s1 =	sshra.s32 s15, $0x2  }
0x5c5: {  	v0 =	vld [tilespmem:s1+$0x19770];
	p0 =	slt.u32 s3, $0xC4  }
0x5c6: {  	v1 =	vld [tilespmem:s1+$0x19680]  }
0x5c7: {  	v2 =	vld [tilespmem:s1+$0x19690]  }
0x5c8: {  	v3 =	vld [tilespmem:s1+$0x196A0]  }
0x5c9: {  	v4 =	vld [tilespmem:s1+$0x196B0]  }
0x5ca: {  	[tilespmem:s1+$0x16570] =	vst.add.f32.msk $0xffff, v0  }
0x5cb: {  	v5 =	vld [tilespmem:s1+$0x196C0]  }
0x5cc: {  	v6 =	vld [tilespmem:s1+$0x196D0]  }
0x5cd: {  	v7 =	vld [tilespmem:s1+$0x196E0]  }
0x5ce: {  	v8 =	vld [tilespmem:s1+$0x196F0]  }
0x5cf: {  	v9 =	vld [tilespmem:s1+$0x19700]  }
0x5d0: {  	v10 =	vld [tilespmem:s1+$0x19710]  }
0x5d1: {  	v11 =	vld [tilespmem:s1+$0x19720]  }
0x5d2: {  	v12 =	vld [tilespmem:s1+$0x19730]  }
0x5d3: {  	v13 =	vld [tilespmem:s1+$0x19740]  }
0x5d4: {  	v14 =	vld [tilespmem:s1+$0x19750]  }
0x5d5: {  	v15 =	vld [tilespmem:s1+$0x19760]  }
0x5d6: {  	[tilespmem:s1+$0x13280] =	vst.add.f32.msk $0xffff, v1  }
0x5d7: {  	[tilespmem:s1+$0x16480] =	vst.add.f32.msk $0xffff, v1  }
0x5d8: {  	[tilespmem:s1+$0x13290] =	vst.add.f32.msk $0xffff, v2  }
0x5d9: {  	[tilespmem:s1+$0x16490] =	vst.add.f32.msk $0xffff, v2  }
0x5da: {  	[tilespmem:s1+$0x132A0] =	vst.add.f32.msk $0xffff, v3  }
0x5db: {  	[tilespmem:s1+$0x164A0] =	vst.add.f32.msk $0xffff, v3  }
0x5dc: {  	[tilespmem:s1+$0x132B0] =	vst.add.f32.msk $0xffff, v4  }
0x5dd: {  	[tilespmem:s1+$0x164B0] =	vst.add.f32.msk $0xffff, v4  }
0x5de: {  	[tilespmem:s1+$0x132C0] =	vst.add.f32.msk $0xffff, v5  }
0x5df: {  	[tilespmem:s1+$0x164C0] =	vst.add.f32.msk $0xffff, v5  }
0x5e0: {  	[tilespmem:s1+$0x132D0] =	vst.add.f32.msk $0xffff, v6  }
0x5e1: {  	[tilespmem:s1+$0x164D0] =	vst.add.f32.msk $0xffff, v6  }
0x5e2: {  	[tilespmem:s1+$0x132E0] =	vst.add.f32.msk $0xffff, v7  }
0x5e3: {  	[tilespmem:s1+$0x164E0] =	vst.add.f32.msk $0xffff, v7  }
0x5e4: {  	[tilespmem:s1+$0x132F0] =	vst.add.f32.msk $0xffff, v8  }
0x5e5: {  	[tilespmem:s1+$0x164F0] =	vst.add.f32.msk $0xffff, v8  }
0x5e6: {  	[tilespmem:s1+$0x13300] =	vst.add.f32.msk $0xffff, v9  }
0x5e7: {  	[tilespmem:s1+$0x16500] =	vst.add.f32.msk $0xffff, v9  }
0x5e8: {  	[tilespmem:s1+$0x13310] =	vst.add.f32.msk $0xffff, v10  }
0x5e9: {  	[tilespmem:s1+$0x16510] =	vst.add.f32.msk $0xffff, v10  }
0x5ea: {  	[tilespmem:s1+$0x13320] =	vst.add.f32.msk $0xffff, v11  }
0x5eb: {  	[tilespmem:s1+$0x16520] =	vst.add.f32.msk $0xffff, v11  }
0x5ec: {  	[tilespmem:s1+$0x13330] =	vst.add.f32.msk $0xffff, v12  }
0x5ed: {  	[tilespmem:s1+$0x16530] =	vst.add.f32.msk $0xffff, v12  }
0x5ee: {  	[tilespmem:s1+$0x13340] =	vst.add.f32.msk $0xffff, v13  }
.Ltmp12:
0x5ef: {  	[tilespmem:s1+$0x16540] =	vst.add.f32.msk $0xffff, v13;
	(pc) =	sbr.rel @p0 .LBB2_26-.Ltmp12, $4  }
0x5f0: {  	[tilespmem:s1+$0x13350] =	vst.add.f32.msk $0xffff, v14  }
0x5f1: {  	[tilespmem:s1+$0x16550] =	vst.add.f32.msk $0xffff, v14  }
0x5f2: {  	[tilespmem:s1+$0x13360] =	vst.add.f32.msk $0xffff, v15  }
0x5f3: {  	s15 =	sadd.s32 $0x400, s15;
	[tilespmem:s1+$0x16560] =	vst.add.f32.msk $0xffff, v15  }
0x5f4: {  	[tilespmem:s1+$0x13370] =	vst.add.f32.msk $0xffff, v0  }
0x5f5: {  	s1 =	rddreg [dreg:$0x13]  }
0x5f6: {  	[hbm4b:s1+s16] =	stream.linear.scatter [tilespmem:s28], [sflag:$0xC], $0x6400, $0x38;
	[tilespmem:$0x1C880] =	vst v63  }
0x5f7: {  	_ =	swait.ge [sflag:s24], $0x6400  }
0x5f8: {  	[sflag:s24] =	ssyncset.done $0x0  }
0x5f9: {  	[sflag:s24] =	ssyncadd.s32 $0xFFFF9C00  }
0x5fa: {  	_ =	swait.ge [sflag:s12], $0x6400  }
0x5fb: {  	[sflag:s12] =	ssyncset.done $0x0  }
0x5fc: {  	[sflag:s12] =	ssyncadd.s32 $0xFFFF9C00  }
0x5fd: {  	_ =	swait.ge [sflag:s13], $0x6400  }
0x5fe: {  	[sflag:s13] =	ssyncset.done $0x0  }
0x5ff: {  	[sflag:s13] =	ssyncadd.s32 $0xFFFF9C00  }
0x600: {  	_ =	swait.ge [sflag:s14], $0x6400  }
0x601: {  	s3 =	rddreg [dreg:$0x18]  }
0x602: {  	s18 =	rddreg [dreg:$0x14];
	s3 =	sadd.s32 $0x1, s3  }
0x603: {  	p0 =	sne.s32 s3, s18  }
.Ltmp13:
0x604: {  	_ = 	snop;
	(pc) =	sbr.rel @p0 .LBB2_1-.Ltmp13, $3  }
0x605: {  	_ =	sdelay $0x1  }
0x606: {  	[sflag:s14] =	ssyncset.done $0x0  }
0x607: {  	[sflag:s14] =	ssyncadd.s32 $0xFFFF9C00  }
0x608: {  	_ =	sfence.sel $0x180000  }
0x609: {  	[bflag:$0x0] =	sbarrier.arrive $0xFFFF  }
0x60a: {  	_ =	strace $0x90000047  }
0x60b: {  	s0 =	stileid.u32;
	[bflag:$0x2] =	sbarrier.arrive $0xFFFF  }
0x60c: {  	p0 =	sne.s32 s0, $0x0;
	s0 =	rddreg [dreg:$0x2]  }
0x60d: {  	s0 =	sadd.s32 @!p0 $0x100000, s0  }
0x60e: {  	[sflag:s0] =	ssyncadd.tile.s32 @!p0 $0x1;
	_ =	shalt  }
.Lfunc_end2:
_tile_overlayer_lowered:
.L_overlay_start_2:
0x60f: {  	(tag) =	ssettag $0x2  }
0x610: {  	s0 =	rddreg [dreg:$0x0];
	s2 =	stileid.u32  }
0x611: {  	s1 =	rddreg [dreg:$0x1];
	p0 =	sne.s32 s2, $0x0  }
0x612: {  	s3 =	rddreg [dreg:$0x2];
	[bflag:$0x3] =	sbarrier.arrive $0xFFFF;
	s2 =	simm.s32 @!p0 $0x1C0D  }
0x613: {  	[timem:s3], [sflag:s2] =	dma.local @!p0 [hbm:s0], s1  }
0x614: {  	s0 =	simm.s32 @!p0 $0xD  }
0x615: {  	_ =	swait.ge @!p0 [sflag:s0], s1  }
0x616: {  	s1 =	ssub.s32 @!p0 $0x0, s1;
	[sflag:s0] =	ssyncset.done @!p0 $0x0  }
0x617: {  	[sflag:s0] =	ssyncadd.s32 @!p0 s1  }
0x618: {  	[bflag:$0x3] =	sbarrier.arrive $0xFFFF  }
0x619: {  	_ =	shalt  }

// kernel: sparse-core-data-format-call.cloned.1.call-start
scs
called_computation_lowered:
.L_overlay_start_0:
0x0: {  	s2 =	sld [smem:$0x3FD9]  }
0x1: {  	s3 =	sld [smem:$0x3FFE];
	_ =	sdelay $0x1  }
0x2: {  	s1 =	srdreg.scid  }
0x3: {  	s0 =	sand.u32 $0x1, s1  }
0x4: {  	s18 =	sshll.u32 s0, $0xA;
	s2 =	sadd.s32 s3, s2  }
0x5: {  	s2 =	sadd.s32 s2, s18  }
0x6: {  	[smem:$0x3FC5] =	sst s2  }
0x7: {  	_ = 	snop  }
0x8: {  	s2 =	sld [smem:$0x3FD0];
	(tm) =	ssettm $0x1  }
0x9: {  	s19 =	sld [smem:$0x3FFB];
	_ =	sdelay $0x3  }
0xa: {  	_ =	strace s19  }
0xb: {  	s3 =	sld [smem:$0x3FFC];
	_ =	sdelay $0x3  }
0xc: {  	_ =	strace s3  }
0xd: {  	s3 =	sld [smem:$0x3FFD];
	_ =	sdelay $0x3  }
0xe: {  	_ =	strace s3  }
0xf: {  	_ =	strace $0x8FFFFFFF  }
0x10: {  	s20 =	sld [smem:$0x3FDB];
	_ =	sdelay $0x1  }
0x11: {  	s4 =	simm.s32 $_scs_section_size  }
0x12: {  	s5 =	simm.s32 $_size__tile_overlayer_lowered;
	s6 =	simm.s32 $_tile_overlayer_lowered  }
0x13: {  	s23 =	simm.s32 $0x1BFF;
	s22 =	sshll.u32 s6, $0x1;
	s3 =	sadd.s32 s4, s20  }
0x14: {  	s7 =	simm.s32 $0x0;
	s21 =	sshll.u32 s5, $0x1;
	s5 =	sadd.s32 s22, s3  }
0x15: {  	[timem:s7], [sflag:s23] =	dma.local [hbm:s5], s21  }
0x16: {  	_ =	swait.ge [sflag:s23], s21  }
0x17: {  	s4 =	ssub.s32 $0x0, s21;
	[sflag:s23] =	ssyncset.done $0x0  }
0x18: {  	[sflag:s23] =	ssyncadd.s32 s4;
	_ =	sdelay $0x1  }
0x19: {  	s24 =	simm.s32 $0x1B8B  }
0x1a: {  	_ =	swait.ge [sflag:s24], $0x1  }
0x1b: {  	[sflag:s24] =	ssyncset.done $0x0  }
0x1c: {  	s26 =	simm.s32 $0x1B8E;
	s25 =	sld [smem:$0x3FFE];
	[sflag:s24] =	ssyncadd.s32 $0xFFFFFFFF  }
0x1d: {  	s27 =	simm.s32 $execute0_lowered;
	[smem:$0x3FD2] =	sst s26  }
0x1e: {  	s5 =	sshll.u32 s27, $0x1;
	_ =	strace $0x80000049;
	[dreg:$0x1] =	wrdreg $0xFFFFFFFF  }
0x1f: {  	s28 =	simm.s32 $_size_execute0_lowered;
	s3 =	sadd.s32 s3, s5;
	[dreg:$0x0] =	wrdreg $0x0  }
0x20: {  	s5 =	sshll.u32 s28, $0x1;
	[dreg:$0x2] =	wrdreg s3  }
0x21: {  	[dreg:$0x3] =	wrdreg s5  }
0x22: {  	[dreg:$0x4] =	wrdreg $0xC0  }
0x23: {  	_ =	task [dreg:s7], $0x5FFFF  }
0x24: {  	[dreg:$0x1] =	wrdreg $0xFFFFFFFF  }
0x25: {  	[dreg:$0x0] =	wrdreg $0x60  }
0x26: {  	[dreg:$0x2] =	wrdreg s25  }
0x27: {  	[dreg:$0x3] =	wrdreg s2  }
0x28: {  	[dreg:$0x4] =	wrdreg $0x9  }
0x29: {  	_ =	task.clear_ibuf [dreg:s7], $0x5FFFF;
	_ =	strace $0x90000049  }
0x2a: {  	s29 =	simm.s32 $0x9;
	_ =	strace $0x8000004B  }
0x2b: {  	_ =	swait.ge [sflag:s29], $0x1  }
0x2c: {  	[sflag:s29] =	ssyncadd.s32 $0xFFFFFFFF  }
0x2d: {  	_ =	strace $0x9000004B  }
0x2e: {  	_ =	sfence  }
0x2f: {  	s30 =	sld [smem:$0x0];
	_ =	sdelay $0x2  }
0x30: {  	s31 =	sshll.u32 s1, $0xD;
	s1 =	sshrl.u32 s1, $0x2  }
0x31: {  	s3 =	sand.u32 $0x4000, s31;
	s1 =	sadd.s32 s1, s30  }
0x32: {  	s0 =	sor.u32 s3, s0;
	s1 =	sshll.u32 s1, $0x11  }
0x33: {  	s0 =	sor.u32 s1, s0  }
0x34: {  	s0 =	sadd.s32 $0x8F2B, s0  }
0x35: {  	[sflag:s0] =	ssyncadd.remote.s32 $0x1  }
0x36: {  	_ =	sfence.sel $0xFFFF  }
0x37: {  	[dreg:$0x0] =	wrdreg $0xFFFFFFFF;
	(pc) =	sbr.abs _section_cstart, $3  }
0x38: {  	[dreg:$0x1] =	wrdreg $0xFFFFFFFF  }
0x39: {  	_ =	task.clear_ibuf [dreg:s7], $0x2FFFF;
	_ =	strace $0x9FFFFFFF  }
0x3a: {  	(tm) =	ssettm $0x7FFFFFFF  }
0x3b: {  	_ =	shalt  }
tec
execute0_lowered:
.L_overlay_start_1:
0x0: {  	(tag) =	ssettag $0x1  }
0x1: {  	s0 =	srdreg.scid  }
0x2: {  	s1 =	sshll.u32 s0, $0x4  }
0x3: {  	s0 =	stileid.u32;
	s1 =	sand.u32 $0x10, s1  }
0x4: {  	s1 =	sor.u32 s0, s1  }
0x5: {  	s6 =	rddreg [dreg:$0x0];
	s4 =	simm.s32 $0x1;
	s2 =	sshll.u32 s1, $0x7  }
0x6: {  	s7 =	simm.s32 $0x2;
	s12 =	simm.s32 $0x0;
	s1 =	ssub.s32 $0x1000, s2  }
0x7: {  	s8 =	simm.s32 $0x8000;
	s13 =	simm.s32 $0x0;
	s3 =	sand.u32 $0xF80, s1  }
0x8: {  	s9 =	simm.s32 $0x0;
	s5 =	sshrl.u32 s1, $0xC;
	p0 =	sne.s32 s3, $0x0  }
.Ltmp0:
0x9: {  	s1 =	rddreg [dreg:$0x2];
	s4 =	simm.s32 @!p0 $0x0;
	(pc) =	sbr.rel .LBB1_1-.Ltmp0, $4  }
0xa: {  	s11 =	simm.s32 $0x0;
	s3 =	rddreg [dreg:$0x1];
	s5 =	sadd.s32 s4, s5  }
0xb: {  	_ =	strace $0x8000004A;
	s4 =	simm.s32 $0x1;
	s5 =	smul.u32 $0xC8, s5  }
0xc: {  	s6 =	sadd.s32 $0xC00, s6;
	s10 =	smov.u32 s2;
	[sflag:s4] =	ssyncpa.u1 $0x0  }
0xd: {  	p0 =	por $0x0, $0x0;
	[sflag:s7] =	ssyncpa.u1 $0x0;
	s7 =	sor.u32 $0x1, s5  }
.LBB1_4:
0xe: {  	s16 =	sshll.u32 s13, $0x3;
	s17 =	sand.u32 $0x78, s13  }
0xf: {  	s30 =	sand.u32 $0x7E00, s13;
	s12 =	sshll.u32 s12, $0xF;
	s16 =	sand.u32 $0xC00, s16  }
0x10: {  	[tilespmem:s15+$0x810 ss:$0x81] =	vst.msk $0xffff, v2;
	s31 =	sand.u32 $0x7, s13;
	s16 =	sor.u32 s17, s16;
	s17 =	sadd.s32 s3, s30  }
0x11: {  	[tilespmem:s15+$0x1020 ss:$0x81] =	vst.msk $0xffff, v0;
	s13 =	sshll.u32 s31, $0x12;
	s12 =	sadd.s32 s12, s17;
	s16 =	sshrl.u32 s16, $0x3  }
0x12: {  	[tilespmem:s15+$0x0 ss:$0x81] =	vst.msk $0xffff, v1;
	s13 =	sor.u32 $0x400, s13;
	s12 =	sadd.s32 s16, s12  }
0x13: {  	[hbm4b:s12+s13] =	stream.strided.scatter [tilespmem:s14], [sflag:$0x2], $0x2000, s8, s13, $0x20;
	[tilespmem:$0x8080] =	vst v63  }
.LBB1_5:
0x14: {  	s14 =	sadd.s32 $0x1, s9  }
0x15: {  	s12 =	sadd.s32 $0x1000, s10;
	s16 =	smov.u32 s10;
	p2 =	sgt.s32 s14, $0xC7  }
0x16: {  	s16 =	smov.u32 @p2 s12  }
0x17: {  	s14 =	simm.s32 @p2 $0x0;
	p2 =	sgt.s32 s16, $0xFFF  }
0x18: {  	s16 =	smov.u32 @p2 s2;
	p2 =	sne.s32 s11, s7  }
.Ltmp1:
0x19: {  	p1 =	slt.u32 s11, $0x2;
	(pc) =	sbr.rel @!p2 .LBB1_6-.Ltmp1, $4  }
0x1a: {  	s15 =	simm.s32 @!p1 $0x2  }
0x1b: {  	s13 =	smov.u32 s10;
	p0 =	por !p0, !p0;
	_ =	swait.ge @!p1 [sflag:s15], $0x2000  }
0x1c: {  	s12 =	smov.u32 s9;
	[sflag:s15] =	ssyncset.done @!p1 $0x0;
	s9 =	smov.u32 s14  }
0x1d: {  	s11 =	sadd.s32 $0x1, s11;
	[sflag:s15] =	ssyncadd.s32 @!p1 $0xFFFFE000;
	s10 =	smov.u32 s16  }
.LBB1_1:
0x1e: {  	p1 =	sge.u32 s11, s5  }
0x1f: {  	s14 =	sand.u32 @!p1 $0x1FFFFFF, s9  }
0x20: {  	s15 =	smulhi.u32 @!p1 $0x147AE15, s14;
	_ =	sdelay $0x1  }
0x21: {  	s15 =	smul.u32 @!p1 $0xC8, s15  }
0x22: {  	s16 =	sxor.u32 @!p1 $0xFFFFFFFF, s11;
	s17 =	smul.u32 @!p1 $0xC80, s10  }
0x23: {  	s31 =	sadd.s32 $0xFFFFFFFF, s11;
	s16 =	sshll.u32 @!p1 s16, $0xD;
	s14 =	ssub.s32 @!p1 s14, s15  }
0x24: {  	s15 =	sand.u32 @!p1 $0x2000, s16;
	s16 =	sadd.s32 @!p1 s6, s17;
	s14 =	sshll.u32 @!p1 s14, $0x4  }
0x25: {  	s17 =	simm.s32 @!p1 $0x6400;
	s14 =	sadd.s32 @!p1 s14, s16;
	s16 =	simm.s32 @!p1 $0x40  }
0x26: {  	[tilespmem:s15], [sflag:$0x1] =	stream.strided.gather @!p1 [hbm4b:s14+s16], $0x2000, s17, s16, $0x38;
	[tilespmem:$0x8080] =	vst v63  }
0x27: {  	p1 =	sge.u32 s31, s5  }
.Ltmp2:
0x28: {  	_ = 	snop;
	(pc) =	sbr.rel @p1 .LBB1_5-.Ltmp2, $1  }
0x29: {  	_ =	sdelay $0x3  }
0x2a: {  	s14 =	simm.s32 $0x1  }
0x2b: {  	_ =	swait.ge [sflag:s4], $0x2000;
	s14 =	simm.s32 @!p0 $0x0  }
0x2c: {  	[sflag:s4] =	ssyncset.done $0x0;
	s15 =	sshll.u32 s14, $0xD  }
0x2d: {  	[sflag:s4] =	ssyncadd.s32 $0xFFFFE000;
	s18 =	sor.u32 $0x20, s15  }
0x2e: {  	s14 =	smul.u32 $0x8100, s14;
	v3 =	vld [tilespmem:s18+$0x10]  }
0x2f: {  	s30 =	sand.u32 $0x1, s11;
	v2 =	vld [tilespmem:s18+$0xFFFFFFF0]  }
0x30: {  	s15 =	smul.u32 $0x8100, s30;
	s14 =	sshrl.u32 s14, $0x2;
	v0 =	vld [tilespmem:s18+$0x0]  }
0x31: {  	v1 =	vld [tilespmem:s18+$0xFFFFFFE0];
	s16 =	sor.u32 $0x4000, s14  }
0x32: {  	s31 =	sshrl.u32 s15, $0x2;
	s15 =	sadd.s32 $0x0, s16  }
0x33: {  	s17 =	simm.s32 $0x4;
	s18 =	sadd.s32 $0x40, s18;
	s14 =	sor.u32 $0x4000, s31;
	[tilespmem:s15+$0x1830 ss:$0x81] =	vst.msk $0xffff, v3  }
.LBB1_3:
0x34: {  	v3 =	vld [tilespmem:s18+$0x10];
	p1 =	sne.s32 s17, $0x1FC;
	[tilespmem:s15+$0x810 ss:$0x81] =	vst.msk $0xffff, v2;
	s19 =	smov.u32 s17;
	s17 =	sadd.s32 $0x4, s17  }
.Ltmp3:
0x35: {  	v2 =	vld [tilespmem:s18+$0xFFFFFFF0];
	[tilespmem:s15+$0x1020 ss:$0x81] =	vst.msk $0xffff, v0;
	(pc) =	sbr.rel @p1 .LBB1_3-.Ltmp3, $4  }
0x36: {  	v0 =	vld [tilespmem:s18+$0x0];
	[tilespmem:s15+$0x0 ss:$0x81] =	vst.msk $0xffff, v1  }
0x37: {  	s15 =	sshra.s32 s19, $0x2;
	v1 =	vld [tilespmem:s18+$0xFFFFFFE0]  }
0x38: {  	s15 =	sadd.s32 s15, s16  }
0x39: {  	s18 =	sadd.s32 $0x40, s18;
	[tilespmem:s15+$0x1830 ss:$0x81] =	vst.msk $0xffff, v3  }
.Ltmp4:
0x3a: {  	_ = 	snop;
	(pc) =	sbr.rel .LBB1_4-.Ltmp4, $1  }
0x3b: {  	_ =	sdelay $0x3  }
.LBB1_6:
0x3c: {  	_ =	sfence.sel $0x180000  }
0x3d: {  	s2 =	simm.s32 $0x1;
	[bflag:$0x0] =	sbarrier.arrive $0xFFFF  }
0x3e: {  	s31 =	simm.s32 $0x2;
	[sflag:s2] =	ssyncpa.u1 $0x1  }
0x3f: {  	[sflag:s31] =	ssyncpa.u1 $0x1  }
0x40: {  	p0 =	sne.s32 s0, $0x0;
	_ =	strace $0x9000004A  }
0x41: {  	s0 =	sadd.s32 @!p0 $0x100000, s1;
	[bflag:$0x2] =	sbarrier.arrive $0xFFFF  }
0x42: {  	[sflag:s0] =	ssyncadd.tile.s32 @!p0 $0x1;
	_ =	shalt  }
.Lfunc_end1:
_tile_overlayer_lowered:
.L_overlay_start_2:
0x43: {  	(tag) =	ssettag $0x2  }
0x44: {  	s0 =	rddreg [dreg:$0x0];
	s2 =	stileid.u32  }
0x45: {  	s1 =	rddreg [dreg:$0x1];
	p0 =	sne.s32 s2, $0x0  }
0x46: {  	s3 =	rddreg [dreg:$0x2];
	[bflag:$0x3] =	sbarrier.arrive $0xFFFF;
	s2 =	simm.s32 @!p0 $0x1C01  }
0x47: {  	[timem:s3], [sflag:s2] =	dma.local @!p0 [hbm:s0], s1  }
0x48: {  	s0 =	simm.s32 @!p0 $0x1  }
0x49: {  	_ =	swait.ge @!p0 [sflag:s0], s1  }
0x4a: {  	s1 =	ssub.s32 @!p0 $0x0, s1;
	[sflag:s0] =	ssyncset.done @!p0 $0x0  }
0x4b: {  	[sflag:s0] =	ssyncadd.s32 @!p0 s1  }
0x4c: {  	[bflag:$0x3] =	sbarrier.arrive $0xFFFF  }
0x4d: {  	_ =	shalt  }

</sc_bundles>
